<compile_context>
chip_gen: v7x
topology: tpu7x:2x2x1
jax: 0.10.2.dev20260603
libtpu: 0.0.44.dev20260713+nightly
codegen_flags: <defaults>
</compile_context>

<pallas_src>
import functools

import jax
import jax.numpy as jnp
from jax import lax
from jax.experimental import pallas as pl
from jax.experimental.pallas import tpu as pltpu
from jax.experimental.pallas import tpu_sc as plsc

N = 10000
E = 320000
NC = 2
NS = 16
CH = 112
NBUF = 3
NCHUNK = 180
PH = 10
PC = NCHUNK // PH
EPAD = NS * NCHUNK * CH
ACC_ROWS = 10016
ZROWS = 626
DUMMY = N
WB = 624
WB_TAIL = N - NS * WB
HB = 1920
HGRID = EPAD // HB


def _pack_edges(edge):
    dst = edge[0].astype(jnp.int32)
    src = edge[1].astype(jnp.int32)
    pad = EPAD - E
    dst = jnp.concatenate([dst, jnp.full((pad,), DUMMY, jnp.int32)])
    src = jnp.concatenate([src, jnp.zeros((pad,), jnp.int32)])
    return (src.reshape(NS, PH, PC, CH),
            dst.reshape(NS, PH, PC, CH))


def _make_agg():
    mesh = plsc.VectorSubcoreMesh(core_axis_name="c", subcore_axis_name="s")

    @functools.partial(
        pl.kernel,
        mesh=mesh,
        out_type=(jax.ShapeDtypeStruct((N, 128), jnp.float32),
                  jax.ShapeDtypeStruct((N, 128), jnp.float32)),
        scratch_types=[
            pltpu.VMEM((PC, CH), jnp.int32),
            pltpu.VMEM((PC, CH), jnp.int32),
            pltpu.VMEM((NBUF, CH, 128), jnp.float32),
            pltpu.VMEM_SHARED((ACC_ROWS, 128), jnp.float32),
        ] + [pltpu.SemaphoreType.DMA] * (2 * NBUF),
    )
    def agg(ta_hbm, tp_hbm, srca_hbm, dsta_hbm, srcp_hbm, dstp_hbm,
            zeros_hbm, outa_hbm, outp_hbm, src_v, dst_v, rows_v, acc_s,
            *sems):
        gsem = sems[:NBUF]
        ssem = sems[NBUF:]
        cid = lax.axis_index("c")
        sid = lax.axis_index("s")

        def pipe(table_hbm, src_hbm, dst_hbm, out_hbm):
            pltpu.sync_copy(zeros_hbm,
                            acc_s.at[pl.ds(sid * ZROWS, ZROWS)])
            plsc.subcore_barrier()

            def gather(j, b):
                pltpu.async_copy(
                    table_hbm.at[src_v.at[j]], rows_v.at[b], gsem[b])

            def gather_wait(j, b):
                pltpu.make_async_copy(
                    table_hbm.at[src_v.at[j]], rows_v.at[b], gsem[b]).wait()

            def scatter(j, b):
                pltpu.async_copy(
                    rows_v.at[b], acc_s.at[dst_v.at[j]], ssem[b], add=True)

            def scatter_wait(j, b):
                pltpu.make_async_copy(
                    rows_v.at[b], acc_s.at[dst_v.at[j]], ssem[b]).wait()

            def phase(p, carry):
                pltpu.sync_copy(src_hbm.at[sid, p], src_v)
                pltpu.sync_copy(dst_hbm.at[sid, p], dst_v)
                for b in range(NBUF):
                    gather(b, b)

                def outer(i, c):
                    g = i * NBUF
                    for b in range(NBUF):
                        gather_wait(g + b, b)
                        scatter(g + b, b)
                    for b in range(NBUF):
                        scatter_wait(g + b, b)
                        gather(g + NBUF + b, b)
                    return c

                lax.fori_loop(0, PC // NBUF - 1, outer, 0)
                g = PC - NBUF
                for b in range(NBUF):
                    gather_wait(g + b, b)
                    scatter(g + b, b)
                for b in range(NBUF):
                    scatter_wait(g + b, b)
                return carry

            lax.fori_loop(0, PH, phase, 0)
            plsc.subcore_barrier()
            pltpu.sync_copy(acc_s.at[pl.ds(sid * WB, WB)],
                            out_hbm.at[pl.ds(sid * WB, WB)])

            @pl.when(sid == 0)
            def _():
                pltpu.sync_copy(acc_s.at[pl.ds(NS * WB, WB_TAIL)],
                                out_hbm.at[pl.ds(NS * WB, WB_TAIL)])

        @pl.when(cid == 0)
        def _():
            pipe(ta_hbm, srca_hbm, dsta_hbm, outa_hbm)

        @pl.when(cid == 1)
        def _():
            pipe(tp_hbm, srcp_hbm, dstp_hbm, outp_hbm)

    return agg


def _tc_count(dst_l):

    def body(l_ref, o_ref):
        @pl.when(pl.program_id(0) == 0)
        def _():
            o_ref[...] = jnp.zeros_like(o_ref)

        q = l_ref[0] >> 7
        r = l_ref[0] & 127
        oh_q = (lax.broadcasted_iota(jnp.int32, (80, HB), 0)
                == jnp.broadcast_to(q, (80, HB))).astype(jnp.bfloat16)
        oh_r = (lax.broadcasted_iota(jnp.int32, (128, HB), 0)
                == jnp.broadcast_to(r, (128, HB))).astype(jnp.bfloat16)
        o_ref[...] += lax.dot_general(
            oh_q, oh_r, (((1,), (1,)), ((), ())),
            preferred_element_type=jnp.float32)

    return pl.pallas_call(
        body,
        grid=(HGRID,),
        in_specs=[pl.BlockSpec((1, 1, HB), lambda i: (i, 0, 0))],
        out_specs=pl.BlockSpec((80, 128), lambda i: (0, 0)),
        out_shape=jax.ShapeDtypeStruct((80, 128), jnp.float32),
    )(dst_l)


def _tc_layer1(summ, cnt, w0):
    blk = 1000

    def body(p_ref, c_ref, w_ref, emb_ref, dinv_ref):
        d = 1.0 / jnp.maximum(c_ref[...], 1.0)
        mn = p_ref[...] * d
        emb_ref[...] = jnp.maximum(
            jnp.dot(mn, w_ref[...], preferred_element_type=jnp.float32), 0.0)
        dinv_ref[...] = d

    return pl.pallas_call(
        body,
        grid=(N // blk,),
        in_specs=[
            pl.BlockSpec((blk, 128), lambda i: (i, 0)),
            pl.BlockSpec((blk, 1), lambda i: (i, 0)),
            pl.BlockSpec((128, 128), lambda i: (0, 0)),
        ],
        out_specs=[
            pl.BlockSpec((blk, 128), lambda i: (i, 0)),
            pl.BlockSpec((blk, 1), lambda i: (i, 0)),
        ],
        out_shape=[
            jax.ShapeDtypeStruct((N, 128), jnp.float32),
            jax.ShapeDtypeStruct((N, 1), jnp.float32),
        ],
    )(summ, cnt, w0)


def _tc_layer2(qsum, dinv, ft, w1, wv, wf, b):
    blk = 1000

    def body(q_ref, d_ref, f_ref, w1_ref, wv_ref, wf_ref, b_ref, o_ref):
        x = q_ref[...] * d_ref[...]
        v = jnp.maximum(
            jnp.dot(x, w1_ref[...], preferred_element_type=jnp.float32), 0.0)
        o_ref[...] = (
            jnp.dot(v, wv_ref[...], preferred_element_type=jnp.float32)
            + jnp.dot(f_ref[...], wf_ref[...],
                      preferred_element_type=jnp.float32)
            + b_ref[...])

    return pl.pallas_call(
        body,
        grid=(N // blk,),
        in_specs=[
            pl.BlockSpec((blk, 128), lambda i: (i, 0)),
            pl.BlockSpec((blk, 1), lambda i: (i, 0)),
            pl.BlockSpec((blk, 128), lambda i: (i, 0)),
            pl.BlockSpec((128, 128), lambda i: (0, 0)),
            pl.BlockSpec((128, 128), lambda i: (0, 0)),
            pl.BlockSpec((128, 128), lambda i: (0, 0)),
            pl.BlockSpec((1, 128), lambda i: (0, 0)),
        ],
        out_specs=pl.BlockSpec((blk, 128), lambda i: (i, 0)),
        out_shape=jax.ShapeDtypeStruct((N, 128), jnp.float32),
    )(qsum, dinv, ft, w1, wv, wf, b)


def _cnt_col(hist):
    return hist.reshape(80 * 128)[:N].reshape(N, 1)


def kernel(ft_a, ft_p, edge_a2p, edge_p2a, W0_ap, W0_pa, W1_ap, W1_pa,
           Wfc_a, bfc_a, Wfc_p, bfc_p):
    src_a, dst_a = _pack_edges(edge_a2p)
    src_p, dst_p = _pack_edges(edge_p2a)
    zeros = jnp.zeros((ZROWS, 128), jnp.float32)
    agg = _make_agg()

    cnt_a = _cnt_col(_tc_count(dst_a.reshape(HGRID, 1, HB)))
    cnt_p = _cnt_col(_tc_count(dst_p.reshape(HGRID, 1, HB)))

    sum_a1, sum_p1 = agg(ft_p, ft_a, src_a, dst_a, src_p, dst_p, zeros)
    emb1_a, dinv_a = _tc_layer1(sum_a1, cnt_a, W0_ap)
    emb1_p, dinv_p = _tc_layer1(sum_p1, cnt_p, W0_pa)

    sum_a2, sum_p2 = agg(emb1_p, emb1_a, src_a, dst_a, src_p, dst_p, zeros)
    out_a = _tc_layer2(sum_a2, dinv_a, ft_a, W1_ap,
                       Wfc_a[:128], Wfc_a[128:], bfc_a.reshape(1, 128))
    out_p = _tc_layer2(sum_p2, dinv_p, ft_p, W1_pa,
                       Wfc_p[:128], Wfc_p[128:], bfc_p.reshape(1, 128))
    return jnp.concatenate([out_a, out_p], axis=0)

# --- scband reference (transcript-rebuilt; emitter-appended) ---
"""Pipeline reference for scband-modeler-10960756539513 (READ-ONLY COPY).

The authoritative reference and input builder live on the scoring server;
editing this copy changes nothing except your own understanding.
"""

import jax, jax.numpy as jnp
import numpy as np

N_A = 10000
N_P = 10000
E = 320000
EMB = 128
HID = 128
HID2 = 128
OUT = 128


def setup_inputs(seed: int = 0) -> dict:
    key = jax.random.key(seed)
    ks = jax.random.split(key, 14)
    ft_a = jax.random.normal(ks[0], (N_A, EMB), dtype=jnp.float32)
    ft_p = jax.random.normal(ks[1], (N_P, EMB), dtype=jnp.float32)
    # row 0 = dst node index (type of the adjacency's owner), row 1 = src node index
    edge_a2p = jax.random.randint(ks[2], (2, E), 0, N_A, dtype=jnp.int64 if jax.config.jax_enable_x64 else jnp.int32)
    edge_p2a = jax.random.randint(ks[3], (2, E), 0, N_P, dtype=jnp.int64 if jax.config.jax_enable_x64 else jnp.int32)
    s0 = 1.0 / np.sqrt(EMB)
    s1 = 1.0 / np.sqrt(HID)
    s2 = 1.0 / np.sqrt(HID2 + EMB)
    W0_ap = jax.random.normal(ks[4], (EMB, HID), dtype=jnp.float32) * s0
    W0_pa = jax.random.normal(ks[5], (EMB, HID), dtype=jnp.float32) * s0
    W1_ap = jax.random.normal(ks[6], (HID, HID2), dtype=jnp.float32) * s1
    W1_pa = jax.random.normal(ks[7], (HID, HID2), dtype=jnp.float32) * s1
    Wfc_a = jax.random.normal(ks[8], (HID2 + EMB, OUT), dtype=jnp.float32) * s2
    bfc_a = jnp.zeros((OUT,), dtype=jnp.float32)
    Wfc_p = jax.random.normal(ks[9], (HID2 + EMB, OUT), dtype=jnp.float32) * s2
    bfc_p = jnp.zeros((OUT,), dtype=jnp.float32)
    return {
        "ft_a": ft_a, "ft_p": ft_p,
        "edge_a2p": edge_a2p, "edge_p2a": edge_p2a,
        "W0_ap": W0_ap, "W0_pa": W0_pa,
        "W1_ap": W1_ap, "W1_pa": W1_pa,
        "Wfc_a": Wfc_a, "bfc_a": bfc_a,
        "Wfc_p": Wfc_p, "bfc_p": bfc_p,
    }


def mean_agg(edge, x_src, num_dst):
    # Equivalent of torch.spmm(adj, x) with a row-normalized (mean) adjacency.
    dst = edge[0]
    src = edge[1]
    summ = jnp.zeros((num_dst, x_src.shape[1]), dtype=x_src.dtype).at[dst].add(x_src[src])
    cnt = jnp.zeros((num_dst,), dtype=x_src.dtype).at[dst].add(1.0)
    return summ / jnp.maximum(cnt, 1.0)[:, None]


def reference(ft_a, ft_p, edge_a2p, edge_p2a, W0_ap, W0_pa, W1_ap, W1_pa, Wfc_a, bfc_a, Wfc_p, bfc_p):
    # ---- layer 1 (GCN '0'+rel over mean-aggregated neighbors), isAtt=False -> mean over rels (1 rel each) ----
    mn_a = mean_agg(edge_a2p, ft_p, ft_a.shape[0])      # spmm(adj['a']['p'], ft['p'])
    emb1_a = jax.nn.relu(mn_a @ W0_ap)
    mn_p = mean_agg(edge_p2a, ft_a, ft_p.shape[0])      # spmm(adj['p']['a'], ft['a'])
    emb1_p = jax.nn.relu(mn_p @ W0_pa)
    # ---- layer 2 (GCN '1'+rel), concat with raw features, per-type FC ----
    mn_a2 = mean_agg(edge_a2p, emb1_p, ft_a.shape[0])
    v_a = jax.nn.relu(mn_a2 @ W1_ap)
    out_a = jnp.concatenate([v_a, ft_a], axis=1) @ Wfc_a + bfc_a
    mn_p2 = mean_agg(edge_p2a, emb1_a, ft_p.shape[0])
    v_p = jax.nn.relu(mn_p2 @ W1_pa)
    out_p = jnp.concatenate([v_p, ft_p], axis=1) @ Wfc_p + bfc_p
    # embs2 dict flattened to a single array: [emb2['a']; emb2['p']]
    return jnp.concatenate([out_a, out_p], axis=0)

if __name__ == "__main__":
    import jax
    _d = setup_inputs()
    print(jax.jit(kernel)(*tuple(_d.values())))

</pallas_src>

<mosaic_0001>
#map = affine_map<(d0, d1) -> (0, 0)>
#map1 = affine_map<(d0, d1) -> (0, 0, 0, 0)>
module attributes {stable_mosaic.version = 14 : i64} {
  func.func @agg(%arg0: i32, %arg1: i32, %arg2: memref<10000x128xf32, #tpu.memory_space<hbm>>, %arg3: memref<10000x128xf32, #tpu.memory_space<hbm>>, %arg4: memref<16x10x18x112xi32, #tpu.memory_space<hbm>>, %arg5: memref<16x10x18x112xi32, #tpu.memory_space<hbm>>, %arg6: memref<16x10x18x112xi32, #tpu.memory_space<hbm>>, %arg7: memref<16x10x18x112xi32, #tpu.memory_space<hbm>>, %arg8: memref<626x128xf32, #tpu.memory_space<hbm>>, %arg9: memref<10000x128xf32, #tpu.memory_space<hbm>>, %arg10: memref<10000x128xf32, #tpu.memory_space<hbm>>, %arg11: memref<18x112xi32, #tpu.memory_space<vmem>>, %arg12: memref<18x112xi32, #tpu.memory_space<vmem>>, %arg13: memref<3x112x128xf32, #tpu.memory_space<vmem>>, %arg14: memref<10016x128xf32, #tpu.memory_space<vmem_shared>>, %arg15: memref<!tpu.dma_semaphore, #tpu.memory_space<semaphore_mem>>, %arg16: memref<!tpu.dma_semaphore, #tpu.memory_space<semaphore_mem>>, %arg17: memref<!tpu.dma_semaphore, #tpu.memory_space<semaphore_mem>>, %arg18: memref<!tpu.dma_semaphore, #tpu.memory_space<semaphore_mem>>, %arg19: memref<!tpu.dma_semaphore, #tpu.memory_space<semaphore_mem>>, %arg20: memref<!tpu.dma_semaphore, #tpu.memory_space<semaphore_mem>>) attributes {dimension_semantics = [#tpu.dimension_semantics<core_parallel>, #tpu.dimension_semantics<subcore_parallel>], iteration_bounds = array<i64: 2, 16>, scalar_prefetch = 0 : i64, scratch_operands = 10 : i64, tpu.core_type = #tpu.core_type<sc_vector_subcore>, window_params = [{transform_indices = #map}, {transform_indices = #map}, {transform_indices = #map1}, {transform_indices = #map1}, {transform_indices = #map1}, {transform_indices = #map1}, {transform_indices = #map}, {transform_indices = #map}, {transform_indices = #map}]} {
    %eq3A = arith.constant 0 : i32
    %eq3A_0 = arith.cmpi eq, %arg0, %eq3A : i32
    %convert_element_type3A = arith.extui %eq3A_0 : i1 to i32
    %cond3A = arith.constant 0 : i32
    %cond3A_1 = arith.cmpi ne, %convert_element_type3A, %cond3A : i32
    scf.if %cond3A_1 {
      %mul3A = arith.constant 626 : i32
      %mul3A_7 = arith.muli %arg1, %mul3A : i32
      "tpu.region"() ({
        %run_scoped3A = tpu.sem_alloc : memref<!tpu.dma_semaphore, #tpu.memory_space<semaphore_mem>>
        %dma_start3A = arith.constant 0 : i32
        %dma_start3A_23 = tpu.memref_slice %arg14[%mul3A_7, %dma_start3A] : memref<10016x128xf32, #tpu.memory_space<vmem_shared>> -> memref<626x128xf32, #tpu.memory_space<vmem_shared>>
        tpu.enqueue_dma source(%arg8 : memref<626x128xf32, #tpu.memory_space<hbm>>) target(%dma_start3A_23 : memref<626x128xf32, #tpu.memory_space<vmem_shared>>) target_semaphore(%run_scoped3A : memref<!tpu.dma_semaphore, #tpu.memory_space<semaphore_mem>>)
        %dma_wait3A = arith.constant 0 : i32
        %dma_wait3A_24 = tpu.memref_slice %arg14[%mul3A_7, %dma_wait3A] : memref<10016x128xf32, #tpu.memory_space<vmem_shared>> -> memref<626x128xf32, #tpu.memory_space<vmem_shared>>
        tpu.wait_dma2 semaphore(%run_scoped3A : memref<!tpu.dma_semaphore, #tpu.memory_space<semaphore_mem>>) src(%arg8 : memref<626x128xf32, #tpu.memory_space<hbm>>) dst(%dma_wait3A_24 : memref<626x128xf32, #tpu.memory_space<vmem_shared>>)
        tpu.yield
      }) : () -> ()
      %barrier3A = arith.constant 0 : index
      tpu.barrier barrier_id(%barrier3A)
      %scan3A = arith.constant 0 : i32
      %scan3A_8 = arith.constant 0 : i32
      %scan3A_9 = arith.constant 10 : i32
      %scan3A_10 = arith.addi %scan3A_8, %scan3A_9 : i32
      %scan3A_11 = arith.constant 1 : i32
      scf.for %scan3A_23 = %scan3A_8 to %scan3A_10 step %scan3A_11  : i32 {
        "tpu.region"() ({
          %run_scoped3A = tpu.sem_alloc : memref<!tpu.dma_semaphore, #tpu.memory_space<semaphore_mem>>
          %dma_start3A_172 = arith.constant 0 : i32
          %dma_start3A_173 = arith.constant 0 : i32
          %dma_start3A_174 = tpu.memref_slice %arg4[%arg1, %scan3A_23, %dma_start3A_172, %dma_start3A_173] : memref<16x10x18x112xi32, #tpu.memory_space<hbm>> -> memref<1x1x18x112xi32, #tpu.memory_space<hbm>>
          %dma_start3A_175 = tpu.memref_squeeze %dma_start3A_174 : memref<1x1x18x112xi32, #tpu.memory_space<hbm>> -> memref<18x112xi32, #tpu.memory_space<hbm>>
          %dma_start3A_176 = arith.constant 0 : i32
          %dma_start3A_177 = arith.constant 0 : i32
          %dma_start3A_178 = tpu.memref_slice %arg4[%arg1, %scan3A_23, %dma_start3A_176, %dma_start3A_177] : memref<16x10x18x112xi32, #tpu.memory_space<hbm>> -> memref<1x1x18x112xi32, #tpu.memory_space<hbm>>
          %dma_start3A_179 = tpu.memref_squeeze %dma_start3A_178 : memref<1x1x18x112xi32, #tpu.memory_space<hbm>> -> memref<18x112xi32, #tpu.memory_space<hbm>>
          tpu.enqueue_dma source(%dma_start3A_179 : memref<18x112xi32, #tpu.memory_space<hbm>>) target(%arg11 : memref<18x112xi32, #tpu.memory_space<vmem>>) target_semaphore(%run_scoped3A : memref<!tpu.dma_semaphore, #tpu.memory_space<semaphore_mem>>)
          %dma_wait3A_180 = arith.constant 0 : i32
          %dma_wait3A_181 = arith.constant 0 : i32
          %dma_wait3A_182 = tpu.memref_slice %arg4[%arg1, %scan3A_23, %dma_wait3A_180, %dma_wait3A_181] : memref<16x10x18x112xi32, #tpu.memory_space<hbm>> -> memref<1x1x18x112xi32, #tpu.memory_space<hbm>>
          %dma_wait3A_183 = tpu.memref_squeeze %dma_wait3A_182 : memref<1x1x18x112xi32, #tpu.memory_space<hbm>> -> memref<18x112xi32, #tpu.memory_space<hbm>>
          %dma_wait3A_184 = arith.constant 0 : i32
          %dma_wait3A_185 = arith.constant 0 : i32
          %dma_wait3A_186 = tpu.memref_slice %arg4[%arg1, %scan3A_23, %dma_wait3A_184, %dma_wait3A_185] : memref<16x10x18x112xi32, #tpu.memory_space<hbm>> -> memref<1x1x18x112xi32, #tpu.memory_space<hbm>>
          %dma_wait3A_187 = tpu.memref_squeeze %dma_wait3A_186 : memref<1x1x18x112xi32, #tpu.memory_space<hbm>> -> memref<18x112xi32, #tpu.memory_space<hbm>>
          tpu.wait_dma2 semaphore(%run_scoped3A : memref<!tpu.dma_semaphore, #tpu.memory_space<semaphore_mem>>) src(%dma_wait3A_187 : memref<18x112xi32, #tpu.memory_space<hbm>>) dst(%arg11 : memref<18x112xi32, #tpu.memory_space<vmem>>)
          tpu.yield
        }) : () -> ()
        "tpu.region"() ({
          %run_scoped3A = tpu.sem_alloc : memref<!tpu.dma_semaphore, #tpu.memory_space<semaphore_mem>>
          %dma_start3A_172 = arith.constant 0 : i32
          %dma_start3A_173 = arith.constant 0 : i32
          %dma_start3A_174 = tpu.memref_slice %arg5[%arg1, %scan3A_23, %dma_start3A_172, %dma_start3A_173] : memref<16x10x18x112xi32, #tpu.memory_space<hbm>> -> memref<1x1x18x112xi32, #tpu.memory_space<hbm>>
          %dma_start3A_175 = tpu.memref_squeeze %dma_start3A_174 : memref<1x1x18x112xi32, #tpu.memory_space<hbm>> -> memref<18x112xi32, #tpu.memory_space<hbm>>
          %dma_start3A_176 = arith.constant 0 : i32
          %dma_start3A_177 = arith.constant 0 : i32
          %dma_start3A_178 = tpu.memref_slice %arg5[%arg1, %scan3A_23, %dma_start3A_176, %dma_start3A_177] : memref<16x10x18x112xi32, #tpu.memory_space<hbm>> -> memref<1x1x18x112xi32, #tpu.memory_space<hbm>>
          %dma_start3A_179 = tpu.memref_squeeze %dma_start3A_178 : memref<1x1x18x112xi32, #tpu.memory_space<hbm>> -> memref<18x112xi32, #tpu.memory_space<hbm>>
          tpu.enqueue_dma source(%dma_start3A_179 : memref<18x112xi32, #tpu.memory_space<hbm>>) target(%arg12 : memref<18x112xi32, #tpu.memory_space<vmem>>) target_semaphore(%run_scoped3A : memref<!tpu.dma_semaphore, #tpu.memory_space<semaphore_mem>>)
          %dma_wait3A_180 = arith.constant 0 : i32
          %dma_wait3A_181 = arith.constant 0 : i32
          %dma_wait3A_182 = tpu.memref_slice %arg5[%arg1, %scan3A_23, %dma_wait3A_180, %dma_wait3A_181] : memref<16x10x18x112xi32, #tpu.memory_space<hbm>> -> memref<1x1x18x112xi32, #tpu.memory_space<hbm>>
          %dma_wait3A_183 = tpu.memref_squeeze %dma_wait3A_182 : memref<1x1x18x112xi32, #tpu.memory_space<hbm>> -> memref<18x112xi32, #tpu.memory_space<hbm>>
          %dma_wait3A_184 = arith.constant 0 : i32
          %dma_wait3A_185 = arith.constant 0 : i32
          %dma_wait3A_186 = tpu.memref_slice %arg5[%arg1, %scan3A_23, %dma_wait3A_184, %dma_wait3A_185] : memref<16x10x18x112xi32, #tpu.memory_space<hbm>> -> memref<1x1x18x112xi32, #tpu.memory_space<hbm>>
          %dma_wait3A_187 = tpu.memref_squeeze %dma_wait3A_186 : memref<1x1x18x112xi32, #tpu.memory_space<hbm>> -> memref<18x112xi32, #tpu.memory_space<hbm>>
          tpu.wait_dma2 semaphore(%run_scoped3A : memref<!tpu.dma_semaphore, #tpu.memory_space<semaphore_mem>>) src(%dma_wait3A_187 : memref<18x112xi32, #tpu.memory_space<hbm>>) dst(%arg12 : memref<18x112xi32, #tpu.memory_space<vmem>>)
          tpu.yield
        }) : () -> ()
        %dma_start3A = arith.constant 0 : i32
        %dma_start3A_24 = arith.constant 0 : i32
        %dma_start3A_25 = arith.constant 0 : i32
        %dma_start3A_26 = arith.constant 0 : i32
        %dma_start3A_27 = tpu.memref_slice %arg13[%dma_start3A_24, %dma_start3A_25, %dma_start3A_26] : memref<3x112x128xf32, #tpu.memory_space<vmem>> -> memref<1x112x128xf32, #tpu.memory_space<vmem>>
        %dma_start3A_28 = tpu.memref_squeeze %dma_start3A_27 : memref<1x112x128xf32, #tpu.memory_space<vmem>> -> memref<112x128xf32, #tpu.memory_space<vmem>>
        %dma_start3A_29 = arith.constant 0 : i32
        %dma_start3A_30 = tpu.memref_slice %arg11[%dma_start3A, %dma_start3A_29] : memref<18x112xi32, #tpu.memory_space<vmem>> -> memref<1x112xi32, #tpu.memory_space<vmem>>
        %dma_start3A_31 = tpu.memref_squeeze %dma_start3A_30 : memref<1x112xi32, #tpu.memory_space<vmem>> -> memref<112xi32, #tpu.memory_space<vmem>>
        %dma_start3A_32 = arith.constant 0 : i32
        %dma_start3A_33 = arith.constant 0 : i32
        %dma_start3A_34 = tpu.memref_slice %arg2[%dma_start3A_32, %dma_start3A_33] : memref<10000x128xf32, #tpu.memory_space<hbm>> -> memref<10000x128xf32, #tpu.memory_space<hbm>>
        tpu.enqueue_indirect_dma source(%dma_start3A_34 : memref<10000x128xf32, #tpu.memory_space<hbm>>) target(%dma_start3A_28 : memref<112x128xf32, #tpu.memory_space<vmem>>) offsets(%dma_start3A_31 : memref<112xi32, #tpu.memory_space<vmem>>) semaphore(%arg15 : memref<!tpu.dma_semaphore, #tpu.memory_space<semaphore_mem>>)
        %dma_start3A_35 = arith.constant 1 : i32
        %dma_start3A_36 = arith.constant 1 : i32
        %dma_start3A_37 = arith.constant 0 : i32
        %dma_start3A_38 = arith.constant 0 : i32
        %dma_start3A_39 = tpu.memref_slice %arg13[%dma_start3A_36, %dma_start3A_37, %dma_start3A_38] : memref<3x112x128xf32, #tpu.memory_space<vmem>> -> memref<1x112x128xf32, #tpu.memory_space<vmem>>
        %dma_start3A_40 = tpu.memref_squeeze %dma_start3A_39 : memref<1x112x128xf32, #tpu.memory_space<vmem>> -> memref<112x128xf32, #tpu.memory_space<vmem>>
        %dma_start3A_41 = arith.constant 0 : i32
        %dma_start3A_42 = tpu.memref_slice %arg11[%dma_start3A_35, %dma_start3A_41] : memref<18x112xi32, #tpu.memory_space<vmem>> -> memref<1x112xi32, #tpu.memory_space<vmem>>
        %dma_start3A_43 = tpu.memref_squeeze %dma_start3A_42 : memref<1x112xi32, #tpu.memory_space<vmem>> -> memref<112xi32, #tpu.memory_space<vmem>>
        %dma_start3A_44 = arith.constant 0 : i32
        %dma_start3A_45 = arith.constant 0 : i32
        %dma_start3A_46 = tpu.memref_slice %arg2[%dma_start3A_44, %dma_start3A_45] : memref<10000x128xf32, #tpu.memory_space<hbm>> -> memref<10000x128xf32, #tpu.memory_space<hbm>>
        tpu.enqueue_indirect_dma source(%dma_start3A_46 : memref<10000x128xf32, #tpu.memory_space<hbm>>) target(%dma_start3A_40 : memref<112x128xf32, #tpu.memory_space<vmem>>) offsets(%dma_start3A_43 : memref<112xi32, #tpu.memory_space<vmem>>) semaphore(%arg16 : memref<!tpu.dma_semaphore, #tpu.memory_space<semaphore_mem>>)
        %dma_start3A_47 = arith.constant 2 : i32
        %dma_start3A_48 = arith.constant 2 : i32
        %dma_start3A_49 = arith.constant 0 : i32
        %dma_start3A_50 = arith.constant 0 : i32
        %dma_start3A_51 = tpu.memref_slice %arg13[%dma_start3A_48, %dma_start3A_49, %dma_start3A_50] : memref<3x112x128xf32, #tpu.memory_space<vmem>> -> memref<1x112x128xf32, #tpu.memory_space<vmem>>
        %dma_start3A_52 = tpu.memref_squeeze %dma_start3A_51 : memref<1x112x128xf32, #tpu.memory_space<vmem>> -> memref<112x128xf32, #tpu.memory_space<vmem>>
        %dma_start3A_53 = arith.constant 0 : i32
        %dma_start3A_54 = tpu.memref_slice %arg11[%dma_start3A_47, %dma_start3A_53] : memref<18x112xi32, #tpu.memory_space<vmem>> -> memref<1x112xi32, #tpu.memory_space<vmem>>
        %dma_start3A_55 = tpu.memref_squeeze %dma_start3A_54 : memref<1x112xi32, #tpu.memory_space<vmem>> -> memref<112xi32, #tpu.memory_space<vmem>>
        %dma_start3A_56 = arith.constant 0 : i32
        %dma_start3A_57 = arith.constant 0 : i32
        %dma_start3A_58 = tpu.memref_slice %arg2[%dma_start3A_56, %dma_start3A_57] : memref<10000x128xf32, #tpu.memory_space<hbm>> -> memref<10000x128xf32, #tpu.memory_space<hbm>>
        tpu.enqueue_indirect_dma source(%dma_start3A_58 : memref<10000x128xf32, #tpu.memory_space<hbm>>) target(%dma_start3A_52 : memref<112x128xf32, #tpu.memory_space<vmem>>) offsets(%dma_start3A_55 : memref<112xi32, #tpu.memory_space<vmem>>) semaphore(%arg17 : memref<!tpu.dma_semaphore, #tpu.memory_space<semaphore_mem>>)
        %scan3A_59 = arith.constant 0 : i32
        %scan3A_60 = arith.constant 0 : i32
        %scan3A_61 = arith.constant 5 : i32
        %scan3A_62 = arith.addi %scan3A_60, %scan3A_61 : i32
        %scan3A_63 = arith.constant 1 : i32
        scf.for %scan3A_172 = %scan3A_60 to %scan3A_62 step %scan3A_63  : i32 {
          %mul3A_173 = arith.constant 3 : i32
          %mul3A_174 = arith.muli %scan3A_172, %mul3A_173 : i32
          %add3A = arith.constant 0 : i32
          %add3A_175 = arith.addi %mul3A_174, %add3A : i32
          %dma_wait3A_176 = arith.constant 0 : i32
          %dma_wait3A_177 = arith.constant 0 : i32
          %dma_wait3A_178 = arith.constant 0 : i32
          %dma_wait3A_179 = tpu.memref_slice %arg13[%dma_wait3A_176, %dma_wait3A_177, %dma_wait3A_178] : memref<3x112x128xf32, #tpu.memory_space<vmem>> -> memref<1x112x128xf32, #tpu.memory_space<vmem>>
          %dma_wait3A_180 = tpu.memref_squeeze %dma_wait3A_179 : memref<1x112x128xf32, #tpu.memory_space<vmem>> -> memref<112x128xf32, #tpu.memory_space<vmem>>
          %dma_wait3A_181 = arith.constant 0 : i32
          %dma_wait3A_182 = tpu.memref_slice %arg11[%add3A_175, %dma_wait3A_181] : memref<18x112xi32, #tpu.memory_space<vmem>> -> memref<1x112xi32, #tpu.memory_space<vmem>>
          %dma_wait3A_183 = tpu.memref_squeeze %dma_wait3A_182 : memref<1x112xi32, #tpu.memory_space<vmem>> -> memref<112xi32, #tpu.memory_space<vmem>>
          %dma_wait3A_184 = arith.constant 0 : i32
          %dma_wait3A_185 = arith.constant 0 : i32
          %dma_wait3A_186 = tpu.memref_slice %arg2[%dma_wait3A_184, %dma_wait3A_185] : memref<10000x128xf32, #tpu.memory_space<hbm>> -> memref<10000x128xf32, #tpu.memory_space<hbm>>
          tpu.wait_indirect_dma semaphore(%arg15 : memref<!tpu.dma_semaphore, #tpu.memory_space<semaphore_mem>>) src(%dma_wait3A_186 : memref<10000x128xf32, #tpu.memory_space<hbm>>) dst(%dma_wait3A_180 : memref<112x128xf32, #tpu.memory_space<vmem>>)
          %add3A_187 = arith.constant 0 : i32
          %add3A_188 = arith.addi %mul3A_174, %add3A_187 : i32
          %dma_start3A_189 = arith.constant 0 : i32
          %dma_start3A_190 = arith.constant 0 : i32
          %dma_start3A_191 = arith.constant 0 : i32
          %dma_start3A_192 = tpu.memref_slice %arg13[%dma_start3A_189, %dma_start3A_190, %dma_start3A_191] : memref<3x112x128xf32, #tpu.memory_space<vmem>> -> memref<1x112x128xf32, #tpu.memory_space<vmem>>
          %dma_start3A_193 = tpu.memref_squeeze %dma_start3A_192 : memref<1x112x128xf32, #tpu.memory_space<vmem>> -> memref<112x128xf32, #tpu.memory_space<vmem>>
          %dma_start3A_194 = arith.constant 0 : i32
          %dma_start3A_195 = tpu.memref_slice %arg12[%add3A_188, %dma_start3A_194] : memref<18x112xi32, #tpu.memory_space<vmem>> -> memref<1x112xi32, #tpu.memory_space<vmem>>
          %dma_start3A_196 = tpu.memref_squeeze %dma_start3A_195 : memref<1x112xi32, #tpu.memory_space<vmem>> -> memref<112xi32, #tpu.memory_space<vmem>>
          %dma_start3A_197 = arith.constant 0 : i32
          %dma_start3A_198 = arith.constant 0 : i32
          %dma_start3A_199 = tpu.memref_slice %arg14[%dma_start3A_197, %dma_start3A_198] : memref<10016x128xf32, #tpu.memory_space<vmem_shared>> -> memref<10016x128xf32, #tpu.memory_space<vmem_shared>>
          tpu.enqueue_indirect_dma source(%dma_start3A_193 : memref<112x128xf32, #tpu.memory_space<vmem>>) target(%dma_start3A_199 : memref<10016x128xf32, #tpu.memory_space<vmem_shared>>) offsets(%dma_start3A_196 : memref<112xi32, #tpu.memory_space<vmem>>) semaphore(%arg18 : memref<!tpu.dma_semaphore, #tpu.memory_space<semaphore_mem>>) {add = true}
          %add3A_200 = arith.constant 1 : i32
          %add3A_201 = arith.addi %mul3A_174, %add3A_200 : i32
          %dma_wait3A_202 = arith.constant 1 : i32
          %dma_wait3A_203 = arith.constant 0 : i32
          %dma_wait3A_204 = arith.constant 0 : i32
          %dma_wait3A_205 = tpu.memref_slice %arg13[%dma_wait3A_202, %dma_wait3A_203, %dma_wait3A_204] : memref<3x112x128xf32, #tpu.memory_space<vmem>> -> memref<1x112x128xf32, #tpu.memory_space<vmem>>
          %dma_wait3A_206 = tpu.memref_squeeze %dma_wait3A_205 : memref<1x112x128xf32, #tpu.memory_space<vmem>> -> memref<112x128xf32, #tpu.memory_space<vmem>>
          %dma_wait3A_207 = arith.constant 0 : i32
          %dma_wait3A_208 = tpu.memref_slice %arg11[%add3A_201, %dma_wait3A_207] : memref<18x112xi32, #tpu.memory_space<vmem>> -> memref<1x112xi32, #tpu.memory_space<vmem>>
          %dma_wait3A_209 = tpu.memref_squeeze %dma_wait3A_208 : memref<1x112xi32, #tpu.memory_space<vmem>> -> memref<112xi32, #tpu.memory_space<vmem>>
          %dma_wait3A_210 = arith.constant 0 : i32
          %dma_wait3A_211 = arith.constant 0 : i32
          %dma_wait3A_212 = tpu.memref_slice %arg2[%dma_wait3A_210, %dma_wait3A_211] : memref<10000x128xf32, #tpu.memory_space<hbm>> -> memref<10000x128xf32, #tpu.memory_space<hbm>>
          tpu.wait_indirect_dma semaphore(%arg16 : memref<!tpu.dma_semaphore, #tpu.memory_space<semaphore_mem>>) src(%dma_wait3A_212 : memref<10000x128xf32, #tpu.memory_space<hbm>>) dst(%dma_wait3A_206 : memref<112x128xf32, #tpu.memory_space<vmem>>)
          %add3A_213 = arith.constant 1 : i32
          %add3A_214 = arith.addi %mul3A_174, %add3A_213 : i32
          %dma_start3A_215 = arith.constant 1 : i32
          %dma_start3A_216 = arith.constant 0 : i32
          %dma_start3A_217 = arith.constant 0 : i32
          %dma_start3A_218 = tpu.memref_slice %arg13[%dma_start3A_215, %dma_start3A_216, %dma_start3A_217] : memref<3x112x128xf32, #tpu.memory_space<vmem>> -> memref<1x112x128xf32, #tpu.memory_space<vmem>>
          %dma_start3A_219 = tpu.memref_squeeze %dma_start3A_218 : memref<1x112x128xf32, #tpu.memory_space<vmem>> -> memref<112x128xf32, #tpu.memory_space<vmem>>
          %dma_start3A_220 = arith.constant 0 : i32
          %dma_start3A_221 = tpu.memref_slice %arg12[%add3A_214, %dma_start3A_220] : memref<18x112xi32, #tpu.memory_space<vmem>> -> memref<1x112xi32, #tpu.memory_space<vmem>>
          %dma_start3A_222 = tpu.memref_squeeze %dma_start3A_221 : memref<1x112xi32, #tpu.memory_space<vmem>> -> memref<112xi32, #tpu.memory_space<vmem>>
          %dma_start3A_223 = arith.constant 0 : i32
          %dma_start3A_224 = arith.constant 0 : i32
          %dma_start3A_225 = tpu.memref_slice %arg14[%dma_start3A_223, %dma_start3A_224] : memref<10016x128xf32, #tpu.memory_space<vmem_shared>> -> memref<10016x128xf32, #tpu.memory_space<vmem_shared>>
          tpu.enqueue_indirect_dma source(%dma_start3A_219 : memref<112x128xf32, #tpu.memory_space<vmem>>) target(%dma_start3A_225 : memref<10016x128xf32, #tpu.memory_space<vmem_shared>>) offsets(%dma_start3A_222 : memref<112xi32, #tpu.memory_space<vmem>>) semaphore(%arg19 : memref<!tpu.dma_semaphore, #tpu.memory_space<semaphore_mem>>) {add = true}
          %add3A_226 = arith.constant 2 : i32
          %add3A_227 = arith.addi %mul3A_174, %add3A_226 : i32
          %dma_wait3A_228 = arith.constant 2 : i32
          %dma_wait3A_229 = arith.constant 0 : i32
          %dma_wait3A_230 = arith.constant 0 : i32
          %dma_wait3A_231 = tpu.memref_slice %arg13[%dma_wait3A_228, %dma_wait3A_229, %dma_wait3A_230] : memref<3x112x128xf32, #tpu.memory_space<vmem>> -> memref<1x112x128xf32, #tpu.memory_space<vmem>>
          %dma_wait3A_232 = tpu.memref_squeeze %dma_wait3A_231 : memref<1x112x128xf32, #tpu.memory_space<vmem>> -> memref<112x128xf32, #tpu.memory_space<vmem>>
          %dma_wait3A_233 = arith.constant 0 : i32
          %dma_wait3A_234 = tpu.memref_slice %arg11[%add3A_227, %dma_wait3A_233] : memref<18x112xi32, #tpu.memory_space<vmem>> -> memref<1x112xi32, #tpu.memory_space<vmem>>
          %dma_wait3A_235 = tpu.memref_squeeze %dma_wait3A_234 : memref<1x112xi32, #tpu.memory_space<vmem>> -> memref<112xi32, #tpu.memory_space<vmem>>
          %dma_wait3A_236 = arith.constant 0 : i32
          %dma_wait3A_237 = arith.constant 0 : i32
          %dma_wait3A_238 = tpu.memref_slice %arg2[%dma_wait3A_236, %dma_wait3A_237] : memref<10000x128xf32, #tpu.memory_space<hbm>> -> memref<10000x128xf32, #tpu.memory_space<hbm>>
          tpu.wait_indirect_dma semaphore(%arg17 : memref<!tpu.dma_semaphore, #tpu.memory_space<semaphore_mem>>) src(%dma_wait3A_238 : memref<10000x128xf32, #tpu.memory_space<hbm>>) dst(%dma_wait3A_232 : memref<112x128xf32, #tpu.memory_space<vmem>>)
          %add3A_239 = arith.constant 2 : i32
          %add3A_240 = arith.addi %mul3A_174, %add3A_239 : i32
          %dma_start3A_241 = arith.constant 2 : i32
          %dma_start3A_242 = arith.constant 0 : i32
          %dma_start3A_243 = arith.constant 0 : i32
          %dma_start3A_244 = tpu.memref_slice %arg13[%dma_start3A_241, %dma_start3A_242, %dma_start3A_243] : memref<3x112x128xf32, #tpu.memory_space<vmem>> -> memref<1x112x128xf32, #tpu.memory_space<vmem>>
          %dma_start3A_245 = tpu.memref_squeeze %dma_start3A_244 : memref<1x112x128xf32, #tpu.memory_space<vmem>> -> memref<112x128xf32, #tpu.memory_space<vmem>>
          %dma_start3A_246 = arith.constant 0 : i32
          %dma_start3A_247 = tpu.memref_slice %arg12[%add3A_240, %dma_start3A_246] : memref<18x112xi32, #tpu.memory_space<vmem>> -> memref<1x112xi32, #tpu.memory_space<vmem>>
          %dma_start3A_248 = tpu.memref_squeeze %dma_start3A_247 : memref<1x112xi32, #tpu.memory_space<vmem>> -> memref<112xi32, #tpu.memory_space<vmem>>
          %dma_start3A_249 = arith.constant 0 : i32
          %dma_start3A_250 = arith.constant 0 : i32
          %dma_start3A_251 = tpu.memref_slice %arg14[%dma_start3A_249, %dma_start3A_250] : memref<10016x128xf32, #tpu.memory_space<vmem_shared>> -> memref<10016x128xf32, #tpu.memory_space<vmem_shared>>
          tpu.enqueue_indirect_dma source(%dma_start3A_245 : memref<112x128xf32, #tpu.memory_space<vmem>>) target(%dma_start3A_251 : memref<10016x128xf32, #tpu.memory_space<vmem_shared>>) offsets(%dma_start3A_248 : memref<112xi32, #tpu.memory_space<vmem>>) semaphore(%arg20 : memref<!tpu.dma_semaphore, #tpu.memory_space<semaphore_mem>>) {add = true}
          %add3A_252 = arith.constant 0 : i32
          %add3A_253 = arith.addi %mul3A_174, %add3A_252 : i32
          %dma_wait3A_254 = arith.constant 0 : i32
          %dma_wait3A_255 = arith.constant 0 : i32
          %dma_wait3A_256 = arith.constant 0 : i32
          %dma_wait3A_257 = tpu.memref_slice %arg13[%dma_wait3A_254, %dma_wait3A_255, %dma_wait3A_256] : memref<3x112x128xf32, #tpu.memory_space<vmem>> -> memref<1x112x128xf32, #tpu.memory_space<vmem>>
          %dma_wait3A_258 = tpu.memref_squeeze %dma_wait3A_257 : memref<1x112x128xf32, #tpu.memory_space<vmem>> -> memref<112x128xf32, #tpu.memory_space<vmem>>
          %dma_wait3A_259 = arith.constant 0 : i32
          %dma_wait3A_260 = tpu.memref_slice %arg12[%add3A_253, %dma_wait3A_259] : memref<18x112xi32, #tpu.memory_space<vmem>> -> memref<1x112xi32, #tpu.memory_space<vmem>>
          %dma_wait3A_261 = tpu.memref_squeeze %dma_wait3A_260 : memref<1x112xi32, #tpu.memory_space<vmem>> -> memref<112xi32, #tpu.memory_space<vmem>>
          %dma_wait3A_262 = arith.constant 0 : i32
          %dma_wait3A_263 = arith.constant 0 : i32
          %dma_wait3A_264 = tpu.memref_slice %arg14[%dma_wait3A_262, %dma_wait3A_263] : memref<10016x128xf32, #tpu.memory_space<vmem_shared>> -> memref<10016x128xf32, #tpu.memory_space<vmem_shared>>
          tpu.wait_indirect_dma semaphore(%arg18 : memref<!tpu.dma_semaphore, #tpu.memory_space<semaphore_mem>>) src(%dma_wait3A_258 : memref<112x128xf32, #tpu.memory_space<vmem>>) dst(%dma_wait3A_264 : memref<10016x128xf32, #tpu.memory_space<vmem_shared>>)
          %add3A_265 = arith.constant 3 : i32
          %add3A_266 = arith.addi %mul3A_174, %add3A_265 : i32
          %add3A_267 = arith.constant 0 : i32
          %add3A_268 = arith.addi %add3A_266, %add3A_267 : i32
          %dma_start3A_269 = arith.constant 0 : i32
          %dma_start3A_270 = arith.constant 0 : i32
          %dma_start3A_271 = arith.constant 0 : i32
          %dma_start3A_272 = tpu.memref_slice %arg13[%dma_start3A_269, %dma_start3A_270, %dma_start3A_271] : memref<3x112x128xf32, #tpu.memory_space<vmem>> -> memref<1x112x128xf32, #tpu.memory_space<vmem>>
          %dma_start3A_273 = tpu.memref_squeeze %dma_start3A_272 : memref<1x112x128xf32, #tpu.memory_space<vmem>> -> memref<112x128xf32, #tpu.memory_space<vmem>>
          %dma_start3A_274 = arith.constant 0 : i32
          %dma_start3A_275 = tpu.memref_slice %arg11[%add3A_268, %dma_start3A_274] : memref<18x112xi32, #tpu.memory_space<vmem>> -> memref<1x112xi32, #tpu.memory_space<vmem>>
          %dma_start3A_276 = tpu.memref_squeeze %dma_start3A_275 : memref<1x112xi32, #tpu.memory_space<vmem>> -> memref<112xi32, #tpu.memory_space<vmem>>
          %dma_start3A_277 = arith.constant 0 : i32
          %dma_start3A_278 = arith.constant 0 : i32
          %dma_start3A_279 = tpu.memref_slice %arg2[%dma_start3A_277, %dma_start3A_278] : memref<10000x128xf32, #tpu.memory_space<hbm>> -> memref<10000x128xf32, #tpu.memory_space<hbm>>
          tpu.enqueue_indirect_dma source(%dma_start3A_279 : memref<10000x128xf32, #tpu.memory_space<hbm>>) target(%dma_start3A_273 : memref<112x128xf32, #tpu.memory_space<vmem>>) offsets(%dma_start3A_276 : memref<112xi32, #tpu.memory_space<vmem>>) semaphore(%arg15 : memref<!tpu.dma_semaphore, #tpu.memory_space<semaphore_mem>>)
          %add3A_280 = arith.constant 1 : i32
          %add3A_281 = arith.addi %mul3A_174, %add3A_280 : i32
          %dma_wait3A_282 = arith.constant 1 : i32
          %dma_wait3A_283 = arith.constant 0 : i32
          %dma_wait3A_284 = arith.constant 0 : i32
          %dma_wait3A_285 = tpu.memref_slice %arg13[%dma_wait3A_282, %dma_wait3A_283, %dma_wait3A_284] : memref<3x112x128xf32, #tpu.memory_space<vmem>> -> memref<1x112x128xf32, #tpu.memory_space<vmem>>
          %dma_wait3A_286 = tpu.memref_squeeze %dma_wait3A_285 : memref<1x112x128xf32, #tpu.memory_space<vmem>> -> memref<112x128xf32, #tpu.memory_space<vmem>>
          %dma_wait3A_287 = arith.constant 0 : i32
          %dma_wait3A_288 = tpu.memref_slice %arg12[%add3A_281, %dma_wait3A_287] : memref<18x112xi32, #tpu.memory_space<vmem>> -> memref<1x112xi32, #tpu.memory_space<vmem>>
          %dma_wait3A_289 = tpu.memref_squeeze %dma_wait3A_288 : memref<1x112xi32, #tpu.memory_space<vmem>> -> memref<112xi32, #tpu.memory_space<vmem>>
          %dma_wait3A_290 = arith.constant 0 : i32
          %dma_wait3A_291 = arith.constant 0 : i32
          %dma_wait3A_292 = tpu.memref_slice %arg14[%dma_wait3A_290, %dma_wait3A_291] : memref<10016x128xf32, #tpu.memory_space<vmem_shared>> -> memref<10016x128xf32, #tpu.memory_space<vmem_shared>>
          tpu.wait_indirect_dma semaphore(%arg19 : memref<!tpu.dma_semaphore, #tpu.memory_space<semaphore_mem>>) src(%dma_wait3A_286 : memref<112x128xf32, #tpu.memory_space<vmem>>) dst(%dma_wait3A_292 : memref<10016x128xf32, #tpu.memory_space<vmem_shared>>)
          %add3A_293 = arith.constant 3 : i32
          %add3A_294 = arith.addi %mul3A_174, %add3A_293 : i32
          %add3A_295 = arith.constant 1 : i32
          %add3A_296 = arith.addi %add3A_294, %add3A_295 : i32
          %dma_start3A_297 = arith.constant 1 : i32
          %dma_start3A_298 = arith.constant 0 : i32
          %dma_start3A_299 = arith.constant 0 : i32
          %dma_start3A_300 = tpu.memref_slice %arg13[%dma_start3A_297, %dma_start3A_298, %dma_start3A_299] : memref<3x112x128xf32, #tpu.memory_space<vmem>> -> memref<1x112x128xf32, #tpu.memory_space<vmem>>
          %dma_start3A_301 = tpu.memref_squeeze %dma_start3A_300 : memref<1x112x128xf32, #tpu.memory_space<vmem>> -> memref<112x128xf32, #tpu.memory_space<vmem>>
          %dma_start3A_302 = arith.constant 0 : i32
          %dma_start3A_303 = tpu.memref_slice %arg11[%add3A_296, %dma_start3A_302] : memref<18x112xi32, #tpu.memory_space<vmem>> -> memref<1x112xi32, #tpu.memory_space<vmem>>
          %dma_start3A_304 = tpu.memref_squeeze %dma_start3A_303 : memref<1x112xi32, #tpu.memory_space<vmem>> -> memref<112xi32, #tpu.memory_space<vmem>>
          %dma_start3A_305 = arith.constant 0 : i32
          %dma_start3A_306 = arith.constant 0 : i32
          %dma_start3A_307 = tpu.memref_slice %arg2[%dma_start3A_305, %dma_start3A_306] : memref<10000x128xf32, #tpu.memory_space<hbm>> -> memref<10000x128xf32, #tpu.memory_space<hbm>>
          tpu.enqueue_indirect_dma source(%dma_start3A_307 : memref<10000x128xf32, #tpu.memory_space<hbm>>) target(%dma_start3A_301 : memref<112x128xf32, #tpu.memory_space<vmem>>) offsets(%dma_start3A_304 : memref<112xi32, #tpu.memory_space<vmem>>) semaphore(%arg16 : memref<!tpu.dma_semaphore, #tpu.memory_space<semaphore_mem>>)
          %add3A_308 = arith.constant 2 : i32
          %add3A_309 = arith.addi %mul3A_174, %add3A_308 : i32
          %dma_wait3A_310 = arith.constant 2 : i32
          %dma_wait3A_311 = arith.constant 0 : i32
          %dma_wait3A_312 = arith.constant 0 : i32
          %dma_wait3A_313 = tpu.memref_slice %arg13[%dma_wait3A_310, %dma_wait3A_311, %dma_wait3A_312] : memref<3x112x128xf32, #tpu.memory_space<vmem>> -> memref<1x112x128xf32, #tpu.memory_space<vmem>>
          %dma_wait3A_314 = tpu.memref_squeeze %dma_wait3A_313 : memref<1x112x128xf32, #tpu.memory_space<vmem>> -> memref<112x128xf32, #tpu.memory_space<vmem>>
          %dma_wait3A_315 = arith.constant 0 : i32
          %dma_wait3A_316 = tpu.memref_slice %arg12[%add3A_309, %dma_wait3A_315] : memref<18x112xi32, #tpu.memory_space<vmem>> -> memref<1x112xi32, #tpu.memory_space<vmem>>
          %dma_wait3A_317 = tpu.memref_squeeze %dma_wait3A_316 : memref<1x112xi32, #tpu.memory_space<vmem>> -> memref<112xi32, #tpu.memory_space<vmem>>
          %dma_wait3A_318 = arith.constant 0 : i32
          %dma_wait3A_319 = arith.constant 0 : i32
          %dma_wait3A_320 = tpu.memref_slice %arg14[%dma_wait3A_318, %dma_wait3A_319] : memref<10016x128xf32, #tpu.memory_space<vmem_shared>> -> memref<10016x128xf32, #tpu.memory_space<vmem_shared>>
          tpu.wait_indirect_dma semaphore(%arg20 : memref<!tpu.dma_semaphore, #tpu.memory_space<semaphore_mem>>) src(%dma_wait3A_314 : memref<112x128xf32, #tpu.memory_space<vmem>>) dst(%dma_wait3A_320 : memref<10016x128xf32, #tpu.memory_space<vmem_shared>>)
          %add3A_321 = arith.constant 3 : i32
          %add3A_322 = arith.addi %mul3A_174, %add3A_321 : i32
          %add3A_323 = arith.constant 2 : i32
          %add3A_324 = arith.addi %add3A_322, %add3A_323 : i32
          %dma_start3A_325 = arith.constant 2 : i32
          %dma_start3A_326 = arith.constant 0 : i32
          %dma_start3A_327 = arith.constant 0 : i32
          %dma_start3A_328 = tpu.memref_slice %arg13[%dma_start3A_325, %dma_start3A_326, %dma_start3A_327] : memref<3x112x128xf32, #tpu.memory_space<vmem>> -> memref<1x112x128xf32, #tpu.memory_space<vmem>>
          %dma_start3A_329 = tpu.memref_squeeze %dma_start3A_328 : memref<1x112x128xf32, #tpu.memory_space<vmem>> -> memref<112x128xf32, #tpu.memory_space<vmem>>
          %dma_start3A_330 = arith.constant 0 : i32
          %dma_start3A_331 = tpu.memref_slice %arg11[%add3A_324, %dma_start3A_330] : memref<18x112xi32, #tpu.memory_space<vmem>> -> memref<1x112xi32, #tpu.memory_space<vmem>>
          %dma_start3A_332 = tpu.memref_squeeze %dma_start3A_331 : memref<1x112xi32, #tpu.memory_space<vmem>> -> memref<112xi32, #tpu.memory_space<vmem>>
          %dma_start3A_333 = arith.constant 0 : i32
          %dma_start3A_334 = arith.constant 0 : i32
          %dma_start3A_335 = tpu.memref_slice %arg2[%dma_start3A_333, %dma_start3A_334] : memref<10000x128xf32, #tpu.memory_space<hbm>> -> memref<10000x128xf32, #tpu.memory_space<hbm>>
          tpu.enqueue_indirect_dma source(%dma_start3A_335 : memref<10000x128xf32, #tpu.memory_space<hbm>>) target(%dma_start3A_329 : memref<112x128xf32, #tpu.memory_space<vmem>>) offsets(%dma_start3A_332 : memref<112xi32, #tpu.memory_space<vmem>>) semaphore(%arg17 : memref<!tpu.dma_semaphore, #tpu.memory_space<semaphore_mem>>)
        }
        %scan3A_64 = arith.constant 5 : i32
        %dma_wait3A = arith.constant 15 : i32
        %dma_wait3A_65 = arith.constant 0 : i32
        %dma_wait3A_66 = arith.constant 0 : i32
        %dma_wait3A_67 = arith.constant 0 : i32
        %dma_wait3A_68 = tpu.memref_slice %arg13[%dma_wait3A_65, %dma_wait3A_66, %dma_wait3A_67] : memref<3x112x128xf32, #tpu.memory_space<vmem>> -> memref<1x112x128xf32, #tpu.memory_space<vmem>>
        %dma_wait3A_69 = tpu.memref_squeeze %dma_wait3A_68 : memref<1x112x128xf32, #tpu.memory_space<vmem>> -> memref<112x128xf32, #tpu.memory_space<vmem>>
        %dma_wait3A_70 = arith.constant 0 : i32
        %dma_wait3A_71 = tpu.memref_slice %arg11[%dma_wait3A, %dma_wait3A_70] : memref<18x112xi32, #tpu.memory_space<vmem>> -> memref<1x112xi32, #tpu.memory_space<vmem>>
        %dma_wait3A_72 = tpu.memref_squeeze %dma_wait3A_71 : memref<1x112xi32, #tpu.memory_space<vmem>> -> memref<112xi32, #tpu.memory_space<vmem>>
        %dma_wait3A_73 = arith.constant 0 : i32
        %dma_wait3A_74 = arith.constant 0 : i32
        %dma_wait3A_75 = tpu.memref_slice %arg2[%dma_wait3A_73, %dma_wait3A_74] : memref<10000x128xf32, #tpu.memory_space<hbm>> -> memref<10000x128xf32, #tpu.memory_space<hbm>>
        tpu.wait_indirect_dma semaphore(%arg15 : memref<!tpu.dma_semaphore, #tpu.memory_space<semaphore_mem>>) src(%dma_wait3A_75 : memref<10000x128xf32, #tpu.memory_space<hbm>>) dst(%dma_wait3A_69 : memref<112x128xf32, #tpu.memory_space<vmem>>)
        %dma_start3A_76 = arith.constant 0 : i32
        %dma_start3A_77 = arith.constant 15 : i32
        %dma_start3A_78 = arith.constant 0 : i32
        %dma_start3A_79 = arith.constant 0 : i32
        %dma_start3A_80 = tpu.memref_slice %arg13[%dma_start3A_76, %dma_start3A_78, %dma_start3A_79] : memref<3x112x128xf32, #tpu.memory_space<vmem>> -> memref<1x112x128xf32, #tpu.memory_space<vmem>>
        %dma_start3A_81 = tpu.memref_squeeze %dma_start3A_80 : memref<1x112x128xf32, #tpu.memory_space<vmem>> -> memref<112x128xf32, #tpu.memory_space<vmem>>
        %dma_start3A_82 = arith.constant 0 : i32
        %dma_start3A_83 = tpu.memref_slice %arg12[%dma_start3A_77, %dma_start3A_82] : memref<18x112xi32, #tpu.memory_space<vmem>> -> memref<1x112xi32, #tpu.memory_space<vmem>>
        %dma_start3A_84 = tpu.memref_squeeze %dma_start3A_83 : memref<1x112xi32, #tpu.memory_space<vmem>> -> memref<112xi32, #tpu.memory_space<vmem>>
        %dma_start3A_85 = arith.constant 0 : i32
        %dma_start3A_86 = arith.constant 0 : i32
        %dma_start3A_87 = tpu.memref_slice %arg14[%dma_start3A_85, %dma_start3A_86] : memref<10016x128xf32, #tpu.memory_space<vmem_shared>> -> memref<10016x128xf32, #tpu.memory_space<vmem_shared>>
        tpu.enqueue_indirect_dma source(%dma_start3A_81 : memref<112x128xf32, #tpu.memory_space<vmem>>) target(%dma_start3A_87 : memref<10016x128xf32, #tpu.memory_space<vmem_shared>>) offsets(%dma_start3A_84 : memref<112xi32, #tpu.memory_space<vmem>>) semaphore(%arg18 : memref<!tpu.dma_semaphore, #tpu.memory_space<semaphore_mem>>) {add = true}
        %dma_wait3A_88 = arith.constant 16 : i32
        %dma_wait3A_89 = arith.constant 1 : i32
        %dma_wait3A_90 = arith.constant 0 : i32
        %dma_wait3A_91 = arith.constant 0 : i32
        %dma_wait3A_92 = tpu.memref_slice %arg13[%dma_wait3A_89, %dma_wait3A_90, %dma_wait3A_91] : memref<3x112x128xf32, #tpu.memory_space<vmem>> -> memref<1x112x128xf32, #tpu.memory_space<vmem>>
        %dma_wait3A_93 = tpu.memref_squeeze %dma_wait3A_92 : memref<1x112x128xf32, #tpu.memory_space<vmem>> -> memref<112x128xf32, #tpu.memory_space<vmem>>
        %dma_wait3A_94 = arith.constant 0 : i32
        %dma_wait3A_95 = tpu.memref_slice %arg11[%dma_wait3A_88, %dma_wait3A_94] : memref<18x112xi32, #tpu.memory_space<vmem>> -> memref<1x112xi32, #tpu.memory_space<vmem>>
        %dma_wait3A_96 = tpu.memref_squeeze %dma_wait3A_95 : memref<1x112xi32, #tpu.memory_space<vmem>> -> memref<112xi32, #tpu.memory_space<vmem>>
        %dma_wait3A_97 = arith.constant 0 : i32
        %dma_wait3A_98 = arith.constant 0 : i32
        %dma_wait3A_99 = tpu.memref_slice %arg2[%dma_wait3A_97, %dma_wait3A_98] : memref<10000x128xf32, #tpu.memory_space<hbm>> -> memref<10000x128xf32, #tpu.memory_space<hbm>>
        tpu.wait_indirect_dma semaphore(%arg16 : memref<!tpu.dma_semaphore, #tpu.memory_space<semaphore_mem>>) src(%dma_wait3A_99 : memref<10000x128xf32, #tpu.memory_space<hbm>>) dst(%dma_wait3A_93 : memref<112x128xf32, #tpu.memory_space<vmem>>)
        %dma_start3A_100 = arith.constant 1 : i32
        %dma_start3A_101 = arith.constant 16 : i32
        %dma_start3A_102 = arith.constant 0 : i32
        %dma_start3A_103 = arith.constant 0 : i32
        %dma_start3A_104 = tpu.memref_slice %arg13[%dma_start3A_100, %dma_start3A_102, %dma_start3A_103] : memref<3x112x128xf32, #tpu.memory_space<vmem>> -> memref<1x112x128xf32, #tpu.memory_space<vmem>>
        %dma_start3A_105 = tpu.memref_squeeze %dma_start3A_104 : memref<1x112x128xf32, #tpu.memory_space<vmem>> -> memref<112x128xf32, #tpu.memory_space<vmem>>
        %dma_start3A_106 = arith.constant 0 : i32
        %dma_start3A_107 = tpu.memref_slice %arg12[%dma_start3A_101, %dma_start3A_106] : memref<18x112xi32, #tpu.memory_space<vmem>> -> memref<1x112xi32, #tpu.memory_space<vmem>>
        %dma_start3A_108 = tpu.memref_squeeze %dma_start3A_107 : memref<1x112xi32, #tpu.memory_space<vmem>> -> memref<112xi32, #tpu.memory_space<vmem>>
        %dma_start3A_109 = arith.constant 0 : i32
        %dma_start3A_110 = arith.constant 0 : i32
        %dma_start3A_111 = tpu.memref_slice %arg14[%dma_start3A_109, %dma_start3A_110] : memref<10016x128xf32, #tpu.memory_space<vmem_shared>> -> memref<10016x128xf32, #tpu.memory_space<vmem_shared>>
        tpu.enqueue_indirect_dma source(%dma_start3A_105 : memref<112x128xf32, #tpu.memory_space<vmem>>) target(%dma_start3A_111 : memref<10016x128xf32, #tpu.memory_space<vmem_shared>>) offsets(%dma_start3A_108 : memref<112xi32, #tpu.memory_space<vmem>>) semaphore(%arg19 : memref<!tpu.dma_semaphore, #tpu.memory_space<semaphore_mem>>) {add = true}
        %dma_wait3A_112 = arith.constant 17 : i32
        %dma_wait3A_113 = arith.constant 2 : i32
        %dma_wait3A_114 = arith.constant 0 : i32
        %dma_wait3A_115 = arith.constant 0 : i32
        %dma_wait3A_116 = tpu.memref_slice %arg13[%dma_wait3A_113, %dma_wait3A_114, %dma_wait3A_115] : memref<3x112x128xf32, #tpu.memory_space<vmem>> -> memref<1x112x128xf32, #tpu.memory_space<vmem>>
        %dma_wait3A_117 = tpu.memref_squeeze %dma_wait3A_116 : memref<1x112x128xf32, #tpu.memory_space<vmem>> -> memref<112x128xf32, #tpu.memory_space<vmem>>
        %dma_wait3A_118 = arith.constant 0 : i32
        %dma_wait3A_119 = tpu.memref_slice %arg11[%dma_wait3A_112, %dma_wait3A_118] : memref<18x112xi32, #tpu.memory_space<vmem>> -> memref<1x112xi32, #tpu.memory_space<vmem>>
        %dma_wait3A_120 = tpu.memref_squeeze %dma_wait3A_119 : memref<1x112xi32, #tpu.memory_space<vmem>> -> memref<112xi32, #tpu.memory_space<vmem>>
        %dma_wait3A_121 = arith.constant 0 : i32
        %dma_wait3A_122 = arith.constant 0 : i32
        %dma_wait3A_123 = tpu.memref_slice %arg2[%dma_wait3A_121, %dma_wait3A_122] : memref<10000x128xf32, #tpu.memory_space<hbm>> -> memref<10000x128xf32, #tpu.memory_space<hbm>>
        tpu.wait_indirect_dma semaphore(%arg17 : memref<!tpu.dma_semaphore, #tpu.memory_space<semaphore_mem>>) src(%dma_wait3A_123 : memref<10000x128xf32, #tpu.memory_space<hbm>>) dst(%dma_wait3A_117 : memref<112x128xf32, #tpu.memory_space<vmem>>)
        %dma_start3A_124 = arith.constant 2 : i32
        %dma_start3A_125 = arith.constant 17 : i32
        %dma_start3A_126 = arith.constant 0 : i32
        %dma_start3A_127 = arith.constant 0 : i32
        %dma_start3A_128 = tpu.memref_slice %arg13[%dma_start3A_124, %dma_start3A_126, %dma_start3A_127] : memref<3x112x128xf32, #tpu.memory_space<vmem>> -> memref<1x112x128xf32, #tpu.memory_space<vmem>>
        %dma_start3A_129 = tpu.memref_squeeze %dma_start3A_128 : memref<1x112x128xf32, #tpu.memory_space<vmem>> -> memref<112x128xf32, #tpu.memory_space<vmem>>
        %dma_start3A_130 = arith.constant 0 : i32
        %dma_start3A_131 = tpu.memref_slice %arg12[%dma_start3A_125, %dma_start3A_130] : memref<18x112xi32, #tpu.memory_space<vmem>> -> memref<1x112xi32, #tpu.memory_space<vmem>>
        %dma_start3A_132 = tpu.memref_squeeze %dma_start3A_131 : memref<1x112xi32, #tpu.memory_space<vmem>> -> memref<112xi32, #tpu.memory_space<vmem>>
        %dma_start3A_133 = arith.constant 0 : i32
        %dma_start3A_134 = arith.constant 0 : i32
        %dma_start3A_135 = tpu.memref_slice %arg14[%dma_start3A_133, %dma_start3A_134] : memref<10016x128xf32, #tpu.memory_space<vmem_shared>> -> memref<10016x128xf32, #tpu.memory_space<vmem_shared>>
        tpu.enqueue_indirect_dma source(%dma_start3A_129 : memref<112x128xf32, #tpu.memory_space<vmem>>) target(%dma_start3A_135 : memref<10016x128xf32, #tpu.memory_space<vmem_shared>>) offsets(%dma_start3A_132 : memref<112xi32, #tpu.memory_space<vmem>>) semaphore(%arg20 : memref<!tpu.dma_semaphore, #tpu.memory_space<semaphore_mem>>) {add = true}
        %dma_wait3A_136 = arith.constant 0 : i32
        %dma_wait3A_137 = arith.constant 15 : i32
        %dma_wait3A_138 = arith.constant 0 : i32
        %dma_wait3A_139 = arith.constant 0 : i32
        %dma_wait3A_140 = tpu.memref_slice %arg13[%dma_wait3A_136, %dma_wait3A_138, %dma_wait3A_139] : memref<3x112x128xf32, #tpu.memory_space<vmem>> -> memref<1x112x128xf32, #tpu.memory_space<vmem>>
        %dma_wait3A_141 = tpu.memref_squeeze %dma_wait3A_140 : memref<1x112x128xf32, #tpu.memory_space<vmem>> -> memref<112x128xf32, #tpu.memory_space<vmem>>
        %dma_wait3A_142 = arith.constant 0 : i32
        %dma_wait3A_143 = tpu.memref_slice %arg12[%dma_wait3A_137, %dma_wait3A_142] : memref<18x112xi32, #tpu.memory_space<vmem>> -> memref<1x112xi32, #tpu.memory_space<vmem>>
        %dma_wait3A_144 = tpu.memref_squeeze %dma_wait3A_143 : memref<1x112xi32, #tpu.memory_space<vmem>> -> memref<112xi32, #tpu.memory_space<vmem>>
        %dma_wait3A_145 = arith.constant 0 : i32
        %dma_wait3A_146 = arith.constant 0 : i32
        %dma_wait3A_147 = tpu.memref_slice %arg14[%dma_wait3A_145, %dma_wait3A_146] : memref<10016x128xf32, #tpu.memory_space<vmem_shared>> -> memref<10016x128xf32, #tpu.memory_space<vmem_shared>>
        tpu.wait_indirect_dma semaphore(%arg18 : memref<!tpu.dma_semaphore, #tpu.memory_space<semaphore_mem>>) src(%dma_wait3A_141 : memref<112x128xf32, #tpu.memory_space<vmem>>) dst(%dma_wait3A_147 : memref<10016x128xf32, #tpu.memory_space<vmem_shared>>)
        %dma_wait3A_148 = arith.constant 1 : i32
        %dma_wait3A_149 = arith.constant 16 : i32
        %dma_wait3A_150 = arith.constant 0 : i32
        %dma_wait3A_151 = arith.constant 0 : i32
        %dma_wait3A_152 = tpu.memref_slice %arg13[%dma_wait3A_148, %dma_wait3A_150, %dma_wait3A_151] : memref<3x112x128xf32, #tpu.memory_space<vmem>> -> memref<1x112x128xf32, #tpu.memory_space<vmem>>
        %dma_wait3A_153 = tpu.memref_squeeze %dma_wait3A_152 : memref<1x112x128xf32, #tpu.memory_space<vmem>> -> memref<112x128xf32, #tpu.memory_space<vmem>>
        %dma_wait3A_154 = arith.constant 0 : i32
        %dma_wait3A_155 = tpu.memref_slice %arg12[%dma_wait3A_149, %dma_wait3A_154] : memref<18x112xi32, #tpu.memory_space<vmem>> -> memref<1x112xi32, #tpu.memory_space<vmem>>
        %dma_wait3A_156 = tpu.memref_squeeze %dma_wait3A_155 : memref<1x112xi32, #tpu.memory_space<vmem>> -> memref<112xi32, #tpu.memory_space<vmem>>
        %dma_wait3A_157 = arith.constant 0 : i32
        %dma_wait3A_158 = arith.constant 0 : i32
        %dma_wait3A_159 = tpu.memref_slice %arg14[%dma_wait3A_157, %dma_wait3A_158] : memref<10016x128xf32, #tpu.memory_space<vmem_shared>> -> memref<10016x128xf32, #tpu.memory_space<vmem_shared>>
        tpu.wait_indirect_dma semaphore(%arg19 : memref<!tpu.dma_semaphore, #tpu.memory_space<semaphore_mem>>) src(%dma_wait3A_153 : memref<112x128xf32, #tpu.memory_space<vmem>>) dst(%dma_wait3A_159 : memref<10016x128xf32, #tpu.memory_space<vmem_shared>>)
        %dma_wait3A_160 = arith.constant 2 : i32
        %dma_wait3A_161 = arith.constant 17 : i32
        %dma_wait3A_162 = arith.constant 0 : i32
        %dma_wait3A_163 = arith.constant 0 : i32
        %dma_wait3A_164 = tpu.memref_slice %arg13[%dma_wait3A_160, %dma_wait3A_162, %dma_wait3A_163] : memref<3x112x128xf32, #tpu.memory_space<vmem>> -> memref<1x112x128xf32, #tpu.memory_space<vmem>>
        %dma_wait3A_165 = tpu.memref_squeeze %dma_wait3A_164 : memref<1x112x128xf32, #tpu.memory_space<vmem>> -> memref<112x128xf32, #tpu.memory_space<vmem>>
        %dma_wait3A_166 = arith.constant 0 : i32
        %dma_wait3A_167 = tpu.memref_slice %arg12[%dma_wait3A_161, %dma_wait3A_166] : memref<18x112xi32, #tpu.memory_space<vmem>> -> memref<1x112xi32, #tpu.memory_space<vmem>>
        %dma_wait3A_168 = tpu.memref_squeeze %dma_wait3A_167 : memref<1x112xi32, #tpu.memory_space<vmem>> -> memref<112xi32, #tpu.memory_space<vmem>>
        %dma_wait3A_169 = arith.constant 0 : i32
        %dma_wait3A_170 = arith.constant 0 : i32
        %dma_wait3A_171 = tpu.memref_slice %arg14[%dma_wait3A_169, %dma_wait3A_170] : memref<10016x128xf32, #tpu.memory_space<vmem_shared>> -> memref<10016x128xf32, #tpu.memory_space<vmem_shared>>
        tpu.wait_indirect_dma semaphore(%arg20 : memref<!tpu.dma_semaphore, #tpu.memory_space<semaphore_mem>>) src(%dma_wait3A_165 : memref<112x128xf32, #tpu.memory_space<vmem>>) dst(%dma_wait3A_171 : memref<10016x128xf32, #tpu.memory_space<vmem_shared>>)
      }
      %scan3A_12 = arith.constant 10 : i32
      %barrier3A_13 = arith.constant 0 : index
      tpu.barrier barrier_id(%barrier3A_13)
      %mul3A_14 = arith.constant 624 : i32
      %mul3A_15 = arith.muli %arg1, %mul3A_14 : i32
      %mul3A_16 = arith.constant 624 : i32
      %mul3A_17 = arith.muli %arg1, %mul3A_16 : i32
      "tpu.region"() ({
        %run_scoped3A = tpu.sem_alloc : memref<!tpu.dma_semaphore, #tpu.memory_space<semaphore_mem>>
        %dma_start3A = arith.constant 0 : i32
        %dma_start3A_23 = tpu.memref_slice %arg9[%mul3A_17, %dma_start3A] : memref<10000x128xf32, #tpu.memory_space<hbm>> -> memref<624x128xf32, #tpu.memory_space<hbm>>
        %dma_start3A_24 = arith.constant 0 : i32
        %dma_start3A_25 = tpu.memref_slice %arg14[%mul3A_15, %dma_start3A_24] : memref<10016x128xf32, #tpu.memory_space<vmem_shared>> -> memref<624x128xf32, #tpu.memory_space<vmem_shared>>
        tpu.enqueue_dma source(%dma_start3A_25 : memref<624x128xf32, #tpu.memory_space<vmem_shared>>) target(%dma_start3A_23 : memref<624x128xf32, #tpu.memory_space<hbm>>) target_semaphore(%run_scoped3A : memref<!tpu.dma_semaphore, #tpu.memory_space<semaphore_mem>>)
        %dma_wait3A = arith.constant 0 : i32
        %dma_wait3A_26 = tpu.memref_slice %arg9[%mul3A_17, %dma_wait3A] : memref<10000x128xf32, #tpu.memory_space<hbm>> -> memref<624x128xf32, #tpu.memory_space<hbm>>
        %dma_wait3A_27 = arith.constant 0 : i32
        %dma_wait3A_28 = tpu.memref_slice %arg14[%mul3A_15, %dma_wait3A_27] : memref<10016x128xf32, #tpu.memory_space<vmem_shared>> -> memref<624x128xf32, #tpu.memory_space<vmem_shared>>
        tpu.wait_dma2 semaphore(%run_scoped3A : memref<!tpu.dma_semaphore, #tpu.memory_space<semaphore_mem>>) src(%dma_wait3A_28 : memref<624x128xf32, #tpu.memory_space<vmem_shared>>) dst(%dma_wait3A_26 : memref<624x128xf32, #tpu.memory_space<hbm>>)
        tpu.yield
      }) : () -> ()
      %eq3A_18 = arith.constant 0 : i32
      %eq3A_19 = arith.cmpi eq, %arg1, %eq3A_18 : i32
      %convert_element_type3A_20 = arith.extui %eq3A_19 : i1 to i32
      %cond3A_21 = arith.constant 0 : i32
      %cond3A_22 = arith.cmpi ne, %convert_element_type3A_20, %cond3A_21 : i32
      scf.if %cond3A_22 {
        "tpu.region"() ({
          %run_scoped3A = tpu.sem_alloc : memref<!tpu.dma_semaphore, #tpu.memory_space<semaphore_mem>>
          %dma_start3A = arith.constant 9984 : i32
          %dma_start3A_23 = arith.constant 0 : i32
          %dma_start3A_24 = tpu.memref_slice %arg9[%dma_start3A, %dma_start3A_23] : memref<10000x128xf32, #tpu.memory_space<hbm>> -> memref<16x128xf32, #tpu.memory_space<hbm>>
          %dma_start3A_25 = arith.constant 9984 : i32
          %dma_start3A_26 = arith.constant 0 : i32
          %dma_start3A_27 = tpu.memref_slice %arg14[%dma_start3A_25, %dma_start3A_26] : memref<10016x128xf32, #tpu.memory_space<vmem_shared>> -> memref<16x128xf32, #tpu.memory_space<vmem_shared>>
          tpu.enqueue_dma source(%dma_start3A_27 : memref<16x128xf32, #tpu.memory_space<vmem_shared>>) target(%dma_start3A_24 : memref<16x128xf32, #tpu.memory_space<hbm>>) target_semaphore(%run_scoped3A : memref<!tpu.dma_semaphore, #tpu.memory_space<semaphore_mem>>)
          %dma_wait3A = arith.constant 9984 : i32
          %dma_wait3A_28 = arith.constant 0 : i32
          %dma_wait3A_29 = tpu.memref_slice %arg9[%dma_wait3A, %dma_wait3A_28] : memref<10000x128xf32, #tpu.memory_space<hbm>> -> memref<16x128xf32, #tpu.memory_space<hbm>>
          %dma_wait3A_30 = arith.constant 9984 : i32
          %dma_wait3A_31 = arith.constant 0 : i32
          %dma_wait3A_32 = tpu.memref_slice %arg14[%dma_wait3A_30, %dma_wait3A_31] : memref<10016x128xf32, #tpu.memory_space<vmem_shared>> -> memref<16x128xf32, #tpu.memory_space<vmem_shared>>
          tpu.wait_dma2 semaphore(%run_scoped3A : memref<!tpu.dma_semaphore, #tpu.memory_space<semaphore_mem>>) src(%dma_wait3A_32 : memref<16x128xf32, #tpu.memory_space<vmem_shared>>) dst(%dma_wait3A_29 : memref<16x128xf32, #tpu.memory_space<hbm>>)
          tpu.yield
        }) : () -> ()
      } else {
      }
    } else {
    }
    %eq3A_2 = arith.constant 1 : i32
    %eq3A_3 = arith.cmpi eq, %arg0, %eq3A_2 : i32
    %convert_element_type3A_4 = arith.extui %eq3A_3 : i1 to i32
    %cond3A_5 = arith.constant 0 : i32
    %cond3A_6 = arith.cmpi ne, %convert_element_type3A_4, %cond3A_5 : i32
    scf.if %cond3A_6 {
      %mul3A = arith.constant 626 : i32
      %mul3A_7 = arith.muli %arg1, %mul3A : i32
      "tpu.region"() ({
        %run_scoped3A = tpu.sem_alloc : memref<!tpu.dma_semaphore, #tpu.memory_space<semaphore_mem>>
        %dma_start3A = arith.constant 0 : i32
        %dma_start3A_23 = tpu.memref_slice %arg14[%mul3A_7, %dma_start3A] : memref<10016x128xf32, #tpu.memory_space<vmem_shared>> -> memref<626x128xf32, #tpu.memory_space<vmem_shared>>
        tpu.enqueue_dma source(%arg8 : memref<626x128xf32, #tpu.memory_space<hbm>>) target(%dma_start3A_23 : memref<626x128xf32, #tpu.memory_space<vmem_shared>>) target_semaphore(%run_scoped3A : memref<!tpu.dma_semaphore, #tpu.memory_space<semaphore_mem>>)
        %dma_wait3A = arith.constant 0 : i32
        %dma_wait3A_24 = tpu.memref_slice %arg14[%mul3A_7, %dma_wait3A] : memref<10016x128xf32, #tpu.memory_space<vmem_shared>> -> memref<626x128xf32, #tpu.memory_space<vmem_shared>>
        tpu.wait_dma2 semaphore(%run_scoped3A : memref<!tpu.dma_semaphore, #tpu.memory_space<semaphore_mem>>) src(%arg8 : memref<626x128xf32, #tpu.memory_space<hbm>>) dst(%dma_wait3A_24 : memref<626x128xf32, #tpu.memory_space<vmem_shared>>)
        tpu.yield
      }) : () -> ()
      %barrier3A = arith.constant 0 : index
      tpu.barrier barrier_id(%barrier3A)
      %scan3A = arith.constant 0 : i32
      %scan3A_8 = arith.constant 0 : i32
      %scan3A_9 = arith.constant 10 : i32
      %scan3A_10 = arith.addi %scan3A_8, %scan3A_9 : i32
      %scan3A_11 = arith.constant 1 : i32
      scf.for %scan3A_23 = %scan3A_8 to %scan3A_10 step %scan3A_11  : i32 {
        "tpu.region"() ({
          %run_scoped3A = tpu.sem_alloc : memref<!tpu.dma_semaphore, #tpu.memory_space<semaphore_mem>>
          %dma_start3A_172 = arith.constant 0 : i32
          %dma_start3A_173 = arith.constant 0 : i32
          %dma_start3A_174 = tpu.memref_slice %arg6[%arg1, %scan3A_23, %dma_start3A_172, %dma_start3A_173] : memref<16x10x18x112xi32, #tpu.memory_space<hbm>> -> memref<1x1x18x112xi32, #tpu.memory_space<hbm>>
          %dma_start3A_175 = tpu.memref_squeeze %dma_start3A_174 : memref<1x1x18x112xi32, #tpu.memory_space<hbm>> -> memref<18x112xi32, #tpu.memory_space<hbm>>
          %dma_start3A_176 = arith.constant 0 : i32
          %dma_start3A_177 = arith.constant 0 : i32
          %dma_start3A_178 = tpu.memref_slice %arg6[%arg1, %scan3A_23, %dma_start3A_176, %dma_start3A_177] : memref<16x10x18x112xi32, #tpu.memory_space<hbm>> -> memref<1x1x18x112xi32, #tpu.memory_space<hbm>>
          %dma_start3A_179 = tpu.memref_squeeze %dma_start3A_178 : memref<1x1x18x112xi32, #tpu.memory_space<hbm>> -> memref<18x112xi32, #tpu.memory_space<hbm>>
          tpu.enqueue_dma source(%dma_start3A_179 : memref<18x112xi32, #tpu.memory_space<hbm>>) target(%arg11 : memref<18x112xi32, #tpu.memory_space<vmem>>) target_semaphore(%run_scoped3A : memref<!tpu.dma_semaphore, #tpu.memory_space<semaphore_mem>>)
          %dma_wait3A_180 = arith.constant 0 : i32
          %dma_wait3A_181 = arith.constant 0 : i32
          %dma_wait3A_182 = tpu.memref_slice %arg6[%arg1, %scan3A_23, %dma_wait3A_180, %dma_wait3A_181] : memref<16x10x18x112xi32, #tpu.memory_space<hbm>> -> memref<1x1x18x112xi32, #tpu.memory_space<hbm>>
          %dma_wait3A_183 = tpu.memref_squeeze %dma_wait3A_182 : memref<1x1x18x112xi32, #tpu.memory_space<hbm>> -> memref<18x112xi32, #tpu.memory_space<hbm>>
          %dma_wait3A_184 = arith.constant 0 : i32
          %dma_wait3A_185 = arith.constant 0 : i32
          %dma_wait3A_186 = tpu.memref_slice %arg6[%arg1, %scan3A_23, %dma_wait3A_184, %dma_wait3A_185] : memref<16x10x18x112xi32, #tpu.memory_space<hbm>> -> memref<1x1x18x112xi32, #tpu.memory_space<hbm>>
          %dma_wait3A_187 = tpu.memref_squeeze %dma_wait3A_186 : memref<1x1x18x112xi32, #tpu.memory_space<hbm>> -> memref<18x112xi32, #tpu.memory_space<hbm>>
          tpu.wait_dma2 semaphore(%run_scoped3A : memref<!tpu.dma_semaphore, #tpu.memory_space<semaphore_mem>>) src(%dma_wait3A_187 : memref<18x112xi32, #tpu.memory_space<hbm>>) dst(%arg11 : memref<18x112xi32, #tpu.memory_space<vmem>>)
          tpu.yield
        }) : () -> ()
        "tpu.region"() ({
          %run_scoped3A = tpu.sem_alloc : memref<!tpu.dma_semaphore, #tpu.memory_space<semaphore_mem>>
          %dma_start3A_172 = arith.constant 0 : i32
          %dma_start3A_173 = arith.constant 0 : i32
          %dma_start3A_174 = tpu.memref_slice %arg7[%arg1, %scan3A_23, %dma_start3A_172, %dma_start3A_173] : memref<16x10x18x112xi32, #tpu.memory_space<hbm>> -> memref<1x1x18x112xi32, #tpu.memory_space<hbm>>
          %dma_start3A_175 = tpu.memref_squeeze %dma_start3A_174 : memref<1x1x18x112xi32, #tpu.memory_space<hbm>> -> memref<18x112xi32, #tpu.memory_space<hbm>>
          %dma_start3A_176 = arith.constant 0 : i32
          %dma_start3A_177 = arith.constant 0 : i32
          %dma_start3A_178 = tpu.memref_slice %arg7[%arg1, %scan3A_23, %dma_start3A_176, %dma_start3A_177] : memref<16x10x18x112xi32, #tpu.memory_space<hbm>> -> memref<1x1x18x112xi32, #tpu.memory_space<hbm>>
          %dma_start3A_179 = tpu.memref_squeeze %dma_start3A_178 : memref<1x1x18x112xi32, #tpu.memory_space<hbm>> -> memref<18x112xi32, #tpu.memory_space<hbm>>
          tpu.enqueue_dma source(%dma_start3A_179 : memref<18x112xi32, #tpu.memory_space<hbm>>) target(%arg12 : memref<18x112xi32, #tpu.memory_space<vmem>>) target_semaphore(%run_scoped3A : memref<!tpu.dma_semaphore, #tpu.memory_space<semaphore_mem>>)
          %dma_wait3A_180 = arith.constant 0 : i32
          %dma_wait3A_181 = arith.constant 0 : i32
          %dma_wait3A_182 = tpu.memref_slice %arg7[%arg1, %scan3A_23, %dma_wait3A_180, %dma_wait3A_181] : memref<16x10x18x112xi32, #tpu.memory_space<hbm>> -> memref<1x1x18x112xi32, #tpu.memory_space<hbm>>
          %dma_wait3A_183 = tpu.memref_squeeze %dma_wait3A_182 : memref<1x1x18x112xi32, #tpu.memory_space<hbm>> -> memref<18x112xi32, #tpu.memory_space<hbm>>
          %dma_wait3A_184 = arith.constant 0 : i32
          %dma_wait3A_185 = arith.constant 0 : i32
          %dma_wait3A_186 = tpu.memref_slice %arg7[%arg1, %scan3A_23, %dma_wait3A_184, %dma_wait3A_185] : memref<16x10x18x112xi32, #tpu.memory_space<hbm>> -> memref<1x1x18x112xi32, #tpu.memory_space<hbm>>
          %dma_wait3A_187 = tpu.memref_squeeze %dma_wait3A_186 : memref<1x1x18x112xi32, #tpu.memory_space<hbm>> -> memref<18x112xi32, #tpu.memory_space<hbm>>
          tpu.wait_dma2 semaphore(%run_scoped3A : memref<!tpu.dma_semaphore, #tpu.memory_space<semaphore_mem>>) src(%dma_wait3A_187 : memref<18x112xi32, #tpu.memory_space<hbm>>) dst(%arg12 : memref<18x112xi32, #tpu.memory_space<vmem>>)
          tpu.yield
        }) : () -> ()
        %dma_start3A = arith.constant 0 : i32
        %dma_start3A_24 = arith.constant 0 : i32
        %dma_start3A_25 = arith.constant 0 : i32
        %dma_start3A_26 = arith.constant 0 : i32
        %dma_start3A_27 = tpu.memref_slice %arg13[%dma_start3A_24, %dma_start3A_25, %dma_start3A_26] : memref<3x112x128xf32, #tpu.memory_space<vmem>> -> memref<1x112x128xf32, #tpu.memory_space<vmem>>
        %dma_start3A_28 = tpu.memref_squeeze %dma_start3A_27 : memref<1x112x128xf32, #tpu.memory_space<vmem>> -> memref<112x128xf32, #tpu.memory_space<vmem>>
        %dma_start3A_29 = arith.constant 0 : i32
        %dma_start3A_30 = tpu.memref_slice %arg11[%dma_start3A, %dma_start3A_29] : memref<18x112xi32, #tpu.memory_space<vmem>> -> memref<1x112xi32, #tpu.memory_space<vmem>>
        %dma_start3A_31 = tpu.memref_squeeze %dma_start3A_30 : memref<1x112xi32, #tpu.memory_space<vmem>> -> memref<112xi32, #tpu.memory_space<vmem>>
        %dma_start3A_32 = arith.constant 0 : i32
        %dma_start3A_33 = arith.constant 0 : i32
        %dma_start3A_34 = tpu.memref_slice %arg3[%dma_start3A_32, %dma_start3A_33] : memref<10000x128xf32, #tpu.memory_space<hbm>> -> memref<10000x128xf32, #tpu.memory_space<hbm>>
        tpu.enqueue_indirect_dma source(%dma_start3A_34 : memref<10000x128xf32, #tpu.memory_space<hbm>>) target(%dma_start3A_28 : memref<112x128xf32, #tpu.memory_space<vmem>>) offsets(%dma_start3A_31 : memref<112xi32, #tpu.memory_space<vmem>>) semaphore(%arg15 : memref<!tpu.dma_semaphore, #tpu.memory_space<semaphore_mem>>)
        %dma_start3A_35 = arith.constant 1 : i32
        %dma_start3A_36 = arith.constant 1 : i32
        %dma_start3A_37 = arith.constant 0 : i32
        %dma_start3A_38 = arith.constant 0 : i32
        %dma_start3A_39 = tpu.memref_slice %arg13[%dma_start3A_36, %dma_start3A_37, %dma_start3A_38] : memref<3x112x128xf32, #tpu.memory_space<vmem>> -> memref<1x112x128xf32, #tpu.memory_space<vmem>>
        %dma_start3A_40 = tpu.memref_squeeze %dma_start3A_39 : memref<1x112x128xf32, #tpu.memory_space<vmem>> -> memref<112x128xf32, #tpu.memory_space<vmem>>
        %dma_start3A_41 = arith.constant 0 : i32
        %dma_start3A_42 = tpu.memref_slice %arg11[%dma_start3A_35, %dma_start3A_41] : memref<18x112xi32, #tpu.memory_space<vmem>> -> memref<1x112xi32, #tpu.memory_space<vmem>>
        %dma_start3A_43 = tpu.memref_squeeze %dma_start3A_42 : memref<1x112xi32, #tpu.memory_space<vmem>> -> memref<112xi32, #tpu.memory_space<vmem>>
        %dma_start3A_44 = arith.constant 0 : i32
        %dma_start3A_45 = arith.constant 0 : i32
        %dma_start3A_46 = tpu.memref_slice %arg3[%dma_start3A_44, %dma_start3A_45] : memref<10000x128xf32, #tpu.memory_space<hbm>> -> memref<10000x128xf32, #tpu.memory_space<hbm>>
        tpu.enqueue_indirect_dma source(%dma_start3A_46 : memref<10000x128xf32, #tpu.memory_space<hbm>>) target(%dma_start3A_40 : memref<112x128xf32, #tpu.memory_space<vmem>>) offsets(%dma_start3A_43 : memref<112xi32, #tpu.memory_space<vmem>>) semaphore(%arg16 : memref<!tpu.dma_semaphore, #tpu.memory_space<semaphore_mem>>)
        %dma_start3A_47 = arith.constant 2 : i32
        %dma_start3A_48 = arith.constant 2 : i32
        %dma_start3A_49 = arith.constant 0 : i32
        %dma_start3A_50 = arith.constant 0 : i32
        %dma_start3A_51 = tpu.memref_slice %arg13[%dma_start3A_48, %dma_start3A_49, %dma_start3A_50] : memref<3x112x128xf32, #tpu.memory_space<vmem>> -> memref<1x112x128xf32, #tpu.memory_space<vmem>>
        %dma_start3A_52 = tpu.memref_squeeze %dma_start3A_51 : memref<1x112x128xf32, #tpu.memory_space<vmem>> -> memref<112x128xf32, #tpu.memory_space<vmem>>
        %dma_start3A_53 = arith.constant 0 : i32
        %dma_start3A_54 = tpu.memref_slice %arg11[%dma_start3A_47, %dma_start3A_53] : memref<18x112xi32, #tpu.memory_space<vmem>> -> memref<1x112xi32, #tpu.memory_space<vmem>>
        %dma_start3A_55 = tpu.memref_squeeze %dma_start3A_54 : memref<1x112xi32, #tpu.memory_space<vmem>> -> memref<112xi32, #tpu.memory_space<vmem>>
        %dma_start3A_56 = arith.constant 0 : i32
        %dma_start3A_57 = arith.constant 0 : i32
        %dma_start3A_58 = tpu.memref_slice %arg3[%dma_start3A_56, %dma_start3A_57] : memref<10000x128xf32, #tpu.memory_space<hbm>> -> memref<10000x128xf32, #tpu.memory_space<hbm>>
        tpu.enqueue_indirect_dma source(%dma_start3A_58 : memref<10000x128xf32, #tpu.memory_space<hbm>>) target(%dma_start3A_52 : memref<112x128xf32, #tpu.memory_space<vmem>>) offsets(%dma_start3A_55 : memref<112xi32, #tpu.memory_space<vmem>>) semaphore(%arg17 : memref<!tpu.dma_semaphore, #tpu.memory_space<semaphore_mem>>)
        %scan3A_59 = arith.constant 0 : i32
        %scan3A_60 = arith.constant 0 : i32
        %scan3A_61 = arith.constant 5 : i32
        %scan3A_62 = arith.addi %scan3A_60, %scan3A_61 : i32
        %scan3A_63 = arith.constant 1 : i32
        scf.for %scan3A_172 = %scan3A_60 to %scan3A_62 step %scan3A_63  : i32 {
          %mul3A_173 = arith.constant 3 : i32
          %mul3A_174 = arith.muli %scan3A_172, %mul3A_173 : i32
          %add3A = arith.constant 0 : i32
          %add3A_175 = arith.addi %mul3A_174, %add3A : i32
          %dma_wait3A_176 = arith.constant 0 : i32
          %dma_wait3A_177 = arith.constant 0 : i32
          %dma_wait3A_178 = arith.constant 0 : i32
          %dma_wait3A_179 = tpu.memref_slice %arg13[%dma_wait3A_176, %dma_wait3A_177, %dma_wait3A_178] : memref<3x112x128xf32, #tpu.memory_space<vmem>> -> memref<1x112x128xf32, #tpu.memory_space<vmem>>
          %dma_wait3A_180 = tpu.memref_squeeze %dma_wait3A_179 : memref<1x112x128xf32, #tpu.memory_space<vmem>> -> memref<112x128xf32, #tpu.memory_space<vmem>>
          %dma_wait3A_181 = arith.constant 0 : i32
          %dma_wait3A_182 = tpu.memref_slice %arg11[%add3A_175, %dma_wait3A_181] : memref<18x112xi32, #tpu.memory_space<vmem>> -> memref<1x112xi32, #tpu.memory_space<vmem>>
          %dma_wait3A_183 = tpu.memref_squeeze %dma_wait3A_182 : memref<1x112xi32, #tpu.memory_space<vmem>> -> memref<112xi32, #tpu.memory_space<vmem>>
          %dma_wait3A_184 = arith.constant 0 : i32
          %dma_wait3A_185 = arith.constant 0 : i32
          %dma_wait3A_186 = tpu.memref_slice %arg3[%dma_wait3A_184, %dma_wait3A_185] : memref<10000x128xf32, #tpu.memory_space<hbm>> -> memref<10000x128xf32, #tpu.memory_space<hbm>>
          tpu.wait_indirect_dma semaphore(%arg15 : memref<!tpu.dma_semaphore, #tpu.memory_space<semaphore_mem>>) src(%dma_wait3A_186 : memref<10000x128xf32, #tpu.memory_space<hbm>>) dst(%dma_wait3A_180 : memref<112x128xf32, #tpu.memory_space<vmem>>)
          %add3A_187 = arith.constant 0 : i32
          %add3A_188 = arith.addi %mul3A_174, %add3A_187 : i32
          %dma_start3A_189 = arith.constant 0 : i32
          %dma_start3A_190 = arith.constant 0 : i32
          %dma_start3A_191 = arith.constant 0 : i32
          %dma_start3A_192 = tpu.memref_slice %arg13[%dma_start3A_189, %dma_start3A_190, %dma_start3A_191] : memref<3x112x128xf32, #tpu.memory_space<vmem>> -> memref<1x112x128xf32, #tpu.memory_space<vmem>>
          %dma_start3A_193 = tpu.memref_squeeze %dma_start3A_192 : memref<1x112x128xf32, #tpu.memory_space<vmem>> -> memref<112x128xf32, #tpu.memory_space<vmem>>
          %dma_start3A_194 = arith.constant 0 : i32
          %dma_start3A_195 = tpu.memref_slice %arg12[%add3A_188, %dma_start3A_194] : memref<18x112xi32, #tpu.memory_space<vmem>> -> memref<1x112xi32, #tpu.memory_space<vmem>>
          %dma_start3A_196 = tpu.memref_squeeze %dma_start3A_195 : memref<1x112xi32, #tpu.memory_space<vmem>> -> memref<112xi32, #tpu.memory_space<vmem>>
          %dma_start3A_197 = arith.constant 0 : i32
          %dma_start3A_198 = arith.constant 0 : i32
          %dma_start3A_199 = tpu.memref_slice %arg14[%dma_start3A_197, %dma_start3A_198] : memref<10016x128xf32, #tpu.memory_space<vmem_shared>> -> memref<10016x128xf32, #tpu.memory_space<vmem_shared>>
          tpu.enqueue_indirect_dma source(%dma_start3A_193 : memref<112x128xf32, #tpu.memory_space<vmem>>) target(%dma_start3A_199 : memref<10016x128xf32, #tpu.memory_space<vmem_shared>>) offsets(%dma_start3A_196 : memref<112xi32, #tpu.memory_space<vmem>>) semaphore(%arg18 : memref<!tpu.dma_semaphore, #tpu.memory_space<semaphore_mem>>) {add = true}
          %add3A_200 = arith.constant 1 : i32
          %add3A_201 = arith.addi %mul3A_174, %add3A_200 : i32
          %dma_wait3A_202 = arith.constant 1 : i32
          %dma_wait3A_203 = arith.constant 0 : i32
          %dma_wait3A_204 = arith.constant 0 : i32
          %dma_wait3A_205 = tpu.memref_slice %arg13[%dma_wait3A_202, %dma_wait3A_203, %dma_wait3A_204] : memref<3x112x128xf32, #tpu.memory_space<vmem>> -> memref<1x112x128xf32, #tpu.memory_space<vmem>>
          %dma_wait3A_206 = tpu.memref_squeeze %dma_wait3A_205 : memref<1x112x128xf32, #tpu.memory_space<vmem>> -> memref<112x128xf32, #tpu.memory_space<vmem>>
          %dma_wait3A_207 = arith.constant 0 : i32
          %dma_wait3A_208 = tpu.memref_slice %arg11[%add3A_201, %dma_wait3A_207] : memref<18x112xi32, #tpu.memory_space<vmem>> -> memref<1x112xi32, #tpu.memory_space<vmem>>
          %dma_wait3A_209 = tpu.memref_squeeze %dma_wait3A_208 : memref<1x112xi32, #tpu.memory_space<vmem>> -> memref<112xi32, #tpu.memory_space<vmem>>
          %dma_wait3A_210 = arith.constant 0 : i32
          %dma_wait3A_211 = arith.constant 0 : i32
          %dma_wait3A_212 = tpu.memref_slice %arg3[%dma_wait3A_210, %dma_wait3A_211] : memref<10000x128xf32, #tpu.memory_space<hbm>> -> memref<10000x128xf32, #tpu.memory_space<hbm>>
          tpu.wait_indirect_dma semaphore(%arg16 : memref<!tpu.dma_semaphore, #tpu.memory_space<semaphore_mem>>) src(%dma_wait3A_212 : memref<10000x128xf32, #tpu.memory_space<hbm>>) dst(%dma_wait3A_206 : memref<112x128xf32, #tpu.memory_space<vmem>>)
          %add3A_213 = arith.constant 1 : i32
          %add3A_214 = arith.addi %mul3A_174, %add3A_213 : i32
          %dma_start3A_215 = arith.constant 1 : i32
          %dma_start3A_216 = arith.constant 0 : i32
          %dma_start3A_217 = arith.constant 0 : i32
          %dma_start3A_218 = tpu.memref_slice %arg13[%dma_start3A_215, %dma_start3A_216, %dma_start3A_217] : memref<3x112x128xf32, #tpu.memory_space<vmem>> -> memref<1x112x128xf32, #tpu.memory_space<vmem>>
          %dma_start3A_219 = tpu.memref_squeeze %dma_start3A_218 : memref<1x112x128xf32, #tpu.memory_space<vmem>> -> memref<112x128xf32, #tpu.memory_space<vmem>>
          %dma_start3A_220 = arith.constant 0 : i32
          %dma_start3A_221 = tpu.memref_slice %arg12[%add3A_214, %dma_start3A_220] : memref<18x112xi32, #tpu.memory_space<vmem>> -> memref<1x112xi32, #tpu.memory_space<vmem>>
          %dma_start3A_222 = tpu.memref_squeeze %dma_start3A_221 : memref<1x112xi32, #tpu.memory_space<vmem>> -> memref<112xi32, #tpu.memory_space<vmem>>
          %dma_start3A_223 = arith.constant 0 : i32
          %dma_start3A_224 = arith.constant 0 : i32
          %dma_start3A_225 = tpu.memref_slice %arg14[%dma_start3A_223, %dma_start3A_224] : memref<10016x128xf32, #tpu.memory_space<vmem_shared>> -> memref<10016x128xf32, #tpu.memory_space<vmem_shared>>
          tpu.enqueue_indirect_dma source(%dma_start3A_219 : memref<112x128xf32, #tpu.memory_space<vmem>>) target(%dma_start3A_225 : memref<10016x128xf32, #tpu.memory_space<vmem_shared>>) offsets(%dma_start3A_222 : memref<112xi32, #tpu.memory_space<vmem>>) semaphore(%arg19 : memref<!tpu.dma_semaphore, #tpu.memory_space<semaphore_mem>>) {add = true}
          %add3A_226 = arith.constant 2 : i32
          %add3A_227 = arith.addi %mul3A_174, %add3A_226 : i32
          %dma_wait3A_228 = arith.constant 2 : i32
          %dma_wait3A_229 = arith.constant 0 : i32
          %dma_wait3A_230 = arith.constant 0 : i32
          %dma_wait3A_231 = tpu.memref_slice %arg13[%dma_wait3A_228, %dma_wait3A_229, %dma_wait3A_230] : memref<3x112x128xf32, #tpu.memory_space<vmem>> -> memref<1x112x128xf32, #tpu.memory_space<vmem>>
          %dma_wait3A_232 = tpu.memref_squeeze %dma_wait3A_231 : memref<1x112x128xf32, #tpu.memory_space<vmem>> -> memref<112x128xf32, #tpu.memory_space<vmem>>
          %dma_wait3A_233 = arith.constant 0 : i32
          %dma_wait3A_234 = tpu.memref_slice %arg11[%add3A_227, %dma_wait3A_233] : memref<18x112xi32, #tpu.memory_space<vmem>> -> memref<1x112xi32, #tpu.memory_space<vmem>>
          %dma_wait3A_235 = tpu.memref_squeeze %dma_wait3A_234 : memref<1x112xi32, #tpu.memory_space<vmem>> -> memref<112xi32, #tpu.memory_space<vmem>>
          %dma_wait3A_236 = arith.constant 0 : i32
          %dma_wait3A_237 = arith.constant 0 : i32
          %dma_wait3A_238 = tpu.memref_slice %arg3[%dma_wait3A_236, %dma_wait3A_237] : memref<10000x128xf32, #tpu.memory_space<hbm>> -> memref<10000x128xf32, #tpu.memory_space<hbm>>
          tpu.wait_indirect_dma semaphore(%arg17 : memref<!tpu.dma_semaphore, #tpu.memory_space<semaphore_mem>>) src(%dma_wait3A_238 : memref<10000x128xf32, #tpu.memory_space<hbm>>) dst(%dma_wait3A_232 : memref<112x128xf32, #tpu.memory_space<vmem>>)
          %add3A_239 = arith.constant 2 : i32
          %add3A_240 = arith.addi %mul3A_174, %add3A_239 : i32
          %dma_start3A_241 = arith.constant 2 : i32
          %dma_start3A_242 = arith.constant 0 : i32
          %dma_start3A_243 = arith.constant 0 : i32
          %dma_start3A_244 = tpu.memref_slice %arg13[%dma_start3A_241, %dma_start3A_242, %dma_start3A_243] : memref<3x112x128xf32, #tpu.memory_space<vmem>> -> memref<1x112x128xf32, #tpu.memory_space<vmem>>
          %dma_start3A_245 = tpu.memref_squeeze %dma_start3A_244 : memref<1x112x128xf32, #tpu.memory_space<vmem>> -> memref<112x128xf32, #tpu.memory_space<vmem>>
          %dma_start3A_246 = arith.constant 0 : i32
          %dma_start3A_247 = tpu.memref_slice %arg12[%add3A_240, %dma_start3A_246] : memref<18x112xi32, #tpu.memory_space<vmem>> -> memref<1x112xi32, #tpu.memory_space<vmem>>
          %dma_start3A_248 = tpu.memref_squeeze %dma_start3A_247 : memref<1x112xi32, #tpu.memory_space<vmem>> -> memref<112xi32, #tpu.memory_space<vmem>>
          %dma_start3A_249 = arith.constant 0 : i32
          %dma_start3A_250 = arith.constant 0 : i32
          %dma_start3A_251 = tpu.memref_slice %arg14[%dma_start3A_249, %dma_start3A_250] : memref<10016x128xf32, #tpu.memory_space<vmem_shared>> -> memref<10016x128xf32, #tpu.memory_space<vmem_shared>>
          tpu.enqueue_indirect_dma source(%dma_start3A_245 : memref<112x128xf32, #tpu.memory_space<vmem>>) target(%dma_start3A_251 : memref<10016x128xf32, #tpu.memory_space<vmem_shared>>) offsets(%dma_start3A_248 : memref<112xi32, #tpu.memory_space<vmem>>) semaphore(%arg20 : memref<!tpu.dma_semaphore, #tpu.memory_space<semaphore_mem>>) {add = true}
          %add3A_252 = arith.constant 0 : i32
          %add3A_253 = arith.addi %mul3A_174, %add3A_252 : i32
          %dma_wait3A_254 = arith.constant 0 : i32
          %dma_wait3A_255 = arith.constant 0 : i32
          %dma_wait3A_256 = arith.constant 0 : i32
          %dma_wait3A_257 = tpu.memref_slice %arg13[%dma_wait3A_254, %dma_wait3A_255, %dma_wait3A_256] : memref<3x112x128xf32, #tpu.memory_space<vmem>> -> memref<1x112x128xf32, #tpu.memory_space<vmem>>
          %dma_wait3A_258 = tpu.memref_squeeze %dma_wait3A_257 : memref<1x112x128xf32, #tpu.memory_space<vmem>> -> memref<112x128xf32, #tpu.memory_space<vmem>>
          %dma_wait3A_259 = arith.constant 0 : i32
          %dma_wait3A_260 = tpu.memref_slice %arg12[%add3A_253, %dma_wait3A_259] : memref<18x112xi32, #tpu.memory_space<vmem>> -> memref<1x112xi32, #tpu.memory_space<vmem>>
          %dma_wait3A_261 = tpu.memref_squeeze %dma_wait3A_260 : memref<1x112xi32, #tpu.memory_space<vmem>> -> memref<112xi32, #tpu.memory_space<vmem>>
          %dma_wait3A_262 = arith.constant 0 : i32
          %dma_wait3A_263 = arith.constant 0 : i32
          %dma_wait3A_264 = tpu.memref_slice %arg14[%dma_wait3A_262, %dma_wait3A_263] : memref<10016x128xf32, #tpu.memory_space<vmem_shared>> -> memref<10016x128xf32, #tpu.memory_space<vmem_shared>>
          tpu.wait_indirect_dma semaphore(%arg18 : memref<!tpu.dma_semaphore, #tpu.memory_space<semaphore_mem>>) src(%dma_wait3A_258 : memref<112x128xf32, #tpu.memory_space<vmem>>) dst(%dma_wait3A_264 : memref<10016x128xf32, #tpu.memory_space<vmem_shared>>)
          %add3A_265 = arith.constant 3 : i32
          %add3A_266 = arith.addi %mul3A_174, %add3A_265 : i32
          %add3A_267 = arith.constant 0 : i32
          %add3A_268 = arith.addi %add3A_266, %add3A_267 : i32
          %dma_start3A_269 = arith.constant 0 : i32
          %dma_start3A_270 = arith.constant 0 : i32
          %dma_start3A_271 = arith.constant 0 : i32
          %dma_start3A_272 = tpu.memref_slice %arg13[%dma_start3A_269, %dma_start3A_270, %dma_start3A_271] : memref<3x112x128xf32, #tpu.memory_space<vmem>> -> memref<1x112x128xf32, #tpu.memory_space<vmem>>
          %dma_start3A_273 = tpu.memref_squeeze %dma_start3A_272 : memref<1x112x128xf32, #tpu.memory_space<vmem>> -> memref<112x128xf32, #tpu.memory_space<vmem>>
          %dma_start3A_274 = arith.constant 0 : i32
          %dma_start3A_275 = tpu.memref_slice %arg11[%add3A_268, %dma_start3A_274] : memref<18x112xi32, #tpu.memory_space<vmem>> -> memref<1x112xi32, #tpu.memory_space<vmem>>
          %dma_start3A_276 = tpu.memref_squeeze %dma_start3A_275 : memref<1x112xi32, #tpu.memory_space<vmem>> -> memref<112xi32, #tpu.memory_space<vmem>>
          %dma_start3A_277 = arith.constant 0 : i32
          %dma_start3A_278 = arith.constant 0 : i32
          %dma_start3A_279 = tpu.memref_slice %arg3[%dma_start3A_277, %dma_start3A_278] : memref<10000x128xf32, #tpu.memory_space<hbm>> -> memref<10000x128xf32, #tpu.memory_space<hbm>>
          tpu.enqueue_indirect_dma source(%dma_start3A_279 : memref<10000x128xf32, #tpu.memory_space<hbm>>) target(%dma_start3A_273 : memref<112x128xf32, #tpu.memory_space<vmem>>) offsets(%dma_start3A_276 : memref<112xi32, #tpu.memory_space<vmem>>) semaphore(%arg15 : memref<!tpu.dma_semaphore, #tpu.memory_space<semaphore_mem>>)
          %add3A_280 = arith.constant 1 : i32
          %add3A_281 = arith.addi %mul3A_174, %add3A_280 : i32
          %dma_wait3A_282 = arith.constant 1 : i32
          %dma_wait3A_283 = arith.constant 0 : i32
          %dma_wait3A_284 = arith.constant 0 : i32
          %dma_wait3A_285 = tpu.memref_slice %arg13[%dma_wait3A_282, %dma_wait3A_283, %dma_wait3A_284] : memref<3x112x128xf32, #tpu.memory_space<vmem>> -> memref<1x112x128xf32, #tpu.memory_space<vmem>>
          %dma_wait3A_286 = tpu.memref_squeeze %dma_wait3A_285 : memref<1x112x128xf32, #tpu.memory_space<vmem>> -> memref<112x128xf32, #tpu.memory_space<vmem>>
          %dma_wait3A_287 = arith.constant 0 : i32
          %dma_wait3A_288 = tpu.memref_slice %arg12[%add3A_281, %dma_wait3A_287] : memref<18x112xi32, #tpu.memory_space<vmem>> -> memref<1x112xi32, #tpu.memory_space<vmem>>
          %dma_wait3A_289 = tpu.memref_squeeze %dma_wait3A_288 : memref<1x112xi32, #tpu.memory_space<vmem>> -> memref<112xi32, #tpu.memory_space<vmem>>
          %dma_wait3A_290 = arith.constant 0 : i32
          %dma_wait3A_291 = arith.constant 0 : i32
          %dma_wait3A_292 = tpu.memref_slice %arg14[%dma_wait3A_290, %dma_wait3A_291] : memref<10016x128xf32, #tpu.memory_space<vmem_shared>> -> memref<10016x128xf32, #tpu.memory_space<vmem_shared>>
          tpu.wait_indirect_dma semaphore(%arg19 : memref<!tpu.dma_semaphore, #tpu.memory_space<semaphore_mem>>) src(%dma_wait3A_286 : memref<112x128xf32, #tpu.memory_space<vmem>>) dst(%dma_wait3A_292 : memref<10016x128xf32, #tpu.memory_space<vmem_shared>>)
          %add3A_293 = arith.constant 3 : i32
          %add3A_294 = arith.addi %mul3A_174, %add3A_293 : i32
          %add3A_295 = arith.constant 1 : i32
          %add3A_296 = arith.addi %add3A_294, %add3A_295 : i32
          %dma_start3A_297 = arith.constant 1 : i32
          %dma_start3A_298 = arith.constant 0 : i32
          %dma_start3A_299 = arith.constant 0 : i32
          %dma_start3A_300 = tpu.memref_slice %arg13[%dma_start3A_297, %dma_start3A_298, %dma_start3A_299] : memref<3x112x128xf32, #tpu.memory_space<vmem>> -> memref<1x112x128xf32, #tpu.memory_space<vmem>>
          %dma_start3A_301 = tpu.memref_squeeze %dma_start3A_300 : memref<1x112x128xf32, #tpu.memory_space<vmem>> -> memref<112x128xf32, #tpu.memory_space<vmem>>
          %dma_start3A_302 = arith.constant 0 : i32
          %dma_start3A_303 = tpu.memref_slice %arg11[%add3A_296, %dma_start3A_302] : memref<18x112xi32, #tpu.memory_space<vmem>> -> memref<1x112xi32, #tpu.memory_space<vmem>>
          %dma_start3A_304 = tpu.memref_squeeze %dma_start3A_303 : memref<1x112xi32, #tpu.memory_space<vmem>> -> memref<112xi32, #tpu.memory_space<vmem>>
          %dma_start3A_305 = arith.constant 0 : i32
          %dma_start3A_306 = arith.constant 0 : i32
          %dma_start3A_307 = tpu.memref_slice %arg3[%dma_start3A_305, %dma_start3A_306] : memref<10000x128xf32, #tpu.memory_space<hbm>> -> memref<10000x128xf32, #tpu.memory_space<hbm>>
          tpu.enqueue_indirect_dma source(%dma_start3A_307 : memref<10000x128xf32, #tpu.memory_space<hbm>>) target(%dma_start3A_301 : memref<112x128xf32, #tpu.memory_space<vmem>>) offsets(%dma_start3A_304 : memref<112xi32, #tpu.memory_space<vmem>>) semaphore(%arg16 : memref<!tpu.dma_semaphore, #tpu.memory_space<semaphore_mem>>)
          %add3A_308 = arith.constant 2 : i32
          %add3A_309 = arith.addi %mul3A_174, %add3A_308 : i32
          %dma_wait3A_310 = arith.constant 2 : i32
          %dma_wait3A_311 = arith.constant 0 : i32
          %dma_wait3A_312 = arith.constant 0 : i32
          %dma_wait3A_313 = tpu.memref_slice %arg13[%dma_wait3A_310, %dma_wait3A_311, %dma_wait3A_312] : memref<3x112x128xf32, #tpu.memory_space<vmem>> -> memref<1x112x128xf32, #tpu.memory_space<vmem>>
          %dma_wait3A_314 = tpu.memref_squeeze %dma_wait3A_313 : memref<1x112x128xf32, #tpu.memory_space<vmem>> -> memref<112x128xf32, #tpu.memory_space<vmem>>
          %dma_wait3A_315 = arith.constant 0 : i32
          %dma_wait3A_316 = tpu.memref_slice %arg12[%add3A_309, %dma_wait3A_315] : memref<18x112xi32, #tpu.memory_space<vmem>> -> memref<1x112xi32, #tpu.memory_space<vmem>>
          %dma_wait3A_317 = tpu.memref_squeeze %dma_wait3A_316 : memref<1x112xi32, #tpu.memory_space<vmem>> -> memref<112xi32, #tpu.memory_space<vmem>>
          %dma_wait3A_318 = arith.constant 0 : i32
          %dma_wait3A_319 = arith.constant 0 : i32
          %dma_wait3A_320 = tpu.memref_slice %arg14[%dma_wait3A_318, %dma_wait3A_319] : memref<10016x128xf32, #tpu.memory_space<vmem_shared>> -> memref<10016x128xf32, #tpu.memory_space<vmem_shared>>
          tpu.wait_indirect_dma semaphore(%arg20 : memref<!tpu.dma_semaphore, #tpu.memory_space<semaphore_mem>>) src(%dma_wait3A_314 : memref<112x128xf32, #tpu.memory_space<vmem>>) dst(%dma_wait3A_320 : memref<10016x128xf32, #tpu.memory_space<vmem_shared>>)
          %add3A_321 = arith.constant 3 : i32
          %add3A_322 = arith.addi %mul3A_174, %add3A_321 : i32
          %add3A_323 = arith.constant 2 : i32
          %add3A_324 = arith.addi %add3A_322, %add3A_323 : i32
          %dma_start3A_325 = arith.constant 2 : i32
          %dma_start3A_326 = arith.constant 0 : i32
          %dma_start3A_327 = arith.constant 0 : i32
          %dma_start3A_328 = tpu.memref_slice %arg13[%dma_start3A_325, %dma_start3A_326, %dma_start3A_327] : memref<3x112x128xf32, #tpu.memory_space<vmem>> -> memref<1x112x128xf32, #tpu.memory_space<vmem>>
          %dma_start3A_329 = tpu.memref_squeeze %dma_start3A_328 : memref<1x112x128xf32, #tpu.memory_space<vmem>> -> memref<112x128xf32, #tpu.memory_space<vmem>>
          %dma_start3A_330 = arith.constant 0 : i32
          %dma_start3A_331 = tpu.memref_slice %arg11[%add3A_324, %dma_start3A_330] : memref<18x112xi32, #tpu.memory_space<vmem>> -> memref<1x112xi32, #tpu.memory_space<vmem>>
          %dma_start3A_332 = tpu.memref_squeeze %dma_start3A_331 : memref<1x112xi32, #tpu.memory_space<vmem>> -> memref<112xi32, #tpu.memory_space<vmem>>
          %dma_start3A_333 = arith.constant 0 : i32
          %dma_start3A_334 = arith.constant 0 : i32
          %dma_start3A_335 = tpu.memref_slice %arg3[%dma_start3A_333, %dma_start3A_334] : memref<10000x128xf32, #tpu.memory_space<hbm>> -> memref<10000x128xf32, #tpu.memory_space<hbm>>
          tpu.enqueue_indirect_dma source(%dma_start3A_335 : memref<10000x128xf32, #tpu.memory_space<hbm>>) target(%dma_start3A_329 : memref<112x128xf32, #tpu.memory_space<vmem>>) offsets(%dma_start3A_332 : memref<112xi32, #tpu.memory_space<vmem>>) semaphore(%arg17 : memref<!tpu.dma_semaphore, #tpu.memory_space<semaphore_mem>>)
        }
        %scan3A_64 = arith.constant 5 : i32
        %dma_wait3A = arith.constant 15 : i32
        %dma_wait3A_65 = arith.constant 0 : i32
        %dma_wait3A_66 = arith.constant 0 : i32
        %dma_wait3A_67 = arith.constant 0 : i32
        %dma_wait3A_68 = tpu.memref_slice %arg13[%dma_wait3A_65, %dma_wait3A_66, %dma_wait3A_67] : memref<3x112x128xf32, #tpu.memory_space<vmem>> -> memref<1x112x128xf32, #tpu.memory_space<vmem>>
        %dma_wait3A_69 = tpu.memref_squeeze %dma_wait3A_68 : memref<1x112x128xf32, #tpu.memory_space<vmem>> -> memref<112x128xf32, #tpu.memory_space<vmem>>
        %dma_wait3A_70 = arith.constant 0 : i32
        %dma_wait3A_71 = tpu.memref_slice %arg11[%dma_wait3A, %dma_wait3A_70] : memref<18x112xi32, #tpu.memory_space<vmem>> -> memref<1x112xi32, #tpu.memory_space<vmem>>
        %dma_wait3A_72 = tpu.memref_squeeze %dma_wait3A_71 : memref<1x112xi32, #tpu.memory_space<vmem>> -> memref<112xi32, #tpu.memory_space<vmem>>
        %dma_wait3A_73 = arith.constant 0 : i32
        %dma_wait3A_74 = arith.constant 0 : i32
        %dma_wait3A_75 = tpu.memref_slice %arg3[%dma_wait3A_73, %dma_wait3A_74] : memref<10000x128xf32, #tpu.memory_space<hbm>> -> memref<10000x128xf32, #tpu.memory_space<hbm>>
        tpu.wait_indirect_dma semaphore(%arg15 : memref<!tpu.dma_semaphore, #tpu.memory_space<semaphore_mem>>) src(%dma_wait3A_75 : memref<10000x128xf32, #tpu.memory_space<hbm>>) dst(%dma_wait3A_69 : memref<112x128xf32, #tpu.memory_space<vmem>>)
        %dma_start3A_76 = arith.constant 0 : i32
        %dma_start3A_77 = arith.constant 15 : i32
        %dma_start3A_78 = arith.constant 0 : i32
        %dma_start3A_79 = arith.constant 0 : i32
        %dma_start3A_80 = tpu.memref_slice %arg13[%dma_start3A_76, %dma_start3A_78, %dma_start3A_79] : memref<3x112x128xf32, #tpu.memory_space<vmem>> -> memref<1x112x128xf32, #tpu.memory_space<vmem>>
        %dma_start3A_81 = tpu.memref_squeeze %dma_start3A_80 : memref<1x112x128xf32, #tpu.memory_space<vmem>> -> memref<112x128xf32, #tpu.memory_space<vmem>>
        %dma_start3A_82 = arith.constant 0 : i32
        %dma_start3A_83 = tpu.memref_slice %arg12[%dma_start3A_77, %dma_start3A_82] : memref<18x112xi32, #tpu.memory_space<vmem>> -> memref<1x112xi32, #tpu.memory_space<vmem>>
        %dma_start3A_84 = tpu.memref_squeeze %dma_start3A_83 : memref<1x112xi32, #tpu.memory_space<vmem>> -> memref<112xi32, #tpu.memory_space<vmem>>
        %dma_start3A_85 = arith.constant 0 : i32
        %dma_start3A_86 = arith.constant 0 : i32
        %dma_start3A_87 = tpu.memref_slice %arg14[%dma_start3A_85, %dma_start3A_86] : memref<10016x128xf32, #tpu.memory_space<vmem_shared>> -> memref<10016x128xf32, #tpu.memory_space<vmem_shared>>
        tpu.enqueue_indirect_dma source(%dma_start3A_81 : memref<112x128xf32, #tpu.memory_space<vmem>>) target(%dma_start3A_87 : memref<10016x128xf32, #tpu.memory_space<vmem_shared>>) offsets(%dma_start3A_84 : memref<112xi32, #tpu.memory_space<vmem>>) semaphore(%arg18 : memref<!tpu.dma_semaphore, #tpu.memory_space<semaphore_mem>>) {add = true}
        %dma_wait3A_88 = arith.constant 16 : i32
        %dma_wait3A_89 = arith.constant 1 : i32
        %dma_wait3A_90 = arith.constant 0 : i32
        %dma_wait3A_91 = arith.constant 0 : i32
        %dma_wait3A_92 = tpu.memref_slice %arg13[%dma_wait3A_89, %dma_wait3A_90, %dma_wait3A_91] : memref<3x112x128xf32, #tpu.memory_space<vmem>> -> memref<1x112x128xf32, #tpu.memory_space<vmem>>
        %dma_wait3A_93 = tpu.memref_squeeze %dma_wait3A_92 : memref<1x112x128xf32, #tpu.memory_space<vmem>> -> memref<112x128xf32, #tpu.memory_space<vmem>>
        %dma_wait3A_94 = arith.constant 0 : i32
        %dma_wait3A_95 = tpu.memref_slice %arg11[%dma_wait3A_88, %dma_wait3A_94] : memref<18x112xi32, #tpu.memory_space<vmem>> -> memref<1x112xi32, #tpu.memory_space<vmem>>
        %dma_wait3A_96 = tpu.memref_squeeze %dma_wait3A_95 : memref<1x112xi32, #tpu.memory_space<vmem>> -> memref<112xi32, #tpu.memory_space<vmem>>
        %dma_wait3A_97 = arith.constant 0 : i32
        %dma_wait3A_98 = arith.constant 0 : i32
        %dma_wait3A_99 = tpu.memref_slice %arg3[%dma_wait3A_97, %dma_wait3A_98] : memref<10000x128xf32, #tpu.memory_space<hbm>> -> memref<10000x128xf32, #tpu.memory_space<hbm>>
        tpu.wait_indirect_dma semaphore(%arg16 : memref<!tpu.dma_semaphore, #tpu.memory_space<semaphore_mem>>) src(%dma_wait3A_99 : memref<10000x128xf32, #tpu.memory_space<hbm>>) dst(%dma_wait3A_93 : memref<112x128xf32, #tpu.memory_space<vmem>>)
        %dma_start3A_100 = arith.constant 1 : i32
        %dma_start3A_101 = arith.constant 16 : i32
        %dma_start3A_102 = arith.constant 0 : i32
        %dma_start3A_103 = arith.constant 0 : i32
        %dma_start3A_104 = tpu.memref_slice %arg13[%dma_start3A_100, %dma_start3A_102, %dma_start3A_103] : memref<3x112x128xf32, #tpu.memory_space<vmem>> -> memref<1x112x128xf32, #tpu.memory_space<vmem>>
        %dma_start3A_105 = tpu.memref_squeeze %dma_start3A_104 : memref<1x112x128xf32, #tpu.memory_space<vmem>> -> memref<112x128xf32, #tpu.memory_space<vmem>>
        %dma_start3A_106 = arith.constant 0 : i32
        %dma_start3A_107 = tpu.memref_slice %arg12[%dma_start3A_101, %dma_start3A_106] : memref<18x112xi32, #tpu.memory_space<vmem>> -> memref<1x112xi32, #tpu.memory_space<vmem>>
        %dma_start3A_108 = tpu.memref_squeeze %dma_start3A_107 : memref<1x112xi32, #tpu.memory_space<vmem>> -> memref<112xi32, #tpu.memory_space<vmem>>
        %dma_start3A_109 = arith.constant 0 : i32
        %dma_start3A_110 = arith.constant 0 : i32
        %dma_start3A_111 = tpu.memref_slice %arg14[%dma_start3A_109, %dma_start3A_110] : memref<10016x128xf32, #tpu.memory_space<vmem_shared>> -> memref<10016x128xf32, #tpu.memory_space<vmem_shared>>
        tpu.enqueue_indirect_dma source(%dma_start3A_105 : memref<112x128xf32, #tpu.memory_space<vmem>>) target(%dma_start3A_111 : memref<10016x128xf32, #tpu.memory_space<vmem_shared>>) offsets(%dma_start3A_108 : memref<112xi32, #tpu.memory_space<vmem>>) semaphore(%arg19 : memref<!tpu.dma_semaphore, #tpu.memory_space<semaphore_mem>>) {add = true}
        %dma_wait3A_112 = arith.constant 17 : i32
        %dma_wait3A_113 = arith.constant 2 : i32
        %dma_wait3A_114 = arith.constant 0 : i32
        %dma_wait3A_115 = arith.constant 0 : i32
        %dma_wait3A_116 = tpu.memref_slice %arg13[%dma_wait3A_113, %dma_wait3A_114, %dma_wait3A_115] : memref<3x112x128xf32, #tpu.memory_space<vmem>> -> memref<1x112x128xf32, #tpu.memory_space<vmem>>
        %dma_wait3A_117 = tpu.memref_squeeze %dma_wait3A_116 : memref<1x112x128xf32, #tpu.memory_space<vmem>> -> memref<112x128xf32, #tpu.memory_space<vmem>>
        %dma_wait3A_118 = arith.constant 0 : i32
        %dma_wait3A_119 = tpu.memref_slice %arg11[%dma_wait3A_112, %dma_wait3A_118] : memref<18x112xi32, #tpu.memory_space<vmem>> -> memref<1x112xi32, #tpu.memory_space<vmem>>
        %dma_wait3A_120 = tpu.memref_squeeze %dma_wait3A_119 : memref<1x112xi32, #tpu.memory_space<vmem>> -> memref<112xi32, #tpu.memory_space<vmem>>
        %dma_wait3A_121 = arith.constant 0 : i32
        %dma_wait3A_122 = arith.constant 0 : i32
        %dma_wait3A_123 = tpu.memref_slice %arg3[%dma_wait3A_121, %dma_wait3A_122] : memref<10000x128xf32, #tpu.memory_space<hbm>> -> memref<10000x128xf32, #tpu.memory_space<hbm>>
        tpu.wait_indirect_dma semaphore(%arg17 : memref<!tpu.dma_semaphore, #tpu.memory_space<semaphore_mem>>) src(%dma_wait3A_123 : memref<10000x128xf32, #tpu.memory_space<hbm>>) dst(%dma_wait3A_117 : memref<112x128xf32, #tpu.memory_space<vmem>>)
        %dma_start3A_124 = arith.constant 2 : i32
        %dma_start3A_125 = arith.constant 17 : i32
        %dma_start3A_126 = arith.constant 0 : i32
        %dma_start3A_127 = arith.constant 0 : i32
        %dma_start3A_128 = tpu.memref_slice %arg13[%dma_start3A_124, %dma_start3A_126, %dma_start3A_127] : memref<3x112x128xf32, #tpu.memory_space<vmem>> -> memref<1x112x128xf32, #tpu.memory_space<vmem>>
        %dma_start3A_129 = tpu.memref_squeeze %dma_start3A_128 : memref<1x112x128xf32, #tpu.memory_space<vmem>> -> memref<112x128xf32, #tpu.memory_space<vmem>>
        %dma_start3A_130 = arith.constant 0 : i32
        %dma_start3A_131 = tpu.memref_slice %arg12[%dma_start3A_125, %dma_start3A_130] : memref<18x112xi32, #tpu.memory_space<vmem>> -> memref<1x112xi32, #tpu.memory_space<vmem>>
        %dma_start3A_132 = tpu.memref_squeeze %dma_start3A_131 : memref<1x112xi32, #tpu.memory_space<vmem>> -> memref<112xi32, #tpu.memory_space<vmem>>
        %dma_start3A_133 = arith.constant 0 : i32
        %dma_start3A_134 = arith.constant 0 : i32
        %dma_start3A_135 = tpu.memref_slice %arg14[%dma_start3A_133, %dma_start3A_134] : memref<10016x128xf32, #tpu.memory_space<vmem_shared>> -> memref<10016x128xf32, #tpu.memory_space<vmem_shared>>
        tpu.enqueue_indirect_dma source(%dma_start3A_129 : memref<112x128xf32, #tpu.memory_space<vmem>>) target(%dma_start3A_135 : memref<10016x128xf32, #tpu.memory_space<vmem_shared>>) offsets(%dma_start3A_132 : memref<112xi32, #tpu.memory_space<vmem>>) semaphore(%arg20 : memref<!tpu.dma_semaphore, #tpu.memory_space<semaphore_mem>>) {add = true}
        %dma_wait3A_136 = arith.constant 0 : i32
        %dma_wait3A_137 = arith.constant 15 : i32
        %dma_wait3A_138 = arith.constant 0 : i32
        %dma_wait3A_139 = arith.constant 0 : i32
        %dma_wait3A_140 = tpu.memref_slice %arg13[%dma_wait3A_136, %dma_wait3A_138, %dma_wait3A_139] : memref<3x112x128xf32, #tpu.memory_space<vmem>> -> memref<1x112x128xf32, #tpu.memory_space<vmem>>
        %dma_wait3A_141 = tpu.memref_squeeze %dma_wait3A_140 : memref<1x112x128xf32, #tpu.memory_space<vmem>> -> memref<112x128xf32, #tpu.memory_space<vmem>>
        %dma_wait3A_142 = arith.constant 0 : i32
        %dma_wait3A_143 = tpu.memref_slice %arg12[%dma_wait3A_137, %dma_wait3A_142] : memref<18x112xi32, #tpu.memory_space<vmem>> -> memref<1x112xi32, #tpu.memory_space<vmem>>
        %dma_wait3A_144 = tpu.memref_squeeze %dma_wait3A_143 : memref<1x112xi32, #tpu.memory_space<vmem>> -> memref<112xi32, #tpu.memory_space<vmem>>
        %dma_wait3A_145 = arith.constant 0 : i32
        %dma_wait3A_146 = arith.constant 0 : i32
        %dma_wait3A_147 = tpu.memref_slice %arg14[%dma_wait3A_145, %dma_wait3A_146] : memref<10016x128xf32, #tpu.memory_space<vmem_shared>> -> memref<10016x128xf32, #tpu.memory_space<vmem_shared>>
        tpu.wait_indirect_dma semaphore(%arg18 : memref<!tpu.dma_semaphore, #tpu.memory_space<semaphore_mem>>) src(%dma_wait3A_141 : memref<112x128xf32, #tpu.memory_space<vmem>>) dst(%dma_wait3A_147 : memref<10016x128xf32, #tpu.memory_space<vmem_shared>>)
        %dma_wait3A_148 = arith.constant 1 : i32
        %dma_wait3A_149 = arith.constant 16 : i32
        %dma_wait3A_150 = arith.constant 0 : i32
        %dma_wait3A_151 = arith.constant 0 : i32
        %dma_wait3A_152 = tpu.memref_slice %arg13[%dma_wait3A_148, %dma_wait3A_150, %dma_wait3A_151] : memref<3x112x128xf32, #tpu.memory_space<vmem>> -> memref<1x112x128xf32, #tpu.memory_space<vmem>>
        %dma_wait3A_153 = tpu.memref_squeeze %dma_wait3A_152 : memref<1x112x128xf32, #tpu.memory_space<vmem>> -> memref<112x128xf32, #tpu.memory_space<vmem>>
        %dma_wait3A_154 = arith.constant 0 : i32
        %dma_wait3A_155 = tpu.memref_slice %arg12[%dma_wait3A_149, %dma_wait3A_154] : memref<18x112xi32, #tpu.memory_space<vmem>> -> memref<1x112xi32, #tpu.memory_space<vmem>>
        %dma_wait3A_156 = tpu.memref_squeeze %dma_wait3A_155 : memref<1x112xi32, #tpu.memory_space<vmem>> -> memref<112xi32, #tpu.memory_space<vmem>>
        %dma_wait3A_157 = arith.constant 0 : i32
        %dma_wait3A_158 = arith.constant 0 : i32
        %dma_wait3A_159 = tpu.memref_slice %arg14[%dma_wait3A_157, %dma_wait3A_158] : memref<10016x128xf32, #tpu.memory_space<vmem_shared>> -> memref<10016x128xf32, #tpu.memory_space<vmem_shared>>
        tpu.wait_indirect_dma semaphore(%arg19 : memref<!tpu.dma_semaphore, #tpu.memory_space<semaphore_mem>>) src(%dma_wait3A_153 : memref<112x128xf32, #tpu.memory_space<vmem>>) dst(%dma_wait3A_159 : memref<10016x128xf32, #tpu.memory_space<vmem_shared>>)
        %dma_wait3A_160 = arith.constant 2 : i32
        %dma_wait3A_161 = arith.constant 17 : i32
        %dma_wait3A_162 = arith.constant 0 : i32
        %dma_wait3A_163 = arith.constant 0 : i32
        %dma_wait3A_164 = tpu.memref_slice %arg13[%dma_wait3A_160, %dma_wait3A_162, %dma_wait3A_163] : memref<3x112x128xf32, #tpu.memory_space<vmem>> -> memref<1x112x128xf32, #tpu.memory_space<vmem>>
        %dma_wait3A_165 = tpu.memref_squeeze %dma_wait3A_164 : memref<1x112x128xf32, #tpu.memory_space<vmem>> -> memref<112x128xf32, #tpu.memory_space<vmem>>
        %dma_wait3A_166 = arith.constant 0 : i32
        %dma_wait3A_167 = tpu.memref_slice %arg12[%dma_wait3A_161, %dma_wait3A_166] : memref<18x112xi32, #tpu.memory_space<vmem>> -> memref<1x112xi32, #tpu.memory_space<vmem>>
        %dma_wait3A_168 = tpu.memref_squeeze %dma_wait3A_167 : memref<1x112xi32, #tpu.memory_space<vmem>> -> memref<112xi32, #tpu.memory_space<vmem>>
        %dma_wait3A_169 = arith.constant 0 : i32
        %dma_wait3A_170 = arith.constant 0 : i32
        %dma_wait3A_171 = tpu.memref_slice %arg14[%dma_wait3A_169, %dma_wait3A_170] : memref<10016x128xf32, #tpu.memory_space<vmem_shared>> -> memref<10016x128xf32, #tpu.memory_space<vmem_shared>>
        tpu.wait_indirect_dma semaphore(%arg20 : memref<!tpu.dma_semaphore, #tpu.memory_space<semaphore_mem>>) src(%dma_wait3A_165 : memref<112x128xf32, #tpu.memory_space<vmem>>) dst(%dma_wait3A_171 : memref<10016x128xf32, #tpu.memory_space<vmem_shared>>)
      }
      %scan3A_12 = arith.constant 10 : i32
      %barrier3A_13 = arith.constant 0 : index
      tpu.barrier barrier_id(%barrier3A_13)
      %mul3A_14 = arith.constant 624 : i32
      %mul3A_15 = arith.muli %arg1, %mul3A_14 : i32
      %mul3A_16 = arith.constant 624 : i32
      %mul3A_17 = arith.muli %arg1, %mul3A_16 : i32
      "tpu.region"() ({
        %run_scoped3A = tpu.sem_alloc : memref<!tpu.dma_semaphore, #tpu.memory_space<semaphore_mem>>
        %dma_start3A = arith.constant 0 : i32
        %dma_start3A_23 = tpu.memref_slice %arg10[%mul3A_17, %dma_start3A] : memref<10000x128xf32, #tpu.memory_space<hbm>> -> memref<624x128xf32, #tpu.memory_space<hbm>>
        %dma_start3A_24 = arith.constant 0 : i32
        %dma_start3A_25 = tpu.memref_slice %arg14[%mul3A_15, %dma_start3A_24] : memref<10016x128xf32, #tpu.memory_space<vmem_shared>> -> memref<624x128xf32, #tpu.memory_space<vmem_shared>>
        tpu.enqueue_dma source(%dma_start3A_25 : memref<624x128xf32, #tpu.memory_space<vmem_shared>>) target(%dma_start3A_23 : memref<624x128xf32, #tpu.memory_space<hbm>>) target_semaphore(%run_scoped3A : memref<!tpu.dma_semaphore, #tpu.memory_space<semaphore_mem>>)
        %dma_wait3A = arith.constant 0 : i32
        %dma_wait3A_26 = tpu.memref_slice %arg10[%mul3A_17, %dma_wait3A] : memref<10000x128xf32, #tpu.memory_space<hbm>> -> memref<624x128xf32, #tpu.memory_space<hbm>>
        %dma_wait3A_27 = arith.constant 0 : i32
        %dma_wait3A_28 = tpu.memref_slice %arg14[%mul3A_15, %dma_wait3A_27] : memref<10016x128xf32, #tpu.memory_space<vmem_shared>> -> memref<624x128xf32, #tpu.memory_space<vmem_shared>>
        tpu.wait_dma2 semaphore(%run_scoped3A : memref<!tpu.dma_semaphore, #tpu.memory_space<semaphore_mem>>) src(%dma_wait3A_28 : memref<624x128xf32, #tpu.memory_space<vmem_shared>>) dst(%dma_wait3A_26 : memref<624x128xf32, #tpu.memory_space<hbm>>)
        tpu.yield
      }) : () -> ()
      %eq3A_18 = arith.constant 0 : i32
      %eq3A_19 = arith.cmpi eq, %arg1, %eq3A_18 : i32
      %convert_element_type3A_20 = arith.extui %eq3A_19 : i1 to i32
      %cond3A_21 = arith.constant 0 : i32
      %cond3A_22 = arith.cmpi ne, %convert_element_type3A_20, %cond3A_21 : i32
      scf.if %cond3A_22 {
        "tpu.region"() ({
          %run_scoped3A = tpu.sem_alloc : memref<!tpu.dma_semaphore, #tpu.memory_space<semaphore_mem>>
          %dma_start3A = arith.constant 9984 : i32
          %dma_start3A_23 = arith.constant 0 : i32
          %dma_start3A_24 = tpu.memref_slice %arg10[%dma_start3A, %dma_start3A_23] : memref<10000x128xf32, #tpu.memory_space<hbm>> -> memref<16x128xf32, #tpu.memory_space<hbm>>
          %dma_start3A_25 = arith.constant 9984 : i32
          %dma_start3A_26 = arith.constant 0 : i32
          %dma_start3A_27 = tpu.memref_slice %arg14[%dma_start3A_25, %dma_start3A_26] : memref<10016x128xf32, #tpu.memory_space<vmem_shared>> -> memref<16x128xf32, #tpu.memory_space<vmem_shared>>
          tpu.enqueue_dma source(%dma_start3A_27 : memref<16x128xf32, #tpu.memory_space<vmem_shared>>) target(%dma_start3A_24 : memref<16x128xf32, #tpu.memory_space<hbm>>) target_semaphore(%run_scoped3A : memref<!tpu.dma_semaphore, #tpu.memory_space<semaphore_mem>>)
          %dma_wait3A = arith.constant 9984 : i32
          %dma_wait3A_28 = arith.constant 0 : i32
          %dma_wait3A_29 = tpu.memref_slice %arg10[%dma_wait3A, %dma_wait3A_28] : memref<10000x128xf32, #tpu.memory_space<hbm>> -> memref<16x128xf32, #tpu.memory_space<hbm>>
          %dma_wait3A_30 = arith.constant 9984 : i32
          %dma_wait3A_31 = arith.constant 0 : i32
          %dma_wait3A_32 = tpu.memref_slice %arg14[%dma_wait3A_30, %dma_wait3A_31] : memref<10016x128xf32, #tpu.memory_space<vmem_shared>> -> memref<16x128xf32, #tpu.memory_space<vmem_shared>>
          tpu.wait_dma2 semaphore(%run_scoped3A : memref<!tpu.dma_semaphore, #tpu.memory_space<semaphore_mem>>) src(%dma_wait3A_32 : memref<16x128xf32, #tpu.memory_space<vmem_shared>>) dst(%dma_wait3A_29 : memref<16x128xf32, #tpu.memory_space<hbm>>)
          tpu.yield
        }) : () -> ()
      } else {
      }
    } else {
    }
    return
  }
}

#map = affine_map<(d0, d1) -> (0, 0)>
#map1 = affine_map<(d0, d1) -> (0, 0, 0, 0)>
module attributes {stable_mosaic.version = 14 : i64} {
  func.func @agg(%arg0: i32, %arg1: i32, %arg2: memref<10000x128xf32, #tpu.memory_space<hbm>>, %arg3: memref<10000x128xf32, #tpu.memory_space<hbm>>, %arg4: memref<16x10x18x112xi32, #tpu.memory_space<hbm>>, %arg5: memref<16x10x18x112xi32, #tpu.memory_space<hbm>>, %arg6: memref<16x10x18x112xi32, #tpu.memory_space<hbm>>, %arg7: memref<16x10x18x112xi32, #tpu.memory_space<hbm>>, %arg8: memref<626x128xf32, #tpu.memory_space<hbm>>, %arg9: memref<10000x128xf32, #tpu.memory_space<hbm>>, %arg10: memref<10000x128xf32, #tpu.memory_space<hbm>>, %arg11: memref<18x112xi32, #tpu.memory_space<vmem>>, %arg12: memref<18x112xi32, #tpu.memory_space<vmem>>, %arg13: memref<3x112x128xf32, #tpu.memory_space<vmem>>, %arg14: memref<10016x128xf32, #tpu.memory_space<vmem_shared>>, %arg15: memref<!tpu.dma_semaphore, #tpu.memory_space<semaphore_mem>>, %arg16: memref<!tpu.dma_semaphore, #tpu.memory_space<semaphore_mem>>, %arg17: memref<!tpu.dma_semaphore, #tpu.memory_space<semaphore_mem>>, %arg18: memref<!tpu.dma_semaphore, #tpu.memory_space<semaphore_mem>>, %arg19: memref<!tpu.dma_semaphore, #tpu.memory_space<semaphore_mem>>, %arg20: memref<!tpu.dma_semaphore, #tpu.memory_space<semaphore_mem>>) attributes {dimension_semantics = [#tpu.dimension_semantics<core_parallel>, #tpu.dimension_semantics<subcore_parallel>], iteration_bounds = array<i64: 2, 16>, scalar_prefetch = 0 : i64, scratch_operands = 10 : i64, tpu.core_type = #tpu.core_type<sc_vector_subcore>, window_params = [{transform_indices = #map}, {transform_indices = #map}, {transform_indices = #map1}, {transform_indices = #map1}, {transform_indices = #map1}, {transform_indices = #map1}, {transform_indices = #map}, {transform_indices = #map}, {transform_indices = #map}]} {
    %eq3A = arith.constant 0 : i32
    %eq3A_0 = arith.cmpi eq, %arg0, %eq3A : i32
    %convert_element_type3A = arith.extui %eq3A_0 : i1 to i32
    %cond3A = arith.constant 0 : i32
    %cond3A_1 = arith.cmpi ne, %convert_element_type3A, %cond3A : i32
    scf.if %cond3A_1 {
      %mul3A = arith.constant 626 : i32
      %mul3A_7 = arith.muli %arg1, %mul3A : i32
      "tpu.region"() ({
        %run_scoped3A = tpu.sem_alloc : memref<!tpu.dma_semaphore, #tpu.memory_space<semaphore_mem>>
        %dma_start3A = arith.constant 0 : i32
        %dma_start3A_23 = tpu.memref_slice %arg14[%mul3A_7, %dma_start3A] : memref<10016x128xf32, #tpu.memory_space<vmem_shared>> -> memref<626x128xf32, #tpu.memory_space<vmem_shared>>
        tpu.enqueue_dma source(%arg8 : memref<626x128xf32, #tpu.memory_space<hbm>>) target(%dma_start3A_23 : memref<626x128xf32, #tpu.memory_space<vmem_shared>>) target_semaphore(%run_scoped3A : memref<!tpu.dma_semaphore, #tpu.memory_space<semaphore_mem>>)
        %dma_wait3A = arith.constant 0 : i32
        %dma_wait3A_24 = tpu.memref_slice %arg14[%mul3A_7, %dma_wait3A] : memref<10016x128xf32, #tpu.memory_space<vmem_shared>> -> memref<626x128xf32, #tpu.memory_space<vmem_shared>>
        tpu.wait_dma2 semaphore(%run_scoped3A : memref<!tpu.dma_semaphore, #tpu.memory_space<semaphore_mem>>) src(%arg8 : memref<626x128xf32, #tpu.memory_space<hbm>>) dst(%dma_wait3A_24 : memref<626x128xf32, #tpu.memory_space<vmem_shared>>)
        tpu.yield
      }) : () -> ()
      %barrier3A = arith.constant 0 : index
      tpu.barrier barrier_id(%barrier3A)
      %scan3A = arith.constant 0 : i32
      %scan3A_8 = arith.constant 0 : i32
      %scan3A_9 = arith.constant 10 : i32
      %scan3A_10 = arith.addi %scan3A_8, %scan3A_9 : i32
      %scan3A_11 = arith.constant 1 : i32
      scf.for %scan3A_23 = %scan3A_8 to %scan3A_10 step %scan3A_11  : i32 {
        "tpu.region"() ({
          %run_scoped3A = tpu.sem_alloc : memref<!tpu.dma_semaphore, #tpu.memory_space<semaphore_mem>>
          %dma_start3A_172 = arith.constant 0 : i32
          %dma_start3A_173 = arith.constant 0 : i32
          %dma_start3A_174 = tpu.memref_slice %arg4[%arg1, %scan3A_23, %dma_start3A_172, %dma_start3A_173] : memref<16x10x18x112xi32, #tpu.memory_space<hbm>> -> memref<1x1x18x112xi32, #tpu.memory_space<hbm>>
          %dma_start3A_175 = tpu.memref_squeeze %dma_start3A_174 : memref<1x1x18x112xi32, #tpu.memory_space<hbm>> -> memref<18x112xi32, #tpu.memory_space<hbm>>
          %dma_start3A_176 = arith.constant 0 : i32
          %dma_start3A_177 = arith.constant 0 : i32
          %dma_start3A_178 = tpu.memref_slice %arg4[%arg1, %scan3A_23, %dma_start3A_176, %dma_start3A_177] : memref<16x10x18x112xi32, #tpu.memory_space<hbm>> -> memref<1x1x18x112xi32, #tpu.memory_space<hbm>>
          %dma_start3A_179 = tpu.memref_squeeze %dma_start3A_178 : memref<1x1x18x112xi32, #tpu.memory_space<hbm>> -> memref<18x112xi32, #tpu.memory_space<hbm>>
          tpu.enqueue_dma source(%dma_start3A_179 : memref<18x112xi32, #tpu.memory_space<hbm>>) target(%arg11 : memref<18x112xi32, #tpu.memory_space<vmem>>) target_semaphore(%run_scoped3A : memref<!tpu.dma_semaphore, #tpu.memory_space<semaphore_mem>>)
          %dma_wait3A_180 = arith.constant 0 : i32
          %dma_wait3A_181 = arith.constant 0 : i32
          %dma_wait3A_182 = tpu.memref_slice %arg4[%arg1, %scan3A_23, %dma_wait3A_180, %dma_wait3A_181] : memref<16x10x18x112xi32, #tpu.memory_space<hbm>> -> memref<1x1x18x112xi32, #tpu.memory_space<hbm>>
          %dma_wait3A_183 = tpu.memref_squeeze %dma_wait3A_182 : memref<1x1x18x112xi32, #tpu.memory_space<hbm>> -> memref<18x112xi32, #tpu.memory_space<hbm>>
          %dma_wait3A_184 = arith.constant 0 : i32
          %dma_wait3A_185 = arith.constant 0 : i32
          %dma_wait3A_186 = tpu.memref_slice %arg4[%arg1, %scan3A_23, %dma_wait3A_184, %dma_wait3A_185] : memref<16x10x18x112xi32, #tpu.memory_space<hbm>> -> memref<1x1x18x112xi32, #tpu.memory_space<hbm>>
          %dma_wait3A_187 = tpu.memref_squeeze %dma_wait3A_186 : memref<1x1x18x112xi32, #tpu.memory_space<hbm>> -> memref<18x112xi32, #tpu.memory_space<hbm>>
          tpu.wait_dma2 semaphore(%run_scoped3A : memref<!tpu.dma_semaphore, #tpu.memory_space<semaphore_mem>>) src(%dma_wait3A_187 : memref<18x112xi32, #tpu.memory_space<hbm>>) dst(%arg11 : memref<18x112xi32, #tpu.memory_space<vmem>>)
          tpu.yield
        }) : () -> ()
        "tpu.region"() ({
          %run_scoped3A = tpu.sem_alloc : memref<!tpu.dma_semaphore, #tpu.memory_space<semaphore_mem>>
          %dma_start3A_172 = arith.constant 0 : i32
          %dma_start3A_173 = arith.constant 0 : i32
          %dma_start3A_174 = tpu.memref_slice %arg5[%arg1, %scan3A_23, %dma_start3A_172, %dma_start3A_173] : memref<16x10x18x112xi32, #tpu.memory_space<hbm>> -> memref<1x1x18x112xi32, #tpu.memory_space<hbm>>
          %dma_start3A_175 = tpu.memref_squeeze %dma_start3A_174 : memref<1x1x18x112xi32, #tpu.memory_space<hbm>> -> memref<18x112xi32, #tpu.memory_space<hbm>>
          %dma_start3A_176 = arith.constant 0 : i32
          %dma_start3A_177 = arith.constant 0 : i32
          %dma_start3A_178 = tpu.memref_slice %arg5[%arg1, %scan3A_23, %dma_start3A_176, %dma_start3A_177] : memref<16x10x18x112xi32, #tpu.memory_space<hbm>> -> memref<1x1x18x112xi32, #tpu.memory_space<hbm>>
          %dma_start3A_179 = tpu.memref_squeeze %dma_start3A_178 : memref<1x1x18x112xi32, #tpu.memory_space<hbm>> -> memref<18x112xi32, #tpu.memory_space<hbm>>
          tpu.enqueue_dma source(%dma_start3A_179 : memref<18x112xi32, #tpu.memory_space<hbm>>) target(%arg12 : memref<18x112xi32, #tpu.memory_space<vmem>>) target_semaphore(%run_scoped3A : memref<!tpu.dma_semaphore, #tpu.memory_space<semaphore_mem>>)
          %dma_wait3A_180 = arith.constant 0 : i32
          %dma_wait3A_181 = arith.constant 0 : i32
          %dma_wait3A_182 = tpu.memref_slice %arg5[%arg1, %scan3A_23, %dma_wait3A_180, %dma_wait3A_181] : memref<16x10x18x112xi32, #tpu.memory_space<hbm>> -> memref<1x1x18x112xi32, #tpu.memory_space<hbm>>
          %dma_wait3A_183 = tpu.memref_squeeze %dma_wait3A_182 : memref<1x1x18x112xi32, #tpu.memory_space<hbm>> -> memref<18x112xi32, #tpu.memory_space<hbm>>
          %dma_wait3A_184 = arith.constant 0 : i32
          %dma_wait3A_185 = arith.constant 0 : i32
          %dma_wait3A_186 = tpu.memref_slice %arg5[%arg1, %scan3A_23, %dma_wait3A_184, %dma_wait3A_185] : memref<16x10x18x112xi32, #tpu.memory_space<hbm>> -> memref<1x1x18x112xi32, #tpu.memory_space<hbm>>
          %dma_wait3A_187 = tpu.memref_squeeze %dma_wait3A_186 : memref<1x1x18x112xi32, #tpu.memory_space<hbm>> -> memref<18x112xi32, #tpu.memory_space<hbm>>
          tpu.wait_dma2 semaphore(%run_scoped3A : memref<!tpu.dma_semaphore, #tpu.memory_space<semaphore_mem>>) src(%dma_wait3A_187 : memref<18x112xi32, #tpu.memory_space<hbm>>) dst(%arg12 : memref<18x112xi32, #tpu.memory_space<vmem>>)
          tpu.yield
        }) : () -> ()
        %dma_start3A = arith.constant 0 : i32
        %dma_start3A_24 = arith.constant 0 : i32
        %dma_start3A_25 = arith.constant 0 : i32
        %dma_start3A_26 = arith.constant 0 : i32
        %dma_start3A_27 = tpu.memref_slice %arg13[%dma_start3A_24, %dma_start3A_25, %dma_start3A_26] : memref<3x112x128xf32, #tpu.memory_space<vmem>> -> memref<1x112x128xf32, #tpu.memory_space<vmem>>
        %dma_start3A_28 = tpu.memref_squeeze %dma_start3A_27 : memref<1x112x128xf32, #tpu.memory_space<vmem>> -> memref<112x128xf32, #tpu.memory_space<vmem>>
        %dma_start3A_29 = arith.constant 0 : i32
        %dma_start3A_30 = tpu.memref_slice %arg11[%dma_start3A, %dma_start3A_29] : memref<18x112xi32, #tpu.memory_space<vmem>> -> memref<1x112xi32, #tpu.memory_space<vmem>>
        %dma_start3A_31 = tpu.memref_squeeze %dma_start3A_30 : memref<1x112xi32, #tpu.memory_space<vmem>> -> memref<112xi32, #tpu.memory_space<vmem>>
        %dma_start3A_32 = arith.constant 0 : i32
        %dma_start3A_33 = arith.constant 0 : i32
        %dma_start3A_34 = tpu.memref_slice %arg2[%dma_start3A_32, %dma_start3A_33] : memref<10000x128xf32, #tpu.memory_space<hbm>> -> memref<10000x128xf32, #tpu.memory_space<hbm>>
        tpu.enqueue_indirect_dma source(%dma_start3A_34 : memref<10000x128xf32, #tpu.memory_space<hbm>>) target(%dma_start3A_28 : memref<112x128xf32, #tpu.memory_space<vmem>>) offsets(%dma_start3A_31 : memref<112xi32, #tpu.memory_space<vmem>>) semaphore(%arg15 : memref<!tpu.dma_semaphore, #tpu.memory_space<semaphore_mem>>)
        %dma_start3A_35 = arith.constant 1 : i32
        %dma_start3A_36 = arith.constant 1 : i32
        %dma_start3A_37 = arith.constant 0 : i32
        %dma_start3A_38 = arith.constant 0 : i32
        %dma_start3A_39 = tpu.memref_slice %arg13[%dma_start3A_36, %dma_start3A_37, %dma_start3A_38] : memref<3x112x128xf32, #tpu.memory_space<vmem>> -> memref<1x112x128xf32, #tpu.memory_space<vmem>>
        %dma_start3A_40 = tpu.memref_squeeze %dma_start3A_39 : memref<1x112x128xf32, #tpu.memory_space<vmem>> -> memref<112x128xf32, #tpu.memory_space<vmem>>
        %dma_start3A_41 = arith.constant 0 : i32
        %dma_start3A_42 = tpu.memref_slice %arg11[%dma_start3A_35, %dma_start3A_41] : memref<18x112xi32, #tpu.memory_space<vmem>> -> memref<1x112xi32, #tpu.memory_space<vmem>>
        %dma_start3A_43 = tpu.memref_squeeze %dma_start3A_42 : memref<1x112xi32, #tpu.memory_space<vmem>> -> memref<112xi32, #tpu.memory_space<vmem>>
        %dma_start3A_44 = arith.constant 0 : i32
        %dma_start3A_45 = arith.constant 0 : i32
        %dma_start3A_46 = tpu.memref_slice %arg2[%dma_start3A_44, %dma_start3A_45] : memref<10000x128xf32, #tpu.memory_space<hbm>> -> memref<10000x128xf32, #tpu.memory_space<hbm>>
        tpu.enqueue_indirect_dma source(%dma_start3A_46 : memref<10000x128xf32, #tpu.memory_space<hbm>>) target(%dma_start3A_40 : memref<112x128xf32, #tpu.memory_space<vmem>>) offsets(%dma_start3A_43 : memref<112xi32, #tpu.memory_space<vmem>>) semaphore(%arg16 : memref<!tpu.dma_semaphore, #tpu.memory_space<semaphore_mem>>)
        %dma_start3A_47 = arith.constant 2 : i32
        %dma_start3A_48 = arith.constant 2 : i32
        %dma_start3A_49 = arith.constant 0 : i32
        %dma_start3A_50 = arith.constant 0 : i32
        %dma_start3A_51 = tpu.memref_slice %arg13[%dma_start3A_48, %dma_start3A_49, %dma_start3A_50] : memref<3x112x128xf32, #tpu.memory_space<vmem>> -> memref<1x112x128xf32, #tpu.memory_space<vmem>>
        %dma_start3A_52 = tpu.memref_squeeze %dma_start3A_51 : memref<1x112x128xf32, #tpu.memory_space<vmem>> -> memref<112x128xf32, #tpu.memory_space<vmem>>
        %dma_start3A_53 = arith.constant 0 : i32
        %dma_start3A_54 = tpu.memref_slice %arg11[%dma_start3A_47, %dma_start3A_53] : memref<18x112xi32, #tpu.memory_space<vmem>> -> memref<1x112xi32, #tpu.memory_space<vmem>>
        %dma_start3A_55 = tpu.memref_squeeze %dma_start3A_54 : memref<1x112xi32, #tpu.memory_space<vmem>> -> memref<112xi32, #tpu.memory_space<vmem>>
        %dma_start3A_56 = arith.constant 0 : i32
        %dma_start3A_57 = arith.constant 0 : i32
        %dma_start3A_58 = tpu.memref_slice %arg2[%dma_start3A_56, %dma_start3A_57] : memref<10000x128xf32, #tpu.memory_space<hbm>> -> memref<10000x128xf32, #tpu.memory_space<hbm>>
        tpu.enqueue_indirect_dma source(%dma_start3A_58 : memref<10000x128xf32, #tpu.memory_space<hbm>>) target(%dma_start3A_52 : memref<112x128xf32, #tpu.memory_space<vmem>>) offsets(%dma_start3A_55 : memref<112xi32, #tpu.memory_space<vmem>>) semaphore(%arg17 : memref<!tpu.dma_semaphore, #tpu.memory_space<semaphore_mem>>)
        %scan3A_59 = arith.constant 0 : i32
        %scan3A_60 = arith.constant 0 : i32
        %scan3A_61 = arith.constant 5 : i32
        %scan3A_62 = arith.addi %scan3A_60, %scan3A_61 : i32
        %scan3A_63 = arith.constant 1 : i32
        scf.for %scan3A_172 = %scan3A_60 to %scan3A_62 step %scan3A_63  : i32 {
          %mul3A_173 = arith.constant 3 : i32
          %mul3A_174 = arith.muli %scan3A_172, %mul3A_173 : i32
          %add3A = arith.constant 0 : i32
          %add3A_175 = arith.addi %mul3A_174, %add3A : i32
          %dma_wait3A_176 = arith.constant 0 : i32
          %dma_wait3A_177 = arith.constant 0 : i32
          %dma_wait3A_178 = arith.constant 0 : i32
          %dma_wait3A_179 = tpu.memref_slice %arg13[%dma_wait3A_176, %dma_wait3A_177, %dma_wait3A_178] : memref<3x112x128xf32, #tpu.memory_space<vmem>> -> memref<1x112x128xf32, #tpu.memory_space<vmem>>
          %dma_wait3A_180 = tpu.memref_squeeze %dma_wait3A_179 : memref<1x112x128xf32, #tpu.memory_space<vmem>> -> memref<112x128xf32, #tpu.memory_space<vmem>>
          %dma_wait3A_181 = arith.constant 0 : i32
          %dma_wait3A_182 = tpu.memref_slice %arg11[%add3A_175, %dma_wait3A_181] : memref<18x112xi32, #tpu.memory_space<vmem>> -> memref<1x112xi32, #tpu.memory_space<vmem>>
          %dma_wait3A_183 = tpu.memref_squeeze %dma_wait3A_182 : memref<1x112xi32, #tpu.memory_space<vmem>> -> memref<112xi32, #tpu.memory_space<vmem>>
          %dma_wait3A_184 = arith.constant 0 : i32
          %dma_wait3A_185 = arith.constant 0 : i32
          %dma_wait3A_186 = tpu.memref_slice %arg2[%dma_wait3A_184, %dma_wait3A_185] : memref<10000x128xf32, #tpu.memory_space<hbm>> -> memref<10000x128xf32, #tpu.memory_space<hbm>>
          tpu.wait_indirect_dma semaphore(%arg15 : memref<!tpu.dma_semaphore, #tpu.memory_space<semaphore_mem>>) src(%dma_wait3A_186 : memref<10000x128xf32, #tpu.memory_space<hbm>>) dst(%dma_wait3A_180 : memref<112x128xf32, #tpu.memory_space<vmem>>)
          %add3A_187 = arith.constant 0 : i32
          %add3A_188 = arith.addi %mul3A_174, %add3A_187 : i32
          %dma_start3A_189 = arith.constant 0 : i32
          %dma_start3A_190 = arith.constant 0 : i32
          %dma_start3A_191 = arith.constant 0 : i32
          %dma_start3A_192 = tpu.memref_slice %arg13[%dma_start3A_189, %dma_start3A_190, %dma_start3A_191] : memref<3x112x128xf32, #tpu.memory_space<vmem>> -> memref<1x112x128xf32, #tpu.memory_space<vmem>>
          %dma_start3A_193 = tpu.memref_squeeze %dma_start3A_192 : memref<1x112x128xf32, #tpu.memory_space<vmem>> -> memref<112x128xf32, #tpu.memory_space<vmem>>
          %dma_start3A_194 = arith.constant 0 : i32
          %dma_start3A_195 = tpu.memref_slice %arg12[%add3A_188, %dma_start3A_194] : memref<18x112xi32, #tpu.memory_space<vmem>> -> memref<1x112xi32, #tpu.memory_space<vmem>>
          %dma_start3A_196 = tpu.memref_squeeze %dma_start3A_195 : memref<1x112xi32, #tpu.memory_space<vmem>> -> memref<112xi32, #tpu.memory_space<vmem>>
          %dma_start3A_197 = arith.constant 0 : i32
          %dma_start3A_198 = arith.constant 0 : i32
          %dma_start3A_199 = tpu.memref_slice %arg14[%dma_start3A_197, %dma_start3A_198] : memref<10016x128xf32, #tpu.memory_space<vmem_shared>> -> memref<10016x128xf32, #tpu.memory_space<vmem_shared>>
          tpu.enqueue_indirect_dma source(%dma_start3A_193 : memref<112x128xf32, #tpu.memory_space<vmem>>) target(%dma_start3A_199 : memref<10016x128xf32, #tpu.memory_space<vmem_shared>>) offsets(%dma_start3A_196 : memref<112xi32, #tpu.memory_space<vmem>>) semaphore(%arg18 : memref<!tpu.dma_semaphore, #tpu.memory_space<semaphore_mem>>) {add = true}
          %add3A_200 = arith.constant 1 : i32
          %add3A_201 = arith.addi %mul3A_174, %add3A_200 : i32
          %dma_wait3A_202 = arith.constant 1 : i32
          %dma_wait3A_203 = arith.constant 0 : i32
          %dma_wait3A_204 = arith.constant 0 : i32
          %dma_wait3A_205 = tpu.memref_slice %arg13[%dma_wait3A_202, %dma_wait3A_203, %dma_wait3A_204] : memref<3x112x128xf32, #tpu.memory_space<vmem>> -> memref<1x112x128xf32, #tpu.memory_space<vmem>>
          %dma_wait3A_206 = tpu.memref_squeeze %dma_wait3A_205 : memref<1x112x128xf32, #tpu.memory_space<vmem>> -> memref<112x128xf32, #tpu.memory_space<vmem>>
          %dma_wait3A_207 = arith.constant 0 : i32
          %dma_wait3A_208 = tpu.memref_slice %arg11[%add3A_201, %dma_wait3A_207] : memref<18x112xi32, #tpu.memory_space<vmem>> -> memref<1x112xi32, #tpu.memory_space<vmem>>
          %dma_wait3A_209 = tpu.memref_squeeze %dma_wait3A_208 : memref<1x112xi32, #tpu.memory_space<vmem>> -> memref<112xi32, #tpu.memory_space<vmem>>
          %dma_wait3A_210 = arith.constant 0 : i32
          %dma_wait3A_211 = arith.constant 0 : i32
          %dma_wait3A_212 = tpu.memref_slice %arg2[%dma_wait3A_210, %dma_wait3A_211] : memref<10000x128xf32, #tpu.memory_space<hbm>> -> memref<10000x128xf32, #tpu.memory_space<hbm>>
          tpu.wait_indirect_dma semaphore(%arg16 : memref<!tpu.dma_semaphore, #tpu.memory_space<semaphore_mem>>) src(%dma_wait3A_212 : memref<10000x128xf32, #tpu.memory_space<hbm>>) dst(%dma_wait3A_206 : memref<112x128xf32, #tpu.memory_space<vmem>>)
          %add3A_213 = arith.constant 1 : i32
          %add3A_214 = arith.addi %mul3A_174, %add3A_213 : i32
          %dma_start3A_215 = arith.constant 1 : i32
          %dma_start3A_216 = arith.constant 0 : i32
          %dma_start3A_217 = arith.constant 0 : i32
          %dma_start3A_218 = tpu.memref_slice %arg13[%dma_start3A_215, %dma_start3A_216, %dma_start3A_217] : memref<3x112x128xf32, #tpu.memory_space<vmem>> -> memref<1x112x128xf32, #tpu.memory_space<vmem>>
          %dma_start3A_219 = tpu.memref_squeeze %dma_start3A_218 : memref<1x112x128xf32, #tpu.memory_space<vmem>> -> memref<112x128xf32, #tpu.memory_space<vmem>>
          %dma_start3A_220 = arith.constant 0 : i32
          %dma_start3A_221 = tpu.memref_slice %arg12[%add3A_214, %dma_start3A_220] : memref<18x112xi32, #tpu.memory_space<vmem>> -> memref<1x112xi32, #tpu.memory_space<vmem>>
          %dma_start3A_222 = tpu.memref_squeeze %dma_start3A_221 : memref<1x112xi32, #tpu.memory_space<vmem>> -> memref<112xi32, #tpu.memory_space<vmem>>
          %dma_start3A_223 = arith.constant 0 : i32
          %dma_start3A_224 = arith.constant 0 : i32
          %dma_start3A_225 = tpu.memref_slice %arg14[%dma_start3A_223, %dma_start3A_224] : memref<10016x128xf32, #tpu.memory_space<vmem_shared>> -> memref<10016x128xf32, #tpu.memory_space<vmem_shared>>
          tpu.enqueue_indirect_dma source(%dma_start3A_219 : memref<112x128xf32, #tpu.memory_space<vmem>>) target(%dma_start3A_225 : memref<10016x128xf32, #tpu.memory_space<vmem_shared>>) offsets(%dma_start3A_222 : memref<112xi32, #tpu.memory_space<vmem>>) semaphore(%arg19 : memref<!tpu.dma_semaphore, #tpu.memory_space<semaphore_mem>>) {add = true}
          %add3A_226 = arith.constant 2 : i32
          %add3A_227 = arith.addi %mul3A_174, %add3A_226 : i32
          %dma_wait3A_228 = arith.constant 2 : i32
          %dma_wait3A_229 = arith.constant 0 : i32
          %dma_wait3A_230 = arith.constant 0 : i32
          %dma_wait3A_231 = tpu.memref_slice %arg13[%dma_wait3A_228, %dma_wait3A_229, %dma_wait3A_230] : memref<3x112x128xf32, #tpu.memory_space<vmem>> -> memref<1x112x128xf32, #tpu.memory_space<vmem>>
          %dma_wait3A_232 = tpu.memref_squeeze %dma_wait3A_231 : memref<1x112x128xf32, #tpu.memory_space<vmem>> -> memref<112x128xf32, #tpu.memory_space<vmem>>
          %dma_wait3A_233 = arith.constant 0 : i32
          %dma_wait3A_234 = tpu.memref_slice %arg11[%add3A_227, %dma_wait3A_233] : memref<18x112xi32, #tpu.memory_space<vmem>> -> memref<1x112xi32, #tpu.memory_space<vmem>>
          %dma_wait3A_235 = tpu.memref_squeeze %dma_wait3A_234 : memref<1x112xi32, #tpu.memory_space<vmem>> -> memref<112xi32, #tpu.memory_space<vmem>>
          %dma_wait3A_236 = arith.constant 0 : i32
          %dma_wait3A_237 = arith.constant 0 : i32
          %dma_wait3A_238 = tpu.memref_slice %arg2[%dma_wait3A_236, %dma_wait3A_237] : memref<10000x128xf32, #tpu.memory_space<hbm>> -> memref<10000x128xf32, #tpu.memory_space<hbm>>
          tpu.wait_indirect_dma semaphore(%arg17 : memref<!tpu.dma_semaphore, #tpu.memory_space<semaphore_mem>>) src(%dma_wait3A_238 : memref<10000x128xf32, #tpu.memory_space<hbm>>) dst(%dma_wait3A_232 : memref<112x128xf32, #tpu.memory_space<vmem>>)
          %add3A_239 = arith.constant 2 : i32
          %add3A_240 = arith.addi %mul3A_174, %add3A_239 : i32
          %dma_start3A_241 = arith.constant 2 : i32
          %dma_start3A_242 = arith.constant 0 : i32
          %dma_start3A_243 = arith.constant 0 : i32
          %dma_start3A_244 = tpu.memref_slice %arg13[%dma_start3A_241, %dma_start3A_242, %dma_start3A_243] : memref<3x112x128xf32, #tpu.memory_space<vmem>> -> memref<1x112x128xf32, #tpu.memory_space<vmem>>
          %dma_start3A_245 = tpu.memref_squeeze %dma_start3A_244 : memref<1x112x128xf32, #tpu.memory_space<vmem>> -> memref<112x128xf32, #tpu.memory_space<vmem>>
          %dma_start3A_246 = arith.constant 0 : i32
          %dma_start3A_247 = tpu.memref_slice %arg12[%add3A_240, %dma_start3A_246] : memref<18x112xi32, #tpu.memory_space<vmem>> -> memref<1x112xi32, #tpu.memory_space<vmem>>
          %dma_start3A_248 = tpu.memref_squeeze %dma_start3A_247 : memref<1x112xi32, #tpu.memory_space<vmem>> -> memref<112xi32, #tpu.memory_space<vmem>>
          %dma_start3A_249 = arith.constant 0 : i32
          %dma_start3A_250 = arith.constant 0 : i32
          %dma_start3A_251 = tpu.memref_slice %arg14[%dma_start3A_249, %dma_start3A_250] : memref<10016x128xf32, #tpu.memory_space<vmem_shared>> -> memref<10016x128xf32, #tpu.memory_space<vmem_shared>>
          tpu.enqueue_indirect_dma source(%dma_start3A_245 : memref<112x128xf32, #tpu.memory_space<vmem>>) target(%dma_start3A_251 : memref<10016x128xf32, #tpu.memory_space<vmem_shared>>) offsets(%dma_start3A_248 : memref<112xi32, #tpu.memory_space<vmem>>) semaphore(%arg20 : memref<!tpu.dma_semaphore, #tpu.memory_space<semaphore_mem>>) {add = true}
          %add3A_252 = arith.constant 0 : i32
          %add3A_253 = arith.addi %mul3A_174, %add3A_252 : i32
          %dma_wait3A_254 = arith.constant 0 : i32
          %dma_wait3A_255 = arith.constant 0 : i32
          %dma_wait3A_256 = arith.constant 0 : i32
          %dma_wait3A_257 = tpu.memref_slice %arg13[%dma_wait3A_254, %dma_wait3A_255, %dma_wait3A_256] : memref<3x112x128xf32, #tpu.memory_space<vmem>> -> memref<1x112x128xf32, #tpu.memory_space<vmem>>
          %dma_wait3A_258 = tpu.memref_squeeze %dma_wait3A_257 : memref<1x112x128xf32, #tpu.memory_space<vmem>> -> memref<112x128xf32, #tpu.memory_space<vmem>>
          %dma_wait3A_259 = arith.constant 0 : i32
          %dma_wait3A_260 = tpu.memref_slice %arg12[%add3A_253, %dma_wait3A_259] : memref<18x112xi32, #tpu.memory_space<vmem>> -> memref<1x112xi32, #tpu.memory_space<vmem>>
          %dma_wait3A_261 = tpu.memref_squeeze %dma_wait3A_260 : memref<1x112xi32, #tpu.memory_space<vmem>> -> memref<112xi32, #tpu.memory_space<vmem>>
          %dma_wait3A_262 = arith.constant 0 : i32
          %dma_wait3A_263 = arith.constant 0 : i32
          %dma_wait3A_264 = tpu.memref_slice %arg14[%dma_wait3A_262, %dma_wait3A_263] : memref<10016x128xf32, #tpu.memory_space<vmem_shared>> -> memref<10016x128xf32, #tpu.memory_space<vmem_shared>>
          tpu.wait_indirect_dma semaphore(%arg18 : memref<!tpu.dma_semaphore, #tpu.memory_space<semaphore_mem>>) src(%dma_wait3A_258 : memref<112x128xf32, #tpu.memory_space<vmem>>) dst(%dma_wait3A_264 : memref<10016x128xf32, #tpu.memory_space<vmem_shared>>)
          %add3A_265 = arith.constant 3 : i32
          %add3A_266 = arith.addi %mul3A_174, %add3A_265 : i32
          %add3A_267 = arith.constant 0 : i32
          %add3A_268 = arith.addi %add3A_266, %add3A_267 : i32
          %dma_start3A_269 = arith.constant 0 : i32
          %dma_start3A_270 = arith.constant 0 : i32
          %dma_start3A_271 = arith.constant 0 : i32
          %dma_start3A_272 = tpu.memref_slice %arg13[%dma_start3A_269, %dma_start3A_270, %dma_start3A_271] : memref<3x112x128xf32, #tpu.memory_space<vmem>> -> memref<1x112x128xf32, #tpu.memory_space<vmem>>
          %dma_start3A_273 = tpu.memref_squeeze %dma_start3A_272 : memref<1x112x128xf32, #tpu.memory_space<vmem>> -> memref<112x128xf32, #tpu.memory_space<vmem>>
          %dma_start3A_274 = arith.constant 0 : i32
          %dma_start3A_275 = tpu.memref_slice %arg11[%add3A_268, %dma_start3A_274] : memref<18x112xi32, #tpu.memory_space<vmem>> -> memref<1x112xi32, #tpu.memory_space<vmem>>
          %dma_start3A_276 = tpu.memref_squeeze %dma_start3A_275 : memref<1x112xi32, #tpu.memory_space<vmem>> -> memref<112xi32, #tpu.memory_space<vmem>>
          %dma_start3A_277 = arith.constant 0 : i32
          %dma_start3A_278 = arith.constant 0 : i32
          %dma_start3A_279 = tpu.memref_slice %arg2[%dma_start3A_277, %dma_start3A_278] : memref<10000x128xf32, #tpu.memory_space<hbm>> -> memref<10000x128xf32, #tpu.memory_space<hbm>>
          tpu.enqueue_indirect_dma source(%dma_start3A_279 : memref<10000x128xf32, #tpu.memory_space<hbm>>) target(%dma_start3A_273 : memref<112x128xf32, #tpu.memory_space<vmem>>) offsets(%dma_start3A_276 : memref<112xi32, #tpu.memory_space<vmem>>) semaphore(%arg15 : memref<!tpu.dma_semaphore, #tpu.memory_space<semaphore_mem>>)
          %add3A_280 = arith.constant 1 : i32
          %add3A_281 = arith.addi %mul3A_174, %add3A_280 : i32
          %dma_wait3A_282 = arith.constant 1 : i32
          %dma_wait3A_283 = arith.constant 0 : i32
          %dma_wait3A_284 = arith.constant 0 : i32
          %dma_wait3A_285 = tpu.memref_slice %arg13[%dma_wait3A_282, %dma_wait3A_283, %dma_wait3A_284] : memref<3x112x128xf32, #tpu.memory_space<vmem>> -> memref<1x112x128xf32, #tpu.memory_space<vmem>>
          %dma_wait3A_286 = tpu.memref_squeeze %dma_wait3A_285 : memref<1x112x128xf32, #tpu.memory_space<vmem>> -> memref<112x128xf32, #tpu.memory_space<vmem>>
          %dma_wait3A_287 = arith.constant 0 : i32
          %dma_wait3A_288 = tpu.memref_slice %arg12[%add3A_281, %dma_wait3A_287] : memref<18x112xi32, #tpu.memory_space<vmem>> -> memref<1x112xi32, #tpu.memory_space<vmem>>
          %dma_wait3A_289 = tpu.memref_squeeze %dma_wait3A_288 : memref<1x112xi32, #tpu.memory_space<vmem>> -> memref<112xi32, #tpu.memory_space<vmem>>
          %dma_wait3A_290 = arith.constant 0 : i32
          %dma_wait3A_291 = arith.constant 0 : i32
          %dma_wait3A_292 = tpu.memref_slice %arg14[%dma_wait3A_290, %dma_wait3A_291] : memref<10016x128xf32, #tpu.memory_space<vmem_shared>> -> memref<10016x128xf32, #tpu.memory_space<vmem_shared>>
          tpu.wait_indirect_dma semaphore(%arg19 : memref<!tpu.dma_semaphore, #tpu.memory_space<semaphore_mem>>) src(%dma_wait3A_286 : memref<112x128xf32, #tpu.memory_space<vmem>>) dst(%dma_wait3A_292 : memref<10016x128xf32, #tpu.memory_space<vmem_shared>>)
          %add3A_293 = arith.constant 3 : i32
          %add3A_294 = arith.addi %mul3A_174, %add3A_293 : i32
          %add3A_295 = arith.constant 1 : i32
          %add3A_296 = arith.addi %add3A_294, %add3A_295 : i32
          %dma_start3A_297 = arith.constant 1 : i32
          %dma_start3A_298 = arith.constant 0 : i32
          %dma_start3A_299 = arith.constant 0 : i32
          %dma_start3A_300 = tpu.memref_slice %arg13[%dma_start3A_297, %dma_start3A_298, %dma_start3A_299] : memref<3x112x128xf32, #tpu.memory_space<vmem>> -> memref<1x112x128xf32, #tpu.memory_space<vmem>>
          %dma_start3A_301 = tpu.memref_squeeze %dma_start3A_300 : memref<1x112x128xf32, #tpu.memory_space<vmem>> -> memref<112x128xf32, #tpu.memory_space<vmem>>
          %dma_start3A_302 = arith.constant 0 : i32
          %dma_start3A_303 = tpu.memref_slice %arg11[%add3A_296, %dma_start3A_302] : memref<18x112xi32, #tpu.memory_space<vmem>> -> memref<1x112xi32, #tpu.memory_space<vmem>>
          %dma_start3A_304 = tpu.memref_squeeze %dma_start3A_303 : memref<1x112xi32, #tpu.memory_space<vmem>> -> memref<112xi32, #tpu.memory_space<vmem>>
          %dma_start3A_305 = arith.constant 0 : i32
          %dma_start3A_306 = arith.constant 0 : i32
          %dma_start3A_307 = tpu.memref_slice %arg2[%dma_start3A_305, %dma_start3A_306] : memref<10000x128xf32, #tpu.memory_space<hbm>> -> memref<10000x128xf32, #tpu.memory_space<hbm>>
          tpu.enqueue_indirect_dma source(%dma_start3A_307 : memref<10000x128xf32, #tpu.memory_space<hbm>>) target(%dma_start3A_301 : memref<112x128xf32, #tpu.memory_space<vmem>>) offsets(%dma_start3A_304 : memref<112xi32, #tpu.memory_space<vmem>>) semaphore(%arg16 : memref<!tpu.dma_semaphore, #tpu.memory_space<semaphore_mem>>)
          %add3A_308 = arith.constant 2 : i32
          %add3A_309 = arith.addi %mul3A_174, %add3A_308 : i32
          %dma_wait3A_310 = arith.constant 2 : i32
          %dma_wait3A_311 = arith.constant 0 : i32
          %dma_wait3A_312 = arith.constant 0 : i32
          %dma_wait3A_313 = tpu.memref_slice %arg13[%dma_wait3A_310, %dma_wait3A_311, %dma_wait3A_312] : memref<3x112x128xf32, #tpu.memory_space<vmem>> -> memref<1x112x128xf32, #tpu.memory_space<vmem>>
          %dma_wait3A_314 = tpu.memref_squeeze %dma_wait3A_313 : memref<1x112x128xf32, #tpu.memory_space<vmem>> -> memref<112x128xf32, #tpu.memory_space<vmem>>
          %dma_wait3A_315 = arith.constant 0 : i32
          %dma_wait3A_316 = tpu.memref_slice %arg12[%add3A_309, %dma_wait3A_315] : memref<18x112xi32, #tpu.memory_space<vmem>> -> memref<1x112xi32, #tpu.memory_space<vmem>>
          %dma_wait3A_317 = tpu.memref_squeeze %dma_wait3A_316 : memref<1x112xi32, #tpu.memory_space<vmem>> -> memref<112xi32, #tpu.memory_space<vmem>>
          %dma_wait3A_318 = arith.constant 0 : i32
          %dma_wait3A_319 = arith.constant 0 : i32
          %dma_wait3A_320 = tpu.memref_slice %arg14[%dma_wait3A_318, %dma_wait3A_319] : memref<10016x128xf32, #tpu.memory_space<vmem_shared>> -> memref<10016x128xf32, #tpu.memory_space<vmem_shared>>
          tpu.wait_indirect_dma semaphore(%arg20 : memref<!tpu.dma_semaphore, #tpu.memory_space<semaphore_mem>>) src(%dma_wait3A_314 : memref<112x128xf32, #tpu.memory_space<vmem>>) dst(%dma_wait3A_320 : memref<10016x128xf32, #tpu.memory_space<vmem_shared>>)
          %add3A_321 = arith.constant 3 : i32
          %add3A_322 = arith.addi %mul3A_174, %add3A_321 : i32
          %add3A_323 = arith.constant 2 : i32
          %add3A_324 = arith.addi %add3A_322, %add3A_323 : i32
          %dma_start3A_325 = arith.constant 2 : i32
          %dma_start3A_326 = arith.constant 0 : i32
          %dma_start3A_327 = arith.constant 0 : i32
          %dma_start3A_328 = tpu.memref_slice %arg13[%dma_start3A_325, %dma_start3A_326, %dma_start3A_327] : memref<3x112x128xf32, #tpu.memory_space<vmem>> -> memref<1x112x128xf32, #tpu.memory_space<vmem>>
          %dma_start3A_329 = tpu.memref_squeeze %dma_start3A_328 : memref<1x112x128xf32, #tpu.memory_space<vmem>> -> memref<112x128xf32, #tpu.memory_space<vmem>>
          %dma_start3A_330 = arith.constant 0 : i32
          %dma_start3A_331 = tpu.memref_slice %arg11[%add3A_324, %dma_start3A_330] : memref<18x112xi32, #tpu.memory_space<vmem>> -> memref<1x112xi32, #tpu.memory_space<vmem>>
          %dma_start3A_332 = tpu.memref_squeeze %dma_start3A_331 : memref<1x112xi32, #tpu.memory_space<vmem>> -> memref<112xi32, #tpu.memory_space<vmem>>
          %dma_start3A_333 = arith.constant 0 : i32
          %dma_start3A_334 = arith.constant 0 : i32
          %dma_start3A_335 = tpu.memref_slice %arg2[%dma_start3A_333, %dma_start3A_334] : memref<10000x128xf32, #tpu.memory_space<hbm>> -> memref<10000x128xf32, #tpu.memory_space<hbm>>
          tpu.enqueue_indirect_dma source(%dma_start3A_335 : memref<10000x128xf32, #tpu.memory_space<hbm>>) target(%dma_start3A_329 : memref<112x128xf32, #tpu.memory_space<vmem>>) offsets(%dma_start3A_332 : memref<112xi32, #tpu.memory_space<vmem>>) semaphore(%arg17 : memref<!tpu.dma_semaphore, #tpu.memory_space<semaphore_mem>>)
        }
        %scan3A_64 = arith.constant 5 : i32
        %dma_wait3A = arith.constant 15 : i32
        %dma_wait3A_65 = arith.constant 0 : i32
        %dma_wait3A_66 = arith.constant 0 : i32
        %dma_wait3A_67 = arith.constant 0 : i32
        %dma_wait3A_68 = tpu.memref_slice %arg13[%dma_wait3A_65, %dma_wait3A_66, %dma_wait3A_67] : memref<3x112x128xf32, #tpu.memory_space<vmem>> -> memref<1x112x128xf32, #tpu.memory_space<vmem>>
        %dma_wait3A_69 = tpu.memref_squeeze %dma_wait3A_68 : memref<1x112x128xf32, #tpu.memory_space<vmem>> -> memref<112x128xf32, #tpu.memory_space<vmem>>
        %dma_wait3A_70 = arith.constant 0 : i32
        %dma_wait3A_71 = tpu.memref_slice %arg11[%dma_wait3A, %dma_wait3A_70] : memref<18x112xi32, #tpu.memory_space<vmem>> -> memref<1x112xi32, #tpu.memory_space<vmem>>
        %dma_wait3A_72 = tpu.memref_squeeze %dma_wait3A_71 : memref<1x112xi32, #tpu.memory_space<vmem>> -> memref<112xi32, #tpu.memory_space<vmem>>
        %dma_wait3A_73 = arith.constant 0 : i32
        %dma_wait3A_74 = arith.constant 0 : i32
        %dma_wait3A_75 = tpu.memref_slice %arg2[%dma_wait3A_73, %dma_wait3A_74] : memref<10000x128xf32, #tpu.memory_space<hbm>> -> memref<10000x128xf32, #tpu.memory_space<hbm>>
        tpu.wait_indirect_dma semaphore(%arg15 : memref<!tpu.dma_semaphore, #tpu.memory_space<semaphore_mem>>) src(%dma_wait3A_75 : memref<10000x128xf32, #tpu.memory_space<hbm>>) dst(%dma_wait3A_69 : memref<112x128xf32, #tpu.memory_space<vmem>>)
        %dma_start3A_76 = arith.constant 0 : i32
        %dma_start3A_77 = arith.constant 15 : i32
        %dma_start3A_78 = arith.constant 0 : i32
        %dma_start3A_79 = arith.constant 0 : i32
        %dma_start3A_80 = tpu.memref_slice %arg13[%dma_start3A_76, %dma_start3A_78, %dma_start3A_79] : memref<3x112x128xf32, #tpu.memory_space<vmem>> -> memref<1x112x128xf32, #tpu.memory_space<vmem>>
        %dma_start3A_81 = tpu.memref_squeeze %dma_start3A_80 : memref<1x112x128xf32, #tpu.memory_space<vmem>> -> memref<112x128xf32, #tpu.memory_space<vmem>>
        %dma_start3A_82 = arith.constant 0 : i32
        %dma_start3A_83 = tpu.memref_slice %arg12[%dma_start3A_77, %dma_start3A_82] : memref<18x112xi32, #tpu.memory_space<vmem>> -> memref<1x112xi32, #tpu.memory_space<vmem>>
        %dma_start3A_84 = tpu.memref_squeeze %dma_start3A_83 : memref<1x112xi32, #tpu.memory_space<vmem>> -> memref<112xi32, #tpu.memory_space<vmem>>
        %dma_start3A_85 = arith.constant 0 : i32
        %dma_start3A_86 = arith.constant 0 : i32
        %dma_start3A_87 = tpu.memref_slice %arg14[%dma_start3A_85, %dma_start3A_86] : memref<10016x128xf32, #tpu.memory_space<vmem_shared>> -> memref<10016x128xf32, #tpu.memory_space<vmem_shared>>
        tpu.enqueue_indirect_dma source(%dma_start3A_81 : memref<112x128xf32, #tpu.memory_space<vmem>>) target(%dma_start3A_87 : memref<10016x128xf32, #tpu.memory_space<vmem_shared>>) offsets(%dma_start3A_84 : memref<112xi32, #tpu.memory_space<vmem>>) semaphore(%arg18 : memref<!tpu.dma_semaphore, #tpu.memory_space<semaphore_mem>>) {add = true}
        %dma_wait3A_88 = arith.constant 16 : i32
        %dma_wait3A_89 = arith.constant 1 : i32
        %dma_wait3A_90 = arith.constant 0 : i32
        %dma_wait3A_91 = arith.constant 0 : i32
        %dma_wait3A_92 = tpu.memref_slice %arg13[%dma_wait3A_89, %dma_wait3A_90, %dma_wait3A_91] : memref<3x112x128xf32, #tpu.memory_space<vmem>> -> memref<1x112x128xf32, #tpu.memory_space<vmem>>
        %dma_wait3A_93 = tpu.memref_squeeze %dma_wait3A_92 : memref<1x112x128xf32, #tpu.memory_space<vmem>> -> memref<112x128xf32, #tpu.memory_space<vmem>>
        %dma_wait3A_94 = arith.constant 0 : i32
        %dma_wait3A_95 = tpu.memref_slice %arg11[%dma_wait3A_88, %dma_wait3A_94] : memref<18x112xi32, #tpu.memory_space<vmem>> -> memref<1x112xi32, #tpu.memory_space<vmem>>
        %dma_wait3A_96 = tpu.memref_squeeze %dma_wait3A_95 : memref<1x112xi32, #tpu.memory_space<vmem>> -> memref<112xi32, #tpu.memory_space<vmem>>
        %dma_wait3A_97 = arith.constant 0 : i32
        %dma_wait3A_98 = arith.constant 0 : i32
        %dma_wait3A_99 = tpu.memref_slice %arg2[%dma_wait3A_97, %dma_wait3A_98] : memref<10000x128xf32, #tpu.memory_space<hbm>> -> memref<10000x128xf32, #tpu.memory_space<hbm>>
        tpu.wait_indirect_dma semaphore(%arg16 : memref<!tpu.dma_semaphore, #tpu.memory_space<semaphore_mem>>) src(%dma_wait3A_99 : memref<10000x128xf32, #tpu.memory_space<hbm>>) dst(%dma_wait3A_93 : memref<112x128xf32, #tpu.memory_space<vmem>>)
        %dma_start3A_100 = arith.constant 1 : i32
        %dma_start3A_101 = arith.constant 16 : i32
        %dma_start3A_102 = arith.constant 0 : i32
        %dma_start3A_103 = arith.constant 0 : i32
        %dma_start3A_104 = tpu.memref_slice %arg13[%dma_start3A_100, %dma_start3A_102, %dma_start3A_103] : memref<3x112x128xf32, #tpu.memory_space<vmem>> -> memref<1x112x128xf32, #tpu.memory_space<vmem>>
        %dma_start3A_105 = tpu.memref_squeeze %dma_start3A_104 : memref<1x112x128xf32, #tpu.memory_space<vmem>> -> memref<112x128xf32, #tpu.memory_space<vmem>>
        %dma_start3A_106 = arith.constant 0 : i32
        %dma_start3A_107 = tpu.memref_slice %arg12[%dma_start3A_101, %dma_start3A_106] : memref<18x112xi32, #tpu.memory_space<vmem>> -> memref<1x112xi32, #tpu.memory_space<vmem>>
        %dma_start3A_108 = tpu.memref_squeeze %dma_start3A_107 : memref<1x112xi32, #tpu.memory_space<vmem>> -> memref<112xi32, #tpu.memory_space<vmem>>
        %dma_start3A_109 = arith.constant 0 : i32
        %dma_start3A_110 = arith.constant 0 : i32
        %dma_start3A_111 = tpu.memref_slice %arg14[%dma_start3A_109, %dma_start3A_110] : memref<10016x128xf32, #tpu.memory_space<vmem_shared>> -> memref<10016x128xf32, #tpu.memory_space<vmem_shared>>
        tpu.enqueue_indirect_dma source(%dma_start3A_105 : memref<112x128xf32, #tpu.memory_space<vmem>>) target(%dma_start3A_111 : memref<10016x128xf32, #tpu.memory_space<vmem_shared>>) offsets(%dma_start3A_108 : memref<112xi32, #tpu.memory_space<vmem>>) semaphore(%arg19 : memref<!tpu.dma_semaphore, #tpu.memory_space<semaphore_mem>>) {add = true}
        %dma_wait3A_112 = arith.constant 17 : i32
        %dma_wait3A_113 = arith.constant 2 : i32
        %dma_wait3A_114 = arith.constant 0 : i32
        %dma_wait3A_115 = arith.constant 0 : i32
        %dma_wait3A_116 = tpu.memref_slice %arg13[%dma_wait3A_113, %dma_wait3A_114, %dma_wait3A_115] : memref<3x112x128xf32, #tpu.memory_space<vmem>> -> memref<1x112x128xf32, #tpu.memory_space<vmem>>
        %dma_wait3A_117 = tpu.memref_squeeze %dma_wait3A_116 : memref<1x112x128xf32, #tpu.memory_space<vmem>> -> memref<112x128xf32, #tpu.memory_space<vmem>>
        %dma_wait3A_118 = arith.constant 0 : i32
        %dma_wait3A_119 = tpu.memref_slice %arg11[%dma_wait3A_112, %dma_wait3A_118] : memref<18x112xi32, #tpu.memory_space<vmem>> -> memref<1x112xi32, #tpu.memory_space<vmem>>
        %dma_wait3A_120 = tpu.memref_squeeze %dma_wait3A_119 : memref<1x112xi32, #tpu.memory_space<vmem>> -> memref<112xi32, #tpu.memory_space<vmem>>
        %dma_wait3A_121 = arith.constant 0 : i32
        %dma_wait3A_122 = arith.constant 0 : i32
        %dma_wait3A_123 = tpu.memref_slice %arg2[%dma_wait3A_121, %dma_wait3A_122] : memref<10000x128xf32, #tpu.memory_space<hbm>> -> memref<10000x128xf32, #tpu.memory_space<hbm>>
        tpu.wait_indirect_dma semaphore(%arg17 : memref<!tpu.dma_semaphore, #tpu.memory_space<semaphore_mem>>) src(%dma_wait3A_123 : memref<10000x128xf32, #tpu.memory_space<hbm>>) dst(%dma_wait3A_117 : memref<112x128xf32, #tpu.memory_space<vmem>>)
        %dma_start3A_124 = arith.constant 2 : i32
        %dma_start3A_125 = arith.constant 17 : i32
        %dma_start3A_126 = arith.constant 0 : i32
        %dma_start3A_127 = arith.constant 0 : i32
        %dma_start3A_128 = tpu.memref_slice %arg13[%dma_start3A_124, %dma_start3A_126, %dma_start3A_127] : memref<3x112x128xf32, #tpu.memory_space<vmem>> -> memref<1x112x128xf32, #tpu.memory_space<vmem>>
        %dma_start3A_129 = tpu.memref_squeeze %dma_start3A_128 : memref<1x112x128xf32, #tpu.memory_space<vmem>> -> memref<112x128xf32, #tpu.memory_space<vmem>>
        %dma_start3A_130 = arith.constant 0 : i32
        %dma_start3A_131 = tpu.memref_slice %arg12[%dma_start3A_125, %dma_start3A_130] : memref<18x112xi32, #tpu.memory_space<vmem>> -> memref<1x112xi32, #tpu.memory_space<vmem>>
        %dma_start3A_132 = tpu.memref_squeeze %dma_start3A_131 : memref<1x112xi32, #tpu.memory_space<vmem>> -> memref<112xi32, #tpu.memory_space<vmem>>
        %dma_start3A_133 = arith.constant 0 : i32
        %dma_start3A_134 = arith.constant 0 : i32
        %dma_start3A_135 = tpu.memref_slice %arg14[%dma_start3A_133, %dma_start3A_134] : memref<10016x128xf32, #tpu.memory_space<vmem_shared>> -> memref<10016x128xf32, #tpu.memory_space<vmem_shared>>
        tpu.enqueue_indirect_dma source(%dma_start3A_129 : memref<112x128xf32, #tpu.memory_space<vmem>>) target(%dma_start3A_135 : memref<10016x128xf32, #tpu.memory_space<vmem_shared>>) offsets(%dma_start3A_132 : memref<112xi32, #tpu.memory_space<vmem>>) semaphore(%arg20 : memref<!tpu.dma_semaphore, #tpu.memory_space<semaphore_mem>>) {add = true}
        %dma_wait3A_136 = arith.constant 0 : i32
        %dma_wait3A_137 = arith.constant 15 : i32
        %dma_wait3A_138 = arith.constant 0 : i32
        %dma_wait3A_139 = arith.constant 0 : i32
        %dma_wait3A_140 = tpu.memref_slice %arg13[%dma_wait3A_136, %dma_wait3A_138, %dma_wait3A_139] : memref<3x112x128xf32, #tpu.memory_space<vmem>> -> memref<1x112x128xf32, #tpu.memory_space<vmem>>
        %dma_wait3A_141 = tpu.memref_squeeze %dma_wait3A_140 : memref<1x112x128xf32, #tpu.memory_space<vmem>> -> memref<112x128xf32, #tpu.memory_space<vmem>>
        %dma_wait3A_142 = arith.constant 0 : i32
        %dma_wait3A_143 = tpu.memref_slice %arg12[%dma_wait3A_137, %dma_wait3A_142] : memref<18x112xi32, #tpu.memory_space<vmem>> -> memref<1x112xi32, #tpu.memory_space<vmem>>
        %dma_wait3A_144 = tpu.memref_squeeze %dma_wait3A_143 : memref<1x112xi32, #tpu.memory_space<vmem>> -> memref<112xi32, #tpu.memory_space<vmem>>
        %dma_wait3A_145 = arith.constant 0 : i32
        %dma_wait3A_146 = arith.constant 0 : i32
        %dma_wait3A_147 = tpu.memref_slice %arg14[%dma_wait3A_145, %dma_wait3A_146] : memref<10016x128xf32, #tpu.memory_space<vmem_shared>> -> memref<10016x128xf32, #tpu.memory_space<vmem_shared>>
        tpu.wait_indirect_dma semaphore(%arg18 : memref<!tpu.dma_semaphore, #tpu.memory_space<semaphore_mem>>) src(%dma_wait3A_141 : memref<112x128xf32, #tpu.memory_space<vmem>>) dst(%dma_wait3A_147 : memref<10016x128xf32, #tpu.memory_space<vmem_shared>>)
        %dma_wait3A_148 = arith.constant 1 : i32
        %dma_wait3A_149 = arith.constant 16 : i32
        %dma_wait3A_150 = arith.constant 0 : i32
        %dma_wait3A_151 = arith.constant 0 : i32
        %dma_wait3A_152 = tpu.memref_slice %arg13[%dma_wait3A_148, %dma_wait3A_150, %dma_wait3A_151] : memref<3x112x128xf32, #tpu.memory_space<vmem>> -> memref<1x112x128xf32, #tpu.memory_space<vmem>>
        %dma_wait3A_153 = tpu.memref_squeeze %dma_wait3A_152 : memref<1x112x128xf32, #tpu.memory_space<vmem>> -> memref<112x128xf32, #tpu.memory_space<vmem>>
        %dma_wait3A_154 = arith.constant 0 : i32
        %dma_wait3A_155 = tpu.memref_slice %arg12[%dma_wait3A_149, %dma_wait3A_154] : memref<18x112xi32, #tpu.memory_space<vmem>> -> memref<1x112xi32, #tpu.memory_space<vmem>>
        %dma_wait3A_156 = tpu.memref_squeeze %dma_wait3A_155 : memref<1x112xi32, #tpu.memory_space<vmem>> -> memref<112xi32, #tpu.memory_space<vmem>>
        %dma_wait3A_157 = arith.constant 0 : i32
        %dma_wait3A_158 = arith.constant 0 : i32
        %dma_wait3A_159 = tpu.memref_slice %arg14[%dma_wait3A_157, %dma_wait3A_158] : memref<10016x128xf32, #tpu.memory_space<vmem_shared>> -> memref<10016x128xf32, #tpu.memory_space<vmem_shared>>
        tpu.wait_indirect_dma semaphore(%arg19 : memref<!tpu.dma_semaphore, #tpu.memory_space<semaphore_mem>>) src(%dma_wait3A_153 : memref<112x128xf32, #tpu.memory_space<vmem>>) dst(%dma_wait3A_159 : memref<10016x128xf32, #tpu.memory_space<vmem_shared>>)
        %dma_wait3A_160 = arith.constant 2 : i32
        %dma_wait3A_161 = arith.constant 17 : i32
        %dma_wait3A_162 = arith.constant 0 : i32
        %dma_wait3A_163 = arith.constant 0 : i32
        %dma_wait3A_164 = tpu.memref_slice %arg13[%dma_wait3A_160, %dma_wait3A_162, %dma_wait3A_163] : memref<3x112x128xf32, #tpu.memory_space<vmem>> -> memref<1x112x128xf32, #tpu.memory_space<vmem>>
        %dma_wait3A_165 = tpu.memref_squeeze %dma_wait3A_164 : memref<1x112x128xf32, #tpu.memory_space<vmem>> -> memref<112x128xf32, #tpu.memory_space<vmem>>
        %dma_wait3A_166 = arith.constant 0 : i32
        %dma_wait3A_167 = tpu.memref_slice %arg12[%dma_wait3A_161, %dma_wait3A_166] : memref<18x112xi32, #tpu.memory_space<vmem>> -> memref<1x112xi32, #tpu.memory_space<vmem>>
        %dma_wait3A_168 = tpu.memref_squeeze %dma_wait3A_167 : memref<1x112xi32, #tpu.memory_space<vmem>> -> memref<112xi32, #tpu.memory_space<vmem>>
        %dma_wait3A_169 = arith.constant 0 : i32
        %dma_wait3A_170 = arith.constant 0 : i32
        %dma_wait3A_171 = tpu.memref_slice %arg14[%dma_wait3A_169, %dma_wait3A_170] : memref<10016x128xf32, #tpu.memory_space<vmem_shared>> -> memref<10016x128xf32, #tpu.memory_space<vmem_shared>>
        tpu.wait_indirect_dma semaphore(%arg20 : memref<!tpu.dma_semaphore, #tpu.memory_space<semaphore_mem>>) src(%dma_wait3A_165 : memref<112x128xf32, #tpu.memory_space<vmem>>) dst(%dma_wait3A_171 : memref<10016x128xf32, #tpu.memory_space<vmem_shared>>)
      }
      %scan3A_12 = arith.constant 10 : i32
      %barrier3A_13 = arith.constant 0 : index
      tpu.barrier barrier_id(%barrier3A_13)
      %mul3A_14 = arith.constant 624 : i32
      %mul3A_15 = arith.muli %arg1, %mul3A_14 : i32
      %mul3A_16 = arith.constant 624 : i32
      %mul3A_17 = arith.muli %arg1, %mul3A_16 : i32
      "tpu.region"() ({
        %run_scoped3A = tpu.sem_alloc : memref<!tpu.dma_semaphore, #tpu.memory_space<semaphore_mem>>
        %dma_start3A = arith.constant 0 : i32
        %dma_start3A_23 = tpu.memref_slice %arg9[%mul3A_17, %dma_start3A] : memref<10000x128xf32, #tpu.memory_space<hbm>> -> memref<624x128xf32, #tpu.memory_space<hbm>>
        %dma_start3A_24 = arith.constant 0 : i32
        %dma_start3A_25 = tpu.memref_slice %arg14[%mul3A_15, %dma_start3A_24] : memref<10016x128xf32, #tpu.memory_space<vmem_shared>> -> memref<624x128xf32, #tpu.memory_space<vmem_shared>>
        tpu.enqueue_dma source(%dma_start3A_25 : memref<624x128xf32, #tpu.memory_space<vmem_shared>>) target(%dma_start3A_23 : memref<624x128xf32, #tpu.memory_space<hbm>>) target_semaphore(%run_scoped3A : memref<!tpu.dma_semaphore, #tpu.memory_space<semaphore_mem>>)
        %dma_wait3A = arith.constant 0 : i32
        %dma_wait3A_26 = tpu.memref_slice %arg9[%mul3A_17, %dma_wait3A] : memref<10000x128xf32, #tpu.memory_space<hbm>> -> memref<624x128xf32, #tpu.memory_space<hbm>>
        %dma_wait3A_27 = arith.constant 0 : i32
        %dma_wait3A_28 = tpu.memref_slice %arg14[%mul3A_15, %dma_wait3A_27] : memref<10016x128xf32, #tpu.memory_space<vmem_shared>> -> memref<624x128xf32, #tpu.memory_space<vmem_shared>>
        tpu.wait_dma2 semaphore(%run_scoped3A : memref<!tpu.dma_semaphore, #tpu.memory_space<semaphore_mem>>) src(%dma_wait3A_28 : memref<624x128xf32, #tpu.memory_space<vmem_shared>>) dst(%dma_wait3A_26 : memref<624x128xf32, #tpu.memory_space<hbm>>)
        tpu.yield
      }) : () -> ()
      %eq3A_18 = arith.constant 0 : i32
      %eq3A_19 = arith.cmpi eq, %arg1, %eq3A_18 : i32
      %convert_element_type3A_20 = arith.extui %eq3A_19 : i1 to i32
      %cond3A_21 = arith.constant 0 : i32
      %cond3A_22 = arith.cmpi ne, %convert_element_type3A_20, %cond3A_21 : i32
      scf.if %cond3A_22 {
        "tpu.region"() ({
          %run_scoped3A = tpu.sem_alloc : memref<!tpu.dma_semaphore, #tpu.memory_space<semaphore_mem>>
          %dma_start3A = arith.constant 9984 : i32
          %dma_start3A_23 = arith.constant 0 : i32
          %dma_start3A_24 = tpu.memref_slice %arg9[%dma_start3A, %dma_start3A_23] : memref<10000x128xf32, #tpu.memory_space<hbm>> -> memref<16x128xf32, #tpu.memory_space<hbm>>
          %dma_start3A_25 = arith.constant 9984 : i32
          %dma_start3A_26 = arith.constant 0 : i32
          %dma_start3A_27 = tpu.memref_slice %arg14[%dma_start3A_25, %dma_start3A_26] : memref<10016x128xf32, #tpu.memory_space<vmem_shared>> -> memref<16x128xf32, #tpu.memory_space<vmem_shared>>
          tpu.enqueue_dma source(%dma_start3A_27 : memref<16x128xf32, #tpu.memory_space<vmem_shared>>) target(%dma_start3A_24 : memref<16x128xf32, #tpu.memory_space<hbm>>) target_semaphore(%run_scoped3A : memref<!tpu.dma_semaphore, #tpu.memory_space<semaphore_mem>>)
          %dma_wait3A = arith.constant 9984 : i32
          %dma_wait3A_28 = arith.constant 0 : i32
          %dma_wait3A_29 = tpu.memref_slice %arg9[%dma_wait3A, %dma_wait3A_28] : memref<10000x128xf32, #tpu.memory_space<hbm>> -> memref<16x128xf32, #tpu.memory_space<hbm>>
          %dma_wait3A_30 = arith.constant 9984 : i32
          %dma_wait3A_31 = arith.constant 0 : i32
          %dma_wait3A_32 = tpu.memref_slice %arg14[%dma_wait3A_30, %dma_wait3A_31] : memref<10016x128xf32, #tpu.memory_space<vmem_shared>> -> memref<16x128xf32, #tpu.memory_space<vmem_shared>>
          tpu.wait_dma2 semaphore(%run_scoped3A : memref<!tpu.dma_semaphore, #tpu.memory_space<semaphore_mem>>) src(%dma_wait3A_32 : memref<16x128xf32, #tpu.memory_space<vmem_shared>>) dst(%dma_wait3A_29 : memref<16x128xf32, #tpu.memory_space<hbm>>)
          tpu.yield
        }) : () -> ()
      } else {
      }
    } else {
    }
    %eq3A_2 = arith.constant 1 : i32
    %eq3A_3 = arith.cmpi eq, %arg0, %eq3A_2 : i32
    %convert_element_type3A_4 = arith.extui %eq3A_3 : i1 to i32
    %cond3A_5 = arith.constant 0 : i32
    %cond3A_6 = arith.cmpi ne, %convert_element_type3A_4, %cond3A_5 : i32
    scf.if %cond3A_6 {
      %mul3A = arith.constant 626 : i32
      %mul3A_7 = arith.muli %arg1, %mul3A : i32
      "tpu.region"() ({
        %run_scoped3A = tpu.sem_alloc : memref<!tpu.dma_semaphore, #tpu.memory_space<semaphore_mem>>
        %dma_start3A = arith.constant 0 : i32
        %dma_start3A_23 = tpu.memref_slice %arg14[%mul3A_7, %dma_start3A] : memref<10016x128xf32, #tpu.memory_space<vmem_shared>> -> memref<626x128xf32, #tpu.memory_space<vmem_shared>>
        tpu.enqueue_dma source(%arg8 : memref<626x128xf32, #tpu.memory_space<hbm>>) target(%dma_start3A_23 : memref<626x128xf32, #tpu.memory_space<vmem_shared>>) target_semaphore(%run_scoped3A : memref<!tpu.dma_semaphore, #tpu.memory_space<semaphore_mem>>)
        %dma_wait3A = arith.constant 0 : i32
        %dma_wait3A_24 = tpu.memref_slice %arg14[%mul3A_7, %dma_wait3A] : memref<10016x128xf32, #tpu.memory_space<vmem_shared>> -> memref<626x128xf32, #tpu.memory_space<vmem_shared>>
        tpu.wait_dma2 semaphore(%run_scoped3A : memref<!tpu.dma_semaphore, #tpu.memory_space<semaphore_mem>>) src(%arg8 : memref<626x128xf32, #tpu.memory_space<hbm>>) dst(%dma_wait3A_24 : memref<626x128xf32, #tpu.memory_space<vmem_shared>>)
        tpu.yield
      }) : () -> ()
      %barrier3A = arith.constant 0 : index
      tpu.barrier barrier_id(%barrier3A)
      %scan3A = arith.constant 0 : i32
      %scan3A_8 = arith.constant 0 : i32
      %scan3A_9 = arith.constant 10 : i32
      %scan3A_10 = arith.addi %scan3A_8, %scan3A_9 : i32
      %scan3A_11 = arith.constant 1 : i32
      scf.for %scan3A_23 = %scan3A_8 to %scan3A_10 step %scan3A_11  : i32 {
        "tpu.region"() ({
          %run_scoped3A = tpu.sem_alloc : memref<!tpu.dma_semaphore, #tpu.memory_space<semaphore_mem>>
          %dma_start3A_172 = arith.constant 0 : i32
          %dma_start3A_173 = arith.constant 0 : i32
          %dma_start3A_174 = tpu.memref_slice %arg6[%arg1, %scan3A_23, %dma_start3A_172, %dma_start3A_173] : memref<16x10x18x112xi32, #tpu.memory_space<hbm>> -> memref<1x1x18x112xi32, #tpu.memory_space<hbm>>
          %dma_start3A_175 = tpu.memref_squeeze %dma_start3A_174 : memref<1x1x18x112xi32, #tpu.memory_space<hbm>> -> memref<18x112xi32, #tpu.memory_space<hbm>>
          %dma_start3A_176 = arith.constant 0 : i32
          %dma_start3A_177 = arith.constant 0 : i32
          %dma_start3A_178 = tpu.memref_slice %arg6[%arg1, %scan3A_23, %dma_start3A_176, %dma_start3A_177] : memref<16x10x18x112xi32, #tpu.memory_space<hbm>> -> memref<1x1x18x112xi32, #tpu.memory_space<hbm>>
          %dma_start3A_179 = tpu.memref_squeeze %dma_start3A_178 : memref<1x1x18x112xi32, #tpu.memory_space<hbm>> -> memref<18x112xi32, #tpu.memory_space<hbm>>
          tpu.enqueue_dma source(%dma_start3A_179 : memref<18x112xi32, #tpu.memory_space<hbm>>) target(%arg11 : memref<18x112xi32, #tpu.memory_space<vmem>>) target_semaphore(%run_scoped3A : memref<!tpu.dma_semaphore, #tpu.memory_space<semaphore_mem>>)
          %dma_wait3A_180 = arith.constant 0 : i32
          %dma_wait3A_181 = arith.constant 0 : i32
          %dma_wait3A_182 = tpu.memref_slice %arg6[%arg1, %scan3A_23, %dma_wait3A_180, %dma_wait3A_181] : memref<16x10x18x112xi32, #tpu.memory_space<hbm>> -> memref<1x1x18x112xi32, #tpu.memory_space<hbm>>
          %dma_wait3A_183 = tpu.memref_squeeze %dma_wait3A_182 : memref<1x1x18x112xi32, #tpu.memory_space<hbm>> -> memref<18x112xi32, #tpu.memory_space<hbm>>
          %dma_wait3A_184 = arith.constant 0 : i32
          %dma_wait3A_185 = arith.constant 0 : i32
          %dma_wait3A_186 = tpu.memref_slice %arg6[%arg1, %scan3A_23, %dma_wait3A_184, %dma_wait3A_185] : memref<16x10x18x112xi32, #tpu.memory_space<hbm>> -> memref<1x1x18x112xi32, #tpu.memory_space<hbm>>
          %dma_wait3A_187 = tpu.memref_squeeze %dma_wait3A_186 : memref<1x1x18x112xi32, #tpu.memory_space<hbm>> -> memref<18x112xi32, #tpu.memory_space<hbm>>
          tpu.wait_dma2 semaphore(%run_scoped3A : memref<!tpu.dma_semaphore, #tpu.memory_space<semaphore_mem>>) src(%dma_wait3A_187 : memref<18x112xi32, #tpu.memory_space<hbm>>) dst(%arg11 : memref<18x112xi32, #tpu.memory_space<vmem>>)
          tpu.yield
        }) : () -> ()
        "tpu.region"() ({
          %run_scoped3A = tpu.sem_alloc : memref<!tpu.dma_semaphore, #tpu.memory_space<semaphore_mem>>
          %dma_start3A_172 = arith.constant 0 : i32
          %dma_start3A_173 = arith.constant 0 : i32
          %dma_start3A_174 = tpu.memref_slice %arg7[%arg1, %scan3A_23, %dma_start3A_172, %dma_start3A_173] : memref<16x10x18x112xi32, #tpu.memory_space<hbm>> -> memref<1x1x18x112xi32, #tpu.memory_space<hbm>>
          %dma_start3A_175 = tpu.memref_squeeze %dma_start3A_174 : memref<1x1x18x112xi32, #tpu.memory_space<hbm>> -> memref<18x112xi32, #tpu.memory_space<hbm>>
          %dma_start3A_176 = arith.constant 0 : i32
          %dma_start3A_177 = arith.constant 0 : i32
          %dma_start3A_178 = tpu.memref_slice %arg7[%arg1, %scan3A_23, %dma_start3A_176, %dma_start3A_177] : memref<16x10x18x112xi32, #tpu.memory_space<hbm>> -> memref<1x1x18x112xi32, #tpu.memory_space<hbm>>
          %dma_start3A_179 = tpu.memref_squeeze %dma_start3A_178 : memref<1x1x18x112xi32, #tpu.memory_space<hbm>> -> memref<18x112xi32, #tpu.memory_space<hbm>>
          tpu.enqueue_dma source(%dma_start3A_179 : memref<18x112xi32, #tpu.memory_space<hbm>>) target(%arg12 : memref<18x112xi32, #tpu.memory_space<vmem>>) target_semaphore(%run_scoped3A : memref<!tpu.dma_semaphore, #tpu.memory_space<semaphore_mem>>)
          %dma_wait3A_180 = arith.constant 0 : i32
          %dma_wait3A_181 = arith.constant 0 : i32
          %dma_wait3A_182 = tpu.memref_slice %arg7[%arg1, %scan3A_23, %dma_wait3A_180, %dma_wait3A_181] : memref<16x10x18x112xi32, #tpu.memory_space<hbm>> -> memref<1x1x18x112xi32, #tpu.memory_space<hbm>>
          %dma_wait3A_183 = tpu.memref_squeeze %dma_wait3A_182 : memref<1x1x18x112xi32, #tpu.memory_space<hbm>> -> memref<18x112xi32, #tpu.memory_space<hbm>>
          %dma_wait3A_184 = arith.constant 0 : i32
          %dma_wait3A_185 = arith.constant 0 : i32
          %dma_wait3A_186 = tpu.memref_slice %arg7[%arg1, %scan3A_23, %dma_wait3A_184, %dma_wait3A_185] : memref<16x10x18x112xi32, #tpu.memory_space<hbm>> -> memref<1x1x18x112xi32, #tpu.memory_space<hbm>>
          %dma_wait3A_187 = tpu.memref_squeeze %dma_wait3A_186 : memref<1x1x18x112xi32, #tpu.memory_space<hbm>> -> memref<18x112xi32, #tpu.memory_space<hbm>>
          tpu.wait_dma2 semaphore(%run_scoped3A : memref<!tpu.dma_semaphore, #tpu.memory_space<semaphore_mem>>) src(%dma_wait3A_187 : memref<18x112xi32, #tpu.memory_space<hbm>>) dst(%arg12 : memref<18x112xi32, #tpu.memory_space<vmem>>)
          tpu.yield
        }) : () -> ()
        %dma_start3A = arith.constant 0 : i32
        %dma_start3A_24 = arith.constant 0 : i32
        %dma_start3A_25 = arith.constant 0 : i32
        %dma_start3A_26 = arith.constant 0 : i32
        %dma_start3A_27 = tpu.memref_slice %arg13[%dma_start3A_24, %dma_start3A_25, %dma_start3A_26] : memref<3x112x128xf32, #tpu.memory_space<vmem>> -> memref<1x112x128xf32, #tpu.memory_space<vmem>>
        %dma_start3A_28 = tpu.memref_squeeze %dma_start3A_27 : memref<1x112x128xf32, #tpu.memory_space<vmem>> -> memref<112x128xf32, #tpu.memory_space<vmem>>
        %dma_start3A_29 = arith.constant 0 : i32
        %dma_start3A_30 = tpu.memref_slice %arg11[%dma_start3A, %dma_start3A_29] : memref<18x112xi32, #tpu.memory_space<vmem>> -> memref<1x112xi32, #tpu.memory_space<vmem>>
        %dma_start3A_31 = tpu.memref_squeeze %dma_start3A_30 : memref<1x112xi32, #tpu.memory_space<vmem>> -> memref<112xi32, #tpu.memory_space<vmem>>
        %dma_start3A_32 = arith.constant 0 : i32
        %dma_start3A_33 = arith.constant 0 : i32
        %dma_start3A_34 = tpu.memref_slice %arg3[%dma_start3A_32, %dma_start3A_33] : memref<10000x128xf32, #tpu.memory_space<hbm>> -> memref<10000x128xf32, #tpu.memory_space<hbm>>
        tpu.enqueue_indirect_dma source(%dma_start3A_34 : memref<10000x128xf32, #tpu.memory_space<hbm>>) target(%dma_start3A_28 : memref<112x128xf32, #tpu.memory_space<vmem>>) offsets(%dma_start3A_31 : memref<112xi32, #tpu.memory_space<vmem>>) semaphore(%arg15 : memref<!tpu.dma_semaphore, #tpu.memory_space<semaphore_mem>>)
        %dma_start3A_35 = arith.constant 1 : i32
        %dma_start3A_36 = arith.constant 1 : i32
        %dma_start3A_37 = arith.constant 0 : i32
        %dma_start3A_38 = arith.constant 0 : i32
        %dma_start3A_39 = tpu.memref_slice %arg13[%dma_start3A_36, %dma_start3A_37, %dma_start3A_38] : memref<3x112x128xf32, #tpu.memory_space<vmem>> -> memref<1x112x128xf32, #tpu.memory_space<vmem>>
        %dma_start3A_40 = tpu.memref_squeeze %dma_start3A_39 : memref<1x112x128xf32, #tpu.memory_space<vmem>> -> memref<112x128xf32, #tpu.memory_space<vmem>>
        %dma_start3A_41 = arith.constant 0 : i32
        %dma_start3A_42 = tpu.memref_slice %arg11[%dma_start3A_35, %dma_start3A_41] : memref<18x112xi32, #tpu.memory_space<vmem>> -> memref<1x112xi32, #tpu.memory_space<vmem>>
        %dma_start3A_43 = tpu.memref_squeeze %dma_start3A_42 : memref<1x112xi32, #tpu.memory_space<vmem>> -> memref<112xi32, #tpu.memory_space<vmem>>
        %dma_start3A_44 = arith.constant 0 : i32
        %dma_start3A_45 = arith.constant 0 : i32
        %dma_start3A_46 = tpu.memref_slice %arg3[%dma_start3A_44, %dma_start3A_45] : memref<10000x128xf32, #tpu.memory_space<hbm>> -> memref<10000x128xf32, #tpu.memory_space<hbm>>
        tpu.enqueue_indirect_dma source(%dma_start3A_46 : memref<10000x128xf32, #tpu.memory_space<hbm>>) target(%dma_start3A_40 : memref<112x128xf32, #tpu.memory_space<vmem>>) offsets(%dma_start3A_43 : memref<112xi32, #tpu.memory_space<vmem>>) semaphore(%arg16 : memref<!tpu.dma_semaphore, #tpu.memory_space<semaphore_mem>>)
        %dma_start3A_47 = arith.constant 2 : i32
        %dma_start3A_48 = arith.constant 2 : i32
        %dma_start3A_49 = arith.constant 0 : i32
        %dma_start3A_50 = arith.constant 0 : i32
        %dma_start3A_51 = tpu.memref_slice %arg13[%dma_start3A_48, %dma_start3A_49, %dma_start3A_50] : memref<3x112x128xf32, #tpu.memory_space<vmem>> -> memref<1x112x128xf32, #tpu.memory_space<vmem>>
        %dma_start3A_52 = tpu.memref_squeeze %dma_start3A_51 : memref<1x112x128xf32, #tpu.memory_space<vmem>> -> memref<112x128xf32, #tpu.memory_space<vmem>>
        %dma_start3A_53 = arith.constant 0 : i32
        %dma_start3A_54 = tpu.memref_slice %arg11[%dma_start3A_47, %dma_start3A_53] : memref<18x112xi32, #tpu.memory_space<vmem>> -> memref<1x112xi32, #tpu.memory_space<vmem>>
        %dma_start3A_55 = tpu.memref_squeeze %dma_start3A_54 : memref<1x112xi32, #tpu.memory_space<vmem>> -> memref<112xi32, #tpu.memory_space<vmem>>
        %dma_start3A_56 = arith.constant 0 : i32
        %dma_start3A_57 = arith.constant 0 : i32
        %dma_start3A_58 = tpu.memref_slice %arg3[%dma_start3A_56, %dma_start3A_57] : memref<10000x128xf32, #tpu.memory_space<hbm>> -> memref<10000x128xf32, #tpu.memory_space<hbm>>
        tpu.enqueue_indirect_dma source(%dma_start3A_58 : memref<10000x128xf32, #tpu.memory_space<hbm>>) target(%dma_start3A_52 : memref<112x128xf32, #tpu.memory_space<vmem>>) offsets(%dma_start3A_55 : memref<112xi32, #tpu.memory_space<vmem>>) semaphore(%arg17 : memref<!tpu.dma_semaphore, #tpu.memory_space<semaphore_mem>>)
        %scan3A_59 = arith.constant 0 : i32
        %scan3A_60 = arith.constant 0 : i32
        %scan3A_61 = arith.constant 5 : i32
        %scan3A_62 = arith.addi %scan3A_60, %scan3A_61 : i32
        %scan3A_63 = arith.constant 1 : i32
        scf.for %scan3A_172 = %scan3A_60 to %scan3A_62 step %scan3A_63  : i32 {
          %mul3A_173 = arith.constant 3 : i32
          %mul3A_174 = arith.muli %scan3A_172, %mul3A_173 : i32
          %add3A = arith.constant 0 : i32
          %add3A_175 = arith.addi %mul3A_174, %add3A : i32
          %dma_wait3A_176 = arith.constant 0 : i32
          %dma_wait3A_177 = arith.constant 0 : i32
          %dma_wait3A_178 = arith.constant 0 : i32
          %dma_wait3A_179 = tpu.memref_slice %arg13[%dma_wait3A_176, %dma_wait3A_177, %dma_wait3A_178] : memref<3x112x128xf32, #tpu.memory_space<vmem>> -> memref<1x112x128xf32, #tpu.memory_space<vmem>>
          %dma_wait3A_180 = tpu.memref_squeeze %dma_wait3A_179 : memref<1x112x128xf32, #tpu.memory_space<vmem>> -> memref<112x128xf32, #tpu.memory_space<vmem>>
          %dma_wait3A_181 = arith.constant 0 : i32
          %dma_wait3A_182 = tpu.memref_slice %arg11[%add3A_175, %dma_wait3A_181] : memref<18x112xi32, #tpu.memory_space<vmem>> -> memref<1x112xi32, #tpu.memory_space<vmem>>
          %dma_wait3A_183 = tpu.memref_squeeze %dma_wait3A_182 : memref<1x112xi32, #tpu.memory_space<vmem>> -> memref<112xi32, #tpu.memory_space<vmem>>
          %dma_wait3A_184 = arith.constant 0 : i32
          %dma_wait3A_185 = arith.constant 0 : i32
          %dma_wait3A_186 = tpu.memref_slice %arg3[%dma_wait3A_184, %dma_wait3A_185] : memref<10000x128xf32, #tpu.memory_space<hbm>> -> memref<10000x128xf32, #tpu.memory_space<hbm>>
          tpu.wait_indirect_dma semaphore(%arg15 : memref<!tpu.dma_semaphore, #tpu.memory_space<semaphore_mem>>) src(%dma_wait3A_186 : memref<10000x128xf32, #tpu.memory_space<hbm>>) dst(%dma_wait3A_180 : memref<112x128xf32, #tpu.memory_space<vmem>>)
          %add3A_187 = arith.constant 0 : i32
          %add3A_188 = arith.addi %mul3A_174, %add3A_187 : i32
          %dma_start3A_189 = arith.constant 0 : i32
          %dma_start3A_190 = arith.constant 0 : i32
          %dma_start3A_191 = arith.constant 0 : i32
          %dma_start3A_192 = tpu.memref_slice %arg13[%dma_start3A_189, %dma_start3A_190, %dma_start3A_191] : memref<3x112x128xf32, #tpu.memory_space<vmem>> -> memref<1x112x128xf32, #tpu.memory_space<vmem>>
          %dma_start3A_193 = tpu.memref_squeeze %dma_start3A_192 : memref<1x112x128xf32, #tpu.memory_space<vmem>> -> memref<112x128xf32, #tpu.memory_space<vmem>>
          %dma_start3A_194 = arith.constant 0 : i32
          %dma_start3A_195 = tpu.memref_slice %arg12[%add3A_188, %dma_start3A_194] : memref<18x112xi32, #tpu.memory_space<vmem>> -> memref<1x112xi32, #tpu.memory_space<vmem>>
          %dma_start3A_196 = tpu.memref_squeeze %dma_start3A_195 : memref<1x112xi32, #tpu.memory_space<vmem>> -> memref<112xi32, #tpu.memory_space<vmem>>
          %dma_start3A_197 = arith.constant 0 : i32
          %dma_start3A_198 = arith.constant 0 : i32
          %dma_start3A_199 = tpu.memref_slice %arg14[%dma_start3A_197, %dma_start3A_198] : memref<10016x128xf32, #tpu.memory_space<vmem_shared>> -> memref<10016x128xf32, #tpu.memory_space<vmem_shared>>
          tpu.enqueue_indirect_dma source(%dma_start3A_193 : memref<112x128xf32, #tpu.memory_space<vmem>>) target(%dma_start3A_199 : memref<10016x128xf32, #tpu.memory_space<vmem_shared>>) offsets(%dma_start3A_196 : memref<112xi32, #tpu.memory_space<vmem>>) semaphore(%arg18 : memref<!tpu.dma_semaphore, #tpu.memory_space<semaphore_mem>>) {add = true}
          %add3A_200 = arith.constant 1 : i32
          %add3A_201 = arith.addi %mul3A_174, %add3A_200 : i32
          %dma_wait3A_202 = arith.constant 1 : i32
          %dma_wait3A_203 = arith.constant 0 : i32
          %dma_wait3A_204 = arith.constant 0 : i32
          %dma_wait3A_205 = tpu.memref_slice %arg13[%dma_wait3A_202, %dma_wait3A_203, %dma_wait3A_204] : memref<3x112x128xf32, #tpu.memory_space<vmem>> -> memref<1x112x128xf32, #tpu.memory_space<vmem>>
          %dma_wait3A_206 = tpu.memref_squeeze %dma_wait3A_205 : memref<1x112x128xf32, #tpu.memory_space<vmem>> -> memref<112x128xf32, #tpu.memory_space<vmem>>
          %dma_wait3A_207 = arith.constant 0 : i32
          %dma_wait3A_208 = tpu.memref_slice %arg11[%add3A_201, %dma_wait3A_207] : memref<18x112xi32, #tpu.memory_space<vmem>> -> memref<1x112xi32, #tpu.memory_space<vmem>>
          %dma_wait3A_209 = tpu.memref_squeeze %dma_wait3A_208 : memref<1x112xi32, #tpu.memory_space<vmem>> -> memref<112xi32, #tpu.memory_space<vmem>>
          %dma_wait3A_210 = arith.constant 0 : i32
          %dma_wait3A_211 = arith.constant 0 : i32
          %dma_wait3A_212 = tpu.memref_slice %arg3[%dma_wait3A_210, %dma_wait3A_211] : memref<10000x128xf32, #tpu.memory_space<hbm>> -> memref<10000x128xf32, #tpu.memory_space<hbm>>
          tpu.wait_indirect_dma semaphore(%arg16 : memref<!tpu.dma_semaphore, #tpu.memory_space<semaphore_mem>>) src(%dma_wait3A_212 : memref<10000x128xf32, #tpu.memory_space<hbm>>) dst(%dma_wait3A_206 : memref<112x128xf32, #tpu.memory_space<vmem>>)
          %add3A_213 = arith.constant 1 : i32
          %add3A_214 = arith.addi %mul3A_174, %add3A_213 : i32
          %dma_start3A_215 = arith.constant 1 : i32
          %dma_start3A_216 = arith.constant 0 : i32
          %dma_start3A_217 = arith.constant 0 : i32
          %dma_start3A_218 = tpu.memref_slice %arg13[%dma_start3A_215, %dma_start3A_216, %dma_start3A_217] : memref<3x112x128xf32, #tpu.memory_space<vmem>> -> memref<1x112x128xf32, #tpu.memory_space<vmem>>
          %dma_start3A_219 = tpu.memref_squeeze %dma_start3A_218 : memref<1x112x128xf32, #tpu.memory_space<vmem>> -> memref<112x128xf32, #tpu.memory_space<vmem>>
          %dma_start3A_220 = arith.constant 0 : i32
          %dma_start3A_221 = tpu.memref_slice %arg12[%add3A_214, %dma_start3A_220] : memref<18x112xi32, #tpu.memory_space<vmem>> -> memref<1x112xi32, #tpu.memory_space<vmem>>
          %dma_start3A_222 = tpu.memref_squeeze %dma_start3A_221 : memref<1x112xi32, #tpu.memory_space<vmem>> -> memref<112xi32, #tpu.memory_space<vmem>>
          %dma_start3A_223 = arith.constant 0 : i32
          %dma_start3A_224 = arith.constant 0 : i32
          %dma_start3A_225 = tpu.memref_slice %arg14[%dma_start3A_223, %dma_start3A_224] : memref<10016x128xf32, #tpu.memory_space<vmem_shared>> -> memref<10016x128xf32, #tpu.memory_space<vmem_shared>>
          tpu.enqueue_indirect_dma source(%dma_start3A_219 : memref<112x128xf32, #tpu.memory_space<vmem>>) target(%dma_start3A_225 : memref<10016x128xf32, #tpu.memory_space<vmem_shared>>) offsets(%dma_start3A_222 : memref<112xi32, #tpu.memory_space<vmem>>) semaphore(%arg19 : memref<!tpu.dma_semaphore, #tpu.memory_space<semaphore_mem>>) {add = true}
          %add3A_226 = arith.constant 2 : i32
          %add3A_227 = arith.addi %mul3A_174, %add3A_226 : i32
          %dma_wait3A_228 = arith.constant 2 : i32
          %dma_wait3A_229 = arith.constant 0 : i32
          %dma_wait3A_230 = arith.constant 0 : i32
          %dma_wait3A_231 = tpu.memref_slice %arg13[%dma_wait3A_228, %dma_wait3A_229, %dma_wait3A_230] : memref<3x112x128xf32, #tpu.memory_space<vmem>> -> memref<1x112x128xf32, #tpu.memory_space<vmem>>
          %dma_wait3A_232 = tpu.memref_squeeze %dma_wait3A_231 : memref<1x112x128xf32, #tpu.memory_space<vmem>> -> memref<112x128xf32, #tpu.memory_space<vmem>>
          %dma_wait3A_233 = arith.constant 0 : i32
          %dma_wait3A_234 = tpu.memref_slice %arg11[%add3A_227, %dma_wait3A_233] : memref<18x112xi32, #tpu.memory_space<vmem>> -> memref<1x112xi32, #tpu.memory_space<vmem>>
          %dma_wait3A_235 = tpu.memref_squeeze %dma_wait3A_234 : memref<1x112xi32, #tpu.memory_space<vmem>> -> memref<112xi32, #tpu.memory_space<vmem>>
          %dma_wait3A_236 = arith.constant 0 : i32
          %dma_wait3A_237 = arith.constant 0 : i32
          %dma_wait3A_238 = tpu.memref_slice %arg3[%dma_wait3A_236, %dma_wait3A_237] : memref<10000x128xf32, #tpu.memory_space<hbm>> -> memref<10000x128xf32, #tpu.memory_space<hbm>>
          tpu.wait_indirect_dma semaphore(%arg17 : memref<!tpu.dma_semaphore, #tpu.memory_space<semaphore_mem>>) src(%dma_wait3A_238 : memref<10000x128xf32, #tpu.memory_space<hbm>>) dst(%dma_wait3A_232 : memref<112x128xf32, #tpu.memory_space<vmem>>)
          %add3A_239 = arith.constant 2 : i32
          %add3A_240 = arith.addi %mul3A_174, %add3A_239 : i32
          %dma_start3A_241 = arith.constant 2 : i32
          %dma_start3A_242 = arith.constant 0 : i32
          %dma_start3A_243 = arith.constant 0 : i32
          %dma_start3A_244 = tpu.memref_slice %arg13[%dma_start3A_241, %dma_start3A_242, %dma_start3A_243] : memref<3x112x128xf32, #tpu.memory_space<vmem>> -> memref<1x112x128xf32, #tpu.memory_space<vmem>>
          %dma_start3A_245 = tpu.memref_squeeze %dma_start3A_244 : memref<1x112x128xf32, #tpu.memory_space<vmem>> -> memref<112x128xf32, #tpu.memory_space<vmem>>
          %dma_start3A_246 = arith.constant 0 : i32
          %dma_start3A_247 = tpu.memref_slice %arg12[%add3A_240, %dma_start3A_246] : memref<18x112xi32, #tpu.memory_space<vmem>> -> memref<1x112xi32, #tpu.memory_space<vmem>>
          %dma_start3A_248 = tpu.memref_squeeze %dma_start3A_247 : memref<1x112xi32, #tpu.memory_space<vmem>> -> memref<112xi32, #tpu.memory_space<vmem>>
          %dma_start3A_249 = arith.constant 0 : i32
          %dma_start3A_250 = arith.constant 0 : i32
          %dma_start3A_251 = tpu.memref_slice %arg14[%dma_start3A_249, %dma_start3A_250] : memref<10016x128xf32, #tpu.memory_space<vmem_shared>> -> memref<10016x128xf32, #tpu.memory_space<vmem_shared>>
          tpu.enqueue_indirect_dma source(%dma_start3A_245 : memref<112x128xf32, #tpu.memory_space<vmem>>) target(%dma_start3A_251 : memref<10016x128xf32, #tpu.memory_space<vmem_shared>>) offsets(%dma_start3A_248 : memref<112xi32, #tpu.memory_space<vmem>>) semaphore(%arg20 : memref<!tpu.dma_semaphore, #tpu.memory_space<semaphore_mem>>) {add = true}
          %add3A_252 = arith.constant 0 : i32
          %add3A_253 = arith.addi %mul3A_174, %add3A_252 : i32
          %dma_wait3A_254 = arith.constant 0 : i32
          %dma_wait3A_255 = arith.constant 0 : i32
          %dma_wait3A_256 = arith.constant 0 : i32
          %dma_wait3A_257 = tpu.memref_slice %arg13[%dma_wait3A_254, %dma_wait3A_255, %dma_wait3A_256] : memref<3x112x128xf32, #tpu.memory_space<vmem>> -> memref<1x112x128xf32, #tpu.memory_space<vmem>>
          %dma_wait3A_258 = tpu.memref_squeeze %dma_wait3A_257 : memref<1x112x128xf32, #tpu.memory_space<vmem>> -> memref<112x128xf32, #tpu.memory_space<vmem>>
          %dma_wait3A_259 = arith.constant 0 : i32
          %dma_wait3A_260 = tpu.memref_slice %arg12[%add3A_253, %dma_wait3A_259] : memref<18x112xi32, #tpu.memory_space<vmem>> -> memref<1x112xi32, #tpu.memory_space<vmem>>
          %dma_wait3A_261 = tpu.memref_squeeze %dma_wait3A_260 : memref<1x112xi32, #tpu.memory_space<vmem>> -> memref<112xi32, #tpu.memory_space<vmem>>
          %dma_wait3A_262 = arith.constant 0 : i32
          %dma_wait3A_263 = arith.constant 0 : i32
          %dma_wait3A_264 = tpu.memref_slice %arg14[%dma_wait3A_262, %dma_wait3A_263] : memref<10016x128xf32, #tpu.memory_space<vmem_shared>> -> memref<10016x128xf32, #tpu.memory_space<vmem_shared>>
          tpu.wait_indirect_dma semaphore(%arg18 : memref<!tpu.dma_semaphore, #tpu.memory_space<semaphore_mem>>) src(%dma_wait3A_258 : memref<112x128xf32, #tpu.memory_space<vmem>>) dst(%dma_wait3A_264 : memref<10016x128xf32, #tpu.memory_space<vmem_shared>>)
          %add3A_265 = arith.constant 3 : i32
          %add3A_266 = arith.addi %mul3A_174, %add3A_265 : i32
          %add3A_267 = arith.constant 0 : i32
          %add3A_268 = arith.addi %add3A_266, %add3A_267 : i32
          %dma_start3A_269 = arith.constant 0 : i32
          %dma_start3A_270 = arith.constant 0 : i32
          %dma_start3A_271 = arith.constant 0 : i32
          %dma_start3A_272 = tpu.memref_slice %arg13[%dma_start3A_269, %dma_start3A_270, %dma_start3A_271] : memref<3x112x128xf32, #tpu.memory_space<vmem>> -> memref<1x112x128xf32, #tpu.memory_space<vmem>>
          %dma_start3A_273 = tpu.memref_squeeze %dma_start3A_272 : memref<1x112x128xf32, #tpu.memory_space<vmem>> -> memref<112x128xf32, #tpu.memory_space<vmem>>
          %dma_start3A_274 = arith.constant 0 : i32
          %dma_start3A_275 = tpu.memref_slice %arg11[%add3A_268, %dma_start3A_274] : memref<18x112xi32, #tpu.memory_space<vmem>> -> memref<1x112xi32, #tpu.memory_space<vmem>>
          %dma_start3A_276 = tpu.memref_squeeze %dma_start3A_275 : memref<1x112xi32, #tpu.memory_space<vmem>> -> memref<112xi32, #tpu.memory_space<vmem>>
          %dma_start3A_277 = arith.constant 0 : i32
          %dma_start3A_278 = arith.constant 0 : i32
          %dma_start3A_279 = tpu.memref_slice %arg3[%dma_start3A_277, %dma_start3A_278] : memref<10000x128xf32, #tpu.memory_space<hbm>> -> memref<10000x128xf32, #tpu.memory_space<hbm>>
          tpu.enqueue_indirect_dma source(%dma_start3A_279 : memref<10000x128xf32, #tpu.memory_space<hbm>>) target(%dma_start3A_273 : memref<112x128xf32, #tpu.memory_space<vmem>>) offsets(%dma_start3A_276 : memref<112xi32, #tpu.memory_space<vmem>>) semaphore(%arg15 : memref<!tpu.dma_semaphore, #tpu.memory_space<semaphore_mem>>)
          %add3A_280 = arith.constant 1 : i32
          %add3A_281 = arith.addi %mul3A_174, %add3A_280 : i32
          %dma_wait3A_282 = arith.constant 1 : i32
          %dma_wait3A_283 = arith.constant 0 : i32
          %dma_wait3A_284 = arith.constant 0 : i32
          %dma_wait3A_285 = tpu.memref_slice %arg13[%dma_wait3A_282, %dma_wait3A_283, %dma_wait3A_284] : memref<3x112x128xf32, #tpu.memory_space<vmem>> -> memref<1x112x128xf32, #tpu.memory_space<vmem>>
          %dma_wait3A_286 = tpu.memref_squeeze %dma_wait3A_285 : memref<1x112x128xf32, #tpu.memory_space<vmem>> -> memref<112x128xf32, #tpu.memory_space<vmem>>
          %dma_wait3A_287 = arith.constant 0 : i32
          %dma_wait3A_288 = tpu.memref_slice %arg12[%add3A_281, %dma_wait3A_287] : memref<18x112xi32, #tpu.memory_space<vmem>> -> memref<1x112xi32, #tpu.memory_space<vmem>>
          %dma_wait3A_289 = tpu.memref_squeeze %dma_wait3A_288 : memref<1x112xi32, #tpu.memory_space<vmem>> -> memref<112xi32, #tpu.memory_space<vmem>>
          %dma_wait3A_290 = arith.constant 0 : i32
          %dma_wait3A_291 = arith.constant 0 : i32
          %dma_wait3A_292 = tpu.memref_slice %arg14[%dma_wait3A_290, %dma_wait3A_291] : memref<10016x128xf32, #tpu.memory_space<vmem_shared>> -> memref<10016x128xf32, #tpu.memory_space<vmem_shared>>
          tpu.wait_indirect_dma semaphore(%arg19 : memref<!tpu.dma_semaphore, #tpu.memory_space<semaphore_mem>>) src(%dma_wait3A_286 : memref<112x128xf32, #tpu.memory_space<vmem>>) dst(%dma_wait3A_292 : memref<10016x128xf32, #tpu.memory_space<vmem_shared>>)
          %add3A_293 = arith.constant 3 : i32
          %add3A_294 = arith.addi %mul3A_174, %add3A_293 : i32
          %add3A_295 = arith.constant 1 : i32
          %add3A_296 = arith.addi %add3A_294, %add3A_295 : i32
          %dma_start3A_297 = arith.constant 1 : i32
          %dma_start3A_298 = arith.constant 0 : i32
          %dma_start3A_299 = arith.constant 0 : i32
          %dma_start3A_300 = tpu.memref_slice %arg13[%dma_start3A_297, %dma_start3A_298, %dma_start3A_299] : memref<3x112x128xf32, #tpu.memory_space<vmem>> -> memref<1x112x128xf32, #tpu.memory_space<vmem>>
          %dma_start3A_301 = tpu.memref_squeeze %dma_start3A_300 : memref<1x112x128xf32, #tpu.memory_space<vmem>> -> memref<112x128xf32, #tpu.memory_space<vmem>>
          %dma_start3A_302 = arith.constant 0 : i32
          %dma_start3A_303 = tpu.memref_slice %arg11[%add3A_296, %dma_start3A_302] : memref<18x112xi32, #tpu.memory_space<vmem>> -> memref<1x112xi32, #tpu.memory_space<vmem>>
          %dma_start3A_304 = tpu.memref_squeeze %dma_start3A_303 : memref<1x112xi32, #tpu.memory_space<vmem>> -> memref<112xi32, #tpu.memory_space<vmem>>
          %dma_start3A_305 = arith.constant 0 : i32
          %dma_start3A_306 = arith.constant 0 : i32
          %dma_start3A_307 = tpu.memref_slice %arg3[%dma_start3A_305, %dma_start3A_306] : memref<10000x128xf32, #tpu.memory_space<hbm>> -> memref<10000x128xf32, #tpu.memory_space<hbm>>
          tpu.enqueue_indirect_dma source(%dma_start3A_307 : memref<10000x128xf32, #tpu.memory_space<hbm>>) target(%dma_start3A_301 : memref<112x128xf32, #tpu.memory_space<vmem>>) offsets(%dma_start3A_304 : memref<112xi32, #tpu.memory_space<vmem>>) semaphore(%arg16 : memref<!tpu.dma_semaphore, #tpu.memory_space<semaphore_mem>>)
          %add3A_308 = arith.constant 2 : i32
          %add3A_309 = arith.addi %mul3A_174, %add3A_308 : i32
          %dma_wait3A_310 = arith.constant 2 : i32
          %dma_wait3A_311 = arith.constant 0 : i32
          %dma_wait3A_312 = arith.constant 0 : i32
          %dma_wait3A_313 = tpu.memref_slice %arg13[%dma_wait3A_310, %dma_wait3A_311, %dma_wait3A_312] : memref<3x112x128xf32, #tpu.memory_space<vmem>> -> memref<1x112x128xf32, #tpu.memory_space<vmem>>
          %dma_wait3A_314 = tpu.memref_squeeze %dma_wait3A_313 : memref<1x112x128xf32, #tpu.memory_space<vmem>> -> memref<112x128xf32, #tpu.memory_space<vmem>>
          %dma_wait3A_315 = arith.constant 0 : i32
          %dma_wait3A_316 = tpu.memref_slice %arg12[%add3A_309, %dma_wait3A_315] : memref<18x112xi32, #tpu.memory_space<vmem>> -> memref<1x112xi32, #tpu.memory_space<vmem>>
          %dma_wait3A_317 = tpu.memref_squeeze %dma_wait3A_316 : memref<1x112xi32, #tpu.memory_space<vmem>> -> memref<112xi32, #tpu.memory_space<vmem>>
          %dma_wait3A_318 = arith.constant 0 : i32
          %dma_wait3A_319 = arith.constant 0 : i32
          %dma_wait3A_320 = tpu.memref_slice %arg14[%dma_wait3A_318, %dma_wait3A_319] : memref<10016x128xf32, #tpu.memory_space<vmem_shared>> -> memref<10016x128xf32, #tpu.memory_space<vmem_shared>>
          tpu.wait_indirect_dma semaphore(%arg20 : memref<!tpu.dma_semaphore, #tpu.memory_space<semaphore_mem>>) src(%dma_wait3A_314 : memref<112x128xf32, #tpu.memory_space<vmem>>) dst(%dma_wait3A_320 : memref<10016x128xf32, #tpu.memory_space<vmem_shared>>)
          %add3A_321 = arith.constant 3 : i32
          %add3A_322 = arith.addi %mul3A_174, %add3A_321 : i32
          %add3A_323 = arith.constant 2 : i32
          %add3A_324 = arith.addi %add3A_322, %add3A_323 : i32
          %dma_start3A_325 = arith.constant 2 : i32
          %dma_start3A_326 = arith.constant 0 : i32
          %dma_start3A_327 = arith.constant 0 : i32
          %dma_start3A_328 = tpu.memref_slice %arg13[%dma_start3A_325, %dma_start3A_326, %dma_start3A_327] : memref<3x112x128xf32, #tpu.memory_space<vmem>> -> memref<1x112x128xf32, #tpu.memory_space<vmem>>
          %dma_start3A_329 = tpu.memref_squeeze %dma_start3A_328 : memref<1x112x128xf32, #tpu.memory_space<vmem>> -> memref<112x128xf32, #tpu.memory_space<vmem>>
          %dma_start3A_330 = arith.constant 0 : i32
          %dma_start3A_331 = tpu.memref_slice %arg11[%add3A_324, %dma_start3A_330] : memref<18x112xi32, #tpu.memory_space<vmem>> -> memref<1x112xi32, #tpu.memory_space<vmem>>
          %dma_start3A_332 = tpu.memref_squeeze %dma_start3A_331 : memref<1x112xi32, #tpu.memory_space<vmem>> -> memref<112xi32, #tpu.memory_space<vmem>>
          %dma_start3A_333 = arith.constant 0 : i32
          %dma_start3A_334 = arith.constant 0 : i32
          %dma_start3A_335 = tpu.memref_slice %arg3[%dma_start3A_333, %dma_start3A_334] : memref<10000x128xf32, #tpu.memory_space<hbm>> -> memref<10000x128xf32, #tpu.memory_space<hbm>>
          tpu.enqueue_indirect_dma source(%dma_start3A_335 : memref<10000x128xf32, #tpu.memory_space<hbm>>) target(%dma_start3A_329 : memref<112x128xf32, #tpu.memory_space<vmem>>) offsets(%dma_start3A_332 : memref<112xi32, #tpu.memory_space<vmem>>) semaphore(%arg17 : memref<!tpu.dma_semaphore, #tpu.memory_space<semaphore_mem>>)
        }
        %scan3A_64 = arith.constant 5 : i32
        %dma_wait3A = arith.constant 15 : i32
        %dma_wait3A_65 = arith.constant 0 : i32
        %dma_wait3A_66 = arith.constant 0 : i32
        %dma_wait3A_67 = arith.constant 0 : i32
        %dma_wait3A_68 = tpu.memref_slice %arg13[%dma_wait3A_65, %dma_wait3A_66, %dma_wait3A_67] : memref<3x112x128xf32, #tpu.memory_space<vmem>> -> memref<1x112x128xf32, #tpu.memory_space<vmem>>
        %dma_wait3A_69 = tpu.memref_squeeze %dma_wait3A_68 : memref<1x112x128xf32, #tpu.memory_space<vmem>> -> memref<112x128xf32, #tpu.memory_space<vmem>>
        %dma_wait3A_70 = arith.constant 0 : i32
        %dma_wait3A_71 = tpu.memref_slice %arg11[%dma_wait3A, %dma_wait3A_70] : memref<18x112xi32, #tpu.memory_space<vmem>> -> memref<1x112xi32, #tpu.memory_space<vmem>>
        %dma_wait3A_72 = tpu.memref_squeeze %dma_wait3A_71 : memref<1x112xi32, #tpu.memory_space<vmem>> -> memref<112xi32, #tpu.memory_space<vmem>>
        %dma_wait3A_73 = arith.constant 0 : i32
        %dma_wait3A_74 = arith.constant 0 : i32
        %dma_wait3A_75 = tpu.memref_slice %arg3[%dma_wait3A_73, %dma_wait3A_74] : memref<10000x128xf32, #tpu.memory_space<hbm>> -> memref<10000x128xf32, #tpu.memory_space<hbm>>
        tpu.wait_indirect_dma semaphore(%arg15 : memref<!tpu.dma_semaphore, #tpu.memory_space<semaphore_mem>>) src(%dma_wait3A_75 : memref<10000x128xf32, #tpu.memory_space<hbm>>) dst(%dma_wait3A_69 : memref<112x128xf32, #tpu.memory_space<vmem>>)
        %dma_start3A_76 = arith.constant 0 : i32
        %dma_start3A_77 = arith.constant 15 : i32
        %dma_start3A_78 = arith.constant 0 : i32
        %dma_start3A_79 = arith.constant 0 : i32
        %dma_start3A_80 = tpu.memref_slice %arg13[%dma_start3A_76, %dma_start3A_78, %dma_start3A_79] : memref<3x112x128xf32, #tpu.memory_space<vmem>> -> memref<1x112x128xf32, #tpu.memory_space<vmem>>
        %dma_start3A_81 = tpu.memref_squeeze %dma_start3A_80 : memref<1x112x128xf32, #tpu.memory_space<vmem>> -> memref<112x128xf32, #tpu.memory_space<vmem>>
        %dma_start3A_82 = arith.constant 0 : i32
        %dma_start3A_83 = tpu.memref_slice %arg12[%dma_start3A_77, %dma_start3A_82] : memref<18x112xi32, #tpu.memory_space<vmem>> -> memref<1x112xi32, #tpu.memory_space<vmem>>
        %dma_start3A_84 = tpu.memref_squeeze %dma_start3A_83 : memref<1x112xi32, #tpu.memory_space<vmem>> -> memref<112xi32, #tpu.memory_space<vmem>>
        %dma_start3A_85 = arith.constant 0 : i32
        %dma_start3A_86 = arith.constant 0 : i32
        %dma_start3A_87 = tpu.memref_slice %arg14[%dma_start3A_85, %dma_start3A_86] : memref<10016x128xf32, #tpu.memory_space<vmem_shared>> -> memref<10016x128xf32, #tpu.memory_space<vmem_shared>>
        tpu.enqueue_indirect_dma source(%dma_start3A_81 : memref<112x128xf32, #tpu.memory_space<vmem>>) target(%dma_start3A_87 : memref<10016x128xf32, #tpu.memory_space<vmem_shared>>) offsets(%dma_start3A_84 : memref<112xi32, #tpu.memory_space<vmem>>) semaphore(%arg18 : memref<!tpu.dma_semaphore, #tpu.memory_space<semaphore_mem>>) {add = true}
        %dma_wait3A_88 = arith.constant 16 : i32
        %dma_wait3A_89 = arith.constant 1 : i32
        %dma_wait3A_90 = arith.constant 0 : i32
        %dma_wait3A_91 = arith.constant 0 : i32
        %dma_wait3A_92 = tpu.memref_slice %arg13[%dma_wait3A_89, %dma_wait3A_90, %dma_wait3A_91] : memref<3x112x128xf32, #tpu.memory_space<vmem>> -> memref<1x112x128xf32, #tpu.memory_space<vmem>>
        %dma_wait3A_93 = tpu.memref_squeeze %dma_wait3A_92 : memref<1x112x128xf32, #tpu.memory_space<vmem>> -> memref<112x128xf32, #tpu.memory_space<vmem>>
        %dma_wait3A_94 = arith.constant 0 : i32
        %dma_wait3A_95 = tpu.memref_slice %arg11[%dma_wait3A_88, %dma_wait3A_94] : memref<18x112xi32, #tpu.memory_space<vmem>> -> memref<1x112xi32, #tpu.memory_space<vmem>>
        %dma_wait3A_96 = tpu.memref_squeeze %dma_wait3A_95 : memref<1x112xi32, #tpu.memory_space<vmem>> -> memref<112xi32, #tpu.memory_space<vmem>>
        %dma_wait3A_97 = arith.constant 0 : i32
        %dma_wait3A_98 = arith.constant 0 : i32
        %dma_wait3A_99 = tpu.memref_slice %arg3[%dma_wait3A_97, %dma_wait3A_98] : memref<10000x128xf32, #tpu.memory_space<hbm>> -> memref<10000x128xf32, #tpu.memory_space<hbm>>
        tpu.wait_indirect_dma semaphore(%arg16 : memref<!tpu.dma_semaphore, #tpu.memory_space<semaphore_mem>>) src(%dma_wait3A_99 : memref<10000x128xf32, #tpu.memory_space<hbm>>) dst(%dma_wait3A_93 : memref<112x128xf32, #tpu.memory_space<vmem>>)
        %dma_start3A_100 = arith.constant 1 : i32
        %dma_start3A_101 = arith.constant 16 : i32
        %dma_start3A_102 = arith.constant 0 : i32
        %dma_start3A_103 = arith.constant 0 : i32
        %dma_start3A_104 = tpu.memref_slice %arg13[%dma_start3A_100, %dma_start3A_102, %dma_start3A_103] : memref<3x112x128xf32, #tpu.memory_space<vmem>> -> memref<1x112x128xf32, #tpu.memory_space<vmem>>
        %dma_start3A_105 = tpu.memref_squeeze %dma_start3A_104 : memref<1x112x128xf32, #tpu.memory_space<vmem>> -> memref<112x128xf32, #tpu.memory_space<vmem>>
        %dma_start3A_106 = arith.constant 0 : i32
        %dma_start3A_107 = tpu.memref_slice %arg12[%dma_start3A_101, %dma_start3A_106] : memref<18x112xi32, #tpu.memory_space<vmem>> -> memref<1x112xi32, #tpu.memory_space<vmem>>
        %dma_start3A_108 = tpu.memref_squeeze %dma_start3A_107 : memref<1x112xi32, #tpu.memory_space<vmem>> -> memref<112xi32, #tpu.memory_space<vmem>>
        %dma_start3A_109 = arith.constant 0 : i32
        %dma_start3A_110 = arith.constant 0 : i32
        %dma_start3A_111 = tpu.memref_slice %arg14[%dma_start3A_109, %dma_start3A_110] : memref<10016x128xf32, #tpu.memory_space<vmem_shared>> -> memref<10016x128xf32, #tpu.memory_space<vmem_shared>>
        tpu.enqueue_indirect_dma source(%dma_start3A_105 : memref<112x128xf32, #tpu.memory_space<vmem>>) target(%dma_start3A_111 : memref<10016x128xf32, #tpu.memory_space<vmem_shared>>) offsets(%dma_start3A_108 : memref<112xi32, #tpu.memory_space<vmem>>) semaphore(%arg19 : memref<!tpu.dma_semaphore, #tpu.memory_space<semaphore_mem>>) {add = true}
        %dma_wait3A_112 = arith.constant 17 : i32
        %dma_wait3A_113 = arith.constant 2 : i32
        %dma_wait3A_114 = arith.constant 0 : i32
        %dma_wait3A_115 = arith.constant 0 : i32
        %dma_wait3A_116 = tpu.memref_slice %arg13[%dma_wait3A_113, %dma_wait3A_114, %dma_wait3A_115] : memref<3x112x128xf32, #tpu.memory_space<vmem>> -> memref<1x112x128xf32, #tpu.memory_space<vmem>>
        %dma_wait3A_117 = tpu.memref_squeeze %dma_wait3A_116 : memref<1x112x128xf32, #tpu.memory_space<vmem>> -> memref<112x128xf32, #tpu.memory_space<vmem>>
        %dma_wait3A_118 = arith.constant 0 : i32
        %dma_wait3A_119 = tpu.memref_slice %arg11[%dma_wait3A_112, %dma_wait3A_118] : memref<18x112xi32, #tpu.memory_space<vmem>> -> memref<1x112xi32, #tpu.memory_space<vmem>>
        %dma_wait3A_120 = tpu.memref_squeeze %dma_wait3A_119 : memref<1x112xi32, #tpu.memory_space<vmem>> -> memref<112xi32, #tpu.memory_space<vmem>>
        %dma_wait3A_121 = arith.constant 0 : i32
        %dma_wait3A_122 = arith.constant 0 : i32
        %dma_wait3A_123 = tpu.memref_slice %arg3[%dma_wait3A_121, %dma_wait3A_122] : memref<10000x128xf32, #tpu.memory_space<hbm>> -> memref<10000x128xf32, #tpu.memory_space<hbm>>
        tpu.wait_indirect_dma semaphore(%arg17 : memref<!tpu.dma_semaphore, #tpu.memory_space<semaphore_mem>>) src(%dma_wait3A_123 : memref<10000x128xf32, #tpu.memory_space<hbm>>) dst(%dma_wait3A_117 : memref<112x128xf32, #tpu.memory_space<vmem>>)
        %dma_start3A_124 = arith.constant 2 : i32
        %dma_start3A_125 = arith.constant 17 : i32
        %dma_start3A_126 = arith.constant 0 : i32
        %dma_start3A_127 = arith.constant 0 : i32
        %dma_start3A_128 = tpu.memref_slice %arg13[%dma_start3A_124, %dma_start3A_126, %dma_start3A_127] : memref<3x112x128xf32, #tpu.memory_space<vmem>> -> memref<1x112x128xf32, #tpu.memory_space<vmem>>
        %dma_start3A_129 = tpu.memref_squeeze %dma_start3A_128 : memref<1x112x128xf32, #tpu.memory_space<vmem>> -> memref<112x128xf32, #tpu.memory_space<vmem>>
        %dma_start3A_130 = arith.constant 0 : i32
        %dma_start3A_131 = tpu.memref_slice %arg12[%dma_start3A_125, %dma_start3A_130] : memref<18x112xi32, #tpu.memory_space<vmem>> -> memref<1x112xi32, #tpu.memory_space<vmem>>
        %dma_start3A_132 = tpu.memref_squeeze %dma_start3A_131 : memref<1x112xi32, #tpu.memory_space<vmem>> -> memref<112xi32, #tpu.memory_space<vmem>>
        %dma_start3A_133 = arith.constant 0 : i32
        %dma_start3A_134 = arith.constant 0 : i32
        %dma_start3A_135 = tpu.memref_slice %arg14[%dma_start3A_133, %dma_start3A_134] : memref<10016x128xf32, #tpu.memory_space<vmem_shared>> -> memref<10016x128xf32, #tpu.memory_space<vmem_shared>>
        tpu.enqueue_indirect_dma source(%dma_start3A_129 : memref<112x128xf32, #tpu.memory_space<vmem>>) target(%dma_start3A_135 : memref<10016x128xf32, #tpu.memory_space<vmem_shared>>) offsets(%dma_start3A_132 : memref<112xi32, #tpu.memory_space<vmem>>) semaphore(%arg20 : memref<!tpu.dma_semaphore, #tpu.memory_space<semaphore_mem>>) {add = true}
        %dma_wait3A_136 = arith.constant 0 : i32
        %dma_wait3A_137 = arith.constant 15 : i32
        %dma_wait3A_138 = arith.constant 0 : i32
        %dma_wait3A_139 = arith.constant 0 : i32
        %dma_wait3A_140 = tpu.memref_slice %arg13[%dma_wait3A_136, %dma_wait3A_138, %dma_wait3A_139] : memref<3x112x128xf32, #tpu.memory_space<vmem>> -> memref<1x112x128xf32, #tpu.memory_space<vmem>>
        %dma_wait3A_141 = tpu.memref_squeeze %dma_wait3A_140 : memref<1x112x128xf32, #tpu.memory_space<vmem>> -> memref<112x128xf32, #tpu.memory_space<vmem>>
        %dma_wait3A_142 = arith.constant 0 : i32
        %dma_wait3A_143 = tpu.memref_slice %arg12[%dma_wait3A_137, %dma_wait3A_142] : memref<18x112xi32, #tpu.memory_space<vmem>> -> memref<1x112xi32, #tpu.memory_space<vmem>>
        %dma_wait3A_144 = tpu.memref_squeeze %dma_wait3A_143 : memref<1x112xi32, #tpu.memory_space<vmem>> -> memref<112xi32, #tpu.memory_space<vmem>>
        %dma_wait3A_145 = arith.constant 0 : i32
        %dma_wait3A_146 = arith.constant 0 : i32
        %dma_wait3A_147 = tpu.memref_slice %arg14[%dma_wait3A_145, %dma_wait3A_146] : memref<10016x128xf32, #tpu.memory_space<vmem_shared>> -> memref<10016x128xf32, #tpu.memory_space<vmem_shared>>
        tpu.wait_indirect_dma semaphore(%arg18 : memref<!tpu.dma_semaphore, #tpu.memory_space<semaphore_mem>>) src(%dma_wait3A_141 : memref<112x128xf32, #tpu.memory_space<vmem>>) dst(%dma_wait3A_147 : memref<10016x128xf32, #tpu.memory_space<vmem_shared>>)
        %dma_wait3A_148 = arith.constant 1 : i32
        %dma_wait3A_149 = arith.constant 16 : i32
        %dma_wait3A_150 = arith.constant 0 : i32
        %dma_wait3A_151 = arith.constant 0 : i32
        %dma_wait3A_152 = tpu.memref_slice %arg13[%dma_wait3A_148, %dma_wait3A_150, %dma_wait3A_151] : memref<3x112x128xf32, #tpu.memory_space<vmem>> -> memref<1x112x128xf32, #tpu.memory_space<vmem>>
        %dma_wait3A_153 = tpu.memref_squeeze %dma_wait3A_152 : memref<1x112x128xf32, #tpu.memory_space<vmem>> -> memref<112x128xf32, #tpu.memory_space<vmem>>
        %dma_wait3A_154 = arith.constant 0 : i32
        %dma_wait3A_155 = tpu.memref_slice %arg12[%dma_wait3A_149, %dma_wait3A_154] : memref<18x112xi32, #tpu.memory_space<vmem>> -> memref<1x112xi32, #tpu.memory_space<vmem>>
        %dma_wait3A_156 = tpu.memref_squeeze %dma_wait3A_155 : memref<1x112xi32, #tpu.memory_space<vmem>> -> memref<112xi32, #tpu.memory_space<vmem>>
        %dma_wait3A_157 = arith.constant 0 : i32
        %dma_wait3A_158 = arith.constant 0 : i32
        %dma_wait3A_159 = tpu.memref_slice %arg14[%dma_wait3A_157, %dma_wait3A_158] : memref<10016x128xf32, #tpu.memory_space<vmem_shared>> -> memref<10016x128xf32, #tpu.memory_space<vmem_shared>>
        tpu.wait_indirect_dma semaphore(%arg19 : memref<!tpu.dma_semaphore, #tpu.memory_space<semaphore_mem>>) src(%dma_wait3A_153 : memref<112x128xf32, #tpu.memory_space<vmem>>) dst(%dma_wait3A_159 : memref<10016x128xf32, #tpu.memory_space<vmem_shared>>)
        %dma_wait3A_160 = arith.constant 2 : i32
        %dma_wait3A_161 = arith.constant 17 : i32
        %dma_wait3A_162 = arith.constant 0 : i32
        %dma_wait3A_163 = arith.constant 0 : i32
        %dma_wait3A_164 = tpu.memref_slice %arg13[%dma_wait3A_160, %dma_wait3A_162, %dma_wait3A_163] : memref<3x112x128xf32, #tpu.memory_space<vmem>> -> memref<1x112x128xf32, #tpu.memory_space<vmem>>
        %dma_wait3A_165 = tpu.memref_squeeze %dma_wait3A_164 : memref<1x112x128xf32, #tpu.memory_space<vmem>> -> memref<112x128xf32, #tpu.memory_space<vmem>>
        %dma_wait3A_166 = arith.constant 0 : i32
        %dma_wait3A_167 = tpu.memref_slice %arg12[%dma_wait3A_161, %dma_wait3A_166] : memref<18x112xi32, #tpu.memory_space<vmem>> -> memref<1x112xi32, #tpu.memory_space<vmem>>
        %dma_wait3A_168 = tpu.memref_squeeze %dma_wait3A_167 : memref<1x112xi32, #tpu.memory_space<vmem>> -> memref<112xi32, #tpu.memory_space<vmem>>
        %dma_wait3A_169 = arith.constant 0 : i32
        %dma_wait3A_170 = arith.constant 0 : i32
        %dma_wait3A_171 = tpu.memref_slice %arg14[%dma_wait3A_169, %dma_wait3A_170] : memref<10016x128xf32, #tpu.memory_space<vmem_shared>> -> memref<10016x128xf32, #tpu.memory_space<vmem_shared>>
        tpu.wait_indirect_dma semaphore(%arg20 : memref<!tpu.dma_semaphore, #tpu.memory_space<semaphore_mem>>) src(%dma_wait3A_165 : memref<112x128xf32, #tpu.memory_space<vmem>>) dst(%dma_wait3A_171 : memref<10016x128xf32, #tpu.memory_space<vmem_shared>>)
      }
      %scan3A_12 = arith.constant 10 : i32
      %barrier3A_13 = arith.constant 0 : index
      tpu.barrier barrier_id(%barrier3A_13)
      %mul3A_14 = arith.constant 624 : i32
      %mul3A_15 = arith.muli %arg1, %mul3A_14 : i32
      %mul3A_16 = arith.constant 624 : i32
      %mul3A_17 = arith.muli %arg1, %mul3A_16 : i32
      "tpu.region"() ({
        %run_scoped3A = tpu.sem_alloc : memref<!tpu.dma_semaphore, #tpu.memory_space<semaphore_mem>>
        %dma_start3A = arith.constant 0 : i32
        %dma_start3A_23 = tpu.memref_slice %arg10[%mul3A_17, %dma_start3A] : memref<10000x128xf32, #tpu.memory_space<hbm>> -> memref<624x128xf32, #tpu.memory_space<hbm>>
        %dma_start3A_24 = arith.constant 0 : i32
        %dma_start3A_25 = tpu.memref_slice %arg14[%mul3A_15, %dma_start3A_24] : memref<10016x128xf32, #tpu.memory_space<vmem_shared>> -> memref<624x128xf32, #tpu.memory_space<vmem_shared>>
        tpu.enqueue_dma source(%dma_start3A_25 : memref<624x128xf32, #tpu.memory_space<vmem_shared>>) target(%dma_start3A_23 : memref<624x128xf32, #tpu.memory_space<hbm>>) target_semaphore(%run_scoped3A : memref<!tpu.dma_semaphore, #tpu.memory_space<semaphore_mem>>)
        %dma_wait3A = arith.constant 0 : i32
        %dma_wait3A_26 = tpu.memref_slice %arg10[%mul3A_17, %dma_wait3A] : memref<10000x128xf32, #tpu.memory_space<hbm>> -> memref<624x128xf32, #tpu.memory_space<hbm>>
        %dma_wait3A_27 = arith.constant 0 : i32
        %dma_wait3A_28 = tpu.memref_slice %arg14[%mul3A_15, %dma_wait3A_27] : memref<10016x128xf32, #tpu.memory_space<vmem_shared>> -> memref<624x128xf32, #tpu.memory_space<vmem_shared>>
        tpu.wait_dma2 semaphore(%run_scoped3A : memref<!tpu.dma_semaphore, #tpu.memory_space<semaphore_mem>>) src(%dma_wait3A_28 : memref<624x128xf32, #tpu.memory_space<vmem_shared>>) dst(%dma_wait3A_26 : memref<624x128xf32, #tpu.memory_space<hbm>>)
        tpu.yield
      }) : () -> ()
      %eq3A_18 = arith.constant 0 : i32
      %eq3A_19 = arith.cmpi eq, %arg1, %eq3A_18 : i32
      %convert_element_type3A_20 = arith.extui %eq3A_19 : i1 to i32
      %cond3A_21 = arith.constant 0 : i32
      %cond3A_22 = arith.cmpi ne, %convert_element_type3A_20, %cond3A_21 : i32
      scf.if %cond3A_22 {
        "tpu.region"() ({
          %run_scoped3A = tpu.sem_alloc : memref<!tpu.dma_semaphore, #tpu.memory_space<semaphore_mem>>
          %dma_start3A = arith.constant 9984 : i32
          %dma_start3A_23 = arith.constant 0 : i32
          %dma_start3A_24 = tpu.memref_slice %arg10[%dma_start3A, %dma_start3A_23] : memref<10000x128xf32, #tpu.memory_space<hbm>> -> memref<16x128xf32, #tpu.memory_space<hbm>>
          %dma_start3A_25 = arith.constant 9984 : i32
          %dma_start3A_26 = arith.constant 0 : i32
          %dma_start3A_27 = tpu.memref_slice %arg14[%dma_start3A_25, %dma_start3A_26] : memref<10016x128xf32, #tpu.memory_space<vmem_shared>> -> memref<16x128xf32, #tpu.memory_space<vmem_shared>>
          tpu.enqueue_dma source(%dma_start3A_27 : memref<16x128xf32, #tpu.memory_space<vmem_shared>>) target(%dma_start3A_24 : memref<16x128xf32, #tpu.memory_space<hbm>>) target_semaphore(%run_scoped3A : memref<!tpu.dma_semaphore, #tpu.memory_space<semaphore_mem>>)
          %dma_wait3A = arith.constant 9984 : i32
          %dma_wait3A_28 = arith.constant 0 : i32
          %dma_wait3A_29 = tpu.memref_slice %arg10[%dma_wait3A, %dma_wait3A_28] : memref<10000x128xf32, #tpu.memory_space<hbm>> -> memref<16x128xf32, #tpu.memory_space<hbm>>
          %dma_wait3A_30 = arith.constant 9984 : i32
          %dma_wait3A_31 = arith.constant 0 : i32
          %dma_wait3A_32 = tpu.memref_slice %arg14[%dma_wait3A_30, %dma_wait3A_31] : memref<10016x128xf32, #tpu.memory_space<vmem_shared>> -> memref<16x128xf32, #tpu.memory_space<vmem_shared>>
          tpu.wait_dma2 semaphore(%run_scoped3A : memref<!tpu.dma_semaphore, #tpu.memory_space<semaphore_mem>>) src(%dma_wait3A_32 : memref<16x128xf32, #tpu.memory_space<vmem_shared>>) dst(%dma_wait3A_29 : memref<16x128xf32, #tpu.memory_space<hbm>>)
          tpu.yield
        }) : () -> ()
      } else {
      }
    } else {
    }
    return
  }
}

module attributes {stable_mosaic.version = 14 : i64} {
  func.func @body(%arg0: i32, %arg1: memref<1x1x1920xi32, #tpu.memory_space<vmem>>, %arg2: memref<80x128xf32, #tpu.memory_space<vmem>>) attributes {dimension_semantics = [#tpu.dimension_semantics<arbitrary>], iteration_bounds = array<i64: 168>, scalar_prefetch = 0 : i64, scratch_operands = 0 : i64, tpu.core_type = #tpu.core_type<tc>, window_params = [{transform_indices = @transform_0, window_bounds = array<i64: 1, 1, 1920>}, {pipeline_mode = #tpu.pipeline_mode<synchronous>, transform_indices = @transform_1, window_bounds = array<i64: 80, 128>}]} {
    %eq3A = arith.constant 0 : i32
    %eq3A_0 = arith.cmpi eq, %arg0, %eq3A : i32
    %convert_element_type3A = arith.extui %eq3A_0 : i1 to i32
    %cond3A = arith.constant 0 : i32
    %cond3A_1 = arith.cmpi ne, %convert_element_type3A, %cond3A : i32
    scf.if %cond3A_1 {
      %broadcast_in_dim3A_33 = arith.constant 0.000000e+00 : f32
      %broadcast_in_dim3A_34 = vector.broadcast %broadcast_in_dim3A_33 : f32 to vector<80x128xf32>
      %swap3A_35 = arith.constant 0 : index
      %swap3A_36 = arith.constant 0 : index
      %swap3A_37 = vector.load %arg2[%swap3A_35, %swap3A_36] : memref<80x128xf32, #tpu.memory_space<vmem>>, vector<80x128xf32>
      tpu.vector_store %arg2[%swap3A_35, %swap3A_36], %broadcast_in_dim3A_34 {strides = array<i32>} : memref<80x128xf32, #tpu.memory_space<vmem>>, vector<80x128xf32>,
    } else {
    }
    %get3A = arith.constant 0 : index
    %get3A_2 = arith.constant 0 : index
    %get3A_3 = arith.constant 0 : index
    %get3A_4 = vector.load %arg1[%get3A, %get3A_2, %get3A_3] : memref<1x1x1920xi32, #tpu.memory_space<vmem>>, vector<1x1x1920xi32>
    %get3A_5 = vector.shape_cast %get3A_4 : vector<1x1x1920xi32> to vector<1x1920xi32>
    %shift_right_arithmetic3A = arith.constant 7 : i32
    %shift_right_arithmetic3A_6 = vector.broadcast %shift_right_arithmetic3A : i32 to vector<1x1920xi32>
    %shift_right_arithmetic3A_7 = arith.shrsi %get3A_5, %shift_right_arithmetic3A_6 : vector<1x1920xi32>
    %get3A_8 = arith.constant 0 : index
    %get3A_9 = arith.constant 0 : index
    %get3A_10 = arith.constant 0 : index
    %get3A_11 = vector.load %arg1[%get3A_8, %get3A_9, %get3A_10] : memref<1x1x1920xi32, #tpu.memory_space<vmem>>, vector<1x1x1920xi32>
    %get3A_12 = vector.shape_cast %get3A_11 : vector<1x1x1920xi32> to vector<1x1920xi32>
    %and3A = arith.constant 127 : i32
    %and3A_13 = vector.broadcast %and3A : i32 to vector<1x1920xi32>
    %and3A_14 = arith.andi %get3A_12, %and3A_13 : vector<1x1920xi32>
    %iota3A = tpu.iota {dimensions = array<i32: 0>} : vector<80x1920xi32>
    %broadcast_in_dim3A = vector.shape_cast %shift_right_arithmetic3A_7 : vector<1x1920xi32> to vector<1x1920xi32>
    %broadcast_in_dim3A_15 = vector.broadcast %broadcast_in_dim3A : vector<1x1920xi32> to vector<80x1920xi32>
    %eq3A_16 = arith.cmpi eq, %iota3A, %broadcast_in_dim3A_15 : vector<80x1920xi32>
    %convert_element_type3A_17 = arith.extui %eq3A_16 : vector<80x1920xi1> to vector<80x1920xi32>
    %convert_element_type3A_18 = arith.sitofp %convert_element_type3A_17 : vector<80x1920xi32> to vector<80x1920xf32>
    %convert_element_type3A_19 = arith.truncf %convert_element_type3A_18 : vector<80x1920xf32> to vector<80x1920xbf16>
    %iota3A_20 = tpu.iota {dimensions = array<i32: 0>} : vector<128x1920xi32>
    %broadcast_in_dim3A_21 = vector.shape_cast %and3A_14 : vector<1x1920xi32> to vector<1x1920xi32>
    %broadcast_in_dim3A_22 = vector.broadcast %broadcast_in_dim3A_21 : vector<1x1920xi32> to vector<128x1920xi32>
    %eq3A_23 = arith.cmpi eq, %iota3A_20, %broadcast_in_dim3A_22 : vector<128x1920xi32>
    %convert_element_type3A_24 = arith.extui %eq3A_23 : vector<128x1920xi1> to vector<128x1920xi32>
    %convert_element_type3A_25 = arith.sitofp %convert_element_type3A_24 : vector<128x1920xi32> to vector<128x1920xf32>
    %convert_element_type3A_26 = arith.truncf %convert_element_type3A_25 : vector<128x1920xf32> to vector<128x1920xbf16>
    %get3A_27 = arith.constant 0 : index
    %get3A_28 = arith.constant 0 : index
    %get3A_29 = vector.load %arg2[%get3A_27, %get3A_28] : memref<80x128xf32, #tpu.memory_space<vmem>>, vector<80x128xf32>
    %dot_general3A = arith.constant dense<0.000000e+00> : vector<80x128xf32>
    %dot_general3A_30 = tpu.matmul %convert_element_type3A_19, %convert_element_type3A_26, %dot_general3A {dimension_numbers = #tpu.dot_dimension_numbers<[1], [1], [0], [0], [0, 0, 1, 0], [], []>, transpose_lhs_hint = false} : vector<80x1920xbf16>, vector<128x1920xbf16>, vector<80x128xf32> -> vector<80x128xf32>
    %add3A = arith.addf %get3A_29, %dot_general3A_30 : vector<80x128xf32>
    %swap3A = arith.constant 0 : index
    %swap3A_31 = arith.constant 0 : index
    %swap3A_32 = vector.load %arg2[%swap3A, %swap3A_31] : memref<80x128xf32, #tpu.memory_space<vmem>>, vector<80x128xf32>
    tpu.vector_store %arg2[%swap3A, %swap3A_31], %add3A {strides = array<i32>} : memref<80x128xf32, #tpu.memory_space<vmem>>, vector<80x128xf32>,
    return
  }
  func.func @transform_0(%arg0: i32) -> (i32, i32, i32) {
    %c0_i32 = arith.constant 0 : i32
    %c0_i32_0 = arith.constant 0 : i32
    %c0_i32_1 = arith.constant 0 : i32
    return %arg0, %c0_i32, %c0_i32_0 : i32, i32, i32
  }
  func.func @transform_1(%arg0: i32) -> (i32, i32) {
    %c0_i32 = arith.constant 0 : i32
    %c0_i32_0 = arith.constant 0 : i32
    %c0_i32_1 = arith.constant 0 : i32
    return %c0_i32, %c0_i32_0 : i32, i32
  }
}

module attributes {stable_mosaic.version = 14 : i64} {
  func.func @body(%arg0: i32, %arg1: memref<1000x128xf32, #tpu.memory_space<vmem>>, %arg2: memref<1000x1xf32, #tpu.memory_space<vmem>>, %arg3: memref<128x128xf32, #tpu.memory_space<vmem>>, %arg4: memref<1000x128xf32, #tpu.memory_space<vmem>>, %arg5: memref<1000x1xf32, #tpu.memory_space<vmem>>) attributes {dimension_semantics = [#tpu.dimension_semantics<arbitrary>], iteration_bounds = array<i64: 10>, scalar_prefetch = 0 : i64, scratch_operands = 0 : i64, tpu.core_type = #tpu.core_type<tc>, window_params = [{transform_indices = @transform_0, window_bounds = array<i64: 1000, 128>}, {transform_indices = @transform_1, window_bounds = array<i64: 1000, 1>}, {pipeline_mode = #tpu.pipeline_mode<synchronous>, transform_indices = @transform_2, window_bounds = array<i64: 128, 128>}, {transform_indices = @transform_3, window_bounds = array<i64: 1000, 128>}, {transform_indices = @transform_4, window_bounds = array<i64: 1000, 1>}]} {
    %get3A = arith.constant 0 : index
    %get3A_0 = arith.constant 0 : index
    %get3A_1 = vector.load %arg2[%get3A, %get3A_0] : memref<1000x1xf32, #tpu.memory_space<vmem>>, vector<1000x1xf32>
    %max3A = arith.constant 1.000000e+00 : f32
    %max3A_2 = vector.broadcast %max3A : f32 to vector<1000x1xf32>
    %max3A_3 = arith.maximumf %get3A_1, %max3A_2 : vector<1000x1xf32>
    %div3A = arith.constant 1.000000e+00 : f32
    %div3A_4 = vector.broadcast %div3A : f32 to vector<1000x1xf32>
    %div3A_5 = arith.divf %div3A_4, %max3A_3 : vector<1000x1xf32>
    %get3A_6 = arith.constant 0 : index
    %get3A_7 = arith.constant 0 : index
    %get3A_8 = vector.load %arg1[%get3A_6, %get3A_7] : memref<1000x128xf32, #tpu.memory_space<vmem>>, vector<1000x128xf32>
    %mul3A = vector.broadcast %div3A_5 : vector<1000x1xf32> to vector<1000x128xf32>
    %mul3A_9 = arith.mulf %get3A_8, %mul3A : vector<1000x128xf32>
    %get3A_10 = arith.constant 0 : index
    %get3A_11 = arith.constant 0 : index
    %get3A_12 = vector.load %arg3[%get3A_10, %get3A_11] : memref<128x128xf32, #tpu.memory_space<vmem>>, vector<128x128xf32>
    %dot_general3A = arith.constant dense<0.000000e+00> : vector<1000x128xf32>
    %dot_general3A_13 = tpu.matmul %mul3A_9, %get3A_12, %dot_general3A {dimension_numbers = #tpu.dot_dimension_numbers<[1], [0], [0], [1], [0, 0, 1, 1], [], []>, transpose_lhs_hint = false} : vector<1000x128xf32>, vector<128x128xf32>, vector<1000x128xf32> -> vector<1000x128xf32>
    %max3A_14 = arith.constant 0.000000e+00 : f32
    %max3A_15 = vector.broadcast %max3A_14 : f32 to vector<1000x128xf32>
    %max3A_16 = arith.maximumf %dot_general3A_13, %max3A_15 : vector<1000x128xf32>
    %swap3A = arith.constant 0 : index
    %swap3A_17 = arith.constant 0 : index
    %swap3A_18 = vector.load %arg4[%swap3A, %swap3A_17] : memref<1000x128xf32, #tpu.memory_space<vmem>>, vector<1000x128xf32>
    tpu.vector_store %arg4[%swap3A, %swap3A_17], %max3A_16 {strides = array<i32>} : memref<1000x128xf32, #tpu.memory_space<vmem>>, vector<1000x128xf32>,
    %swap3A_19 = arith.constant 0 : index
    %swap3A_20 = arith.constant 0 : index
    %swap3A_21 = vector.load %arg5[%swap3A_19, %swap3A_20] : memref<1000x1xf32, #tpu.memory_space<vmem>>, vector<1000x1xf32>
    tpu.vector_store %arg5[%swap3A_19, %swap3A_20], %div3A_5 {strides = array<i32>} : memref<1000x1xf32, #tpu.memory_space<vmem>>, vector<1000x1xf32>,
    return
  }
  func.func @transform_0(%arg0: i32) -> (i32, i32) {
    %c0_i32 = arith.constant 0 : i32
    %c0_i32_0 = arith.constant 0 : i32
    return %arg0, %c0_i32 : i32, i32
  }
  func.func @transform_1(%arg0: i32) -> (i32, i32) {
    %c0_i32 = arith.constant 0 : i32
    %c0_i32_0 = arith.constant 0 : i32
    return %arg0, %c0_i32 : i32, i32
  }
  func.func @transform_2(%arg0: i32) -> (i32, i32) {
    %c0_i32 = arith.constant 0 : i32
    %c0_i32_0 = arith.constant 0 : i32
    %c0_i32_1 = arith.constant 0 : i32
    return %c0_i32, %c0_i32_0 : i32, i32
  }
  func.func @transform_3(%arg0: i32) -> (i32, i32) {
    %c0_i32 = arith.constant 0 : i32
    %c0_i32_0 = arith.constant 0 : i32
    return %arg0, %c0_i32 : i32, i32
  }
  func.func @transform_4(%arg0: i32) -> (i32, i32) {
    %c0_i32 = arith.constant 0 : i32
    %c0_i32_0 = arith.constant 0 : i32
    return %arg0, %c0_i32 : i32, i32
  }
}

module attributes {stable_mosaic.version = 14 : i64} {
  func.func @body(%arg0: i32, %arg1: memref<1000x128xf32, #tpu.memory_space<vmem>>, %arg2: memref<1000x1xf32, #tpu.memory_space<vmem>>, %arg3: memref<1000x128xf32, #tpu.memory_space<vmem>>, %arg4: memref<128x128xf32, #tpu.memory_space<vmem>>, %arg5: memref<128x128xf32, #tpu.memory_space<vmem>>, %arg6: memref<128x128xf32, #tpu.memory_space<vmem>>, %arg7: memref<1x128xf32, #tpu.memory_space<vmem>>, %arg8: memref<1000x128xf32, #tpu.memory_space<vmem>>) attributes {dimension_semantics = [#tpu.dimension_semantics<arbitrary>], iteration_bounds = array<i64: 10>, scalar_prefetch = 0 : i64, scratch_operands = 0 : i64, tpu.core_type = #tpu.core_type<tc>, window_params = [{transform_indices = @transform_0, window_bounds = array<i64: 1000, 128>}, {transform_indices = @transform_1, window_bounds = array<i64: 1000, 1>}, {transform_indices = @transform_2, window_bounds = array<i64: 1000, 128>}, {pipeline_mode = #tpu.pipeline_mode<synchronous>, transform_indices = @transform_3, window_bounds = array<i64: 128, 128>}, {pipeline_mode = #tpu.pipeline_mode<synchronous>, transform_indices = @transform_4, window_bounds = array<i64: 128, 128>}, {pipeline_mode = #tpu.pipeline_mode<synchronous>, transform_indices = @transform_5, window_bounds = array<i64: 128, 128>}, {pipeline_mode = #tpu.pipeline_mode<synchronous>, transform_indices = @transform_6, window_bounds = array<i64: 1, 128>}, {transform_indices = @transform_7, window_bounds = array<i64: 1000, 128>}]} {
    %get3A = arith.constant 0 : index
    %get3A_0 = arith.constant 0 : index
    %get3A_1 = vector.load %arg1[%get3A, %get3A_0] : memref<1000x128xf32, #tpu.memory_space<vmem>>, vector<1000x128xf32>
    %get3A_2 = arith.constant 0 : index
    %get3A_3 = arith.constant 0 : index
    %get3A_4 = vector.load %arg2[%get3A_2, %get3A_3] : memref<1000x1xf32, #tpu.memory_space<vmem>>, vector<1000x1xf32>
    %mul3A = vector.broadcast %get3A_4 : vector<1000x1xf32> to vector<1000x128xf32>
    %mul3A_5 = arith.mulf %get3A_1, %mul3A : vector<1000x128xf32>
    %get3A_6 = arith.constant 0 : index
    %get3A_7 = arith.constant 0 : index
    %get3A_8 = vector.load %arg4[%get3A_6, %get3A_7] : memref<128x128xf32, #tpu.memory_space<vmem>>, vector<128x128xf32>
    %dot_general3A = arith.constant dense<0.000000e+00> : vector<1000x128xf32>
    %dot_general3A_9 = tpu.matmul %mul3A_5, %get3A_8, %dot_general3A {dimension_numbers = #tpu.dot_dimension_numbers<[1], [0], [0], [1], [0, 0, 1, 1], [], []>, transpose_lhs_hint = false} : vector<1000x128xf32>, vector<128x128xf32>, vector<1000x128xf32> -> vector<1000x128xf32>
    %max3A = arith.constant 0.000000e+00 : f32
    %max3A_10 = vector.broadcast %max3A : f32 to vector<1000x128xf32>
    %max3A_11 = arith.maximumf %dot_general3A_9, %max3A_10 : vector<1000x128xf32>
    %get3A_12 = arith.constant 0 : index
    %get3A_13 = arith.constant 0 : index
    %get3A_14 = vector.load %arg5[%get3A_12, %get3A_13] : memref<128x128xf32, #tpu.memory_space<vmem>>, vector<128x128xf32>
    %dot_general3A_15 = arith.constant dense<0.000000e+00> : vector<1000x128xf32>
    %dot_general3A_16 = tpu.matmul %max3A_11, %get3A_14, %dot_general3A_15 {dimension_numbers = #tpu.dot_dimension_numbers<[1], [0], [0], [1], [0, 0, 1, 1], [], []>, transpose_lhs_hint = false} : vector<1000x128xf32>, vector<128x128xf32>, vector<1000x128xf32> -> vector<1000x128xf32>
    %get3A_17 = arith.constant 0 : index
    %get3A_18 = arith.constant 0 : index
    %get3A_19 = vector.load %arg3[%get3A_17, %get3A_18] : memref<1000x128xf32, #tpu.memory_space<vmem>>, vector<1000x128xf32>
    %get3A_20 = arith.constant 0 : index
    %get3A_21 = arith.constant 0 : index
    %get3A_22 = vector.load %arg6[%get3A_20, %get3A_21] : memref<128x128xf32, #tpu.memory_space<vmem>>, vector<128x128xf32>
    %dot_general3A_23 = arith.constant dense<0.000000e+00> : vector<1000x128xf32>
    %dot_general3A_24 = tpu.matmul %get3A_19, %get3A_22, %dot_general3A_23 {dimension_numbers = #tpu.dot_dimension_numbers<[1], [0], [0], [1], [0, 0, 1, 1], [], []>, transpose_lhs_hint = false} : vector<1000x128xf32>, vector<128x128xf32>, vector<1000x128xf32> -> vector<1000x128xf32>
    %add3A = arith.addf %dot_general3A_16, %dot_general3A_24 : vector<1000x128xf32>
    %get3A_25 = arith.constant 0 : index
    %get3A_26 = arith.constant 0 : index
    %get3A_27 = vector.load %arg7[%get3A_25, %get3A_26] : memref<1x128xf32, #tpu.memory_space<vmem>>, vector<1x128xf32>
    %add3A_28 = vector.broadcast %get3A_27 : vector<1x128xf32> to vector<1000x128xf32>
    %add3A_29 = arith.addf %add3A, %add3A_28 : vector<1000x128xf32>
    %swap3A = arith.constant 0 : index
    %swap3A_30 = arith.constant 0 : index
    %swap3A_31 = vector.load %arg8[%swap3A, %swap3A_30] : memref<1000x128xf32, #tpu.memory_space<vmem>>, vector<1000x128xf32>
    tpu.vector_store %arg8[%swap3A, %swap3A_30], %add3A_29 {strides = array<i32>} : memref<1000x128xf32, #tpu.memory_space<vmem>>, vector<1000x128xf32>,
    return
  }
  func.func @transform_0(%arg0: i32) -> (i32, i32) {
    %c0_i32 = arith.constant 0 : i32
    %c0_i32_0 = arith.constant 0 : i32
    return %arg0, %c0_i32 : i32, i32
  }
  func.func @transform_1(%arg0: i32) -> (i32, i32) {
    %c0_i32 = arith.constant 0 : i32
    %c0_i32_0 = arith.constant 0 : i32
    return %arg0, %c0_i32 : i32, i32
  }
  func.func @transform_2(%arg0: i32) -> (i32, i32) {
    %c0_i32 = arith.constant 0 : i32
    %c0_i32_0 = arith.constant 0 : i32
    return %arg0, %c0_i32 : i32, i32
  }
  func.func @transform_3(%arg0: i32) -> (i32, i32) {
    %c0_i32 = arith.constant 0 : i32
    %c0_i32_0 = arith.constant 0 : i32
    %c0_i32_1 = arith.constant 0 : i32
    return %c0_i32, %c0_i32_0 : i32, i32
  }
  func.func @transform_4(%arg0: i32) -> (i32, i32) {
    %c0_i32 = arith.constant 0 : i32
    %c0_i32_0 = arith.constant 0 : i32
    %c0_i32_1 = arith.constant 0 : i32
    return %c0_i32, %c0_i32_0 : i32, i32
  }
  func.func @transform_5(%arg0: i32) -> (i32, i32) {
    %c0_i32 = arith.constant 0 : i32
    %c0_i32_0 = arith.constant 0 : i32
    %c0_i32_1 = arith.constant 0 : i32
    return %c0_i32, %c0_i32_0 : i32, i32
  }
  func.func @transform_6(%arg0: i32) -> (i32, i32) {
    %c0_i32 = arith.constant 0 : i32
    %c0_i32_0 = arith.constant 0 : i32
    %c0_i32_1 = arith.constant 0 : i32
    return %c0_i32, %c0_i32_0 : i32, i32
  }
  func.func @transform_7(%arg0: i32) -> (i32, i32) {
    %c0_i32 = arith.constant 0 : i32
    %c0_i32_0 = arith.constant 0 : i32
    return %arg0, %c0_i32 : i32, i32
  }
}

</mosaic_0001>

<sc_bundles>
// kernel: kernel.10.cloned.1.call-start
scs
__scs_entry_jumppad:
0x0: {  	(pc) =	sbr.rel $0x88, $3  }
0x1: {  	(tag) =	ssettag $0x0;
	lr =	simm.s32 $0x1  }
0x2: {  	[smem:$0x3F95] =	sst lr;
	_ =	strace $0xD0000000  }
0x3: {  	_ = 	snop  }
0x4: {  	_ = 	snop  }
0x5: {  	_ = 	snop  }
0x6: {  	_ = 	snop  }
0x7: {  	_ = 	snop  }
__scs_overlays_trampoline_lowered:
0x8: {  	[smem:$0x3FA4] =	sst s0  }
0x9: {  	[smem:$0x3FA5] =	sst s1  }
0xa: {  	[smem:$0x3FA6] =	sst s2  }
0xb: {  	[smem:$0x3FA7] =	sst s3  }
0xc: {  	[smem:$0x3FA8] =	sst s4  }
0xd: {  	[smem:$0x3FA9] =	sst s5  }
0xe: {  	[smem:$0x3FAA] =	sst s6  }
0xf: {  	[smem:$0x3FAB] =	sst s7  }
0x10: {  	[smem:$0x3FAC] =	sst s8  }
0x11: {  	[smem:$0x3FAD] =	sst s9;
	s0 =	simm.s32 @!p0 $0x0  }
0x12: {  	s1 =	sld [smem:$0x3F93];
	s0 =	simm.s32 @p0 $0x1  }
0x13: {  	[smem:$0x3FAE] =	sst s0;
	s0 =	simm.s32 @!p1 $0x0  }
0x14: {  	s2 =	sld [smem:$0x3F92];
	s0 =	simm.s32 @p1 $0x1  }
0x15: {  	[smem:$0x3FAF] =	sst s0;
	s0 =	simm.s32 @!p2 $0x0  }
0x16: {  	s3 =	sld [smem:$0x3FDB];
	s0 =	simm.s32 @p2 $0x1  }
0x17: {  	s4 =	simm.s32 $0x1BF5;
	[smem:$0x3FB1] =	sst s0  }
0x18: {  	s0 =	sld [smem:$0x3F94];
	_ =	swait.ge [sflag:s4], $0x0  }
0x19: {  	s7 =	sld [smem:$0x3F95]  }
0x1a: {  	s8 =	sadd.s32 $0xFFFFE003, lr  }
0x1b: {  	s9 =	sadd.s32 $0xFFFFFEF7, lr;
	s5 =	simm.s32 $0xFFFFFFFF;
	p2 =	slt.u32 s8, $0xFFFFF086  }
0x1c: {  	p1 =	slt.u32 s9, $0xF7A;
	s5 =	simm.s32 @!p2 $0x0  }
0x1d: {  	s5 =	simm.s32 @p1 $0x1;
	p0 =	seq.s32 s7, s2  }
0x1e: {  	s7 =	smul.u32 @!p0 $0xF7A, s2;
	p2 =	seq.s32 @!p0 s5, $0x0  }
0x1f: {  	s9 =	smul.u32 $0xF7A, s1;
	s8 =	simm.s32 @!p0 $0x1BF5;
	p2 =	por !p2, p0  }
0x20: {  	[sflag:s8] =	ssyncset.s32 @!p0 $0xFFFFF086;
	s6 =	sadd.s32 @!p0 s3, s7;
	s7 =	simm.s32 @!p0 $0x108  }
0x21: {  	s3 =	sadd.s32 s3, s9;
	s6 =	sadd.s32 @!p0 $0x88, s6;
	s7 =	simm.s32 @p2 $0x1082  }
0x22: {  	[simem:s7], [sflag:s8] =	dma.local @!p0 [hbm:s6], $0xF7A  }
0x23: {  	s9 =	sor.u32 $0xD0000000, s2;
	s6 =	simm.s32 $0x108;
	_ =	swait.ge @!p0 [sflag:s8], $0x0  }
0x24: {  	s3 =	sadd.s32 $0x88, s3;
	s6 =	simm.s32 @!p1 $0x1082;
	[sflag:s4] =	ssyncset.s32 $0xFFFFF086  }
0x25: {  	[simem:s6], [sflag:s4] =	dma.local [hbm:s3], $0xF7A  }
0x26: {  	[smem:$0x3F95] =	sst s1;
	(tag) =	ssettag s2;
	_ =	strace s9  }
0x27: {  	s1 =	sld [smem:$0x3FA5]  }
0x28: {  	s2 =	sld [smem:$0x3FA6]  }
0x29: {  	s4 =	sld [smem:$0x3FA8]  }
0x2a: {  	p0 =	seq.s32 s5, $0x0;
	s5 =	sld [smem:$0x3FA9]  }
0x2b: {  	s6 =	sld [smem:$0x3FAA]  }
0x2c: {  	s7 =	sld [smem:$0x3FAB]  }
0x2d: {  	s3 =	simm.s32 $0x108;
	s8 =	sld [smem:$0x3FAC]  }
0x2e: {  	s3 =	simm.s32 @!p0 $0x1082;
	s9 =	sld [smem:$0x3FAD]  }
0x2f: {  	lr =	sadd.s32 s0, s3;
	s0 =	sld [smem:$0x3FA4]  }
0x30: {  	s3 =	sld [smem:$0x3FA7]  }
0x31: {  	[smem:$0x3FB0] =	sst s10  }
0x32: {  	s10 =	sld [smem:$0x3FAE];
	_ =	sdelay $0x3  }
0x33: {  	p0 =	seq.s32 s10, $0x1;
	s10 =	sld [smem:$0x3FB0];
	_ =	sdelay $0x3  }
0x34: {  	[smem:$0x3FB0] =	sst s10  }
0x35: {  	s10 =	sld [smem:$0x3FAF];
	_ =	sdelay $0x3  }
0x36: {  	p1 =	seq.s32 s10, $0x1;
	s10 =	sld [smem:$0x3FB0];
	_ =	sdelay $0x3  }
0x37: {  	[smem:$0x3FB0] =	sst s10  }
0x38: {  	s10 =	sld [smem:$0x3FB1]  }
0x39: {  	_ = 	snop;
	(pc) =	sbr.ind lr, $3  }
0x3a: {  	_ = 	snop  }
0x3b: {  	_ = 	snop  }
0x3c: {  	p2 =	seq.s32 s10, $0x1;
	s10 =	sld [smem:$0x3FB0]  }
0x3d: {  	_ =	shalt  }
0x3e: {  	_ =	shalt  }
0x3f: {  	_ =	shalt  }
0x40: {  	_ =	shalt  }
0x41: {  	_ =	shalt  }
0x42: {  	_ =	shalt  }
0x43: {  	_ =	shalt  }
0x44: {  	_ =	shalt  }
0x45: {  	_ =	shalt  }
0x46: {  	_ =	shalt  }
0x47: {  	_ =	shalt  }
0x48: {  	_ =	shalt  }
0x49: {  	_ =	shalt  }
0x4a: {  	_ =	shalt  }
0x4b: {  	_ =	shalt  }
0x4c: {  	_ =	shalt  }
0x4d: {  	_ =	shalt  }
0x4e: {  	_ =	shalt  }
0x4f: {  	_ =	shalt  }
0x50: {  	_ =	shalt  }
0x51: {  	_ =	shalt  }
0x52: {  	_ =	shalt  }
0x53: {  	_ =	shalt  }
0x54: {  	_ =	shalt  }
0x55: {  	_ =	shalt  }
0x56: {  	_ =	shalt  }
0x57: {  	_ =	shalt  }
0x58: {  	_ =	shalt  }
0x59: {  	_ =	shalt  }
0x5a: {  	_ =	shalt  }
0x5b: {  	_ =	shalt  }
0x5c: {  	_ =	shalt  }
0x5d: {  	_ =	shalt  }
0x5e: {  	_ =	shalt  }
0x5f: {  	_ =	shalt  }
0x60: {  	_ =	shalt  }
0x61: {  	_ =	shalt  }
0x62: {  	_ =	shalt  }
0x63: {  	_ =	shalt  }
0x64: {  	_ =	shalt  }
0x65: {  	_ =	shalt  }
0x66: {  	_ =	shalt  }
0x67: {  	_ =	shalt  }
0x68: {  	_ =	shalt  }
0x69: {  	_ =	shalt  }
0x6a: {  	_ =	shalt  }
0x6b: {  	_ =	shalt  }
0x6c: {  	_ =	shalt  }
0x6d: {  	_ =	shalt  }
0x6e: {  	_ =	shalt  }
0x6f: {  	_ =	shalt  }
0x70: {  	_ =	shalt  }
0x71: {  	_ =	shalt  }
0x72: {  	_ =	shalt  }
0x73: {  	_ =	shalt  }
0x74: {  	_ =	shalt  }
0x75: {  	_ =	shalt  }
0x76: {  	_ =	shalt  }
0x77: {  	_ =	shalt  }
0x78: {  	_ =	shalt  }
0x79: {  	_ =	shalt  }
0x7a: {  	_ =	shalt  }
0x7b: {  	_ =	shalt  }
0x7c: {  	_ =	shalt  }
0x7d: {  	_ =	shalt  }
0x7e: {  	_ =	shalt  }
0x7f: {  	_ =	shalt  }
0x80: {  	_ =	shalt  }
0x81: {  	_ =	shalt  }
0x82: {  	_ =	shalt  }
0x83: {  	_ =	shalt  }
0x84: {  	_ =	shalt  }
0x85: {  	_ =	shalt  }
0x86: {  	_ =	shalt  }
0x87: {  	_ =	shalt  }
.Lfunc_end0:
.L_simem_size_0:
called_computation_lowered:
.L_overlay_start_0:
0x88: {  	s2 =	sld [smem:$0x3FD9]  }
0x89: {  	s3 =	sld [smem:$0x3FFE];
	_ =	sdelay $0x1  }
0x8a: {  	s1 =	srdreg.scid  }
0x8b: {  	s0 =	sand.u32 $0x1, s1  }
0x8c: {  	s17 =	sshll.u32 s0, $0xA;
	s2 =	sadd.s32 s3, s2  }
0x8d: {  	s2 =	sadd.s32 s2, s17  }
0x8e: {  	[smem:$0x3FBC] =	sst s2  }
0x8f: {  	_ = 	snop  }
0x90: {  	s2 =	sld [smem:$0x3FC9]  }
0x91: {  	s18 =	sld [smem:$0x3FC8]  }
0x92: {  	s4 =	sld [smem:$0x3FD0];
	(tm) =	ssettm $0x1  }
0x93: {  	s5 =	sld [smem:$0x3FFB];
	_ =	sdelay $0x3  }
0x94: {  	_ =	strace s5  }
0x95: {  	s5 =	sld [smem:$0x3FFC];
	_ =	sdelay $0x3  }
0x96: {  	_ =	strace s5  }
0x97: {  	s5 =	sld [smem:$0x3FFD];
	_ =	sdelay $0x3  }
0x98: {  	_ =	strace s5  }
0x99: {  	_ =	strace $0x8FFFFFFF  }
0x9a: {  	s19 =	sld [smem:$0x3FDB];
	_ =	sdelay $0x1  }
0x9b: {  	s6 =	simm.s32 $_scs_section_size  }
0x9c: {  	s7 =	simm.s32 $_size__tile_overlayer_lowered;
	s8 =	simm.s32 $_tile_overlayer_lowered  }
0x9d: {  	s22 =	simm.s32 $0x1BFF;
	s21 =	sshll.u32 s8, $0x1;
	s5 =	sadd.s32 s6, s19  }
0x9e: {  	s9 =	simm.s32 $0x0;
	s20 =	sshll.u32 s7, $0x1;
	s7 =	sadd.s32 s21, s5  }
0x9f: {  	[timem:s9], [sflag:s22] =	dma.local [hbm:s7], s20  }
0xa0: {  	_ =	swait.ge [sflag:s22], s20  }
0xa1: {  	s6 =	ssub.s32 $0x0, s20;
	[sflag:s22] =	ssyncset.done $0x0  }
0xa2: {  	[sflag:s22] =	ssyncadd.s32 s6;
	_ =	sdelay $0x1  }
0xa3: {  	s23 =	simm.s32 $0x1B8B  }
0xa4: {  	_ =	swait.ge [sflag:s23], $0x1  }
0xa5: {  	[sflag:s23] =	ssyncset.done $0x0  }
0xa6: {  	s25 =	simm.s32 $0x1B8E;
	s24 =	sld [smem:$0x3FFE];
	[sflag:s23] =	ssyncadd.s32 $0xFFFFFFFF  }
0xa7: {  	s26 =	simm.s32 $execute0_lowered;
	[smem:$0x3FD2] =	sst s25  }
0xa8: {  	s7 =	sshll.u32 s26, $0x1;
	_ =	strace $0x80000046;
	[dreg:$0x1] =	wrdreg $0xFFFFFFFF  }
0xa9: {  	s28 =	simm.s32 $_size_execute0_lowered;
	s5 =	sadd.s32 s5, s7;
	[dreg:$0x0] =	wrdreg $0x0  }
0xaa: {  	s7 =	sshll.u32 s28, $0x1;
	[dreg:$0x2] =	wrdreg s5  }
0xab: {  	[dreg:$0x3] =	wrdreg s7  }
0xac: {  	[dreg:$0x4] =	wrdreg $0xC0  }
0xad: {  	_ =	task [dreg:s9], $0x5FFFF  }
0xae: {  	[dreg:$0x1] =	wrdreg $0xFFFFFFFF  }
0xaf: {  	[dreg:$0x0] =	wrdreg $0x60  }
0xb0: {  	[dreg:$0x2] =	wrdreg s18  }
0xb1: {  	[dreg:$0x3] =	wrdreg s2  }
0xb2: {  	[dreg:$0x4] =	wrdreg s24  }
0xb3: {  	[dreg:$0x5] =	wrdreg s4  }
0xb4: {  	[dreg:$0x6] =	wrdreg $0xC0000  }
0xb5: {  	[dreg:$0x7] =	wrdreg $0x9  }
0xb6: {  	_ =	task.clear_ibuf [dreg:s9], $0x8FFFF;
	_ =	strace $0x90000046  }
0xb7: {  	s29 =	simm.s32 $0x9;
	_ =	strace $0x80000048  }
0xb8: {  	_ =	swait.ge [sflag:s29], $0x1  }
0xb9: {  	[sflag:s29] =	ssyncadd.s32 $0xFFFFFFFF  }
0xba: {  	_ =	strace $0x90000048  }
0xbb: {  	_ =	sfence  }
0xbc: {  	s30 =	sld [smem:$0x0];
	_ =	sdelay $0x2  }
0xbd: {  	s31 =	sshll.u32 s1, $0xD;
	s1 =	sshrl.u32 s1, $0x2  }
0xbe: {  	s3 =	sand.u32 $0x4000, s31;
	s1 =	sadd.s32 s1, s30  }
0xbf: {  	s0 =	sor.u32 s3, s0;
	s1 =	sshll.u32 s1, $0x11  }
0xc0: {  	s0 =	sor.u32 s1, s0  }
0xc1: {  	s0 =	sadd.s32 $0x8F2B, s0  }
0xc2: {  	[sflag:s0] =	ssyncadd.remote.s32 $0x1  }
0xc3: {  	_ =	sfence.sel $0xFFFF  }
0xc4: {  	[dreg:$0x0] =	wrdreg $0xFFFFFFFF;
	(pc) =	sbr.abs _section_cstart, $3  }
0xc5: {  	[dreg:$0x1] =	wrdreg $0xFFFFFFFF  }
0xc6: {  	_ =	task.clear_ibuf [dreg:s9], $0x2FFFF;
	_ =	strace $0x9FFFFFFF  }
0xc7: {  	(tm) =	ssettm $0x7FFFFFFF  }
tec
execute0_lowered:
.L_overlay_start_1:
0x0: {  	(tag) =	ssettag $0x1  }
0x1: {  	s0 =	rddreg [dreg:$0x0]  }
0x2: {  	s2 =	rddreg [dreg:$0x1]  }
0x3: {  	s1 =	rddreg [dreg:$0x2]  }
0x4: {  	s11 =	rddreg [dreg:$0x3]  }
0x5: {  	s4 =	rddreg [dreg:$0x4];
	s3 =	stileid.u32;
	s5 =	simm.s32 $0x0  }
0x6: {  	s7 =	srdreg.scid;
	s21 =	simm.s32 $0x8800;
	s22 =	simm.s32 $0x1  }
0x7: {  	s23 =	simm.s32 $0x2;
	s29 =	simm.s32 $0x4;
	s6 =	smul.u32 $0xF00, s3  }
0x8: {  	s31 =	simm.s32 $0x5;
	[smem:$0x7FF] =	sst s5;
	s9 =	smul.u32 $0x4E400, s3  }
0x9: {  	s7 =	sand.u32 $0x1, s7;
	s8 =	sadd.s32 $0x40800, s1;
	s10 =	smul.u32 $0x4E000, s3  }
0xa: {  	s12 =	sadd.s32 $0x43000, s1;
	s15 =	smul.u32 $0x2700, s3;
	s20 =	sadd.s32 $0x138000, s4  }
0xb: {  	s26 =	sshll.u32 s3, $0x6;
	p1 =	sne.s32 s3, $0x0;
	p2 =	seq.s32 s3, $0x0  }
0xc: {  	s3 =	simm.s32 $0x6;
	_ =	strace $0x80000047;
	[dreg:$0xa] =	wrdreg s8  }
0xd: {  	s30 =	ssub.s32 $0x2, s7;
	p0 =	seq.s32 s7, $0x1;
	[dreg:$0xb] =	wrdreg s12  }
0xe: {  	s6 =	sadd.s32 s6, s1;
	s14 =	sshrl.u32 s9, $0x2;
	s18 =	sadd.s32 s11, s15  }
0xf: {  	s17 =	sshrl.u32 s10, $0x2;
	s9 =	sadd.s32 s12, s15;
	[dreg:$0xd] =	wrdreg s18  }
0x10: {  	s13 =	sshrl.u32 s30, $0x1;
	s8 =	sadd.s32 s17, s4;
	[dreg:$0xe] =	wrdreg s9  }
0x11: {  	s15 =	simm.s32 $0xC00;
	s19 =	sadd.s32 $0x4800, s6;
	[dreg:$0xc] =	wrdreg s8  }
0x12: {  	s1 =	ssub.s32 s30, s13;
	s24 =	sadd.s32 $0x22800, s6;
	[dreg:$0x6] =	wrdreg s19  }
0x13: {  	s16 =	sadd.s32 s14, s4;
	s25 =	sadd.s32 $0x13800, s6;
	[dreg:$0x7] =	wrdreg s24  }
0x14: {  	s6 =	sadd.s32 $0x31800, s6;
	s14 =	simm.s32 $0x7;
	[dreg:$0x8] =	wrdreg s25  }
.Ltmp0:
0x15: {  	s30 =	sshrl.u32 s20, $0x3;
	[dreg:$0x9] =	wrdreg s6;
	(pc) =	sbr.rel .LBB2_1-.Ltmp0, $4  }
0x16: {  	s17 =	simm.s32 $0x1800;
	s1 =	smax.u32 s1, $0x1;
	[dreg:$0x12] =	wrdreg s30  }
0x17: {  	s25 =	sor.u32 $0x1C07, s26;
	s28 =	sshrl.u32 s16, $0x3;
	[dreg:$0xf] =	wrdreg s1  }
0x18: {  	s16 =	simm.s32 $0x70;
	s19 =	simm.s32 $0x5000;
	[dreg:$0x11] =	wrdreg s28  }
0x19: {  	s26 =	simm.s32 $0x3;
	s6 =	simm.s32 $0x0;
	[dreg:$0x10] =	wrdreg s25  }
.LBB2_8:
0x1a: {  	s1 =	sadd.s32 $0x27000, s30;
	s7 =	rddreg [dreg:$0x12]  }
0x1b: {  	[hbm:s1], [sflag:s25] =	dma.local [spmem:s7], $0x100  }
0x1c: {  	_ =	swait.ge [sflag:s14], $0x100  }
0x1d: {  	[sflag:s14] =	ssyncset.done $0x0  }
0x1e: {  	[sflag:s14] =	ssyncadd.s32 $0xFFFFFF00  }
.LBB2_9:
0x1f: {  	s6 =	sadd.s32 $0x1, s6;
	s1 =	rddreg [dreg:$0xf]  }
0x20: {  	p3 =	sne.s32 s6, s1  }
.Ltmp1:
0x21: {  	_ = 	snop;
	(pc) =	sbr.rel @!p3 .LBB2_10-.Ltmp1, $1  }
0x22: {  	_ =	sdelay $0x3  }
.LBB2_1:
0x23: {  	[dreg:$0x13] =	wrdreg s6  }
0x24: {  	s1 =	rddreg [dreg:$0xa]  }
0x25: {  	s30 =	rddreg [dreg:$0x11]  }
0x26: {  	[spmem:s30], [sflag:s25] =	dma.local [hbm:s1], $0x2720  }
.Ltmp2:
0x27: {  	_ =	swait.ge [sflag:s14], $0x2720;
	(pc) =	sbr.rel @!p0 .LBB2_2-.Ltmp2, $3  }
0x28: {  	[sflag:s14] =	ssyncset.done $0x0  }
0x29: {  	[sflag:s14] =	ssyncadd.s32 $0xFFFFD8E0  }
0x2a: {  	[bflag:$0x0] =	sbarrier.arrive $0xFFFF;
	_ =	sdelay $0x1  }
0x2b: {  	s1 =	rddreg [dreg:$0x9]  }
0x2c: {  	s1 =	sadd.s32 $0x0, s1  }
0x2d: {  	[tilespmem:s5], [sflag:$0x7] =	stream.linear.gather [hbm4b:s1+s5], $0x900, $0x38;
	[tilespmem:$0x1F900] =	vst v63  }
0x2e: {  	_ =	swait.ge [sflag:s14], $0x900  }
0x2f: {  	s7 =	rddreg [dreg:$0x8];
	[sflag:s14] =	ssyncset.done $0x0  }
0x30: {  	[sflag:s14] =	ssyncadd.s32 $0xFFFFF700;
	s1 =	sadd.s32 $0x0, s7  }
0x31: {  	[tilespmem:s15], [sflag:$0x7] =	stream.linear.gather [hbm4b:s1+s5], $0x900, $0x38;
	[tilespmem:$0x1F900] =	vst v63  }
0x32: {  	_ =	swait.ge [sflag:s14], $0x900  }
0x33: {  	[sflag:s14] =	ssyncset.done $0x0  }
0x34: {  	[sflag:s14] =	ssyncadd.s32 $0xFFFFF700  }
0x35: {  	[tilespmem:s17], [sflag:$0x1] =	stream.indirect.gather [hbm4b:s2+s16], $0x80, s5, s16, $0xb8;
	[tilespmem:$0x1F900] =	vst v63  }
0x36: {  	s8 =	simm.s32 $0x80  }
0x37: {  	[tilespmem:s19], [sflag:$0x2] =	stream.indirect.gather [hbm4b:s2+s16], $0x80, s8, s16, $0xb8;
	[tilespmem:$0x1F900] =	vst v63  }
0x38: {  	s9 =	simm.s32 $0x100  }
0x39: {  	[tilespmem:s21], [sflag:$0x3] =	stream.indirect.gather [hbm4b:s2+s16], $0x80, s9, s16, $0xb8;
	[tilespmem:$0x1F900] =	vst v63  }
0x3a: {  	_ =	swait.ge [sflag:s22], $0x3800  }
0x3b: {  	[sflag:s22] =	ssyncset.done $0x0  }
0x3c: {  	[sflag:s22] =	ssyncadd.s32 $0xFFFFC800  }
0x3d: {  	[spmem:s4] =	stream.indirect.scatter.add.f32 [tilespmem:s17], [sflag:$0x4], $0x80, s15, s16, $0xb8;
	[tilespmem:$0x1F900] =	vst v63  }
0x3e: {  	_ =	swait.ge [sflag:s23], $0x3800  }
0x3f: {  	[sflag:s23] =	ssyncset.done $0x0  }
0x40: {  	s10 =	simm.s32 $0xC80;
	[sflag:s23] =	ssyncadd.s32 $0xFFFFC800  }
0x41: {  	[spmem:s4] =	stream.indirect.scatter.add.f32 [tilespmem:s19], [sflag:$0x5], $0x80, s10, s16, $0xb8;
	[tilespmem:$0x1F900] =	vst v63  }
0x42: {  	_ =	swait.ge [sflag:s26], $0x3800  }
0x43: {  	[sflag:s26] =	ssyncset.done $0x0  }
0x44: {  	s11 =	simm.s32 $0xD00;
	[sflag:s26] =	ssyncadd.s32 $0xFFFFC800  }
0x45: {  	[spmem:s4] =	stream.indirect.scatter.add.f32 [tilespmem:s21], [sflag:$0x6], $0x80, s11, s16, $0xb8;
	[tilespmem:$0x1F900] =	vst v63  }
0x46: {  	_ =	swait.ge [sflag:s29], $0x3800  }
0x47: {  	[sflag:s29] =	ssyncset.done $0x0  }
0x48: {  	s12 =	simm.s32 $0x180;
	[sflag:s29] =	ssyncadd.s32 $0xFFFFC800  }
0x49: {  	[tilespmem:s17], [sflag:$0x1] =	stream.indirect.gather [hbm4b:s2+s16], $0x80, s12, s16, $0xb8;
	[tilespmem:$0x1F900] =	vst v63  }
0x4a: {  	_ =	swait.ge [sflag:s31], $0x3800  }
0x4b: {  	[sflag:s31] =	ssyncset.done $0x0  }
0x4c: {  	s13 =	simm.s32 $0x200;
	[sflag:s31] =	ssyncadd.s32 $0xFFFFC800  }
0x4d: {  	[tilespmem:s19], [sflag:$0x2] =	stream.indirect.gather [hbm4b:s2+s16], $0x80, s13, s16, $0xb8;
	[tilespmem:$0x1F900] =	vst v63  }
0x4e: {  	_ =	swait.ge [sflag:s3], $0x3800  }
0x4f: {  	[sflag:s3] =	ssyncset.done $0x0  }
0x50: {  	s18 =	simm.s32 $0x280;
	[sflag:s3] =	ssyncadd.s32 $0xFFFFC800  }
0x51: {  	[tilespmem:s21], [sflag:$0x3] =	stream.indirect.gather [hbm4b:s2+s16], $0x80, s18, s16, $0xb8;
	[tilespmem:$0x1F900] =	vst v63  }
0x52: {  	_ =	swait.ge [sflag:s22], $0x3800  }
0x53: {  	[sflag:s22] =	ssyncset.done $0x0  }
0x54: {  	s20 =	simm.s32 $0xD80;
	[sflag:s22] =	ssyncadd.s32 $0xFFFFC800  }
0x55: {  	[spmem:s4] =	stream.indirect.scatter.add.f32 [tilespmem:s17], [sflag:$0x4], $0x80, s20, s16, $0xb8;
	[tilespmem:$0x1F900] =	vst v63  }
0x56: {  	_ =	swait.ge [sflag:s23], $0x3800  }
0x57: {  	[sflag:s23] =	ssyncset.done $0x0  }
0x58: {  	s24 =	simm.s32 $0xE00;
	[sflag:s23] =	ssyncadd.s32 $0xFFFFC800  }
0x59: {  	[spmem:s4] =	stream.indirect.scatter.add.f32 [tilespmem:s19], [sflag:$0x5], $0x80, s24, s16, $0xb8;
	[tilespmem:$0x1F900] =	vst v63  }
0x5a: {  	_ =	swait.ge [sflag:s26], $0x3800  }
0x5b: {  	[sflag:s26] =	ssyncset.done $0x0  }
0x5c: {  	s25 =	simm.s32 $0xE80;
	[sflag:s26] =	ssyncadd.s32 $0xFFFFC800  }
0x5d: {  	[spmem:s4] =	stream.indirect.scatter.add.f32 [tilespmem:s21], [sflag:$0x6], $0x80, s25, s16, $0xb8;
	[tilespmem:$0x1F900] =	vst v63  }
0x5e: {  	_ =	swait.ge [sflag:s29], $0x3800  }
0x5f: {  	[sflag:s29] =	ssyncset.done $0x0  }
0x60: {  	s6 =	simm.s32 $0x300;
	[sflag:s29] =	ssyncadd.s32 $0xFFFFC800  }
0x61: {  	[tilespmem:s17], [sflag:$0x1] =	stream.indirect.gather [hbm4b:s2+s16], $0x80, s6, s16, $0xb8;
	[tilespmem:$0x1F900] =	vst v63  }
0x62: {  	_ =	swait.ge [sflag:s31], $0x3800  }
0x63: {  	[sflag:s31] =	ssyncset.done $0x0  }
0x64: {  	s7 =	simm.s32 $0x380;
	[sflag:s31] =	ssyncadd.s32 $0xFFFFC800  }
0x65: {  	[tilespmem:s19], [sflag:$0x2] =	stream.indirect.gather [hbm4b:s2+s16], $0x80, s7, s16, $0xb8;
	[tilespmem:$0x1F900] =	vst v63  }
0x66: {  	_ =	swait.ge [sflag:s3], $0x3800  }
0x67: {  	[sflag:s3] =	ssyncset.done $0x0  }
0x68: {  	s8 =	simm.s32 $0x400;
	[sflag:s3] =	ssyncadd.s32 $0xFFFFC800  }
0x69: {  	[tilespmem:s21], [sflag:$0x3] =	stream.indirect.gather [hbm4b:s2+s16], $0x80, s8, s16, $0xb8;
	[tilespmem:$0x1F900] =	vst v63  }
0x6a: {  	_ =	swait.ge [sflag:s22], $0x3800  }
0x6b: {  	[sflag:s22] =	ssyncset.done $0x0  }
0x6c: {  	s9 =	simm.s32 $0xF00;
	[sflag:s22] =	ssyncadd.s32 $0xFFFFC800  }
0x6d: {  	[spmem:s4] =	stream.indirect.scatter.add.f32 [tilespmem:s17], [sflag:$0x4], $0x80, s9, s16, $0xb8;
	[tilespmem:$0x1F900] =	vst v63  }
0x6e: {  	_ =	swait.ge [sflag:s23], $0x3800  }
0x6f: {  	[sflag:s23] =	ssyncset.done $0x0  }
0x70: {  	s10 =	simm.s32 $0xF80;
	[sflag:s23] =	ssyncadd.s32 $0xFFFFC800  }
0x71: {  	[spmem:s4] =	stream.indirect.scatter.add.f32 [tilespmem:s19], [sflag:$0x5], $0x80, s10, s16, $0xb8;
	[tilespmem:$0x1F900] =	vst v63  }
0x72: {  	_ =	swait.ge [sflag:s26], $0x3800  }
0x73: {  	[sflag:s26] =	ssyncset.done $0x0  }
0x74: {  	s11 =	simm.s32 $0x1000;
	[sflag:s26] =	ssyncadd.s32 $0xFFFFC800  }
0x75: {  	[spmem:s4] =	stream.indirect.scatter.add.f32 [tilespmem:s21], [sflag:$0x6], $0x80, s11, s16, $0xb8;
	[tilespmem:$0x1F900] =	vst v63  }
0x76: {  	_ =	swait.ge [sflag:s29], $0x3800  }
0x77: {  	[sflag:s29] =	ssyncset.done $0x0  }
0x78: {  	s12 =	simm.s32 $0x480;
	[sflag:s29] =	ssyncadd.s32 $0xFFFFC800  }
0x79: {  	[tilespmem:s17], [sflag:$0x1] =	stream.indirect.gather [hbm4b:s2+s16], $0x80, s12, s16, $0xb8;
	[tilespmem:$0x1F900] =	vst v63  }
0x7a: {  	_ =	swait.ge [sflag:s31], $0x3800  }
0x7b: {  	[sflag:s31] =	ssyncset.done $0x0  }
0x7c: {  	s13 =	simm.s32 $0x500;
	[sflag:s31] =	ssyncadd.s32 $0xFFFFC800  }
0x7d: {  	[tilespmem:s19], [sflag:$0x2] =	stream.indirect.gather [hbm4b:s2+s16], $0x80, s13, s16, $0xb8;
	[tilespmem:$0x1F900] =	vst v63  }
0x7e: {  	_ =	swait.ge [sflag:s3], $0x3800  }
0x7f: {  	[sflag:s3] =	ssyncset.done $0x0  }
0x80: {  	s18 =	simm.s32 $0x580;
	[sflag:s3] =	ssyncadd.s32 $0xFFFFC800  }
0x81: {  	[tilespmem:s21], [sflag:$0x3] =	stream.indirect.gather [hbm4b:s2+s16], $0x80, s18, s16, $0xb8;
	[tilespmem:$0x1F900] =	vst v63  }
0x82: {  	_ =	swait.ge [sflag:s22], $0x3800  }
0x83: {  	[sflag:s22] =	ssyncset.done $0x0  }
0x84: {  	s20 =	simm.s32 $0x1080;
	[sflag:s22] =	ssyncadd.s32 $0xFFFFC800  }
0x85: {  	[spmem:s4] =	stream.indirect.scatter.add.f32 [tilespmem:s17], [sflag:$0x4], $0x80, s20, s16, $0xb8;
	[tilespmem:$0x1F900] =	vst v63  }
0x86: {  	_ =	swait.ge [sflag:s23], $0x3800  }
0x87: {  	[sflag:s23] =	ssyncset.done $0x0  }
0x88: {  	s24 =	simm.s32 $0x1100;
	[sflag:s23] =	ssyncadd.s32 $0xFFFFC800  }
0x89: {  	[spmem:s4] =	stream.indirect.scatter.add.f32 [tilespmem:s19], [sflag:$0x5], $0x80, s24, s16, $0xb8;
	[tilespmem:$0x1F900] =	vst v63  }
0x8a: {  	_ =	swait.ge [sflag:s26], $0x3800  }
0x8b: {  	[sflag:s26] =	ssyncset.done $0x0  }
0x8c: {  	s25 =	simm.s32 $0x1180;
	[sflag:s26] =	ssyncadd.s32 $0xFFFFC800  }
0x8d: {  	[spmem:s4] =	stream.indirect.scatter.add.f32 [tilespmem:s21], [sflag:$0x6], $0x80, s25, s16, $0xb8;
	[tilespmem:$0x1F900] =	vst v63  }
0x8e: {  	_ =	swait.ge [sflag:s29], $0x3800  }
0x8f: {  	[sflag:s29] =	ssyncset.done $0x0  }
0x90: {  	s24 =	simm.s32 $0x600;
	[sflag:s29] =	ssyncadd.s32 $0xFFFFC800  }
0x91: {  	[tilespmem:s17], [sflag:$0x1] =	stream.indirect.gather [hbm4b:s2+s16], $0x80, s24, s16, $0xb8;
	[tilespmem:$0x1F900] =	vst v63  }
0x92: {  	_ =	swait.ge [sflag:s31], $0x3800  }
0x93: {  	[sflag:s31] =	ssyncset.done $0x0  }
0x94: {  	s28 =	simm.s32 $0x680;
	[sflag:s31] =	ssyncadd.s32 $0xFFFFC800  }
0x95: {  	[tilespmem:s19], [sflag:$0x2] =	stream.indirect.gather [hbm4b:s2+s16], $0x80, s28, s16, $0xb8;
	[tilespmem:$0x1F900] =	vst v63  }
0x96: {  	_ =	swait.ge [sflag:s3], $0x3800  }
0x97: {  	[sflag:s3] =	ssyncset.done $0x0  }
0x98: {  	s9 =	simm.s32 $0x700;
	[sflag:s3] =	ssyncadd.s32 $0xFFFFC800  }
0x99: {  	[tilespmem:s21], [sflag:$0x3] =	stream.indirect.gather [hbm4b:s2+s16], $0x80, s9, s16, $0xb8;
	[tilespmem:$0x1F900] =	vst v63  }
0x9a: {  	_ =	swait.ge [sflag:s22], $0x3800  }
0x9b: {  	[sflag:s22] =	ssyncset.done $0x0  }
0x9c: {  	s10 =	simm.s32 $0x1200;
	[sflag:s22] =	ssyncadd.s32 $0xFFFFC800  }
0x9d: {  	[spmem:s4] =	stream.indirect.scatter.add.f32 [tilespmem:s17], [sflag:$0x4], $0x80, s10, s16, $0xb8;
	[tilespmem:$0x1F900] =	vst v63  }
0x9e: {  	_ =	swait.ge [sflag:s23], $0x3800  }
0x9f: {  	[sflag:s23] =	ssyncset.done $0x0  }
0xa0: {  	s7 =	simm.s32 $0x1280;
	[sflag:s23] =	ssyncadd.s32 $0xFFFFC800  }
0xa1: {  	[spmem:s4] =	stream.indirect.scatter.add.f32 [tilespmem:s19], [sflag:$0x5], $0x80, s7, s16, $0xb8;
	[tilespmem:$0x1F900] =	vst v63  }
0xa2: {  	_ =	swait.ge [sflag:s26], $0x3800  }
0xa3: {  	[sflag:s26] =	ssyncset.done $0x0  }
0xa4: {  	s6 =	simm.s32 $0x1300;
	[sflag:s26] =	ssyncadd.s32 $0xFFFFC800  }
0xa5: {  	[spmem:s4] =	stream.indirect.scatter.add.f32 [tilespmem:s21], [sflag:$0x6], $0x80, s6, s16, $0xb8;
	[tilespmem:$0x1F900] =	vst v63  }
0xa6: {  	_ =	swait.ge [sflag:s29], $0x3800  }
0xa7: {  	[sflag:s29] =	ssyncset.done $0x0  }
0xa8: {  	s8 =	simm.s32 $0x780;
	[sflag:s29] =	ssyncadd.s32 $0xFFFFC800  }
0xa9: {  	[tilespmem:s17], [sflag:$0x1] =	stream.indirect.gather [hbm4b:s2+s16], $0x80, s8, s16, $0xb8;
	[tilespmem:$0x1F900] =	vst v63  }
0xaa: {  	_ =	swait.ge [sflag:s31], $0x3800  }
0xab: {  	[sflag:s31] =	ssyncset.done $0x0  }
0xac: {  	s11 =	simm.s32 $0x800;
	[sflag:s31] =	ssyncadd.s32 $0xFFFFC800  }
0xad: {  	[tilespmem:s19], [sflag:$0x2] =	stream.indirect.gather [hbm4b:s2+s16], $0x80, s11, s16, $0xb8;
	[tilespmem:$0x1F900] =	vst v63  }
0xae: {  	_ =	swait.ge [sflag:s3], $0x3800  }
0xaf: {  	[sflag:s3] =	ssyncset.done $0x0  }
0xb0: {  	s13 =	simm.s32 $0x880;
	[sflag:s3] =	ssyncadd.s32 $0xFFFFC800  }
0xb1: {  	[tilespmem:s21], [sflag:$0x3] =	stream.indirect.gather [hbm4b:s2+s16], $0x80, s13, s16, $0xb8;
	[tilespmem:$0x1F900] =	vst v63  }
0xb2: {  	_ =	swait.ge [sflag:s22], $0x3800  }
0xb3: {  	[sflag:s22] =	ssyncset.done $0x0  }
0xb4: {  	s12 =	simm.s32 $0x1380;
	[sflag:s22] =	ssyncadd.s32 $0xFFFFC800  }
0xb5: {  	[spmem:s4] =	stream.indirect.scatter.add.f32 [tilespmem:s17], [sflag:$0x4], $0x80, s12, s16, $0xb8;
	[tilespmem:$0x1F900] =	vst v63  }
0xb6: {  	_ =	swait.ge [sflag:s23], $0x3800  }
0xb7: {  	[sflag:s23] =	ssyncset.done $0x0  }
0xb8: {  	s18 =	simm.s32 $0x1400;
	[sflag:s23] =	ssyncadd.s32 $0xFFFFC800  }
0xb9: {  	[spmem:s4] =	stream.indirect.scatter.add.f32 [tilespmem:s19], [sflag:$0x5], $0x80, s18, s16, $0xb8;
	[tilespmem:$0x1F900] =	vst v63  }
0xba: {  	_ =	swait.ge [sflag:s26], $0x3800  }
0xbb: {  	[sflag:s26] =	ssyncset.done $0x0  }
0xbc: {  	s20 =	simm.s32 $0x1480;
	[sflag:s26] =	ssyncadd.s32 $0xFFFFC800  }
0xbd: {  	[spmem:s4] =	stream.indirect.scatter.add.f32 [tilespmem:s21], [sflag:$0x6], $0x80, s20, s16, $0xb8;
	[tilespmem:$0x1F900] =	vst v63  }
0xbe: {  	_ =	swait.ge [sflag:s29], $0x3800  }
0xbf: {  	[sflag:s29] =	ssyncset.done $0x0  }
0xc0: {  	[sflag:s29] =	ssyncadd.s32 $0xFFFFC800  }
0xc1: {  	_ =	swait.ge [sflag:s31], $0x3800  }
0xc2: {  	[sflag:s31] =	ssyncset.done $0x0  }
0xc3: {  	[sflag:s31] =	ssyncadd.s32 $0xFFFFC800  }
0xc4: {  	s30 =	simm.s32 $0x180;
	_ =	swait.ge [sflag:s3], $0x3800  }
.LBB2_6:
0xc5: {  	s1 =	rddreg [dreg:$0x9];
	s25 =	smov.u32 s30;
	[sflag:s3] =	ssyncset.done $0x0  }
0xc6: {  	s1 =	sadd.s32 s25, s1;
	[sflag:s3] =	ssyncadd.s32 $0xFFFFC800  }
0xc7: {  	[tilespmem:s5], [sflag:$0x7] =	stream.linear.gather [hbm4b:s1+s5], $0x900, $0x38;
	[tilespmem:$0x1F900] =	vst v63  }
0xc8: {  	_ =	swait.ge [sflag:s14], $0x900  }
0xc9: {  	s1 =	rddreg [dreg:$0x8];
	[sflag:s14] =	ssyncset.done $0x0  }
0xca: {  	[sflag:s14] =	ssyncadd.s32 $0xFFFFF700;
	s1 =	sadd.s32 s25, s1  }
0xcb: {  	[tilespmem:s15], [sflag:$0x7] =	stream.linear.gather [hbm4b:s1+s5], $0x900, $0x38;
	[tilespmem:$0x1F900] =	vst v63  }
0xcc: {  	_ =	swait.ge [sflag:s14], $0x900  }
0xcd: {  	[sflag:s14] =	ssyncset.done $0x0  }
0xce: {  	[sflag:s14] =	ssyncadd.s32 $0xFFFFF700  }
0xcf: {  	[tilespmem:s17], [sflag:$0x1] =	stream.indirect.gather [hbm4b:s2+s16], $0x80, s5, s16, $0xb8;
	[tilespmem:$0x1F900] =	vst v63  }
0xd0: {  	s25 =	simm.s32 $0x80  }
0xd1: {  	[tilespmem:s19], [sflag:$0x2] =	stream.indirect.gather [hbm4b:s2+s16], $0x80, s25, s16, $0xb8;
	[tilespmem:$0x1F900] =	vst v63  }
0xd2: {  	s25 =	simm.s32 $0x100  }
0xd3: {  	[tilespmem:s21], [sflag:$0x3] =	stream.indirect.gather [hbm4b:s2+s16], $0x80, s25, s16, $0xb8;
	[tilespmem:$0x1F900] =	vst v63  }
0xd4: {  	_ =	swait.ge [sflag:s22], $0x3800  }
0xd5: {  	[sflag:s22] =	ssyncset.done $0x0  }
0xd6: {  	[sflag:s22] =	ssyncadd.s32 $0xFFFFC800  }
0xd7: {  	[spmem:s4] =	stream.indirect.scatter.add.f32 [tilespmem:s17], [sflag:$0x4], $0x80, s15, s16, $0xb8;
	[tilespmem:$0x1F900] =	vst v63  }
0xd8: {  	_ =	swait.ge [sflag:s23], $0x3800  }
0xd9: {  	[sflag:s23] =	ssyncset.done $0x0  }
0xda: {  	s25 =	simm.s32 $0xC80;
	[sflag:s23] =	ssyncadd.s32 $0xFFFFC800  }
0xdb: {  	[spmem:s4] =	stream.indirect.scatter.add.f32 [tilespmem:s19], [sflag:$0x5], $0x80, s25, s16, $0xb8;
	[tilespmem:$0x1F900] =	vst v63  }
0xdc: {  	_ =	swait.ge [sflag:s26], $0x3800  }
0xdd: {  	[sflag:s26] =	ssyncset.done $0x0  }
0xde: {  	s25 =	simm.s32 $0xD00;
	[sflag:s26] =	ssyncadd.s32 $0xFFFFC800  }
0xdf: {  	[spmem:s4] =	stream.indirect.scatter.add.f32 [tilespmem:s21], [sflag:$0x6], $0x80, s25, s16, $0xb8;
	[tilespmem:$0x1F900] =	vst v63  }
0xe0: {  	_ =	swait.ge [sflag:s29], $0x3800  }
0xe1: {  	[sflag:s29] =	ssyncset.done $0x0  }
0xe2: {  	s25 =	simm.s32 $0x180;
	[sflag:s29] =	ssyncadd.s32 $0xFFFFC800  }
0xe3: {  	[tilespmem:s17], [sflag:$0x1] =	stream.indirect.gather [hbm4b:s2+s16], $0x80, s25, s16, $0xb8;
	[tilespmem:$0x1F900] =	vst v63  }
0xe4: {  	_ =	swait.ge [sflag:s31], $0x3800  }
0xe5: {  	[sflag:s31] =	ssyncset.done $0x0  }
0xe6: {  	s25 =	simm.s32 $0x200;
	[sflag:s31] =	ssyncadd.s32 $0xFFFFC800  }
0xe7: {  	[tilespmem:s19], [sflag:$0x2] =	stream.indirect.gather [hbm4b:s2+s16], $0x80, s25, s16, $0xb8;
	[tilespmem:$0x1F900] =	vst v63  }
0xe8: {  	_ =	swait.ge [sflag:s3], $0x3800  }
0xe9: {  	[sflag:s3] =	ssyncset.done $0x0  }
0xea: {  	s25 =	simm.s32 $0x280;
	[sflag:s3] =	ssyncadd.s32 $0xFFFFC800  }
0xeb: {  	[tilespmem:s21], [sflag:$0x3] =	stream.indirect.gather [hbm4b:s2+s16], $0x80, s25, s16, $0xb8;
	[tilespmem:$0x1F900] =	vst v63  }
0xec: {  	_ =	swait.ge [sflag:s22], $0x3800  }
0xed: {  	[sflag:s22] =	ssyncset.done $0x0  }
0xee: {  	s25 =	simm.s32 $0xD80;
	[sflag:s22] =	ssyncadd.s32 $0xFFFFC800  }
0xef: {  	[spmem:s4] =	stream.indirect.scatter.add.f32 [tilespmem:s17], [sflag:$0x4], $0x80, s25, s16, $0xb8;
	[tilespmem:$0x1F900] =	vst v63  }
0xf0: {  	_ =	swait.ge [sflag:s23], $0x3800  }
0xf1: {  	[sflag:s23] =	ssyncset.done $0x0  }
0xf2: {  	s25 =	simm.s32 $0xE00;
	[sflag:s23] =	ssyncadd.s32 $0xFFFFC800  }
0xf3: {  	[spmem:s4] =	stream.indirect.scatter.add.f32 [tilespmem:s19], [sflag:$0x5], $0x80, s25, s16, $0xb8;
	[tilespmem:$0x1F900] =	vst v63  }
0xf4: {  	_ =	swait.ge [sflag:s26], $0x3800  }
0xf5: {  	[sflag:s26] =	ssyncset.done $0x0  }
0xf6: {  	s25 =	simm.s32 $0xE80;
	[sflag:s26] =	ssyncadd.s32 $0xFFFFC800  }
0xf7: {  	[spmem:s4] =	stream.indirect.scatter.add.f32 [tilespmem:s21], [sflag:$0x6], $0x80, s25, s16, $0xb8;
	[tilespmem:$0x1F900] =	vst v63  }
0xf8: {  	_ =	swait.ge [sflag:s29], $0x3800  }
0xf9: {  	[sflag:s29] =	ssyncset.done $0x0  }
0xfa: {  	s25 =	simm.s32 $0x300;
	[sflag:s29] =	ssyncadd.s32 $0xFFFFC800  }
0xfb: {  	[tilespmem:s17], [sflag:$0x1] =	stream.indirect.gather [hbm4b:s2+s16], $0x80, s25, s16, $0xb8;
	[tilespmem:$0x1F900] =	vst v63  }
0xfc: {  	_ =	swait.ge [sflag:s31], $0x3800  }
0xfd: {  	[sflag:s31] =	ssyncset.done $0x0  }
0xfe: {  	s25 =	simm.s32 $0x380;
	[sflag:s31] =	ssyncadd.s32 $0xFFFFC800  }
0xff: {  	[tilespmem:s19], [sflag:$0x2] =	stream.indirect.gather [hbm4b:s2+s16], $0x80, s25, s16, $0xb8;
	[tilespmem:$0x1F900] =	vst v63  }
0x100: {  	_ =	swait.ge [sflag:s3], $0x3800  }
0x101: {  	[sflag:s3] =	ssyncset.done $0x0  }
0x102: {  	s25 =	simm.s32 $0x400;
	[sflag:s3] =	ssyncadd.s32 $0xFFFFC800  }
0x103: {  	[tilespmem:s21], [sflag:$0x3] =	stream.indirect.gather [hbm4b:s2+s16], $0x80, s25, s16, $0xb8;
	[tilespmem:$0x1F900] =	vst v63  }
0x104: {  	_ =	swait.ge [sflag:s22], $0x3800  }
0x105: {  	[sflag:s22] =	ssyncset.done $0x0  }
0x106: {  	s25 =	simm.s32 $0xF00;
	[sflag:s22] =	ssyncadd.s32 $0xFFFFC800  }
0x107: {  	[spmem:s4] =	stream.indirect.scatter.add.f32 [tilespmem:s17], [sflag:$0x4], $0x80, s25, s16, $0xb8;
	[tilespmem:$0x1F900] =	vst v63  }
0x108: {  	_ =	swait.ge [sflag:s23], $0x3800  }
0x109: {  	[sflag:s23] =	ssyncset.done $0x0  }
0x10a: {  	s25 =	simm.s32 $0xF80;
	[sflag:s23] =	ssyncadd.s32 $0xFFFFC800  }
0x10b: {  	[spmem:s4] =	stream.indirect.scatter.add.f32 [tilespmem:s19], [sflag:$0x5], $0x80, s25, s16, $0xb8;
	[tilespmem:$0x1F900] =	vst v63  }
0x10c: {  	_ =	swait.ge [sflag:s26], $0x3800  }
0x10d: {  	[sflag:s26] =	ssyncset.done $0x0  }
0x10e: {  	s25 =	simm.s32 $0x1000;
	[sflag:s26] =	ssyncadd.s32 $0xFFFFC800  }
0x10f: {  	[spmem:s4] =	stream.indirect.scatter.add.f32 [tilespmem:s21], [sflag:$0x6], $0x80, s25, s16, $0xb8;
	[tilespmem:$0x1F900] =	vst v63  }
0x110: {  	_ =	swait.ge [sflag:s29], $0x3800  }
0x111: {  	[sflag:s29] =	ssyncset.done $0x0  }
0x112: {  	s25 =	simm.s32 $0x480;
	[sflag:s29] =	ssyncadd.s32 $0xFFFFC800  }
0x113: {  	[tilespmem:s17], [sflag:$0x1] =	stream.indirect.gather [hbm4b:s2+s16], $0x80, s25, s16, $0xb8;
	[tilespmem:$0x1F900] =	vst v63  }
0x114: {  	_ =	swait.ge [sflag:s31], $0x3800  }
0x115: {  	[sflag:s31] =	ssyncset.done $0x0  }
0x116: {  	s25 =	simm.s32 $0x500;
	[sflag:s31] =	ssyncadd.s32 $0xFFFFC800  }
0x117: {  	[tilespmem:s19], [sflag:$0x2] =	stream.indirect.gather [hbm4b:s2+s16], $0x80, s25, s16, $0xb8;
	[tilespmem:$0x1F900] =	vst v63  }
0x118: {  	_ =	swait.ge [sflag:s3], $0x3800  }
0x119: {  	[sflag:s3] =	ssyncset.done $0x0  }
0x11a: {  	s25 =	simm.s32 $0x580;
	[sflag:s3] =	ssyncadd.s32 $0xFFFFC800  }
0x11b: {  	[tilespmem:s21], [sflag:$0x3] =	stream.indirect.gather [hbm4b:s2+s16], $0x80, s25, s16, $0xb8;
	[tilespmem:$0x1F900] =	vst v63  }
0x11c: {  	_ =	swait.ge [sflag:s22], $0x3800  }
0x11d: {  	[sflag:s22] =	ssyncset.done $0x0  }
0x11e: {  	s25 =	simm.s32 $0x1080;
	[sflag:s22] =	ssyncadd.s32 $0xFFFFC800  }
0x11f: {  	[spmem:s4] =	stream.indirect.scatter.add.f32 [tilespmem:s17], [sflag:$0x4], $0x80, s25, s16, $0xb8;
	[tilespmem:$0x1F900] =	vst v63  }
0x120: {  	_ =	swait.ge [sflag:s23], $0x3800  }
0x121: {  	[sflag:s23] =	ssyncset.done $0x0  }
0x122: {  	s25 =	simm.s32 $0x1100;
	[sflag:s23] =	ssyncadd.s32 $0xFFFFC800  }
0x123: {  	[spmem:s4] =	stream.indirect.scatter.add.f32 [tilespmem:s19], [sflag:$0x5], $0x80, s25, s16, $0xb8;
	[tilespmem:$0x1F900] =	vst v63  }
0x124: {  	_ =	swait.ge [sflag:s26], $0x3800  }
0x125: {  	[sflag:s26] =	ssyncset.done $0x0  }
0x126: {  	s25 =	simm.s32 $0x1180;
	[sflag:s26] =	ssyncadd.s32 $0xFFFFC800  }
0x127: {  	[spmem:s4] =	stream.indirect.scatter.add.f32 [tilespmem:s21], [sflag:$0x6], $0x80, s25, s16, $0xb8;
	[tilespmem:$0x1F900] =	vst v63  }
0x128: {  	_ =	swait.ge [sflag:s29], $0x3800  }
0x129: {  	[sflag:s29] =	ssyncset.done $0x0  }
0x12a: {  	[sflag:s29] =	ssyncadd.s32 $0xFFFFC800  }
0x12b: {  	[tilespmem:s17], [sflag:$0x1] =	stream.indirect.gather [hbm4b:s2+s16], $0x80, s24, s16, $0xb8;
	[tilespmem:$0x1F900] =	vst v63  }
0x12c: {  	_ =	swait.ge [sflag:s31], $0x3800  }
0x12d: {  	[sflag:s31] =	ssyncset.done $0x0  }
0x12e: {  	[sflag:s31] =	ssyncadd.s32 $0xFFFFC800  }
0x12f: {  	[tilespmem:s19], [sflag:$0x2] =	stream.indirect.gather [hbm4b:s2+s16], $0x80, s28, s16, $0xb8;
	[tilespmem:$0x1F900] =	vst v63  }
0x130: {  	_ =	swait.ge [sflag:s3], $0x3800  }
0x131: {  	[sflag:s3] =	ssyncset.done $0x0  }
0x132: {  	[sflag:s3] =	ssyncadd.s32 $0xFFFFC800  }
0x133: {  	[tilespmem:s21], [sflag:$0x3] =	stream.indirect.gather [hbm4b:s2+s16], $0x80, s9, s16, $0xb8;
	[tilespmem:$0x1F900] =	vst v63  }
0x134: {  	_ =	swait.ge [sflag:s22], $0x3800  }
0x135: {  	[sflag:s22] =	ssyncset.done $0x0  }
0x136: {  	[sflag:s22] =	ssyncadd.s32 $0xFFFFC800  }
0x137: {  	[spmem:s4] =	stream.indirect.scatter.add.f32 [tilespmem:s17], [sflag:$0x4], $0x80, s10, s16, $0xb8;
	[tilespmem:$0x1F900] =	vst v63  }
0x138: {  	_ =	swait.ge [sflag:s23], $0x3800  }
0x139: {  	[sflag:s23] =	ssyncset.done $0x0  }
0x13a: {  	[sflag:s23] =	ssyncadd.s32 $0xFFFFC800  }
0x13b: {  	[spmem:s4] =	stream.indirect.scatter.add.f32 [tilespmem:s19], [sflag:$0x5], $0x80, s7, s16, $0xb8;
	[tilespmem:$0x1F900] =	vst v63  }
0x13c: {  	_ =	swait.ge [sflag:s26], $0x3800  }
0x13d: {  	[sflag:s26] =	ssyncset.done $0x0  }
0x13e: {  	[sflag:s26] =	ssyncadd.s32 $0xFFFFC800  }
0x13f: {  	[spmem:s4] =	stream.indirect.scatter.add.f32 [tilespmem:s21], [sflag:$0x6], $0x80, s6, s16, $0xb8;
	[tilespmem:$0x1F900] =	vst v63  }
0x140: {  	_ =	swait.ge [sflag:s29], $0x3800  }
0x141: {  	[sflag:s29] =	ssyncset.done $0x0  }
0x142: {  	[sflag:s29] =	ssyncadd.s32 $0xFFFFC800  }
0x143: {  	[tilespmem:s17], [sflag:$0x1] =	stream.indirect.gather [hbm4b:s2+s16], $0x80, s8, s16, $0xb8;
	[tilespmem:$0x1F900] =	vst v63  }
0x144: {  	_ =	swait.ge [sflag:s31], $0x3800  }
0x145: {  	[sflag:s31] =	ssyncset.done $0x0  }
0x146: {  	[sflag:s31] =	ssyncadd.s32 $0xFFFFC800  }
0x147: {  	[tilespmem:s19], [sflag:$0x2] =	stream.indirect.gather [hbm4b:s2+s16], $0x80, s11, s16, $0xb8;
	[tilespmem:$0x1F900] =	vst v63  }
0x148: {  	_ =	swait.ge [sflag:s3], $0x3800  }
0x149: {  	[sflag:s3] =	ssyncset.done $0x0  }
0x14a: {  	[sflag:s3] =	ssyncadd.s32 $0xFFFFC800  }
0x14b: {  	[tilespmem:s21], [sflag:$0x3] =	stream.indirect.gather [hbm4b:s2+s16], $0x80, s13, s16, $0xb8;
	[tilespmem:$0x1F900] =	vst v63  }
0x14c: {  	_ =	swait.ge [sflag:s22], $0x3800  }
0x14d: {  	[sflag:s22] =	ssyncset.done $0x0  }
0x14e: {  	[sflag:s22] =	ssyncadd.s32 $0xFFFFC800  }
0x14f: {  	[spmem:s4] =	stream.indirect.scatter.add.f32 [tilespmem:s17], [sflag:$0x4], $0x80, s12, s16, $0xb8;
	[tilespmem:$0x1F900] =	vst v63  }
0x150: {  	_ =	swait.ge [sflag:s23], $0x3800  }
0x151: {  	[sflag:s23] =	ssyncset.done $0x0  }
0x152: {  	[sflag:s23] =	ssyncadd.s32 $0xFFFFC800  }
0x153: {  	[spmem:s4] =	stream.indirect.scatter.add.f32 [tilespmem:s19], [sflag:$0x5], $0x80, s18, s16, $0xb8;
	[tilespmem:$0x1F900] =	vst v63  }
0x154: {  	_ =	swait.ge [sflag:s26], $0x3800  }
0x155: {  	[sflag:s26] =	ssyncset.done $0x0  }
0x156: {  	[sflag:s26] =	ssyncadd.s32 $0xFFFFC800  }
0x157: {  	[spmem:s4] =	stream.indirect.scatter.add.f32 [tilespmem:s21], [sflag:$0x6], $0x80, s20, s16, $0xb8;
	[tilespmem:$0x1F900] =	vst v63  }
0x158: {  	_ =	swait.ge [sflag:s29], $0x3800  }
0x159: {  	p3 =	sne.s32 s30, $0xD80;
	[sflag:s29] =	ssyncset.done $0x0  }
.Ltmp3:
0x15a: {  	[sflag:s29] =	ssyncadd.s32 $0xFFFFC800;
	(pc) =	sbr.rel @p3 .LBB2_6-.Ltmp3, $4  }
0x15b: {  	_ =	swait.ge [sflag:s31], $0x3800  }
0x15c: {  	[sflag:s31] =	ssyncset.done $0x0  }
0x15d: {  	[sflag:s31] =	ssyncadd.s32 $0xFFFFC800  }
0x15e: {  	s30 =	sadd.s32 $0x180, s30;
	_ =	swait.ge [sflag:s3], $0x3800  }
0x15f: {  	[sflag:s3] =	ssyncset.done $0x0  }
0x160: {  	[sflag:s3] =	ssyncadd.s32 $0xFFFFC800  }
0x161: {  	[bflag:$0x0] =	sbarrier.arrive $0xFFFF  }
0x162: {  	s1 =	rddreg [dreg:$0xc]  }
0x163: {  	s25 =	rddreg [dreg:$0xe]  }
0x164: {  	s30 =	rddreg [dreg:$0x10];
	s1 =	sshrl.u32 s1, $0x3  }
0x165: {  	[hbm:s25], [sflag:s30] =	dma.local [spmem:s1], $0x2700  }
.Ltmp4:
0x166: {  	_ = 	snop;
	(pc) =	sbr.rel @p1 .LBB2_9-.Ltmp4, $4  }
.Ltmp5:
0x167: {  	_ = 	snop;
	(pc) =	sbr.rel @!p1 .LBB2_8-.Ltmp5, $4  }
0x168: {  	_ =	swait.ge [sflag:s14], $0x2700  }
0x169: {  	s25 =	smov.u32 s30;
	[sflag:s14] =	ssyncset.done $0x0;
	s30 =	rddreg [dreg:$0xb]  }
0x16a: {  	s6 =	rddreg [dreg:$0x13];
	[sflag:s14] =	ssyncadd.s32 $0xFFFFD900  }
0x16b: {  	_ = 	snop  }
.LBB2_2:
0x16c: {  	s30 =	rddreg [dreg:$0x7]  }
0x16d: {  	s30 =	sadd.s32 $0x0, s30  }
0x16e: {  	[tilespmem:s5], [sflag:$0x7] =	stream.linear.gather [hbm4b:s30+s5], $0x900, $0x38;
	[tilespmem:$0x1F900] =	vst v63  }
0x16f: {  	_ =	swait.ge [sflag:s14], $0x900  }
0x170: {  	s30 =	rddreg [dreg:$0x6];
	[sflag:s14] =	ssyncset.done $0x0  }
0x171: {  	[sflag:s14] =	ssyncadd.s32 $0xFFFFF700;
	s30 =	sadd.s32 $0x0, s30  }
0x172: {  	[tilespmem:s15], [sflag:$0x7] =	stream.linear.gather [hbm4b:s30+s5], $0x900, $0x38;
	[tilespmem:$0x1F900] =	vst v63  }
0x173: {  	_ =	swait.ge [sflag:s14], $0x900  }
0x174: {  	[sflag:s14] =	ssyncset.done $0x0  }
0x175: {  	[sflag:s14] =	ssyncadd.s32 $0xFFFFF700  }
0x176: {  	[tilespmem:s17], [sflag:$0x1] =	stream.indirect.gather [hbm4b:s0+s16], $0x80, s5, s16, $0xb8;
	[tilespmem:$0x1F900] =	vst v63  }
0x177: {  	s1 =	simm.s32 $0x80  }
0x178: {  	[tilespmem:s19], [sflag:$0x2] =	stream.indirect.gather [hbm4b:s0+s16], $0x80, s1, s16, $0xb8;
	[tilespmem:$0x1F900] =	vst v63  }
0x179: {  	s9 =	simm.s32 $0x100  }
0x17a: {  	[tilespmem:s21], [sflag:$0x3] =	stream.indirect.gather [hbm4b:s0+s16], $0x80, s9, s16, $0xb8;
	[tilespmem:$0x1F900] =	vst v63  }
0x17b: {  	_ =	swait.ge [sflag:s22], $0x3800  }
0x17c: {  	[sflag:s22] =	ssyncset.done $0x0  }
0x17d: {  	[sflag:s22] =	ssyncadd.s32 $0xFFFFC800  }
0x17e: {  	[spmem:s4] =	stream.indirect.scatter.add.f32 [tilespmem:s17], [sflag:$0x4], $0x80, s15, s16, $0xb8;
	[tilespmem:$0x1F900] =	vst v63  }
0x17f: {  	_ =	swait.ge [sflag:s23], $0x3800  }
0x180: {  	[sflag:s23] =	ssyncset.done $0x0  }
0x181: {  	s10 =	simm.s32 $0xC80;
	[sflag:s23] =	ssyncadd.s32 $0xFFFFC800  }
0x182: {  	[spmem:s4] =	stream.indirect.scatter.add.f32 [tilespmem:s19], [sflag:$0x5], $0x80, s10, s16, $0xb8;
	[tilespmem:$0x1F900] =	vst v63  }
0x183: {  	_ =	swait.ge [sflag:s26], $0x3800  }
0x184: {  	[sflag:s26] =	ssyncset.done $0x0  }
0x185: {  	s11 =	simm.s32 $0xD00;
	[sflag:s26] =	ssyncadd.s32 $0xFFFFC800  }
0x186: {  	[spmem:s4] =	stream.indirect.scatter.add.f32 [tilespmem:s21], [sflag:$0x6], $0x80, s11, s16, $0xb8;
	[tilespmem:$0x1F900] =	vst v63  }
0x187: {  	_ =	swait.ge [sflag:s29], $0x3800  }
0x188: {  	[sflag:s29] =	ssyncset.done $0x0  }
0x189: {  	s12 =	simm.s32 $0x180;
	[sflag:s29] =	ssyncadd.s32 $0xFFFFC800  }
0x18a: {  	[tilespmem:s17], [sflag:$0x1] =	stream.indirect.gather [hbm4b:s0+s16], $0x80, s12, s16, $0xb8;
	[tilespmem:$0x1F900] =	vst v63  }
0x18b: {  	_ =	swait.ge [sflag:s31], $0x3800  }
0x18c: {  	[sflag:s31] =	ssyncset.done $0x0  }
0x18d: {  	s13 =	simm.s32 $0x200;
	[sflag:s31] =	ssyncadd.s32 $0xFFFFC800  }
0x18e: {  	[tilespmem:s19], [sflag:$0x2] =	stream.indirect.gather [hbm4b:s0+s16], $0x80, s13, s16, $0xb8;
	[tilespmem:$0x1F900] =	vst v63  }
0x18f: {  	_ =	swait.ge [sflag:s3], $0x3800  }
0x190: {  	[sflag:s3] =	ssyncset.done $0x0  }
0x191: {  	s18 =	simm.s32 $0x280;
	[sflag:s3] =	ssyncadd.s32 $0xFFFFC800  }
0x192: {  	[tilespmem:s21], [sflag:$0x3] =	stream.indirect.gather [hbm4b:s0+s16], $0x80, s18, s16, $0xb8;
	[tilespmem:$0x1F900] =	vst v63  }
0x193: {  	_ =	swait.ge [sflag:s22], $0x3800  }
0x194: {  	[sflag:s22] =	ssyncset.done $0x0  }
0x195: {  	s20 =	simm.s32 $0xD80;
	[sflag:s22] =	ssyncadd.s32 $0xFFFFC800  }
0x196: {  	[spmem:s4] =	stream.indirect.scatter.add.f32 [tilespmem:s17], [sflag:$0x4], $0x80, s20, s16, $0xb8;
	[tilespmem:$0x1F900] =	vst v63  }
0x197: {  	_ =	swait.ge [sflag:s23], $0x3800  }
0x198: {  	[sflag:s23] =	ssyncset.done $0x0  }
0x199: {  	s24 =	simm.s32 $0xE00;
	[sflag:s23] =	ssyncadd.s32 $0xFFFFC800  }
0x19a: {  	[spmem:s4] =	stream.indirect.scatter.add.f32 [tilespmem:s19], [sflag:$0x5], $0x80, s24, s16, $0xb8;
	[tilespmem:$0x1F900] =	vst v63  }
0x19b: {  	_ =	swait.ge [sflag:s26], $0x3800  }
0x19c: {  	[sflag:s26] =	ssyncset.done $0x0  }
0x19d: {  	s25 =	simm.s32 $0xE80;
	[sflag:s26] =	ssyncadd.s32 $0xFFFFC800  }
0x19e: {  	[spmem:s4] =	stream.indirect.scatter.add.f32 [tilespmem:s21], [sflag:$0x6], $0x80, s25, s16, $0xb8;
	[tilespmem:$0x1F900] =	vst v63  }
0x19f: {  	_ =	swait.ge [sflag:s29], $0x3800  }
0x1a0: {  	[sflag:s29] =	ssyncset.done $0x0  }
0x1a1: {  	s6 =	simm.s32 $0x300;
	[sflag:s29] =	ssyncadd.s32 $0xFFFFC800  }
0x1a2: {  	[tilespmem:s17], [sflag:$0x1] =	stream.indirect.gather [hbm4b:s0+s16], $0x80, s6, s16, $0xb8;
	[tilespmem:$0x1F900] =	vst v63  }
0x1a3: {  	_ =	swait.ge [sflag:s31], $0x3800  }
0x1a4: {  	[sflag:s31] =	ssyncset.done $0x0  }
0x1a5: {  	s7 =	simm.s32 $0x380;
	[sflag:s31] =	ssyncadd.s32 $0xFFFFC800  }
0x1a6: {  	[tilespmem:s19], [sflag:$0x2] =	stream.indirect.gather [hbm4b:s0+s16], $0x80, s7, s16, $0xb8;
	[tilespmem:$0x1F900] =	vst v63  }
0x1a7: {  	_ =	swait.ge [sflag:s3], $0x3800  }
0x1a8: {  	[sflag:s3] =	ssyncset.done $0x0  }
0x1a9: {  	s8 =	simm.s32 $0x400;
	[sflag:s3] =	ssyncadd.s32 $0xFFFFC800  }
0x1aa: {  	[tilespmem:s21], [sflag:$0x3] =	stream.indirect.gather [hbm4b:s0+s16], $0x80, s8, s16, $0xb8;
	[tilespmem:$0x1F900] =	vst v63  }
0x1ab: {  	_ =	swait.ge [sflag:s22], $0x3800  }
0x1ac: {  	[sflag:s22] =	ssyncset.done $0x0  }
0x1ad: {  	s9 =	simm.s32 $0xF00;
	[sflag:s22] =	ssyncadd.s32 $0xFFFFC800  }
0x1ae: {  	[spmem:s4] =	stream.indirect.scatter.add.f32 [tilespmem:s17], [sflag:$0x4], $0x80, s9, s16, $0xb8;
	[tilespmem:$0x1F900] =	vst v63  }
0x1af: {  	_ =	swait.ge [sflag:s23], $0x3800  }
0x1b0: {  	[sflag:s23] =	ssyncset.done $0x0  }
0x1b1: {  	s10 =	simm.s32 $0xF80;
	[sflag:s23] =	ssyncadd.s32 $0xFFFFC800  }
0x1b2: {  	[spmem:s4] =	stream.indirect.scatter.add.f32 [tilespmem:s19], [sflag:$0x5], $0x80, s10, s16, $0xb8;
	[tilespmem:$0x1F900] =	vst v63  }
0x1b3: {  	_ =	swait.ge [sflag:s26], $0x3800  }
0x1b4: {  	[sflag:s26] =	ssyncset.done $0x0  }
0x1b5: {  	s11 =	simm.s32 $0x1000;
	[sflag:s26] =	ssyncadd.s32 $0xFFFFC800  }
0x1b6: {  	[spmem:s4] =	stream.indirect.scatter.add.f32 [tilespmem:s21], [sflag:$0x6], $0x80, s11, s16, $0xb8;
	[tilespmem:$0x1F900] =	vst v63  }
0x1b7: {  	_ =	swait.ge [sflag:s29], $0x3800  }
0x1b8: {  	[sflag:s29] =	ssyncset.done $0x0  }
0x1b9: {  	s12 =	simm.s32 $0x480;
	[sflag:s29] =	ssyncadd.s32 $0xFFFFC800  }
0x1ba: {  	[tilespmem:s17], [sflag:$0x1] =	stream.indirect.gather [hbm4b:s0+s16], $0x80, s12, s16, $0xb8;
	[tilespmem:$0x1F900] =	vst v63  }
0x1bb: {  	_ =	swait.ge [sflag:s31], $0x3800  }
0x1bc: {  	[sflag:s31] =	ssyncset.done $0x0  }
0x1bd: {  	s13 =	simm.s32 $0x500;
	[sflag:s31] =	ssyncadd.s32 $0xFFFFC800  }
0x1be: {  	[tilespmem:s19], [sflag:$0x2] =	stream.indirect.gather [hbm4b:s0+s16], $0x80, s13, s16, $0xb8;
	[tilespmem:$0x1F900] =	vst v63  }
0x1bf: {  	_ =	swait.ge [sflag:s3], $0x3800  }
0x1c0: {  	[sflag:s3] =	ssyncset.done $0x0  }
0x1c1: {  	s18 =	simm.s32 $0x580;
	[sflag:s3] =	ssyncadd.s32 $0xFFFFC800  }
0x1c2: {  	[tilespmem:s21], [sflag:$0x3] =	stream.indirect.gather [hbm4b:s0+s16], $0x80, s18, s16, $0xb8;
	[tilespmem:$0x1F900] =	vst v63  }
0x1c3: {  	_ =	swait.ge [sflag:s22], $0x3800  }
0x1c4: {  	[sflag:s22] =	ssyncset.done $0x0  }
0x1c5: {  	s20 =	simm.s32 $0x1080;
	[sflag:s22] =	ssyncadd.s32 $0xFFFFC800  }
0x1c6: {  	[spmem:s4] =	stream.indirect.scatter.add.f32 [tilespmem:s17], [sflag:$0x4], $0x80, s20, s16, $0xb8;
	[tilespmem:$0x1F900] =	vst v63  }
0x1c7: {  	_ =	swait.ge [sflag:s23], $0x3800  }
0x1c8: {  	[sflag:s23] =	ssyncset.done $0x0  }
0x1c9: {  	s24 =	simm.s32 $0x1100;
	[sflag:s23] =	ssyncadd.s32 $0xFFFFC800  }
0x1ca: {  	[spmem:s4] =	stream.indirect.scatter.add.f32 [tilespmem:s19], [sflag:$0x5], $0x80, s24, s16, $0xb8;
	[tilespmem:$0x1F900] =	vst v63  }
0x1cb: {  	_ =	swait.ge [sflag:s26], $0x3800  }
0x1cc: {  	[sflag:s26] =	ssyncset.done $0x0  }
0x1cd: {  	s25 =	simm.s32 $0x1180;
	[sflag:s26] =	ssyncadd.s32 $0xFFFFC800  }
0x1ce: {  	[spmem:s4] =	stream.indirect.scatter.add.f32 [tilespmem:s21], [sflag:$0x6], $0x80, s25, s16, $0xb8;
	[tilespmem:$0x1F900] =	vst v63  }
0x1cf: {  	_ =	swait.ge [sflag:s29], $0x3800  }
0x1d0: {  	[sflag:s29] =	ssyncset.done $0x0  }
0x1d1: {  	s24 =	simm.s32 $0x600;
	[sflag:s29] =	ssyncadd.s32 $0xFFFFC800  }
0x1d2: {  	[tilespmem:s17], [sflag:$0x1] =	stream.indirect.gather [hbm4b:s0+s16], $0x80, s24, s16, $0xb8;
	[tilespmem:$0x1F900] =	vst v63  }
0x1d3: {  	_ =	swait.ge [sflag:s31], $0x3800  }
0x1d4: {  	[sflag:s31] =	ssyncset.done $0x0  }
0x1d5: {  	s28 =	simm.s32 $0x680;
	[sflag:s31] =	ssyncadd.s32 $0xFFFFC800  }
0x1d6: {  	[tilespmem:s19], [sflag:$0x2] =	stream.indirect.gather [hbm4b:s0+s16], $0x80, s28, s16, $0xb8;
	[tilespmem:$0x1F900] =	vst v63  }
0x1d7: {  	_ =	swait.ge [sflag:s3], $0x3800  }
0x1d8: {  	[sflag:s3] =	ssyncset.done $0x0  }
0x1d9: {  	s9 =	simm.s32 $0x700;
	[sflag:s3] =	ssyncadd.s32 $0xFFFFC800  }
0x1da: {  	[tilespmem:s21], [sflag:$0x3] =	stream.indirect.gather [hbm4b:s0+s16], $0x80, s9, s16, $0xb8;
	[tilespmem:$0x1F900] =	vst v63  }
0x1db: {  	_ =	swait.ge [sflag:s22], $0x3800  }
0x1dc: {  	[sflag:s22] =	ssyncset.done $0x0  }
0x1dd: {  	s10 =	simm.s32 $0x1200;
	[sflag:s22] =	ssyncadd.s32 $0xFFFFC800  }
0x1de: {  	[spmem:s4] =	stream.indirect.scatter.add.f32 [tilespmem:s17], [sflag:$0x4], $0x80, s10, s16, $0xb8;
	[tilespmem:$0x1F900] =	vst v63  }
0x1df: {  	_ =	swait.ge [sflag:s23], $0x3800  }
0x1e0: {  	[sflag:s23] =	ssyncset.done $0x0  }
0x1e1: {  	s7 =	simm.s32 $0x1280;
	[sflag:s23] =	ssyncadd.s32 $0xFFFFC800  }
0x1e2: {  	[spmem:s4] =	stream.indirect.scatter.add.f32 [tilespmem:s19], [sflag:$0x5], $0x80, s7, s16, $0xb8;
	[tilespmem:$0x1F900] =	vst v63  }
0x1e3: {  	_ =	swait.ge [sflag:s26], $0x3800  }
0x1e4: {  	[sflag:s26] =	ssyncset.done $0x0  }
0x1e5: {  	s6 =	simm.s32 $0x1300;
	[sflag:s26] =	ssyncadd.s32 $0xFFFFC800  }
0x1e6: {  	[spmem:s4] =	stream.indirect.scatter.add.f32 [tilespmem:s21], [sflag:$0x6], $0x80, s6, s16, $0xb8;
	[tilespmem:$0x1F900] =	vst v63  }
0x1e7: {  	_ =	swait.ge [sflag:s29], $0x3800  }
0x1e8: {  	[sflag:s29] =	ssyncset.done $0x0  }
0x1e9: {  	s8 =	simm.s32 $0x780;
	[sflag:s29] =	ssyncadd.s32 $0xFFFFC800  }
0x1ea: {  	[tilespmem:s17], [sflag:$0x1] =	stream.indirect.gather [hbm4b:s0+s16], $0x80, s8, s16, $0xb8;
	[tilespmem:$0x1F900] =	vst v63  }
0x1eb: {  	_ =	swait.ge [sflag:s31], $0x3800  }
0x1ec: {  	[sflag:s31] =	ssyncset.done $0x0  }
0x1ed: {  	s11 =	simm.s32 $0x800;
	[sflag:s31] =	ssyncadd.s32 $0xFFFFC800  }
0x1ee: {  	[tilespmem:s19], [sflag:$0x2] =	stream.indirect.gather [hbm4b:s0+s16], $0x80, s11, s16, $0xb8;
	[tilespmem:$0x1F900] =	vst v63  }
0x1ef: {  	_ =	swait.ge [sflag:s3], $0x3800  }
0x1f0: {  	[sflag:s3] =	ssyncset.done $0x0  }
0x1f1: {  	s13 =	simm.s32 $0x880;
	[sflag:s3] =	ssyncadd.s32 $0xFFFFC800  }
0x1f2: {  	[tilespmem:s21], [sflag:$0x3] =	stream.indirect.gather [hbm4b:s0+s16], $0x80, s13, s16, $0xb8;
	[tilespmem:$0x1F900] =	vst v63  }
0x1f3: {  	_ =	swait.ge [sflag:s22], $0x3800  }
0x1f4: {  	[sflag:s22] =	ssyncset.done $0x0  }
0x1f5: {  	s12 =	simm.s32 $0x1380;
	[sflag:s22] =	ssyncadd.s32 $0xFFFFC800  }
0x1f6: {  	[spmem:s4] =	stream.indirect.scatter.add.f32 [tilespmem:s17], [sflag:$0x4], $0x80, s12, s16, $0xb8;
	[tilespmem:$0x1F900] =	vst v63  }
0x1f7: {  	_ =	swait.ge [sflag:s23], $0x3800  }
0x1f8: {  	[sflag:s23] =	ssyncset.done $0x0  }
0x1f9: {  	s18 =	simm.s32 $0x1400;
	[sflag:s23] =	ssyncadd.s32 $0xFFFFC800  }
0x1fa: {  	[spmem:s4] =	stream.indirect.scatter.add.f32 [tilespmem:s19], [sflag:$0x5], $0x80, s18, s16, $0xb8;
	[tilespmem:$0x1F900] =	vst v63  }
0x1fb: {  	_ =	swait.ge [sflag:s26], $0x3800  }
0x1fc: {  	[sflag:s26] =	ssyncset.done $0x0  }
0x1fd: {  	s20 =	simm.s32 $0x1480;
	[sflag:s26] =	ssyncadd.s32 $0xFFFFC800  }
0x1fe: {  	[spmem:s4] =	stream.indirect.scatter.add.f32 [tilespmem:s21], [sflag:$0x6], $0x80, s20, s16, $0xb8;
	[tilespmem:$0x1F900] =	vst v63  }
0x1ff: {  	_ =	swait.ge [sflag:s29], $0x3800  }
0x200: {  	[sflag:s29] =	ssyncset.done $0x0  }
0x201: {  	[sflag:s29] =	ssyncadd.s32 $0xFFFFC800  }
0x202: {  	_ =	swait.ge [sflag:s31], $0x3800  }
0x203: {  	[sflag:s31] =	ssyncset.done $0x0  }
0x204: {  	[sflag:s31] =	ssyncadd.s32 $0xFFFFC800  }
0x205: {  	s30 =	simm.s32 $0x180;
	_ =	swait.ge [sflag:s3], $0x3800  }
.LBB2_3:
0x206: {  	s1 =	rddreg [dreg:$0x7];
	s25 =	smov.u32 s30;
	[sflag:s3] =	ssyncset.done $0x0  }
0x207: {  	s1 =	sadd.s32 s25, s1;
	[sflag:s3] =	ssyncadd.s32 $0xFFFFC800  }
0x208: {  	[tilespmem:s5], [sflag:$0x7] =	stream.linear.gather [hbm4b:s1+s5], $0x900, $0x38;
	[tilespmem:$0x1F900] =	vst v63  }
0x209: {  	_ =	swait.ge [sflag:s14], $0x900  }
0x20a: {  	s1 =	rddreg [dreg:$0x6];
	[sflag:s14] =	ssyncset.done $0x0  }
0x20b: {  	[sflag:s14] =	ssyncadd.s32 $0xFFFFF700;
	s1 =	sadd.s32 s25, s1  }
0x20c: {  	[tilespmem:s15], [sflag:$0x7] =	stream.linear.gather [hbm4b:s1+s5], $0x900, $0x38;
	[tilespmem:$0x1F900] =	vst v63  }
0x20d: {  	_ =	swait.ge [sflag:s14], $0x900  }
0x20e: {  	[sflag:s14] =	ssyncset.done $0x0  }
0x20f: {  	[sflag:s14] =	ssyncadd.s32 $0xFFFFF700  }
0x210: {  	[tilespmem:s17], [sflag:$0x1] =	stream.indirect.gather [hbm4b:s0+s16], $0x80, s5, s16, $0xb8;
	[tilespmem:$0x1F900] =	vst v63  }
0x211: {  	s25 =	simm.s32 $0x80  }
0x212: {  	[tilespmem:s19], [sflag:$0x2] =	stream.indirect.gather [hbm4b:s0+s16], $0x80, s25, s16, $0xb8;
	[tilespmem:$0x1F900] =	vst v63  }
0x213: {  	s25 =	simm.s32 $0x100  }
0x214: {  	[tilespmem:s21], [sflag:$0x3] =	stream.indirect.gather [hbm4b:s0+s16], $0x80, s25, s16, $0xb8;
	[tilespmem:$0x1F900] =	vst v63  }
0x215: {  	_ =	swait.ge [sflag:s22], $0x3800  }
0x216: {  	[sflag:s22] =	ssyncset.done $0x0  }
0x217: {  	[sflag:s22] =	ssyncadd.s32 $0xFFFFC800  }
0x218: {  	[spmem:s4] =	stream.indirect.scatter.add.f32 [tilespmem:s17], [sflag:$0x4], $0x80, s15, s16, $0xb8;
	[tilespmem:$0x1F900] =	vst v63  }
0x219: {  	_ =	swait.ge [sflag:s23], $0x3800  }
0x21a: {  	[sflag:s23] =	ssyncset.done $0x0  }
0x21b: {  	s25 =	simm.s32 $0xC80;
	[sflag:s23] =	ssyncadd.s32 $0xFFFFC800  }
0x21c: {  	[spmem:s4] =	stream.indirect.scatter.add.f32 [tilespmem:s19], [sflag:$0x5], $0x80, s25, s16, $0xb8;
	[tilespmem:$0x1F900] =	vst v63  }
0x21d: {  	_ =	swait.ge [sflag:s26], $0x3800  }
0x21e: {  	[sflag:s26] =	ssyncset.done $0x0  }
0x21f: {  	s25 =	simm.s32 $0xD00;
	[sflag:s26] =	ssyncadd.s32 $0xFFFFC800  }
0x220: {  	[spmem:s4] =	stream.indirect.scatter.add.f32 [tilespmem:s21], [sflag:$0x6], $0x80, s25, s16, $0xb8;
	[tilespmem:$0x1F900] =	vst v63  }
0x221: {  	_ =	swait.ge [sflag:s29], $0x3800  }
0x222: {  	[sflag:s29] =	ssyncset.done $0x0  }
0x223: {  	s25 =	simm.s32 $0x180;
	[sflag:s29] =	ssyncadd.s32 $0xFFFFC800  }
0x224: {  	[tilespmem:s17], [sflag:$0x1] =	stream.indirect.gather [hbm4b:s0+s16], $0x80, s25, s16, $0xb8;
	[tilespmem:$0x1F900] =	vst v63  }
0x225: {  	_ =	swait.ge [sflag:s31], $0x3800  }
0x226: {  	[sflag:s31] =	ssyncset.done $0x0  }
0x227: {  	s25 =	simm.s32 $0x200;
	[sflag:s31] =	ssyncadd.s32 $0xFFFFC800  }
0x228: {  	[tilespmem:s19], [sflag:$0x2] =	stream.indirect.gather [hbm4b:s0+s16], $0x80, s25, s16, $0xb8;
	[tilespmem:$0x1F900] =	vst v63  }
0x229: {  	_ =	swait.ge [sflag:s3], $0x3800  }
0x22a: {  	[sflag:s3] =	ssyncset.done $0x0  }
0x22b: {  	s25 =	simm.s32 $0x280;
	[sflag:s3] =	ssyncadd.s32 $0xFFFFC800  }
0x22c: {  	[tilespmem:s21], [sflag:$0x3] =	stream.indirect.gather [hbm4b:s0+s16], $0x80, s25, s16, $0xb8;
	[tilespmem:$0x1F900] =	vst v63  }
0x22d: {  	_ =	swait.ge [sflag:s22], $0x3800  }
0x22e: {  	[sflag:s22] =	ssyncset.done $0x0  }
0x22f: {  	s25 =	simm.s32 $0xD80;
	[sflag:s22] =	ssyncadd.s32 $0xFFFFC800  }
0x230: {  	[spmem:s4] =	stream.indirect.scatter.add.f32 [tilespmem:s17], [sflag:$0x4], $0x80, s25, s16, $0xb8;
	[tilespmem:$0x1F900] =	vst v63  }
0x231: {  	_ =	swait.ge [sflag:s23], $0x3800  }
0x232: {  	[sflag:s23] =	ssyncset.done $0x0  }
0x233: {  	s25 =	simm.s32 $0xE00;
	[sflag:s23] =	ssyncadd.s32 $0xFFFFC800  }
0x234: {  	[spmem:s4] =	stream.indirect.scatter.add.f32 [tilespmem:s19], [sflag:$0x5], $0x80, s25, s16, $0xb8;
	[tilespmem:$0x1F900] =	vst v63  }
0x235: {  	_ =	swait.ge [sflag:s26], $0x3800  }
0x236: {  	[sflag:s26] =	ssyncset.done $0x0  }
0x237: {  	s25 =	simm.s32 $0xE80;
	[sflag:s26] =	ssyncadd.s32 $0xFFFFC800  }
0x238: {  	[spmem:s4] =	stream.indirect.scatter.add.f32 [tilespmem:s21], [sflag:$0x6], $0x80, s25, s16, $0xb8;
	[tilespmem:$0x1F900] =	vst v63  }
0x239: {  	_ =	swait.ge [sflag:s29], $0x3800  }
0x23a: {  	[sflag:s29] =	ssyncset.done $0x0  }
0x23b: {  	s25 =	simm.s32 $0x300;
	[sflag:s29] =	ssyncadd.s32 $0xFFFFC800  }
0x23c: {  	[tilespmem:s17], [sflag:$0x1] =	stream.indirect.gather [hbm4b:s0+s16], $0x80, s25, s16, $0xb8;
	[tilespmem:$0x1F900] =	vst v63  }
0x23d: {  	_ =	swait.ge [sflag:s31], $0x3800  }
0x23e: {  	[sflag:s31] =	ssyncset.done $0x0  }
0x23f: {  	s25 =	simm.s32 $0x380;
	[sflag:s31] =	ssyncadd.s32 $0xFFFFC800  }
0x240: {  	[tilespmem:s19], [sflag:$0x2] =	stream.indirect.gather [hbm4b:s0+s16], $0x80, s25, s16, $0xb8;
	[tilespmem:$0x1F900] =	vst v63  }
0x241: {  	_ =	swait.ge [sflag:s3], $0x3800  }
0x242: {  	[sflag:s3] =	ssyncset.done $0x0  }
0x243: {  	s25 =	simm.s32 $0x400;
	[sflag:s3] =	ssyncadd.s32 $0xFFFFC800  }
0x244: {  	[tilespmem:s21], [sflag:$0x3] =	stream.indirect.gather [hbm4b:s0+s16], $0x80, s25, s16, $0xb8;
	[tilespmem:$0x1F900] =	vst v63  }
0x245: {  	_ =	swait.ge [sflag:s22], $0x3800  }
0x246: {  	[sflag:s22] =	ssyncset.done $0x0  }
0x247: {  	s25 =	simm.s32 $0xF00;
	[sflag:s22] =	ssyncadd.s32 $0xFFFFC800  }
0x248: {  	[spmem:s4] =	stream.indirect.scatter.add.f32 [tilespmem:s17], [sflag:$0x4], $0x80, s25, s16, $0xb8;
	[tilespmem:$0x1F900] =	vst v63  }
0x249: {  	_ =	swait.ge [sflag:s23], $0x3800  }
0x24a: {  	[sflag:s23] =	ssyncset.done $0x0  }
0x24b: {  	s25 =	simm.s32 $0xF80;
	[sflag:s23] =	ssyncadd.s32 $0xFFFFC800  }
0x24c: {  	[spmem:s4] =	stream.indirect.scatter.add.f32 [tilespmem:s19], [sflag:$0x5], $0x80, s25, s16, $0xb8;
	[tilespmem:$0x1F900] =	vst v63  }
0x24d: {  	_ =	swait.ge [sflag:s26], $0x3800  }
0x24e: {  	[sflag:s26] =	ssyncset.done $0x0  }
0x24f: {  	s25 =	simm.s32 $0x1000;
	[sflag:s26] =	ssyncadd.s32 $0xFFFFC800  }
0x250: {  	[spmem:s4] =	stream.indirect.scatter.add.f32 [tilespmem:s21], [sflag:$0x6], $0x80, s25, s16, $0xb8;
	[tilespmem:$0x1F900] =	vst v63  }
0x251: {  	_ =	swait.ge [sflag:s29], $0x3800  }
0x252: {  	[sflag:s29] =	ssyncset.done $0x0  }
0x253: {  	s25 =	simm.s32 $0x480;
	[sflag:s29] =	ssyncadd.s32 $0xFFFFC800  }
0x254: {  	[tilespmem:s17], [sflag:$0x1] =	stream.indirect.gather [hbm4b:s0+s16], $0x80, s25, s16, $0xb8;
	[tilespmem:$0x1F900] =	vst v63  }
0x255: {  	_ =	swait.ge [sflag:s31], $0x3800  }
0x256: {  	[sflag:s31] =	ssyncset.done $0x0  }
0x257: {  	s25 =	simm.s32 $0x500;
	[sflag:s31] =	ssyncadd.s32 $0xFFFFC800  }
0x258: {  	[tilespmem:s19], [sflag:$0x2] =	stream.indirect.gather [hbm4b:s0+s16], $0x80, s25, s16, $0xb8;
	[tilespmem:$0x1F900] =	vst v63  }
0x259: {  	_ =	swait.ge [sflag:s3], $0x3800  }
0x25a: {  	[sflag:s3] =	ssyncset.done $0x0  }
0x25b: {  	s25 =	simm.s32 $0x580;
	[sflag:s3] =	ssyncadd.s32 $0xFFFFC800  }
0x25c: {  	[tilespmem:s21], [sflag:$0x3] =	stream.indirect.gather [hbm4b:s0+s16], $0x80, s25, s16, $0xb8;
	[tilespmem:$0x1F900] =	vst v63  }
0x25d: {  	_ =	swait.ge [sflag:s22], $0x3800  }
0x25e: {  	[sflag:s22] =	ssyncset.done $0x0  }
0x25f: {  	s25 =	simm.s32 $0x1080;
	[sflag:s22] =	ssyncadd.s32 $0xFFFFC800  }
0x260: {  	[spmem:s4] =	stream.indirect.scatter.add.f32 [tilespmem:s17], [sflag:$0x4], $0x80, s25, s16, $0xb8;
	[tilespmem:$0x1F900] =	vst v63  }
0x261: {  	_ =	swait.ge [sflag:s23], $0x3800  }
0x262: {  	[sflag:s23] =	ssyncset.done $0x0  }
0x263: {  	s25 =	simm.s32 $0x1100;
	[sflag:s23] =	ssyncadd.s32 $0xFFFFC800  }
0x264: {  	[spmem:s4] =	stream.indirect.scatter.add.f32 [tilespmem:s19], [sflag:$0x5], $0x80, s25, s16, $0xb8;
	[tilespmem:$0x1F900] =	vst v63  }
0x265: {  	_ =	swait.ge [sflag:s26], $0x3800  }
0x266: {  	[sflag:s26] =	ssyncset.done $0x0  }
0x267: {  	s25 =	simm.s32 $0x1180;
	[sflag:s26] =	ssyncadd.s32 $0xFFFFC800  }
0x268: {  	[spmem:s4] =	stream.indirect.scatter.add.f32 [tilespmem:s21], [sflag:$0x6], $0x80, s25, s16, $0xb8;
	[tilespmem:$0x1F900] =	vst v63  }
0x269: {  	_ =	swait.ge [sflag:s29], $0x3800  }
0x26a: {  	[sflag:s29] =	ssyncset.done $0x0  }
0x26b: {  	[sflag:s29] =	ssyncadd.s32 $0xFFFFC800  }
0x26c: {  	[tilespmem:s17], [sflag:$0x1] =	stream.indirect.gather [hbm4b:s0+s16], $0x80, s24, s16, $0xb8;
	[tilespmem:$0x1F900] =	vst v63  }
0x26d: {  	_ =	swait.ge [sflag:s31], $0x3800  }
0x26e: {  	[sflag:s31] =	ssyncset.done $0x0  }
0x26f: {  	[sflag:s31] =	ssyncadd.s32 $0xFFFFC800  }
0x270: {  	[tilespmem:s19], [sflag:$0x2] =	stream.indirect.gather [hbm4b:s0+s16], $0x80, s28, s16, $0xb8;
	[tilespmem:$0x1F900] =	vst v63  }
0x271: {  	_ =	swait.ge [sflag:s3], $0x3800  }
0x272: {  	[sflag:s3] =	ssyncset.done $0x0  }
0x273: {  	[sflag:s3] =	ssyncadd.s32 $0xFFFFC800  }
0x274: {  	[tilespmem:s21], [sflag:$0x3] =	stream.indirect.gather [hbm4b:s0+s16], $0x80, s9, s16, $0xb8;
	[tilespmem:$0x1F900] =	vst v63  }
0x275: {  	_ =	swait.ge [sflag:s22], $0x3800  }
0x276: {  	[sflag:s22] =	ssyncset.done $0x0  }
0x277: {  	[sflag:s22] =	ssyncadd.s32 $0xFFFFC800  }
0x278: {  	[spmem:s4] =	stream.indirect.scatter.add.f32 [tilespmem:s17], [sflag:$0x4], $0x80, s10, s16, $0xb8;
	[tilespmem:$0x1F900] =	vst v63  }
0x279: {  	_ =	swait.ge [sflag:s23], $0x3800  }
0x27a: {  	[sflag:s23] =	ssyncset.done $0x0  }
0x27b: {  	[sflag:s23] =	ssyncadd.s32 $0xFFFFC800  }
0x27c: {  	[spmem:s4] =	stream.indirect.scatter.add.f32 [tilespmem:s19], [sflag:$0x5], $0x80, s7, s16, $0xb8;
	[tilespmem:$0x1F900] =	vst v63  }
0x27d: {  	_ =	swait.ge [sflag:s26], $0x3800  }
0x27e: {  	[sflag:s26] =	ssyncset.done $0x0  }
0x27f: {  	[sflag:s26] =	ssyncadd.s32 $0xFFFFC800  }
0x280: {  	[spmem:s4] =	stream.indirect.scatter.add.f32 [tilespmem:s21], [sflag:$0x6], $0x80, s6, s16, $0xb8;
	[tilespmem:$0x1F900] =	vst v63  }
0x281: {  	_ =	swait.ge [sflag:s29], $0x3800  }
0x282: {  	[sflag:s29] =	ssyncset.done $0x0  }
0x283: {  	[sflag:s29] =	ssyncadd.s32 $0xFFFFC800  }
0x284: {  	[tilespmem:s17], [sflag:$0x1] =	stream.indirect.gather [hbm4b:s0+s16], $0x80, s8, s16, $0xb8;
	[tilespmem:$0x1F900] =	vst v63  }
0x285: {  	_ =	swait.ge [sflag:s31], $0x3800  }
0x286: {  	[sflag:s31] =	ssyncset.done $0x0  }
0x287: {  	[sflag:s31] =	ssyncadd.s32 $0xFFFFC800  }
0x288: {  	[tilespmem:s19], [sflag:$0x2] =	stream.indirect.gather [hbm4b:s0+s16], $0x80, s11, s16, $0xb8;
	[tilespmem:$0x1F900] =	vst v63  }
0x289: {  	_ =	swait.ge [sflag:s3], $0x3800  }
0x28a: {  	[sflag:s3] =	ssyncset.done $0x0  }
0x28b: {  	[sflag:s3] =	ssyncadd.s32 $0xFFFFC800  }
0x28c: {  	[tilespmem:s21], [sflag:$0x3] =	stream.indirect.gather [hbm4b:s0+s16], $0x80, s13, s16, $0xb8;
	[tilespmem:$0x1F900] =	vst v63  }
0x28d: {  	_ =	swait.ge [sflag:s22], $0x3800  }
0x28e: {  	[sflag:s22] =	ssyncset.done $0x0  }
0x28f: {  	[sflag:s22] =	ssyncadd.s32 $0xFFFFC800  }
0x290: {  	[spmem:s4] =	stream.indirect.scatter.add.f32 [tilespmem:s17], [sflag:$0x4], $0x80, s12, s16, $0xb8;
	[tilespmem:$0x1F900] =	vst v63  }
0x291: {  	_ =	swait.ge [sflag:s23], $0x3800  }
0x292: {  	[sflag:s23] =	ssyncset.done $0x0  }
0x293: {  	[sflag:s23] =	ssyncadd.s32 $0xFFFFC800  }
0x294: {  	[spmem:s4] =	stream.indirect.scatter.add.f32 [tilespmem:s19], [sflag:$0x5], $0x80, s18, s16, $0xb8;
	[tilespmem:$0x1F900] =	vst v63  }
0x295: {  	_ =	swait.ge [sflag:s26], $0x3800  }
0x296: {  	[sflag:s26] =	ssyncset.done $0x0  }
0x297: {  	[sflag:s26] =	ssyncadd.s32 $0xFFFFC800  }
0x298: {  	[spmem:s4] =	stream.indirect.scatter.add.f32 [tilespmem:s21], [sflag:$0x6], $0x80, s20, s16, $0xb8;
	[tilespmem:$0x1F900] =	vst v63  }
0x299: {  	_ =	swait.ge [sflag:s29], $0x3800  }
0x29a: {  	p3 =	sne.s32 s30, $0xD80;
	[sflag:s29] =	ssyncset.done $0x0  }
.Ltmp6:
0x29b: {  	[sflag:s29] =	ssyncadd.s32 $0xFFFFC800;
	(pc) =	sbr.rel @p3 .LBB2_3-.Ltmp6, $4  }
0x29c: {  	_ =	swait.ge [sflag:s31], $0x3800  }
0x29d: {  	[sflag:s31] =	ssyncset.done $0x0  }
0x29e: {  	[sflag:s31] =	ssyncadd.s32 $0xFFFFC800  }
0x29f: {  	s30 =	sadd.s32 $0x180, s30;
	_ =	swait.ge [sflag:s3], $0x3800  }
0x2a0: {  	[sflag:s3] =	ssyncset.done $0x0  }
0x2a1: {  	[sflag:s3] =	ssyncadd.s32 $0xFFFFC800  }
0x2a2: {  	[bflag:$0x0] =	sbarrier.arrive $0xFFFF  }
0x2a3: {  	s1 =	rddreg [dreg:$0xc]  }
0x2a4: {  	s25 =	rddreg [dreg:$0xd]  }
0x2a5: {  	s30 =	rddreg [dreg:$0x10];
	s1 =	sshrl.u32 s1, $0x3  }
0x2a6: {  	[hbm:s25], [sflag:s30] =	dma.local [spmem:s1], $0x2700  }
.Ltmp7:
0x2a7: {  	_ = 	snop;
	(pc) =	sbr.rel @!p2 .LBB2_9-.Ltmp7, $4  }
.Ltmp8:
0x2a8: {  	_ =	swait.ge [sflag:s14], $0x2700;
	(pc) =	sbr.rel @p2 .LBB2_8-.Ltmp8, $4  }
0x2a9: {  	[sflag:s14] =	ssyncset.done $0x0  }
0x2aa: {  	s6 =	rddreg [dreg:$0x13];
	[sflag:s14] =	ssyncadd.s32 $0xFFFFD900  }
0x2ab: {  	s25 =	smov.u32 s30;
	s30 =	rddreg [dreg:$0x3]  }
0x2ac: {  	_ = 	snop  }
.LBB2_10:
0x2ad: {  	_ =	sfence.sel $0x180000  }
0x2ae: {  	[bflag:$0x0] =	sbarrier.arrive $0xFFFF  }
0x2af: {  	_ =	strace $0x90000047  }
0x2b0: {  	[bflag:$0x2] =	sbarrier.arrive $0xFFFF  }
0x2b1: {  	s0 =	rddreg [dreg:$0x5]  }
0x2b2: {  	s0 =	sadd.s32 @!p1 $0x100000, s0  }
0x2b3: {  	[sflag:s0] =	ssyncadd.tile.s32 @!p1 $0x1;
	_ =	shalt  }
.Lfunc_end2:
_tile_overlayer_lowered:
.L_overlay_start_2:
0x2b4: {  	(tag) =	ssettag $0x2  }
0x2b5: {  	s0 =	rddreg [dreg:$0x0];
	s2 =	stileid.u32  }
0x2b6: {  	s1 =	rddreg [dreg:$0x1];
	p0 =	sne.s32 s2, $0x0  }
0x2b7: {  	s3 =	rddreg [dreg:$0x2];
	[bflag:$0x3] =	sbarrier.arrive $0xFFFF;
	s2 =	simm.s32 @!p0 $0x1C07  }
0x2b8: {  	[timem:s3], [sflag:s2] =	dma.local @!p0 [hbm:s0], s1  }
0x2b9: {  	s0 =	simm.s32 @!p0 $0x7  }
0x2ba: {  	_ =	swait.ge @!p0 [sflag:s0], s1  }
0x2bb: {  	s1 =	ssub.s32 @!p0 $0x0, s1;
	[sflag:s0] =	ssyncset.done @!p0 $0x0  }
0x2bc: {  	[sflag:s0] =	ssyncadd.s32 @!p0 s1  }
0x2bd: {  	[bflag:$0x3] =	sbarrier.arrive $0xFFFF  }
0x2be: {  	_ =	shalt  }

// kernel: kernel.13.cloned.1.call-start
scs
__scs_entry_jumppad:
0x0: {  	(pc) =	sbr.rel $0x88, $3  }
0x1: {  	(tag) =	ssettag $0x0;
	lr =	simm.s32 $0x1  }
0x2: {  	[smem:$0x3F95] =	sst lr;
	_ =	strace $0xD0000000  }
0x3: {  	_ = 	snop  }
0x4: {  	_ = 	snop  }
0x5: {  	_ = 	snop  }
0x6: {  	_ = 	snop  }
0x7: {  	_ = 	snop  }
__scs_overlays_trampoline_lowered:
0x8: {  	[smem:$0x3FA4] =	sst s0  }
0x9: {  	[smem:$0x3FA5] =	sst s1  }
0xa: {  	[smem:$0x3FA6] =	sst s2  }
0xb: {  	[smem:$0x3FA7] =	sst s3  }
0xc: {  	[smem:$0x3FA8] =	sst s4  }
0xd: {  	[smem:$0x3FA9] =	sst s5  }
0xe: {  	[smem:$0x3FAA] =	sst s6  }
0xf: {  	[smem:$0x3FAB] =	sst s7  }
0x10: {  	[smem:$0x3FAC] =	sst s8  }
0x11: {  	[smem:$0x3FAD] =	sst s9;
	s0 =	simm.s32 @!p0 $0x0  }
0x12: {  	s1 =	sld [smem:$0x3F93];
	s0 =	simm.s32 @p0 $0x1  }
0x13: {  	[smem:$0x3FAE] =	sst s0;
	s0 =	simm.s32 @!p1 $0x0  }
0x14: {  	s2 =	sld [smem:$0x3F92];
	s0 =	simm.s32 @p1 $0x1  }
0x15: {  	[smem:$0x3FAF] =	sst s0;
	s0 =	simm.s32 @!p2 $0x0  }
0x16: {  	s3 =	sld [smem:$0x3FDB];
	s0 =	simm.s32 @p2 $0x1  }
0x17: {  	s4 =	simm.s32 $0x1BF5;
	[smem:$0x3FB1] =	sst s0  }
0x18: {  	s0 =	sld [smem:$0x3F94];
	_ =	swait.ge [sflag:s4], $0x0  }
0x19: {  	s7 =	sld [smem:$0x3F95]  }
0x1a: {  	s8 =	sadd.s32 $0xFFFFE003, lr  }
0x1b: {  	s9 =	sadd.s32 $0xFFFFFEF7, lr;
	s5 =	simm.s32 $0xFFFFFFFF;
	p2 =	slt.u32 s8, $0xFFFFF086  }
0x1c: {  	p1 =	slt.u32 s9, $0xF7A;
	s5 =	simm.s32 @!p2 $0x0  }
0x1d: {  	s5 =	simm.s32 @p1 $0x1;
	p0 =	seq.s32 s7, s2  }
0x1e: {  	s7 =	smul.u32 @!p0 $0xF7A, s2;
	p2 =	seq.s32 @!p0 s5, $0x0  }
0x1f: {  	s9 =	smul.u32 $0xF7A, s1;
	s8 =	simm.s32 @!p0 $0x1BF5;
	p2 =	por !p2, p0  }
0x20: {  	[sflag:s8] =	ssyncset.s32 @!p0 $0xFFFFF086;
	s6 =	sadd.s32 @!p0 s3, s7;
	s7 =	simm.s32 @!p0 $0x108  }
0x21: {  	s3 =	sadd.s32 s3, s9;
	s6 =	sadd.s32 @!p0 $0x88, s6;
	s7 =	simm.s32 @p2 $0x1082  }
0x22: {  	[simem:s7], [sflag:s8] =	dma.local @!p0 [hbm:s6], $0xF7A  }
0x23: {  	s9 =	sor.u32 $0xD0000000, s2;
	s6 =	simm.s32 $0x108;
	_ =	swait.ge @!p0 [sflag:s8], $0x0  }
0x24: {  	s3 =	sadd.s32 $0x88, s3;
	s6 =	simm.s32 @!p1 $0x1082;
	[sflag:s4] =	ssyncset.s32 $0xFFFFF086  }
0x25: {  	[simem:s6], [sflag:s4] =	dma.local [hbm:s3], $0xF7A  }
0x26: {  	[smem:$0x3F95] =	sst s1;
	(tag) =	ssettag s2;
	_ =	strace s9  }
0x27: {  	s1 =	sld [smem:$0x3FA5]  }
0x28: {  	s2 =	sld [smem:$0x3FA6]  }
0x29: {  	s4 =	sld [smem:$0x3FA8]  }
0x2a: {  	p0 =	seq.s32 s5, $0x0;
	s5 =	sld [smem:$0x3FA9]  }
0x2b: {  	s6 =	sld [smem:$0x3FAA]  }
0x2c: {  	s7 =	sld [smem:$0x3FAB]  }
0x2d: {  	s3 =	simm.s32 $0x108;
	s8 =	sld [smem:$0x3FAC]  }
0x2e: {  	s3 =	simm.s32 @!p0 $0x1082;
	s9 =	sld [smem:$0x3FAD]  }
0x2f: {  	lr =	sadd.s32 s0, s3;
	s0 =	sld [smem:$0x3FA4]  }
0x30: {  	s3 =	sld [smem:$0x3FA7]  }
0x31: {  	[smem:$0x3FB0] =	sst s10  }
0x32: {  	s10 =	sld [smem:$0x3FAE];
	_ =	sdelay $0x3  }
0x33: {  	p0 =	seq.s32 s10, $0x1;
	s10 =	sld [smem:$0x3FB0];
	_ =	sdelay $0x3  }
0x34: {  	[smem:$0x3FB0] =	sst s10  }
0x35: {  	s10 =	sld [smem:$0x3FAF];
	_ =	sdelay $0x3  }
0x36: {  	p1 =	seq.s32 s10, $0x1;
	s10 =	sld [smem:$0x3FB0];
	_ =	sdelay $0x3  }
0x37: {  	[smem:$0x3FB0] =	sst s10  }
0x38: {  	s10 =	sld [smem:$0x3FB1]  }
0x39: {  	_ = 	snop;
	(pc) =	sbr.ind lr, $3  }
0x3a: {  	_ = 	snop  }
0x3b: {  	_ = 	snop  }
0x3c: {  	p2 =	seq.s32 s10, $0x1;
	s10 =	sld [smem:$0x3FB0]  }
0x3d: {  	_ =	shalt  }
0x3e: {  	_ =	shalt  }
0x3f: {  	_ =	shalt  }
0x40: {  	_ =	shalt  }
0x41: {  	_ =	shalt  }
0x42: {  	_ =	shalt  }
0x43: {  	_ =	shalt  }
0x44: {  	_ =	shalt  }
0x45: {  	_ =	shalt  }
0x46: {  	_ =	shalt  }
0x47: {  	_ =	shalt  }
0x48: {  	_ =	shalt  }
0x49: {  	_ =	shalt  }
0x4a: {  	_ =	shalt  }
0x4b: {  	_ =	shalt  }
0x4c: {  	_ =	shalt  }
0x4d: {  	_ =	shalt  }
0x4e: {  	_ =	shalt  }
0x4f: {  	_ =	shalt  }
0x50: {  	_ =	shalt  }
0x51: {  	_ =	shalt  }
0x52: {  	_ =	shalt  }
0x53: {  	_ =	shalt  }
0x54: {  	_ =	shalt  }
0x55: {  	_ =	shalt  }
0x56: {  	_ =	shalt  }
0x57: {  	_ =	shalt  }
0x58: {  	_ =	shalt  }
0x59: {  	_ =	shalt  }
0x5a: {  	_ =	shalt  }
0x5b: {  	_ =	shalt  }
0x5c: {  	_ =	shalt  }
0x5d: {  	_ =	shalt  }
0x5e: {  	_ =	shalt  }
0x5f: {  	_ =	shalt  }
0x60: {  	_ =	shalt  }
0x61: {  	_ =	shalt  }
0x62: {  	_ =	shalt  }
0x63: {  	_ =	shalt  }
0x64: {  	_ =	shalt  }
0x65: {  	_ =	shalt  }
0x66: {  	_ =	shalt  }
0x67: {  	_ =	shalt  }
0x68: {  	_ =	shalt  }
0x69: {  	_ =	shalt  }
0x6a: {  	_ =	shalt  }
0x6b: {  	_ =	shalt  }
0x6c: {  	_ =	shalt  }
0x6d: {  	_ =	shalt  }
0x6e: {  	_ =	shalt  }
0x6f: {  	_ =	shalt  }
0x70: {  	_ =	shalt  }
0x71: {  	_ =	shalt  }
0x72: {  	_ =	shalt  }
0x73: {  	_ =	shalt  }
0x74: {  	_ =	shalt  }
0x75: {  	_ =	shalt  }
0x76: {  	_ =	shalt  }
0x77: {  	_ =	shalt  }
0x78: {  	_ =	shalt  }
0x79: {  	_ =	shalt  }
0x7a: {  	_ =	shalt  }
0x7b: {  	_ =	shalt  }
0x7c: {  	_ =	shalt  }
0x7d: {  	_ =	shalt  }
0x7e: {  	_ =	shalt  }
0x7f: {  	_ =	shalt  }
0x80: {  	_ =	shalt  }
0x81: {  	_ =	shalt  }
0x82: {  	_ =	shalt  }
0x83: {  	_ =	shalt  }
0x84: {  	_ =	shalt  }
0x85: {  	_ =	shalt  }
0x86: {  	_ =	shalt  }
0x87: {  	_ =	shalt  }
.Lfunc_end0:
.L_simem_size_0:
called_computation.1_lowered:
.L_overlay_start_0:
0x88: {  	s2 =	sld [smem:$0x3FD9]  }
0x89: {  	s3 =	sld [smem:$0x3FFE];
	_ =	sdelay $0x1  }
0x8a: {  	s1 =	srdreg.scid  }
0x8b: {  	s0 =	sand.u32 $0x1, s1  }
0x8c: {  	s17 =	sshll.u32 s0, $0xA;
	s2 =	sadd.s32 s3, s2  }
0x8d: {  	s2 =	sadd.s32 s2, s17  }
0x8e: {  	[smem:$0x3FBC] =	sst s2  }
0x8f: {  	_ = 	snop  }
0x90: {  	s2 =	sld [smem:$0x3FD0];
	(tm) =	ssettm $0x1  }
0x91: {  	s18 =	sld [smem:$0x3FFB];
	_ =	sdelay $0x3  }
0x92: {  	_ =	strace s18  }
0x93: {  	s3 =	sld [smem:$0x3FFC];
	_ =	sdelay $0x3  }
0x94: {  	_ =	strace s3  }
0x95: {  	s3 =	sld [smem:$0x3FFD];
	_ =	sdelay $0x3  }
0x96: {  	_ =	strace s3  }
0x97: {  	_ =	strace $0x8FFFFFFF  }
0x98: {  	s19 =	sld [smem:$0x3FDB];
	_ =	sdelay $0x1  }
0x99: {  	s4 =	simm.s32 $_scs_section_size  }
0x9a: {  	s5 =	simm.s32 $_size__tile_overlayer_lowered;
	s6 =	simm.s32 $_tile_overlayer_lowered  }
0x9b: {  	s22 =	simm.s32 $0x1BFF;
	s21 =	sshll.u32 s6, $0x1;
	s3 =	sadd.s32 s4, s19  }
0x9c: {  	s7 =	simm.s32 $0x0;
	s20 =	sshll.u32 s5, $0x1;
	s5 =	sadd.s32 s21, s3  }
0x9d: {  	[timem:s7], [sflag:s22] =	dma.local [hbm:s5], s20  }
0x9e: {  	_ =	swait.ge [sflag:s22], s20  }
0x9f: {  	s4 =	ssub.s32 $0x0, s20;
	[sflag:s22] =	ssyncset.done $0x0  }
0xa0: {  	[sflag:s22] =	ssyncadd.s32 s4;
	_ =	sdelay $0x1  }
0xa1: {  	s23 =	simm.s32 $0x1B8B  }
0xa2: {  	_ =	swait.ge [sflag:s23], $0x1  }
0xa3: {  	[sflag:s23] =	ssyncset.done $0x0  }
0xa4: {  	s25 =	simm.s32 $0x1B8E;
	s24 =	sld [smem:$0x3FFE];
	[sflag:s23] =	ssyncadd.s32 $0xFFFFFFFF  }
0xa5: {  	s26 =	simm.s32 $execute0_lowered;
	[smem:$0x3FD2] =	sst s25  }
0xa6: {  	s5 =	sshll.u32 s26, $0x1;
	_ =	strace $0x80000049;
	[dreg:$0x1] =	wrdreg $0xFFFFFFFF  }
0xa7: {  	s28 =	simm.s32 $_size_execute0_lowered;
	s3 =	sadd.s32 s3, s5;
	[dreg:$0x0] =	wrdreg $0x0  }
0xa8: {  	s5 =	sshll.u32 s28, $0x1;
	[dreg:$0x2] =	wrdreg s3  }
0xa9: {  	[dreg:$0x3] =	wrdreg s5  }
0xaa: {  	[dreg:$0x4] =	wrdreg $0xC0  }
0xab: {  	_ =	task [dreg:s7], $0x5FFFF  }
0xac: {  	[dreg:$0x1] =	wrdreg $0xFFFFFFFF  }
0xad: {  	[dreg:$0x0] =	wrdreg $0x60  }
0xae: {  	[dreg:$0x2] =	wrdreg s2  }
0xaf: {  	[dreg:$0x3] =	wrdreg s24  }
0xb0: {  	[dreg:$0x4] =	wrdreg $0xC0000  }
0xb1: {  	[dreg:$0x5] =	wrdreg $0x9  }
0xb2: {  	_ =	task.clear_ibuf [dreg:s7], $0x6FFFF;
	_ =	strace $0x90000049  }
0xb3: {  	s29 =	simm.s32 $0x9;
	_ =	strace $0x8000004B  }
0xb4: {  	_ =	swait.ge [sflag:s29], $0x1  }
0xb5: {  	[sflag:s29] =	ssyncadd.s32 $0xFFFFFFFF  }
0xb6: {  	_ =	strace $0x9000004B  }
0xb7: {  	_ =	sfence  }
0xb8: {  	s30 =	sld [smem:$0x0];
	_ =	sdelay $0x2  }
0xb9: {  	s31 =	sshll.u32 s1, $0xD;
	s1 =	sshrl.u32 s1, $0x2  }
0xba: {  	s3 =	sand.u32 $0x4000, s31;
	s1 =	sadd.s32 s1, s30  }
0xbb: {  	s0 =	sor.u32 s3, s0;
	s1 =	sshll.u32 s1, $0x11  }
0xbc: {  	s0 =	sor.u32 s1, s0  }
0xbd: {  	s0 =	sadd.s32 $0x8F2B, s0  }
0xbe: {  	[sflag:s0] =	ssyncadd.remote.s32 $0x1  }
0xbf: {  	_ =	sfence.sel $0xFFFF  }
0xc0: {  	[dreg:$0x0] =	wrdreg $0xFFFFFFFF;
	(pc) =	sbr.abs _section_cstart, $3  }
0xc1: {  	[dreg:$0x1] =	wrdreg $0xFFFFFFFF  }
0xc2: {  	_ =	task.clear_ibuf [dreg:s7], $0x2FFFF;
	_ =	strace $0x9FFFFFFF  }
0xc3: {  	(tm) =	ssettm $0x7FFFFFFF  }
tec
execute0_lowered:
.L_overlay_start_1:
0x0: {  	(tag) =	ssettag $0x1  }
0x1: {  	s1 =	rddreg [dreg:$0x0]  }
0x2: {  	s0 =	rddreg [dreg:$0x1]  }
0x3: {  	s2 =	rddreg [dreg:$0x2];
	s3 =	simm.s32 $0x0;
	s5 =	stileid.u32  }
0x4: {  	s7 =	srdreg.scid;
	s21 =	simm.s32 $0x8800;
	s22 =	simm.s32 $0x1  }
0x5: {  	s23 =	simm.s32 $0x2;
	s29 =	simm.s32 $0x4;
	s31 =	simm.s32 $0x5  }
0x6: {  	[smem:$0x7FF] =	sst s3;
	s6 =	smul.u32 $0xF00, s5;
	s4 =	sadd.s32 $0x6A200, s0  }
0x7: {  	s8 =	sadd.s32 $0x40800, s0;
	s7 =	sand.u32 $0x1, s7;
	s9 =	smul.u32 $0x4E400, s5  }
0x8: {  	s11 =	sadd.s32 $0xB8600, s0;
	s12 =	sadd.s32 $0xDF800, s0;
	s10 =	smul.u32 $0x4E000, s5  }
0x9: {  	s15 =	smul.u32 $0x2700, s5;
	s20 =	sadd.s32 $0x138000, s2;
	s26 =	sshll.u32 s5, $0x6  }
0xa: {  	p1 =	sne.s32 s5, $0x0;
	_ =	strace $0x8000004A;
	[dreg:$0x8] =	wrdreg s8  }
0xb: {  	p2 =	seq.s32 s5, $0x0;
	s5 =	simm.s32 $0x0;
	[dreg:$0x9] =	wrdreg s11  }
0xc: {  	s30 =	ssub.s32 $0x2, s7;
	p0 =	seq.s32 s7, $0x1;
	[dreg:$0xa] =	wrdreg s12  }
0xd: {  	s6 =	sadd.s32 s6, s0;
	s14 =	sshrl.u32 s9, $0x2;
	s18 =	sadd.s32 s11, s15  }
0xe: {  	s17 =	sshrl.u32 s10, $0x2;
	s9 =	sadd.s32 s12, s15;
	[dreg:$0xc] =	wrdreg s18  }
0xf: {  	s13 =	sshrl.u32 s30, $0x1;
	s8 =	sadd.s32 s17, s2;
	[dreg:$0xd] =	wrdreg s9  }
0x10: {  	s15 =	simm.s32 $0xC00;
	s19 =	sadd.s32 $0x4800, s6;
	[dreg:$0xb] =	wrdreg s8  }
0x11: {  	s0 =	ssub.s32 s30, s13;
	s24 =	sadd.s32 $0x22800, s6;
	[dreg:$0x4] =	wrdreg s19  }
0x12: {  	s16 =	sadd.s32 s14, s2;
	s25 =	sadd.s32 $0x13800, s6;
	[dreg:$0x5] =	wrdreg s24  }
0x13: {  	s6 =	sadd.s32 $0x31800, s6;
	s9 =	sor.u32 $0x1C07, s26;
	[dreg:$0x6] =	wrdreg s25  }
.Ltmp0:
0x14: {  	s30 =	sshrl.u32 s20, $0x3;
	[dreg:$0x7] =	wrdreg s6;
	(pc) =	sbr.rel .LBB2_1-.Ltmp0, $4  }
0x15: {  	s14 =	simm.s32 $0x7;
	s17 =	simm.s32 $0x1800;
	[dreg:$0x11] =	wrdreg s30  }
0x16: {  	s26 =	simm.s32 $0x3;
	s0 =	smax.u32 s0, $0x1;
	[dreg:$0xf] =	wrdreg s9  }
0x17: {  	s28 =	sshrl.u32 s16, $0x3;
	s16 =	simm.s32 $0x70;
	[dreg:$0xe] =	wrdreg s0  }
0x18: {  	s19 =	simm.s32 $0x5000;
	s25 =	simm.s32 $0x6;
	[dreg:$0x10] =	wrdreg s28  }
.LBB2_8:
0x19: {  	s0 =	sadd.s32 $0x27000, s30;
	s6 =	rddreg [dreg:$0x11]  }
0x1a: {  	[hbm:s0], [sflag:s9] =	dma.local [spmem:s6], $0x100  }
0x1b: {  	_ =	swait.ge [sflag:s14], $0x100  }
0x1c: {  	[sflag:s14] =	ssyncset.done $0x0  }
0x1d: {  	[sflag:s14] =	ssyncadd.s32 $0xFFFFFF00  }
.LBB2_9:
0x1e: {  	s5 =	sadd.s32 $0x1, s5;
	s0 =	rddreg [dreg:$0xe]  }
0x1f: {  	p3 =	sne.s32 s5, s0  }
.Ltmp1:
0x20: {  	_ = 	snop;
	(pc) =	sbr.rel @!p3 .LBB2_10-.Ltmp1, $1  }
0x21: {  	_ =	sdelay $0x3  }
.LBB2_1:
0x22: {  	[dreg:$0x12] =	wrdreg s5  }
0x23: {  	s0 =	rddreg [dreg:$0x8]  }
0x24: {  	s30 =	rddreg [dreg:$0x10]  }
0x25: {  	[spmem:s30], [sflag:s9] =	dma.local [hbm:s0], $0x2720  }
.Ltmp2:
0x26: {  	_ =	swait.ge [sflag:s14], $0x2720;
	(pc) =	sbr.rel @!p0 .LBB2_2-.Ltmp2, $3  }
0x27: {  	[sflag:s14] =	ssyncset.done $0x0  }
0x28: {  	[sflag:s14] =	ssyncadd.s32 $0xFFFFD8E0  }
0x29: {  	[bflag:$0x0] =	sbarrier.arrive $0xFFFF;
	_ =	sdelay $0x1  }
0x2a: {  	s0 =	rddreg [dreg:$0x7]  }
0x2b: {  	s0 =	sadd.s32 $0x0, s0  }
0x2c: {  	[tilespmem:s3], [sflag:$0x7] =	stream.linear.gather [hbm4b:s0+s3], $0x900, $0x38;
	[tilespmem:$0x1F900] =	vst v63  }
0x2d: {  	_ =	swait.ge [sflag:s14], $0x900  }
0x2e: {  	s6 =	rddreg [dreg:$0x6];
	[sflag:s14] =	ssyncset.done $0x0  }
0x2f: {  	[sflag:s14] =	ssyncadd.s32 $0xFFFFF700;
	s0 =	sadd.s32 $0x0, s6  }
0x30: {  	[tilespmem:s15], [sflag:$0x7] =	stream.linear.gather [hbm4b:s0+s3], $0x900, $0x38;
	[tilespmem:$0x1F900] =	vst v63  }
0x31: {  	_ =	swait.ge [sflag:s14], $0x900  }
0x32: {  	[sflag:s14] =	ssyncset.done $0x0  }
0x33: {  	[sflag:s14] =	ssyncadd.s32 $0xFFFFF700  }
0x34: {  	[tilespmem:s17], [sflag:$0x1] =	stream.indirect.gather [hbm4b:s4+s16], $0x80, s3, s16, $0xb8;
	[tilespmem:$0x1F900] =	vst v63  }
0x35: {  	s7 =	simm.s32 $0x80  }
0x36: {  	[tilespmem:s19], [sflag:$0x2] =	stream.indirect.gather [hbm4b:s4+s16], $0x80, s7, s16, $0xb8;
	[tilespmem:$0x1F900] =	vst v63  }
0x37: {  	s8 =	simm.s32 $0x100  }
0x38: {  	[tilespmem:s21], [sflag:$0x3] =	stream.indirect.gather [hbm4b:s4+s16], $0x80, s8, s16, $0xb8;
	[tilespmem:$0x1F900] =	vst v63  }
0x39: {  	_ =	swait.ge [sflag:s22], $0x3800  }
0x3a: {  	[sflag:s22] =	ssyncset.done $0x0  }
0x3b: {  	[sflag:s22] =	ssyncadd.s32 $0xFFFFC800  }
0x3c: {  	[spmem:s2] =	stream.indirect.scatter.add.f32 [tilespmem:s17], [sflag:$0x4], $0x80, s15, s16, $0xb8;
	[tilespmem:$0x1F900] =	vst v63  }
0x3d: {  	_ =	swait.ge [sflag:s23], $0x3800  }
0x3e: {  	[sflag:s23] =	ssyncset.done $0x0  }
0x3f: {  	s9 =	simm.s32 $0xC80;
	[sflag:s23] =	ssyncadd.s32 $0xFFFFC800  }
0x40: {  	[spmem:s2] =	stream.indirect.scatter.add.f32 [tilespmem:s19], [sflag:$0x5], $0x80, s9, s16, $0xb8;
	[tilespmem:$0x1F900] =	vst v63  }
0x41: {  	_ =	swait.ge [sflag:s26], $0x3800  }
0x42: {  	[sflag:s26] =	ssyncset.done $0x0  }
0x43: {  	s10 =	simm.s32 $0xD00;
	[sflag:s26] =	ssyncadd.s32 $0xFFFFC800  }
0x44: {  	[spmem:s2] =	stream.indirect.scatter.add.f32 [tilespmem:s21], [sflag:$0x6], $0x80, s10, s16, $0xb8;
	[tilespmem:$0x1F900] =	vst v63  }
0x45: {  	_ =	swait.ge [sflag:s29], $0x3800  }
0x46: {  	[sflag:s29] =	ssyncset.done $0x0  }
0x47: {  	s11 =	simm.s32 $0x180;
	[sflag:s29] =	ssyncadd.s32 $0xFFFFC800  }
0x48: {  	[tilespmem:s17], [sflag:$0x1] =	stream.indirect.gather [hbm4b:s4+s16], $0x80, s11, s16, $0xb8;
	[tilespmem:$0x1F900] =	vst v63  }
0x49: {  	_ =	swait.ge [sflag:s31], $0x3800  }
0x4a: {  	[sflag:s31] =	ssyncset.done $0x0  }
0x4b: {  	s12 =	simm.s32 $0x200;
	[sflag:s31] =	ssyncadd.s32 $0xFFFFC800  }
0x4c: {  	[tilespmem:s19], [sflag:$0x2] =	stream.indirect.gather [hbm4b:s4+s16], $0x80, s12, s16, $0xb8;
	[tilespmem:$0x1F900] =	vst v63  }
0x4d: {  	_ =	swait.ge [sflag:s25], $0x3800  }
0x4e: {  	[sflag:s25] =	ssyncset.done $0x0  }
0x4f: {  	s13 =	simm.s32 $0x280;
	[sflag:s25] =	ssyncadd.s32 $0xFFFFC800  }
0x50: {  	[tilespmem:s21], [sflag:$0x3] =	stream.indirect.gather [hbm4b:s4+s16], $0x80, s13, s16, $0xb8;
	[tilespmem:$0x1F900] =	vst v63  }
0x51: {  	_ =	swait.ge [sflag:s22], $0x3800  }
0x52: {  	[sflag:s22] =	ssyncset.done $0x0  }
0x53: {  	s18 =	simm.s32 $0xD80;
	[sflag:s22] =	ssyncadd.s32 $0xFFFFC800  }
0x54: {  	[spmem:s2] =	stream.indirect.scatter.add.f32 [tilespmem:s17], [sflag:$0x4], $0x80, s18, s16, $0xb8;
	[tilespmem:$0x1F900] =	vst v63  }
0x55: {  	_ =	swait.ge [sflag:s23], $0x3800  }
0x56: {  	[sflag:s23] =	ssyncset.done $0x0  }
0x57: {  	s20 =	simm.s32 $0xE00;
	[sflag:s23] =	ssyncadd.s32 $0xFFFFC800  }
0x58: {  	[spmem:s2] =	stream.indirect.scatter.add.f32 [tilespmem:s19], [sflag:$0x5], $0x80, s20, s16, $0xb8;
	[tilespmem:$0x1F900] =	vst v63  }
0x59: {  	_ =	swait.ge [sflag:s26], $0x3800  }
0x5a: {  	[sflag:s26] =	ssyncset.done $0x0  }
0x5b: {  	s24 =	simm.s32 $0xE80;
	[sflag:s26] =	ssyncadd.s32 $0xFFFFC800  }
0x5c: {  	[spmem:s2] =	stream.indirect.scatter.add.f32 [tilespmem:s21], [sflag:$0x6], $0x80, s24, s16, $0xb8;
	[tilespmem:$0x1F900] =	vst v63  }
0x5d: {  	_ =	swait.ge [sflag:s29], $0x3800  }
0x5e: {  	[sflag:s29] =	ssyncset.done $0x0  }
0x5f: {  	s5 =	simm.s32 $0x300;
	[sflag:s29] =	ssyncadd.s32 $0xFFFFC800  }
0x60: {  	[tilespmem:s17], [sflag:$0x1] =	stream.indirect.gather [hbm4b:s4+s16], $0x80, s5, s16, $0xb8;
	[tilespmem:$0x1F900] =	vst v63  }
0x61: {  	_ =	swait.ge [sflag:s31], $0x3800  }
0x62: {  	[sflag:s31] =	ssyncset.done $0x0  }
0x63: {  	s6 =	simm.s32 $0x380;
	[sflag:s31] =	ssyncadd.s32 $0xFFFFC800  }
0x64: {  	[tilespmem:s19], [sflag:$0x2] =	stream.indirect.gather [hbm4b:s4+s16], $0x80, s6, s16, $0xb8;
	[tilespmem:$0x1F900] =	vst v63  }
0x65: {  	_ =	swait.ge [sflag:s25], $0x3800  }
0x66: {  	[sflag:s25] =	ssyncset.done $0x0  }
0x67: {  	s7 =	simm.s32 $0x400;
	[sflag:s25] =	ssyncadd.s32 $0xFFFFC800  }
0x68: {  	[tilespmem:s21], [sflag:$0x3] =	stream.indirect.gather [hbm4b:s4+s16], $0x80, s7, s16, $0xb8;
	[tilespmem:$0x1F900] =	vst v63  }
0x69: {  	_ =	swait.ge [sflag:s22], $0x3800  }
0x6a: {  	[sflag:s22] =	ssyncset.done $0x0  }
0x6b: {  	s8 =	simm.s32 $0xF00;
	[sflag:s22] =	ssyncadd.s32 $0xFFFFC800  }
0x6c: {  	[spmem:s2] =	stream.indirect.scatter.add.f32 [tilespmem:s17], [sflag:$0x4], $0x80, s8, s16, $0xb8;
	[tilespmem:$0x1F900] =	vst v63  }
0x6d: {  	_ =	swait.ge [sflag:s23], $0x3800  }
0x6e: {  	[sflag:s23] =	ssyncset.done $0x0  }
0x6f: {  	s9 =	simm.s32 $0xF80;
	[sflag:s23] =	ssyncadd.s32 $0xFFFFC800  }
0x70: {  	[spmem:s2] =	stream.indirect.scatter.add.f32 [tilespmem:s19], [sflag:$0x5], $0x80, s9, s16, $0xb8;
	[tilespmem:$0x1F900] =	vst v63  }
0x71: {  	_ =	swait.ge [sflag:s26], $0x3800  }
0x72: {  	[sflag:s26] =	ssyncset.done $0x0  }
0x73: {  	s10 =	simm.s32 $0x1000;
	[sflag:s26] =	ssyncadd.s32 $0xFFFFC800  }
0x74: {  	[spmem:s2] =	stream.indirect.scatter.add.f32 [tilespmem:s21], [sflag:$0x6], $0x80, s10, s16, $0xb8;
	[tilespmem:$0x1F900] =	vst v63  }
0x75: {  	_ =	swait.ge [sflag:s29], $0x3800  }
0x76: {  	[sflag:s29] =	ssyncset.done $0x0  }
0x77: {  	s11 =	simm.s32 $0x480;
	[sflag:s29] =	ssyncadd.s32 $0xFFFFC800  }
0x78: {  	[tilespmem:s17], [sflag:$0x1] =	stream.indirect.gather [hbm4b:s4+s16], $0x80, s11, s16, $0xb8;
	[tilespmem:$0x1F900] =	vst v63  }
0x79: {  	_ =	swait.ge [sflag:s31], $0x3800  }
0x7a: {  	[sflag:s31] =	ssyncset.done $0x0  }
0x7b: {  	s12 =	simm.s32 $0x500;
	[sflag:s31] =	ssyncadd.s32 $0xFFFFC800  }
0x7c: {  	[tilespmem:s19], [sflag:$0x2] =	stream.indirect.gather [hbm4b:s4+s16], $0x80, s12, s16, $0xb8;
	[tilespmem:$0x1F900] =	vst v63  }
0x7d: {  	_ =	swait.ge [sflag:s25], $0x3800  }
0x7e: {  	[sflag:s25] =	ssyncset.done $0x0  }
0x7f: {  	s13 =	simm.s32 $0x580;
	[sflag:s25] =	ssyncadd.s32 $0xFFFFC800  }
0x80: {  	[tilespmem:s21], [sflag:$0x3] =	stream.indirect.gather [hbm4b:s4+s16], $0x80, s13, s16, $0xb8;
	[tilespmem:$0x1F900] =	vst v63  }
0x81: {  	_ =	swait.ge [sflag:s22], $0x3800  }
0x82: {  	[sflag:s22] =	ssyncset.done $0x0  }
0x83: {  	s18 =	simm.s32 $0x1080;
	[sflag:s22] =	ssyncadd.s32 $0xFFFFC800  }
0x84: {  	[spmem:s2] =	stream.indirect.scatter.add.f32 [tilespmem:s17], [sflag:$0x4], $0x80, s18, s16, $0xb8;
	[tilespmem:$0x1F900] =	vst v63  }
0x85: {  	_ =	swait.ge [sflag:s23], $0x3800  }
0x86: {  	[sflag:s23] =	ssyncset.done $0x0  }
0x87: {  	s20 =	simm.s32 $0x1100;
	[sflag:s23] =	ssyncadd.s32 $0xFFFFC800  }
0x88: {  	[spmem:s2] =	stream.indirect.scatter.add.f32 [tilespmem:s19], [sflag:$0x5], $0x80, s20, s16, $0xb8;
	[tilespmem:$0x1F900] =	vst v63  }
0x89: {  	_ =	swait.ge [sflag:s26], $0x3800  }
0x8a: {  	[sflag:s26] =	ssyncset.done $0x0  }
0x8b: {  	s24 =	simm.s32 $0x1180;
	[sflag:s26] =	ssyncadd.s32 $0xFFFFC800  }
0x8c: {  	[spmem:s2] =	stream.indirect.scatter.add.f32 [tilespmem:s21], [sflag:$0x6], $0x80, s24, s16, $0xb8;
	[tilespmem:$0x1F900] =	vst v63  }
0x8d: {  	_ =	swait.ge [sflag:s29], $0x3800  }
0x8e: {  	[sflag:s29] =	ssyncset.done $0x0  }
0x8f: {  	s24 =	simm.s32 $0x600;
	[sflag:s29] =	ssyncadd.s32 $0xFFFFC800  }
0x90: {  	[tilespmem:s17], [sflag:$0x1] =	stream.indirect.gather [hbm4b:s4+s16], $0x80, s24, s16, $0xb8;
	[tilespmem:$0x1F900] =	vst v63  }
0x91: {  	_ =	swait.ge [sflag:s31], $0x3800  }
0x92: {  	[sflag:s31] =	ssyncset.done $0x0  }
0x93: {  	s28 =	simm.s32 $0x680;
	[sflag:s31] =	ssyncadd.s32 $0xFFFFC800  }
0x94: {  	[tilespmem:s19], [sflag:$0x2] =	stream.indirect.gather [hbm4b:s4+s16], $0x80, s28, s16, $0xb8;
	[tilespmem:$0x1F900] =	vst v63  }
0x95: {  	_ =	swait.ge [sflag:s25], $0x3800  }
0x96: {  	[sflag:s25] =	ssyncset.done $0x0  }
0x97: {  	s10 =	simm.s32 $0x700;
	[sflag:s25] =	ssyncadd.s32 $0xFFFFC800  }
0x98: {  	[tilespmem:s21], [sflag:$0x3] =	stream.indirect.gather [hbm4b:s4+s16], $0x80, s10, s16, $0xb8;
	[tilespmem:$0x1F900] =	vst v63  }
0x99: {  	_ =	swait.ge [sflag:s22], $0x3800  }
0x9a: {  	[sflag:s22] =	ssyncset.done $0x0  }
0x9b: {  	s6 =	simm.s32 $0x1200;
	[sflag:s22] =	ssyncadd.s32 $0xFFFFC800  }
0x9c: {  	[spmem:s2] =	stream.indirect.scatter.add.f32 [tilespmem:s17], [sflag:$0x4], $0x80, s6, s16, $0xb8;
	[tilespmem:$0x1F900] =	vst v63  }
0x9d: {  	_ =	swait.ge [sflag:s23], $0x3800  }
0x9e: {  	[sflag:s23] =	ssyncset.done $0x0  }
0x9f: {  	s7 =	simm.s32 $0x1280;
	[sflag:s23] =	ssyncadd.s32 $0xFFFFC800  }
0xa0: {  	[spmem:s2] =	stream.indirect.scatter.add.f32 [tilespmem:s19], [sflag:$0x5], $0x80, s7, s16, $0xb8;
	[tilespmem:$0x1F900] =	vst v63  }
0xa1: {  	_ =	swait.ge [sflag:s26], $0x3800  }
0xa2: {  	[sflag:s26] =	ssyncset.done $0x0  }
0xa3: {  	s5 =	simm.s32 $0x1300;
	[sflag:s26] =	ssyncadd.s32 $0xFFFFC800  }
0xa4: {  	[spmem:s2] =	stream.indirect.scatter.add.f32 [tilespmem:s21], [sflag:$0x6], $0x80, s5, s16, $0xb8;
	[tilespmem:$0x1F900] =	vst v63  }
0xa5: {  	_ =	swait.ge [sflag:s29], $0x3800  }
0xa6: {  	[sflag:s29] =	ssyncset.done $0x0  }
0xa7: {  	s8 =	simm.s32 $0x780;
	[sflag:s29] =	ssyncadd.s32 $0xFFFFC800  }
0xa8: {  	[tilespmem:s17], [sflag:$0x1] =	stream.indirect.gather [hbm4b:s4+s16], $0x80, s8, s16, $0xb8;
	[tilespmem:$0x1F900] =	vst v63  }
0xa9: {  	_ =	swait.ge [sflag:s31], $0x3800  }
0xaa: {  	[sflag:s31] =	ssyncset.done $0x0  }
0xab: {  	s11 =	simm.s32 $0x800;
	[sflag:s31] =	ssyncadd.s32 $0xFFFFC800  }
0xac: {  	[tilespmem:s19], [sflag:$0x2] =	stream.indirect.gather [hbm4b:s4+s16], $0x80, s11, s16, $0xb8;
	[tilespmem:$0x1F900] =	vst v63  }
0xad: {  	_ =	swait.ge [sflag:s25], $0x3800  }
0xae: {  	[sflag:s25] =	ssyncset.done $0x0  }
0xaf: {  	s13 =	simm.s32 $0x880;
	[sflag:s25] =	ssyncadd.s32 $0xFFFFC800  }
0xb0: {  	[tilespmem:s21], [sflag:$0x3] =	stream.indirect.gather [hbm4b:s4+s16], $0x80, s13, s16, $0xb8;
	[tilespmem:$0x1F900] =	vst v63  }
0xb1: {  	_ =	swait.ge [sflag:s22], $0x3800  }
0xb2: {  	[sflag:s22] =	ssyncset.done $0x0  }
0xb3: {  	s12 =	simm.s32 $0x1380;
	[sflag:s22] =	ssyncadd.s32 $0xFFFFC800  }
0xb4: {  	[spmem:s2] =	stream.indirect.scatter.add.f32 [tilespmem:s17], [sflag:$0x4], $0x80, s12, s16, $0xb8;
	[tilespmem:$0x1F900] =	vst v63  }
0xb5: {  	_ =	swait.ge [sflag:s23], $0x3800  }
0xb6: {  	[sflag:s23] =	ssyncset.done $0x0  }
0xb7: {  	s18 =	simm.s32 $0x1400;
	[sflag:s23] =	ssyncadd.s32 $0xFFFFC800  }
0xb8: {  	[spmem:s2] =	stream.indirect.scatter.add.f32 [tilespmem:s19], [sflag:$0x5], $0x80, s18, s16, $0xb8;
	[tilespmem:$0x1F900] =	vst v63  }
0xb9: {  	_ =	swait.ge [sflag:s26], $0x3800  }
0xba: {  	[sflag:s26] =	ssyncset.done $0x0  }
0xbb: {  	s20 =	simm.s32 $0x1480;
	[sflag:s26] =	ssyncadd.s32 $0xFFFFC800  }
0xbc: {  	[spmem:s2] =	stream.indirect.scatter.add.f32 [tilespmem:s21], [sflag:$0x6], $0x80, s20, s16, $0xb8;
	[tilespmem:$0x1F900] =	vst v63  }
0xbd: {  	_ =	swait.ge [sflag:s29], $0x3800  }
0xbe: {  	[sflag:s29] =	ssyncset.done $0x0  }
0xbf: {  	[sflag:s29] =	ssyncadd.s32 $0xFFFFC800  }
0xc0: {  	_ =	swait.ge [sflag:s31], $0x3800  }
0xc1: {  	[sflag:s31] =	ssyncset.done $0x0  }
0xc2: {  	[sflag:s31] =	ssyncadd.s32 $0xFFFFC800  }
0xc3: {  	s30 =	simm.s32 $0x180;
	_ =	swait.ge [sflag:s25], $0x3800  }
.LBB2_6:
0xc4: {  	s0 =	rddreg [dreg:$0x7];
	s9 =	smov.u32 s30;
	[sflag:s25] =	ssyncset.done $0x0  }
0xc5: {  	s0 =	sadd.s32 s9, s0;
	[sflag:s25] =	ssyncadd.s32 $0xFFFFC800  }
0xc6: {  	[tilespmem:s3], [sflag:$0x7] =	stream.linear.gather [hbm4b:s0+s3], $0x900, $0x38;
	[tilespmem:$0x1F900] =	vst v63  }
0xc7: {  	_ =	swait.ge [sflag:s14], $0x900  }
0xc8: {  	s0 =	rddreg [dreg:$0x6];
	[sflag:s14] =	ssyncset.done $0x0  }
0xc9: {  	[sflag:s14] =	ssyncadd.s32 $0xFFFFF700;
	s0 =	sadd.s32 s9, s0  }
0xca: {  	[tilespmem:s15], [sflag:$0x7] =	stream.linear.gather [hbm4b:s0+s3], $0x900, $0x38;
	[tilespmem:$0x1F900] =	vst v63  }
0xcb: {  	_ =	swait.ge [sflag:s14], $0x900  }
0xcc: {  	[sflag:s14] =	ssyncset.done $0x0  }
0xcd: {  	[sflag:s14] =	ssyncadd.s32 $0xFFFFF700  }
0xce: {  	[tilespmem:s17], [sflag:$0x1] =	stream.indirect.gather [hbm4b:s4+s16], $0x80, s3, s16, $0xb8;
	[tilespmem:$0x1F900] =	vst v63  }
0xcf: {  	s9 =	simm.s32 $0x80  }
0xd0: {  	[tilespmem:s19], [sflag:$0x2] =	stream.indirect.gather [hbm4b:s4+s16], $0x80, s9, s16, $0xb8;
	[tilespmem:$0x1F900] =	vst v63  }
0xd1: {  	s9 =	simm.s32 $0x100  }
0xd2: {  	[tilespmem:s21], [sflag:$0x3] =	stream.indirect.gather [hbm4b:s4+s16], $0x80, s9, s16, $0xb8;
	[tilespmem:$0x1F900] =	vst v63  }
0xd3: {  	_ =	swait.ge [sflag:s22], $0x3800  }
0xd4: {  	[sflag:s22] =	ssyncset.done $0x0  }
0xd5: {  	[sflag:s22] =	ssyncadd.s32 $0xFFFFC800  }
0xd6: {  	[spmem:s2] =	stream.indirect.scatter.add.f32 [tilespmem:s17], [sflag:$0x4], $0x80, s15, s16, $0xb8;
	[tilespmem:$0x1F900] =	vst v63  }
0xd7: {  	_ =	swait.ge [sflag:s23], $0x3800  }
0xd8: {  	[sflag:s23] =	ssyncset.done $0x0  }
0xd9: {  	s9 =	simm.s32 $0xC80;
	[sflag:s23] =	ssyncadd.s32 $0xFFFFC800  }
0xda: {  	[spmem:s2] =	stream.indirect.scatter.add.f32 [tilespmem:s19], [sflag:$0x5], $0x80, s9, s16, $0xb8;
	[tilespmem:$0x1F900] =	vst v63  }
0xdb: {  	_ =	swait.ge [sflag:s26], $0x3800  }
0xdc: {  	[sflag:s26] =	ssyncset.done $0x0  }
0xdd: {  	s9 =	simm.s32 $0xD00;
	[sflag:s26] =	ssyncadd.s32 $0xFFFFC800  }
0xde: {  	[spmem:s2] =	stream.indirect.scatter.add.f32 [tilespmem:s21], [sflag:$0x6], $0x80, s9, s16, $0xb8;
	[tilespmem:$0x1F900] =	vst v63  }
0xdf: {  	_ =	swait.ge [sflag:s29], $0x3800  }
0xe0: {  	[sflag:s29] =	ssyncset.done $0x0  }
0xe1: {  	s9 =	simm.s32 $0x180;
	[sflag:s29] =	ssyncadd.s32 $0xFFFFC800  }
0xe2: {  	[tilespmem:s17], [sflag:$0x1] =	stream.indirect.gather [hbm4b:s4+s16], $0x80, s9, s16, $0xb8;
	[tilespmem:$0x1F900] =	vst v63  }
0xe3: {  	_ =	swait.ge [sflag:s31], $0x3800  }
0xe4: {  	[sflag:s31] =	ssyncset.done $0x0  }
0xe5: {  	s9 =	simm.s32 $0x200;
	[sflag:s31] =	ssyncadd.s32 $0xFFFFC800  }
0xe6: {  	[tilespmem:s19], [sflag:$0x2] =	stream.indirect.gather [hbm4b:s4+s16], $0x80, s9, s16, $0xb8;
	[tilespmem:$0x1F900] =	vst v63  }
0xe7: {  	_ =	swait.ge [sflag:s25], $0x3800  }
0xe8: {  	[sflag:s25] =	ssyncset.done $0x0  }
0xe9: {  	s9 =	simm.s32 $0x280;
	[sflag:s25] =	ssyncadd.s32 $0xFFFFC800  }
0xea: {  	[tilespmem:s21], [sflag:$0x3] =	stream.indirect.gather [hbm4b:s4+s16], $0x80, s9, s16, $0xb8;
	[tilespmem:$0x1F900] =	vst v63  }
0xeb: {  	_ =	swait.ge [sflag:s22], $0x3800  }
0xec: {  	[sflag:s22] =	ssyncset.done $0x0  }
0xed: {  	s9 =	simm.s32 $0xD80;
	[sflag:s22] =	ssyncadd.s32 $0xFFFFC800  }
0xee: {  	[spmem:s2] =	stream.indirect.scatter.add.f32 [tilespmem:s17], [sflag:$0x4], $0x80, s9, s16, $0xb8;
	[tilespmem:$0x1F900] =	vst v63  }
0xef: {  	_ =	swait.ge [sflag:s23], $0x3800  }
0xf0: {  	[sflag:s23] =	ssyncset.done $0x0  }
0xf1: {  	s9 =	simm.s32 $0xE00;
	[sflag:s23] =	ssyncadd.s32 $0xFFFFC800  }
0xf2: {  	[spmem:s2] =	stream.indirect.scatter.add.f32 [tilespmem:s19], [sflag:$0x5], $0x80, s9, s16, $0xb8;
	[tilespmem:$0x1F900] =	vst v63  }
0xf3: {  	_ =	swait.ge [sflag:s26], $0x3800  }
0xf4: {  	[sflag:s26] =	ssyncset.done $0x0  }
0xf5: {  	s9 =	simm.s32 $0xE80;
	[sflag:s26] =	ssyncadd.s32 $0xFFFFC800  }
0xf6: {  	[spmem:s2] =	stream.indirect.scatter.add.f32 [tilespmem:s21], [sflag:$0x6], $0x80, s9, s16, $0xb8;
	[tilespmem:$0x1F900] =	vst v63  }
0xf7: {  	_ =	swait.ge [sflag:s29], $0x3800  }
0xf8: {  	[sflag:s29] =	ssyncset.done $0x0  }
0xf9: {  	s9 =	simm.s32 $0x300;
	[sflag:s29] =	ssyncadd.s32 $0xFFFFC800  }
0xfa: {  	[tilespmem:s17], [sflag:$0x1] =	stream.indirect.gather [hbm4b:s4+s16], $0x80, s9, s16, $0xb8;
	[tilespmem:$0x1F900] =	vst v63  }
0xfb: {  	_ =	swait.ge [sflag:s31], $0x3800  }
0xfc: {  	[sflag:s31] =	ssyncset.done $0x0  }
0xfd: {  	s9 =	simm.s32 $0x380;
	[sflag:s31] =	ssyncadd.s32 $0xFFFFC800  }
0xfe: {  	[tilespmem:s19], [sflag:$0x2] =	stream.indirect.gather [hbm4b:s4+s16], $0x80, s9, s16, $0xb8;
	[tilespmem:$0x1F900] =	vst v63  }
0xff: {  	_ =	swait.ge [sflag:s25], $0x3800  }
0x100: {  	[sflag:s25] =	ssyncset.done $0x0  }
0x101: {  	s9 =	simm.s32 $0x400;
	[sflag:s25] =	ssyncadd.s32 $0xFFFFC800  }
0x102: {  	[tilespmem:s21], [sflag:$0x3] =	stream.indirect.gather [hbm4b:s4+s16], $0x80, s9, s16, $0xb8;
	[tilespmem:$0x1F900] =	vst v63  }
0x103: {  	_ =	swait.ge [sflag:s22], $0x3800  }
0x104: {  	[sflag:s22] =	ssyncset.done $0x0  }
0x105: {  	s9 =	simm.s32 $0xF00;
	[sflag:s22] =	ssyncadd.s32 $0xFFFFC800  }
0x106: {  	[spmem:s2] =	stream.indirect.scatter.add.f32 [tilespmem:s17], [sflag:$0x4], $0x80, s9, s16, $0xb8;
	[tilespmem:$0x1F900] =	vst v63  }
0x107: {  	_ =	swait.ge [sflag:s23], $0x3800  }
0x108: {  	[sflag:s23] =	ssyncset.done $0x0  }
0x109: {  	s9 =	simm.s32 $0xF80;
	[sflag:s23] =	ssyncadd.s32 $0xFFFFC800  }
0x10a: {  	[spmem:s2] =	stream.indirect.scatter.add.f32 [tilespmem:s19], [sflag:$0x5], $0x80, s9, s16, $0xb8;
	[tilespmem:$0x1F900] =	vst v63  }
0x10b: {  	_ =	swait.ge [sflag:s26], $0x3800  }
0x10c: {  	[sflag:s26] =	ssyncset.done $0x0  }
0x10d: {  	s9 =	simm.s32 $0x1000;
	[sflag:s26] =	ssyncadd.s32 $0xFFFFC800  }
0x10e: {  	[spmem:s2] =	stream.indirect.scatter.add.f32 [tilespmem:s21], [sflag:$0x6], $0x80, s9, s16, $0xb8;
	[tilespmem:$0x1F900] =	vst v63  }
0x10f: {  	_ =	swait.ge [sflag:s29], $0x3800  }
0x110: {  	[sflag:s29] =	ssyncset.done $0x0  }
0x111: {  	s9 =	simm.s32 $0x480;
	[sflag:s29] =	ssyncadd.s32 $0xFFFFC800  }
0x112: {  	[tilespmem:s17], [sflag:$0x1] =	stream.indirect.gather [hbm4b:s4+s16], $0x80, s9, s16, $0xb8;
	[tilespmem:$0x1F900] =	vst v63  }
0x113: {  	_ =	swait.ge [sflag:s31], $0x3800  }
0x114: {  	[sflag:s31] =	ssyncset.done $0x0  }
0x115: {  	s9 =	simm.s32 $0x500;
	[sflag:s31] =	ssyncadd.s32 $0xFFFFC800  }
0x116: {  	[tilespmem:s19], [sflag:$0x2] =	stream.indirect.gather [hbm4b:s4+s16], $0x80, s9, s16, $0xb8;
	[tilespmem:$0x1F900] =	vst v63  }
0x117: {  	_ =	swait.ge [sflag:s25], $0x3800  }
0x118: {  	[sflag:s25] =	ssyncset.done $0x0  }
0x119: {  	s9 =	simm.s32 $0x580;
	[sflag:s25] =	ssyncadd.s32 $0xFFFFC800  }
0x11a: {  	[tilespmem:s21], [sflag:$0x3] =	stream.indirect.gather [hbm4b:s4+s16], $0x80, s9, s16, $0xb8;
	[tilespmem:$0x1F900] =	vst v63  }
0x11b: {  	_ =	swait.ge [sflag:s22], $0x3800  }
0x11c: {  	[sflag:s22] =	ssyncset.done $0x0  }
0x11d: {  	s9 =	simm.s32 $0x1080;
	[sflag:s22] =	ssyncadd.s32 $0xFFFFC800  }
0x11e: {  	[spmem:s2] =	stream.indirect.scatter.add.f32 [tilespmem:s17], [sflag:$0x4], $0x80, s9, s16, $0xb8;
	[tilespmem:$0x1F900] =	vst v63  }
0x11f: {  	_ =	swait.ge [sflag:s23], $0x3800  }
0x120: {  	[sflag:s23] =	ssyncset.done $0x0  }
0x121: {  	s9 =	simm.s32 $0x1100;
	[sflag:s23] =	ssyncadd.s32 $0xFFFFC800  }
0x122: {  	[spmem:s2] =	stream.indirect.scatter.add.f32 [tilespmem:s19], [sflag:$0x5], $0x80, s9, s16, $0xb8;
	[tilespmem:$0x1F900] =	vst v63  }
0x123: {  	_ =	swait.ge [sflag:s26], $0x3800  }
0x124: {  	[sflag:s26] =	ssyncset.done $0x0  }
0x125: {  	s9 =	simm.s32 $0x1180;
	[sflag:s26] =	ssyncadd.s32 $0xFFFFC800  }
0x126: {  	[spmem:s2] =	stream.indirect.scatter.add.f32 [tilespmem:s21], [sflag:$0x6], $0x80, s9, s16, $0xb8;
	[tilespmem:$0x1F900] =	vst v63  }
0x127: {  	_ =	swait.ge [sflag:s29], $0x3800  }
0x128: {  	[sflag:s29] =	ssyncset.done $0x0  }
0x129: {  	[sflag:s29] =	ssyncadd.s32 $0xFFFFC800  }
0x12a: {  	[tilespmem:s17], [sflag:$0x1] =	stream.indirect.gather [hbm4b:s4+s16], $0x80, s24, s16, $0xb8;
	[tilespmem:$0x1F900] =	vst v63  }
0x12b: {  	_ =	swait.ge [sflag:s31], $0x3800  }
0x12c: {  	[sflag:s31] =	ssyncset.done $0x0  }
0x12d: {  	[sflag:s31] =	ssyncadd.s32 $0xFFFFC800  }
0x12e: {  	[tilespmem:s19], [sflag:$0x2] =	stream.indirect.gather [hbm4b:s4+s16], $0x80, s28, s16, $0xb8;
	[tilespmem:$0x1F900] =	vst v63  }
0x12f: {  	_ =	swait.ge [sflag:s25], $0x3800  }
0x130: {  	[sflag:s25] =	ssyncset.done $0x0  }
0x131: {  	[sflag:s25] =	ssyncadd.s32 $0xFFFFC800  }
0x132: {  	[tilespmem:s21], [sflag:$0x3] =	stream.indirect.gather [hbm4b:s4+s16], $0x80, s10, s16, $0xb8;
	[tilespmem:$0x1F900] =	vst v63  }
0x133: {  	_ =	swait.ge [sflag:s22], $0x3800  }
0x134: {  	[sflag:s22] =	ssyncset.done $0x0  }
0x135: {  	[sflag:s22] =	ssyncadd.s32 $0xFFFFC800  }
0x136: {  	[spmem:s2] =	stream.indirect.scatter.add.f32 [tilespmem:s17], [sflag:$0x4], $0x80, s6, s16, $0xb8;
	[tilespmem:$0x1F900] =	vst v63  }
0x137: {  	_ =	swait.ge [sflag:s23], $0x3800  }
0x138: {  	[sflag:s23] =	ssyncset.done $0x0  }
0x139: {  	[sflag:s23] =	ssyncadd.s32 $0xFFFFC800  }
0x13a: {  	[spmem:s2] =	stream.indirect.scatter.add.f32 [tilespmem:s19], [sflag:$0x5], $0x80, s7, s16, $0xb8;
	[tilespmem:$0x1F900] =	vst v63  }
0x13b: {  	_ =	swait.ge [sflag:s26], $0x3800  }
0x13c: {  	[sflag:s26] =	ssyncset.done $0x0  }
0x13d: {  	[sflag:s26] =	ssyncadd.s32 $0xFFFFC800  }
0x13e: {  	[spmem:s2] =	stream.indirect.scatter.add.f32 [tilespmem:s21], [sflag:$0x6], $0x80, s5, s16, $0xb8;
	[tilespmem:$0x1F900] =	vst v63  }
0x13f: {  	_ =	swait.ge [sflag:s29], $0x3800  }
0x140: {  	[sflag:s29] =	ssyncset.done $0x0  }
0x141: {  	[sflag:s29] =	ssyncadd.s32 $0xFFFFC800  }
0x142: {  	[tilespmem:s17], [sflag:$0x1] =	stream.indirect.gather [hbm4b:s4+s16], $0x80, s8, s16, $0xb8;
	[tilespmem:$0x1F900] =	vst v63  }
0x143: {  	_ =	swait.ge [sflag:s31], $0x3800  }
0x144: {  	[sflag:s31] =	ssyncset.done $0x0  }
0x145: {  	[sflag:s31] =	ssyncadd.s32 $0xFFFFC800  }
0x146: {  	[tilespmem:s19], [sflag:$0x2] =	stream.indirect.gather [hbm4b:s4+s16], $0x80, s11, s16, $0xb8;
	[tilespmem:$0x1F900] =	vst v63  }
0x147: {  	_ =	swait.ge [sflag:s25], $0x3800  }
0x148: {  	[sflag:s25] =	ssyncset.done $0x0  }
0x149: {  	[sflag:s25] =	ssyncadd.s32 $0xFFFFC800  }
0x14a: {  	[tilespmem:s21], [sflag:$0x3] =	stream.indirect.gather [hbm4b:s4+s16], $0x80, s13, s16, $0xb8;
	[tilespmem:$0x1F900] =	vst v63  }
0x14b: {  	_ =	swait.ge [sflag:s22], $0x3800  }
0x14c: {  	[sflag:s22] =	ssyncset.done $0x0  }
0x14d: {  	[sflag:s22] =	ssyncadd.s32 $0xFFFFC800  }
0x14e: {  	[spmem:s2] =	stream.indirect.scatter.add.f32 [tilespmem:s17], [sflag:$0x4], $0x80, s12, s16, $0xb8;
	[tilespmem:$0x1F900] =	vst v63  }
0x14f: {  	_ =	swait.ge [sflag:s23], $0x3800  }
0x150: {  	[sflag:s23] =	ssyncset.done $0x0  }
0x151: {  	[sflag:s23] =	ssyncadd.s32 $0xFFFFC800  }
0x152: {  	[spmem:s2] =	stream.indirect.scatter.add.f32 [tilespmem:s19], [sflag:$0x5], $0x80, s18, s16, $0xb8;
	[tilespmem:$0x1F900] =	vst v63  }
0x153: {  	_ =	swait.ge [sflag:s26], $0x3800  }
0x154: {  	[sflag:s26] =	ssyncset.done $0x0  }
0x155: {  	[sflag:s26] =	ssyncadd.s32 $0xFFFFC800  }
0x156: {  	[spmem:s2] =	stream.indirect.scatter.add.f32 [tilespmem:s21], [sflag:$0x6], $0x80, s20, s16, $0xb8;
	[tilespmem:$0x1F900] =	vst v63  }
0x157: {  	_ =	swait.ge [sflag:s29], $0x3800  }
0x158: {  	p3 =	sne.s32 s30, $0xD80;
	[sflag:s29] =	ssyncset.done $0x0  }
.Ltmp3:
0x159: {  	[sflag:s29] =	ssyncadd.s32 $0xFFFFC800;
	(pc) =	sbr.rel @p3 .LBB2_6-.Ltmp3, $4  }
0x15a: {  	_ =	swait.ge [sflag:s31], $0x3800  }
0x15b: {  	[sflag:s31] =	ssyncset.done $0x0  }
0x15c: {  	[sflag:s31] =	ssyncadd.s32 $0xFFFFC800  }
0x15d: {  	s30 =	sadd.s32 $0x180, s30;
	_ =	swait.ge [sflag:s25], $0x3800  }
0x15e: {  	[sflag:s25] =	ssyncset.done $0x0  }
0x15f: {  	[sflag:s25] =	ssyncadd.s32 $0xFFFFC800  }
0x160: {  	[bflag:$0x0] =	sbarrier.arrive $0xFFFF  }
0x161: {  	s0 =	rddreg [dreg:$0xb]  }
0x162: {  	s9 =	rddreg [dreg:$0xd]  }
0x163: {  	s30 =	rddreg [dreg:$0xf];
	s0 =	sshrl.u32 s0, $0x3  }
0x164: {  	[hbm:s9], [sflag:s30] =	dma.local [spmem:s0], $0x2700  }
.Ltmp4:
0x165: {  	_ = 	snop;
	(pc) =	sbr.rel @p1 .LBB2_9-.Ltmp4, $4  }
.Ltmp5:
0x166: {  	_ = 	snop;
	(pc) =	sbr.rel @!p1 .LBB2_8-.Ltmp5, $4  }
0x167: {  	_ =	swait.ge [sflag:s14], $0x2700  }
0x168: {  	s9 =	smov.u32 s30;
	[sflag:s14] =	ssyncset.done $0x0;
	s30 =	rddreg [dreg:$0xa]  }
0x169: {  	s5 =	rddreg [dreg:$0x12];
	[sflag:s14] =	ssyncadd.s32 $0xFFFFD900  }
0x16a: {  	_ = 	snop  }
.LBB2_2:
0x16b: {  	s30 =	rddreg [dreg:$0x5]  }
0x16c: {  	s30 =	sadd.s32 $0x0, s30  }
0x16d: {  	[tilespmem:s3], [sflag:$0x7] =	stream.linear.gather [hbm4b:s30+s3], $0x900, $0x38;
	[tilespmem:$0x1F900] =	vst v63  }
0x16e: {  	_ =	swait.ge [sflag:s14], $0x900  }
0x16f: {  	s30 =	rddreg [dreg:$0x4];
	[sflag:s14] =	ssyncset.done $0x0  }
0x170: {  	[sflag:s14] =	ssyncadd.s32 $0xFFFFF700;
	s30 =	sadd.s32 $0x0, s30  }
0x171: {  	[tilespmem:s15], [sflag:$0x7] =	stream.linear.gather [hbm4b:s30+s3], $0x900, $0x38;
	[tilespmem:$0x1F900] =	vst v63  }
0x172: {  	_ =	swait.ge [sflag:s14], $0x900  }
0x173: {  	[sflag:s14] =	ssyncset.done $0x0  }
0x174: {  	[sflag:s14] =	ssyncadd.s32 $0xFFFFF700  }
0x175: {  	[tilespmem:s17], [sflag:$0x1] =	stream.indirect.gather [hbm4b:s1+s16], $0x80, s3, s16, $0xb8;
	[tilespmem:$0x1F900] =	vst v63  }
0x176: {  	s0 =	simm.s32 $0x80  }
0x177: {  	[tilespmem:s19], [sflag:$0x2] =	stream.indirect.gather [hbm4b:s1+s16], $0x80, s0, s16, $0xb8;
	[tilespmem:$0x1F900] =	vst v63  }
0x178: {  	s8 =	simm.s32 $0x100  }
0x179: {  	[tilespmem:s21], [sflag:$0x3] =	stream.indirect.gather [hbm4b:s1+s16], $0x80, s8, s16, $0xb8;
	[tilespmem:$0x1F900] =	vst v63  }
0x17a: {  	_ =	swait.ge [sflag:s22], $0x3800  }
0x17b: {  	[sflag:s22] =	ssyncset.done $0x0  }
0x17c: {  	[sflag:s22] =	ssyncadd.s32 $0xFFFFC800  }
0x17d: {  	[spmem:s2] =	stream.indirect.scatter.add.f32 [tilespmem:s17], [sflag:$0x4], $0x80, s15, s16, $0xb8;
	[tilespmem:$0x1F900] =	vst v63  }
0x17e: {  	_ =	swait.ge [sflag:s23], $0x3800  }
0x17f: {  	[sflag:s23] =	ssyncset.done $0x0  }
0x180: {  	s9 =	simm.s32 $0xC80;
	[sflag:s23] =	ssyncadd.s32 $0xFFFFC800  }
0x181: {  	[spmem:s2] =	stream.indirect.scatter.add.f32 [tilespmem:s19], [sflag:$0x5], $0x80, s9, s16, $0xb8;
	[tilespmem:$0x1F900] =	vst v63  }
0x182: {  	_ =	swait.ge [sflag:s26], $0x3800  }
0x183: {  	[sflag:s26] =	ssyncset.done $0x0  }
0x184: {  	s10 =	simm.s32 $0xD00;
	[sflag:s26] =	ssyncadd.s32 $0xFFFFC800  }
0x185: {  	[spmem:s2] =	stream.indirect.scatter.add.f32 [tilespmem:s21], [sflag:$0x6], $0x80, s10, s16, $0xb8;
	[tilespmem:$0x1F900] =	vst v63  }
0x186: {  	_ =	swait.ge [sflag:s29], $0x3800  }
0x187: {  	[sflag:s29] =	ssyncset.done $0x0  }
0x188: {  	s11 =	simm.s32 $0x180;
	[sflag:s29] =	ssyncadd.s32 $0xFFFFC800  }
0x189: {  	[tilespmem:s17], [sflag:$0x1] =	stream.indirect.gather [hbm4b:s1+s16], $0x80, s11, s16, $0xb8;
	[tilespmem:$0x1F900] =	vst v63  }
0x18a: {  	_ =	swait.ge [sflag:s31], $0x3800  }
0x18b: {  	[sflag:s31] =	ssyncset.done $0x0  }
0x18c: {  	s12 =	simm.s32 $0x200;
	[sflag:s31] =	ssyncadd.s32 $0xFFFFC800  }
0x18d: {  	[tilespmem:s19], [sflag:$0x2] =	stream.indirect.gather [hbm4b:s1+s16], $0x80, s12, s16, $0xb8;
	[tilespmem:$0x1F900] =	vst v63  }
0x18e: {  	_ =	swait.ge [sflag:s25], $0x3800  }
0x18f: {  	[sflag:s25] =	ssyncset.done $0x0  }
0x190: {  	s13 =	simm.s32 $0x280;
	[sflag:s25] =	ssyncadd.s32 $0xFFFFC800  }
0x191: {  	[tilespmem:s21], [sflag:$0x3] =	stream.indirect.gather [hbm4b:s1+s16], $0x80, s13, s16, $0xb8;
	[tilespmem:$0x1F900] =	vst v63  }
0x192: {  	_ =	swait.ge [sflag:s22], $0x3800  }
0x193: {  	[sflag:s22] =	ssyncset.done $0x0  }
0x194: {  	s18 =	simm.s32 $0xD80;
	[sflag:s22] =	ssyncadd.s32 $0xFFFFC800  }
0x195: {  	[spmem:s2] =	stream.indirect.scatter.add.f32 [tilespmem:s17], [sflag:$0x4], $0x80, s18, s16, $0xb8;
	[tilespmem:$0x1F900] =	vst v63  }
0x196: {  	_ =	swait.ge [sflag:s23], $0x3800  }
0x197: {  	[sflag:s23] =	ssyncset.done $0x0  }
0x198: {  	s20 =	simm.s32 $0xE00;
	[sflag:s23] =	ssyncadd.s32 $0xFFFFC800  }
0x199: {  	[spmem:s2] =	stream.indirect.scatter.add.f32 [tilespmem:s19], [sflag:$0x5], $0x80, s20, s16, $0xb8;
	[tilespmem:$0x1F900] =	vst v63  }
0x19a: {  	_ =	swait.ge [sflag:s26], $0x3800  }
0x19b: {  	[sflag:s26] =	ssyncset.done $0x0  }
0x19c: {  	s24 =	simm.s32 $0xE80;
	[sflag:s26] =	ssyncadd.s32 $0xFFFFC800  }
0x19d: {  	[spmem:s2] =	stream.indirect.scatter.add.f32 [tilespmem:s21], [sflag:$0x6], $0x80, s24, s16, $0xb8;
	[tilespmem:$0x1F900] =	vst v63  }
0x19e: {  	_ =	swait.ge [sflag:s29], $0x3800  }
0x19f: {  	[sflag:s29] =	ssyncset.done $0x0  }
0x1a0: {  	s5 =	simm.s32 $0x300;
	[sflag:s29] =	ssyncadd.s32 $0xFFFFC800  }
0x1a1: {  	[tilespmem:s17], [sflag:$0x1] =	stream.indirect.gather [hbm4b:s1+s16], $0x80, s5, s16, $0xb8;
	[tilespmem:$0x1F900] =	vst v63  }
0x1a2: {  	_ =	swait.ge [sflag:s31], $0x3800  }
0x1a3: {  	[sflag:s31] =	ssyncset.done $0x0  }
0x1a4: {  	s6 =	simm.s32 $0x380;
	[sflag:s31] =	ssyncadd.s32 $0xFFFFC800  }
0x1a5: {  	[tilespmem:s19], [sflag:$0x2] =	stream.indirect.gather [hbm4b:s1+s16], $0x80, s6, s16, $0xb8;
	[tilespmem:$0x1F900] =	vst v63  }
0x1a6: {  	_ =	swait.ge [sflag:s25], $0x3800  }
0x1a7: {  	[sflag:s25] =	ssyncset.done $0x0  }
0x1a8: {  	s7 =	simm.s32 $0x400;
	[sflag:s25] =	ssyncadd.s32 $0xFFFFC800  }
0x1a9: {  	[tilespmem:s21], [sflag:$0x3] =	stream.indirect.gather [hbm4b:s1+s16], $0x80, s7, s16, $0xb8;
	[tilespmem:$0x1F900] =	vst v63  }
0x1aa: {  	_ =	swait.ge [sflag:s22], $0x3800  }
0x1ab: {  	[sflag:s22] =	ssyncset.done $0x0  }
0x1ac: {  	s8 =	simm.s32 $0xF00;
	[sflag:s22] =	ssyncadd.s32 $0xFFFFC800  }
0x1ad: {  	[spmem:s2] =	stream.indirect.scatter.add.f32 [tilespmem:s17], [sflag:$0x4], $0x80, s8, s16, $0xb8;
	[tilespmem:$0x1F900] =	vst v63  }
0x1ae: {  	_ =	swait.ge [sflag:s23], $0x3800  }
0x1af: {  	[sflag:s23] =	ssyncset.done $0x0  }
0x1b0: {  	s9 =	simm.s32 $0xF80;
	[sflag:s23] =	ssyncadd.s32 $0xFFFFC800  }
0x1b1: {  	[spmem:s2] =	stream.indirect.scatter.add.f32 [tilespmem:s19], [sflag:$0x5], $0x80, s9, s16, $0xb8;
	[tilespmem:$0x1F900] =	vst v63  }
0x1b2: {  	_ =	swait.ge [sflag:s26], $0x3800  }
0x1b3: {  	[sflag:s26] =	ssyncset.done $0x0  }
0x1b4: {  	s10 =	simm.s32 $0x1000;
	[sflag:s26] =	ssyncadd.s32 $0xFFFFC800  }
0x1b5: {  	[spmem:s2] =	stream.indirect.scatter.add.f32 [tilespmem:s21], [sflag:$0x6], $0x80, s10, s16, $0xb8;
	[tilespmem:$0x1F900] =	vst v63  }
0x1b6: {  	_ =	swait.ge [sflag:s29], $0x3800  }
0x1b7: {  	[sflag:s29] =	ssyncset.done $0x0  }
0x1b8: {  	s11 =	simm.s32 $0x480;
	[sflag:s29] =	ssyncadd.s32 $0xFFFFC800  }
0x1b9: {  	[tilespmem:s17], [sflag:$0x1] =	stream.indirect.gather [hbm4b:s1+s16], $0x80, s11, s16, $0xb8;
	[tilespmem:$0x1F900] =	vst v63  }
0x1ba: {  	_ =	swait.ge [sflag:s31], $0x3800  }
0x1bb: {  	[sflag:s31] =	ssyncset.done $0x0  }
0x1bc: {  	s12 =	simm.s32 $0x500;
	[sflag:s31] =	ssyncadd.s32 $0xFFFFC800  }
0x1bd: {  	[tilespmem:s19], [sflag:$0x2] =	stream.indirect.gather [hbm4b:s1+s16], $0x80, s12, s16, $0xb8;
	[tilespmem:$0x1F900] =	vst v63  }
0x1be: {  	_ =	swait.ge [sflag:s25], $0x3800  }
0x1bf: {  	[sflag:s25] =	ssyncset.done $0x0  }
0x1c0: {  	s13 =	simm.s32 $0x580;
	[sflag:s25] =	ssyncadd.s32 $0xFFFFC800  }
0x1c1: {  	[tilespmem:s21], [sflag:$0x3] =	stream.indirect.gather [hbm4b:s1+s16], $0x80, s13, s16, $0xb8;
	[tilespmem:$0x1F900] =	vst v63  }
0x1c2: {  	_ =	swait.ge [sflag:s22], $0x3800  }
0x1c3: {  	[sflag:s22] =	ssyncset.done $0x0  }
0x1c4: {  	s18 =	simm.s32 $0x1080;
	[sflag:s22] =	ssyncadd.s32 $0xFFFFC800  }
0x1c5: {  	[spmem:s2] =	stream.indirect.scatter.add.f32 [tilespmem:s17], [sflag:$0x4], $0x80, s18, s16, $0xb8;
	[tilespmem:$0x1F900] =	vst v63  }
0x1c6: {  	_ =	swait.ge [sflag:s23], $0x3800  }
0x1c7: {  	[sflag:s23] =	ssyncset.done $0x0  }
0x1c8: {  	s20 =	simm.s32 $0x1100;
	[sflag:s23] =	ssyncadd.s32 $0xFFFFC800  }
0x1c9: {  	[spmem:s2] =	stream.indirect.scatter.add.f32 [tilespmem:s19], [sflag:$0x5], $0x80, s20, s16, $0xb8;
	[tilespmem:$0x1F900] =	vst v63  }
0x1ca: {  	_ =	swait.ge [sflag:s26], $0x3800  }
0x1cb: {  	[sflag:s26] =	ssyncset.done $0x0  }
0x1cc: {  	s24 =	simm.s32 $0x1180;
	[sflag:s26] =	ssyncadd.s32 $0xFFFFC800  }
0x1cd: {  	[spmem:s2] =	stream.indirect.scatter.add.f32 [tilespmem:s21], [sflag:$0x6], $0x80, s24, s16, $0xb8;
	[tilespmem:$0x1F900] =	vst v63  }
0x1ce: {  	_ =	swait.ge [sflag:s29], $0x3800  }
0x1cf: {  	[sflag:s29] =	ssyncset.done $0x0  }
0x1d0: {  	s24 =	simm.s32 $0x600;
	[sflag:s29] =	ssyncadd.s32 $0xFFFFC800  }
0x1d1: {  	[tilespmem:s17], [sflag:$0x1] =	stream.indirect.gather [hbm4b:s1+s16], $0x80, s24, s16, $0xb8;
	[tilespmem:$0x1F900] =	vst v63  }
0x1d2: {  	_ =	swait.ge [sflag:s31], $0x3800  }
0x1d3: {  	[sflag:s31] =	ssyncset.done $0x0  }
0x1d4: {  	s28 =	simm.s32 $0x680;
	[sflag:s31] =	ssyncadd.s32 $0xFFFFC800  }
0x1d5: {  	[tilespmem:s19], [sflag:$0x2] =	stream.indirect.gather [hbm4b:s1+s16], $0x80, s28, s16, $0xb8;
	[tilespmem:$0x1F900] =	vst v63  }
0x1d6: {  	_ =	swait.ge [sflag:s25], $0x3800  }
0x1d7: {  	[sflag:s25] =	ssyncset.done $0x0  }
0x1d8: {  	s10 =	simm.s32 $0x700;
	[sflag:s25] =	ssyncadd.s32 $0xFFFFC800  }
0x1d9: {  	[tilespmem:s21], [sflag:$0x3] =	stream.indirect.gather [hbm4b:s1+s16], $0x80, s10, s16, $0xb8;
	[tilespmem:$0x1F900] =	vst v63  }
0x1da: {  	_ =	swait.ge [sflag:s22], $0x3800  }
0x1db: {  	[sflag:s22] =	ssyncset.done $0x0  }
0x1dc: {  	s6 =	simm.s32 $0x1200;
	[sflag:s22] =	ssyncadd.s32 $0xFFFFC800  }
0x1dd: {  	[spmem:s2] =	stream.indirect.scatter.add.f32 [tilespmem:s17], [sflag:$0x4], $0x80, s6, s16, $0xb8;
	[tilespmem:$0x1F900] =	vst v63  }
0x1de: {  	_ =	swait.ge [sflag:s23], $0x3800  }
0x1df: {  	[sflag:s23] =	ssyncset.done $0x0  }
0x1e0: {  	s7 =	simm.s32 $0x1280;
	[sflag:s23] =	ssyncadd.s32 $0xFFFFC800  }
0x1e1: {  	[spmem:s2] =	stream.indirect.scatter.add.f32 [tilespmem:s19], [sflag:$0x5], $0x80, s7, s16, $0xb8;
	[tilespmem:$0x1F900] =	vst v63  }
0x1e2: {  	_ =	swait.ge [sflag:s26], $0x3800  }
0x1e3: {  	[sflag:s26] =	ssyncset.done $0x0  }
0x1e4: {  	s5 =	simm.s32 $0x1300;
	[sflag:s26] =	ssyncadd.s32 $0xFFFFC800  }
0x1e5: {  	[spmem:s2] =	stream.indirect.scatter.add.f32 [tilespmem:s21], [sflag:$0x6], $0x80, s5, s16, $0xb8;
	[tilespmem:$0x1F900] =	vst v63  }
0x1e6: {  	_ =	swait.ge [sflag:s29], $0x3800  }
0x1e7: {  	[sflag:s29] =	ssyncset.done $0x0  }
0x1e8: {  	s8 =	simm.s32 $0x780;
	[sflag:s29] =	ssyncadd.s32 $0xFFFFC800  }
0x1e9: {  	[tilespmem:s17], [sflag:$0x1] =	stream.indirect.gather [hbm4b:s1+s16], $0x80, s8, s16, $0xb8;
	[tilespmem:$0x1F900] =	vst v63  }
0x1ea: {  	_ =	swait.ge [sflag:s31], $0x3800  }
0x1eb: {  	[sflag:s31] =	ssyncset.done $0x0  }
0x1ec: {  	s11 =	simm.s32 $0x800;
	[sflag:s31] =	ssyncadd.s32 $0xFFFFC800  }
0x1ed: {  	[tilespmem:s19], [sflag:$0x2] =	stream.indirect.gather [hbm4b:s1+s16], $0x80, s11, s16, $0xb8;
	[tilespmem:$0x1F900] =	vst v63  }
0x1ee: {  	_ =	swait.ge [sflag:s25], $0x3800  }
0x1ef: {  	[sflag:s25] =	ssyncset.done $0x0  }
0x1f0: {  	s13 =	simm.s32 $0x880;
	[sflag:s25] =	ssyncadd.s32 $0xFFFFC800  }
0x1f1: {  	[tilespmem:s21], [sflag:$0x3] =	stream.indirect.gather [hbm4b:s1+s16], $0x80, s13, s16, $0xb8;
	[tilespmem:$0x1F900] =	vst v63  }
0x1f2: {  	_ =	swait.ge [sflag:s22], $0x3800  }
0x1f3: {  	[sflag:s22] =	ssyncset.done $0x0  }
0x1f4: {  	s12 =	simm.s32 $0x1380;
	[sflag:s22] =	ssyncadd.s32 $0xFFFFC800  }
0x1f5: {  	[spmem:s2] =	stream.indirect.scatter.add.f32 [tilespmem:s17], [sflag:$0x4], $0x80, s12, s16, $0xb8;
	[tilespmem:$0x1F900] =	vst v63  }
0x1f6: {  	_ =	swait.ge [sflag:s23], $0x3800  }
0x1f7: {  	[sflag:s23] =	ssyncset.done $0x0  }
0x1f8: {  	s18 =	simm.s32 $0x1400;
	[sflag:s23] =	ssyncadd.s32 $0xFFFFC800  }
0x1f9: {  	[spmem:s2] =	stream.indirect.scatter.add.f32 [tilespmem:s19], [sflag:$0x5], $0x80, s18, s16, $0xb8;
	[tilespmem:$0x1F900] =	vst v63  }
0x1fa: {  	_ =	swait.ge [sflag:s26], $0x3800  }
0x1fb: {  	[sflag:s26] =	ssyncset.done $0x0  }
0x1fc: {  	s20 =	simm.s32 $0x1480;
	[sflag:s26] =	ssyncadd.s32 $0xFFFFC800  }
0x1fd: {  	[spmem:s2] =	stream.indirect.scatter.add.f32 [tilespmem:s21], [sflag:$0x6], $0x80, s20, s16, $0xb8;
	[tilespmem:$0x1F900] =	vst v63  }
0x1fe: {  	_ =	swait.ge [sflag:s29], $0x3800  }
0x1ff: {  	[sflag:s29] =	ssyncset.done $0x0  }
0x200: {  	[sflag:s29] =	ssyncadd.s32 $0xFFFFC800  }
0x201: {  	_ =	swait.ge [sflag:s31], $0x3800  }
0x202: {  	[sflag:s31] =	ssyncset.done $0x0  }
0x203: {  	[sflag:s31] =	ssyncadd.s32 $0xFFFFC800  }
0x204: {  	s30 =	simm.s32 $0x180;
	_ =	swait.ge [sflag:s25], $0x3800  }
.LBB2_3:
0x205: {  	s0 =	rddreg [dreg:$0x5];
	s9 =	smov.u32 s30;
	[sflag:s25] =	ssyncset.done $0x0  }
0x206: {  	s0 =	sadd.s32 s9, s0;
	[sflag:s25] =	ssyncadd.s32 $0xFFFFC800  }
0x207: {  	[tilespmem:s3], [sflag:$0x7] =	stream.linear.gather [hbm4b:s0+s3], $0x900, $0x38;
	[tilespmem:$0x1F900] =	vst v63  }
0x208: {  	_ =	swait.ge [sflag:s14], $0x900  }
0x209: {  	s0 =	rddreg [dreg:$0x4];
	[sflag:s14] =	ssyncset.done $0x0  }
0x20a: {  	[sflag:s14] =	ssyncadd.s32 $0xFFFFF700;
	s0 =	sadd.s32 s9, s0  }
0x20b: {  	[tilespmem:s15], [sflag:$0x7] =	stream.linear.gather [hbm4b:s0+s3], $0x900, $0x38;
	[tilespmem:$0x1F900] =	vst v63  }
0x20c: {  	_ =	swait.ge [sflag:s14], $0x900  }
0x20d: {  	[sflag:s14] =	ssyncset.done $0x0  }
0x20e: {  	[sflag:s14] =	ssyncadd.s32 $0xFFFFF700  }
0x20f: {  	[tilespmem:s17], [sflag:$0x1] =	stream.indirect.gather [hbm4b:s1+s16], $0x80, s3, s16, $0xb8;
	[tilespmem:$0x1F900] =	vst v63  }
0x210: {  	s9 =	simm.s32 $0x80  }
0x211: {  	[tilespmem:s19], [sflag:$0x2] =	stream.indirect.gather [hbm4b:s1+s16], $0x80, s9, s16, $0xb8;
	[tilespmem:$0x1F900] =	vst v63  }
0x212: {  	s9 =	simm.s32 $0x100  }
0x213: {  	[tilespmem:s21], [sflag:$0x3] =	stream.indirect.gather [hbm4b:s1+s16], $0x80, s9, s16, $0xb8;
	[tilespmem:$0x1F900] =	vst v63  }
0x214: {  	_ =	swait.ge [sflag:s22], $0x3800  }
0x215: {  	[sflag:s22] =	ssyncset.done $0x0  }
0x216: {  	[sflag:s22] =	ssyncadd.s32 $0xFFFFC800  }
0x217: {  	[spmem:s2] =	stream.indirect.scatter.add.f32 [tilespmem:s17], [sflag:$0x4], $0x80, s15, s16, $0xb8;
	[tilespmem:$0x1F900] =	vst v63  }
0x218: {  	_ =	swait.ge [sflag:s23], $0x3800  }
0x219: {  	[sflag:s23] =	ssyncset.done $0x0  }
0x21a: {  	s9 =	simm.s32 $0xC80;
	[sflag:s23] =	ssyncadd.s32 $0xFFFFC800  }
0x21b: {  	[spmem:s2] =	stream.indirect.scatter.add.f32 [tilespmem:s19], [sflag:$0x5], $0x80, s9, s16, $0xb8;
	[tilespmem:$0x1F900] =	vst v63  }
0x21c: {  	_ =	swait.ge [sflag:s26], $0x3800  }
0x21d: {  	[sflag:s26] =	ssyncset.done $0x0  }
0x21e: {  	s9 =	simm.s32 $0xD00;
	[sflag:s26] =	ssyncadd.s32 $0xFFFFC800  }
0x21f: {  	[spmem:s2] =	stream.indirect.scatter.add.f32 [tilespmem:s21], [sflag:$0x6], $0x80, s9, s16, $0xb8;
	[tilespmem:$0x1F900] =	vst v63  }
0x220: {  	_ =	swait.ge [sflag:s29], $0x3800  }
0x221: {  	[sflag:s29] =	ssyncset.done $0x0  }
0x222: {  	s9 =	simm.s32 $0x180;
	[sflag:s29] =	ssyncadd.s32 $0xFFFFC800  }
0x223: {  	[tilespmem:s17], [sflag:$0x1] =	stream.indirect.gather [hbm4b:s1+s16], $0x80, s9, s16, $0xb8;
	[tilespmem:$0x1F900] =	vst v63  }
0x224: {  	_ =	swait.ge [sflag:s31], $0x3800  }
0x225: {  	[sflag:s31] =	ssyncset.done $0x0  }
0x226: {  	s9 =	simm.s32 $0x200;
	[sflag:s31] =	ssyncadd.s32 $0xFFFFC800  }
0x227: {  	[tilespmem:s19], [sflag:$0x2] =	stream.indirect.gather [hbm4b:s1+s16], $0x80, s9, s16, $0xb8;
	[tilespmem:$0x1F900] =	vst v63  }
0x228: {  	_ =	swait.ge [sflag:s25], $0x3800  }
0x229: {  	[sflag:s25] =	ssyncset.done $0x0  }
0x22a: {  	s9 =	simm.s32 $0x280;
	[sflag:s25] =	ssyncadd.s32 $0xFFFFC800  }
0x22b: {  	[tilespmem:s21], [sflag:$0x3] =	stream.indirect.gather [hbm4b:s1+s16], $0x80, s9, s16, $0xb8;
	[tilespmem:$0x1F900] =	vst v63  }
0x22c: {  	_ =	swait.ge [sflag:s22], $0x3800  }
0x22d: {  	[sflag:s22] =	ssyncset.done $0x0  }
0x22e: {  	s9 =	simm.s32 $0xD80;
	[sflag:s22] =	ssyncadd.s32 $0xFFFFC800  }
0x22f: {  	[spmem:s2] =	stream.indirect.scatter.add.f32 [tilespmem:s17], [sflag:$0x4], $0x80, s9, s16, $0xb8;
	[tilespmem:$0x1F900] =	vst v63  }
0x230: {  	_ =	swait.ge [sflag:s23], $0x3800  }
0x231: {  	[sflag:s23] =	ssyncset.done $0x0  }
0x232: {  	s9 =	simm.s32 $0xE00;
	[sflag:s23] =	ssyncadd.s32 $0xFFFFC800  }
0x233: {  	[spmem:s2] =	stream.indirect.scatter.add.f32 [tilespmem:s19], [sflag:$0x5], $0x80, s9, s16, $0xb8;
	[tilespmem:$0x1F900] =	vst v63  }
0x234: {  	_ =	swait.ge [sflag:s26], $0x3800  }
0x235: {  	[sflag:s26] =	ssyncset.done $0x0  }
0x236: {  	s9 =	simm.s32 $0xE80;
	[sflag:s26] =	ssyncadd.s32 $0xFFFFC800  }
0x237: {  	[spmem:s2] =	stream.indirect.scatter.add.f32 [tilespmem:s21], [sflag:$0x6], $0x80, s9, s16, $0xb8;
	[tilespmem:$0x1F900] =	vst v63  }
0x238: {  	_ =	swait.ge [sflag:s29], $0x3800  }
0x239: {  	[sflag:s29] =	ssyncset.done $0x0  }
0x23a: {  	s9 =	simm.s32 $0x300;
	[sflag:s29] =	ssyncadd.s32 $0xFFFFC800  }
0x23b: {  	[tilespmem:s17], [sflag:$0x1] =	stream.indirect.gather [hbm4b:s1+s16], $0x80, s9, s16, $0xb8;
	[tilespmem:$0x1F900] =	vst v63  }
0x23c: {  	_ =	swait.ge [sflag:s31], $0x3800  }
0x23d: {  	[sflag:s31] =	ssyncset.done $0x0  }
0x23e: {  	s9 =	simm.s32 $0x380;
	[sflag:s31] =	ssyncadd.s32 $0xFFFFC800  }
0x23f: {  	[tilespmem:s19], [sflag:$0x2] =	stream.indirect.gather [hbm4b:s1+s16], $0x80, s9, s16, $0xb8;
	[tilespmem:$0x1F900] =	vst v63  }
0x240: {  	_ =	swait.ge [sflag:s25], $0x3800  }
0x241: {  	[sflag:s25] =	ssyncset.done $0x0  }
0x242: {  	s9 =	simm.s32 $0x400;
	[sflag:s25] =	ssyncadd.s32 $0xFFFFC800  }
0x243: {  	[tilespmem:s21], [sflag:$0x3] =	stream.indirect.gather [hbm4b:s1+s16], $0x80, s9, s16, $0xb8;
	[tilespmem:$0x1F900] =	vst v63  }
0x244: {  	_ =	swait.ge [sflag:s22], $0x3800  }
0x245: {  	[sflag:s22] =	ssyncset.done $0x0  }
0x246: {  	s9 =	simm.s32 $0xF00;
	[sflag:s22] =	ssyncadd.s32 $0xFFFFC800  }
0x247: {  	[spmem:s2] =	stream.indirect.scatter.add.f32 [tilespmem:s17], [sflag:$0x4], $0x80, s9, s16, $0xb8;
	[tilespmem:$0x1F900] =	vst v63  }
0x248: {  	_ =	swait.ge [sflag:s23], $0x3800  }
0x249: {  	[sflag:s23] =	ssyncset.done $0x0  }
0x24a: {  	s9 =	simm.s32 $0xF80;
	[sflag:s23] =	ssyncadd.s32 $0xFFFFC800  }
0x24b: {  	[spmem:s2] =	stream.indirect.scatter.add.f32 [tilespmem:s19], [sflag:$0x5], $0x80, s9, s16, $0xb8;
	[tilespmem:$0x1F900] =	vst v63  }
0x24c: {  	_ =	swait.ge [sflag:s26], $0x3800  }
0x24d: {  	[sflag:s26] =	ssyncset.done $0x0  }
0x24e: {  	s9 =	simm.s32 $0x1000;
	[sflag:s26] =	ssyncadd.s32 $0xFFFFC800  }
0x24f: {  	[spmem:s2] =	stream.indirect.scatter.add.f32 [tilespmem:s21], [sflag:$0x6], $0x80, s9, s16, $0xb8;
	[tilespmem:$0x1F900] =	vst v63  }
0x250: {  	_ =	swait.ge [sflag:s29], $0x3800  }
0x251: {  	[sflag:s29] =	ssyncset.done $0x0  }
0x252: {  	s9 =	simm.s32 $0x480;
	[sflag:s29] =	ssyncadd.s32 $0xFFFFC800  }
0x253: {  	[tilespmem:s17], [sflag:$0x1] =	stream.indirect.gather [hbm4b:s1+s16], $0x80, s9, s16, $0xb8;
	[tilespmem:$0x1F900] =	vst v63  }
0x254: {  	_ =	swait.ge [sflag:s31], $0x3800  }
0x255: {  	[sflag:s31] =	ssyncset.done $0x0  }
0x256: {  	s9 =	simm.s32 $0x500;
	[sflag:s31] =	ssyncadd.s32 $0xFFFFC800  }
0x257: {  	[tilespmem:s19], [sflag:$0x2] =	stream.indirect.gather [hbm4b:s1+s16], $0x80, s9, s16, $0xb8;
	[tilespmem:$0x1F900] =	vst v63  }
0x258: {  	_ =	swait.ge [sflag:s25], $0x3800  }
0x259: {  	[sflag:s25] =	ssyncset.done $0x0  }
0x25a: {  	s9 =	simm.s32 $0x580;
	[sflag:s25] =	ssyncadd.s32 $0xFFFFC800  }
0x25b: {  	[tilespmem:s21], [sflag:$0x3] =	stream.indirect.gather [hbm4b:s1+s16], $0x80, s9, s16, $0xb8;
	[tilespmem:$0x1F900] =	vst v63  }
0x25c: {  	_ =	swait.ge [sflag:s22], $0x3800  }
0x25d: {  	[sflag:s22] =	ssyncset.done $0x0  }
0x25e: {  	s9 =	simm.s32 $0x1080;
	[sflag:s22] =	ssyncadd.s32 $0xFFFFC800  }
0x25f: {  	[spmem:s2] =	stream.indirect.scatter.add.f32 [tilespmem:s17], [sflag:$0x4], $0x80, s9, s16, $0xb8;
	[tilespmem:$0x1F900] =	vst v63  }
0x260: {  	_ =	swait.ge [sflag:s23], $0x3800  }
0x261: {  	[sflag:s23] =	ssyncset.done $0x0  }
0x262: {  	s9 =	simm.s32 $0x1100;
	[sflag:s23] =	ssyncadd.s32 $0xFFFFC800  }
0x263: {  	[spmem:s2] =	stream.indirect.scatter.add.f32 [tilespmem:s19], [sflag:$0x5], $0x80, s9, s16, $0xb8;
	[tilespmem:$0x1F900] =	vst v63  }
0x264: {  	_ =	swait.ge [sflag:s26], $0x3800  }
0x265: {  	[sflag:s26] =	ssyncset.done $0x0  }
0x266: {  	s9 =	simm.s32 $0x1180;
	[sflag:s26] =	ssyncadd.s32 $0xFFFFC800  }
0x267: {  	[spmem:s2] =	stream.indirect.scatter.add.f32 [tilespmem:s21], [sflag:$0x6], $0x80, s9, s16, $0xb8;
	[tilespmem:$0x1F900] =	vst v63  }
0x268: {  	_ =	swait.ge [sflag:s29], $0x3800  }
0x269: {  	[sflag:s29] =	ssyncset.done $0x0  }
0x26a: {  	[sflag:s29] =	ssyncadd.s32 $0xFFFFC800  }
0x26b: {  	[tilespmem:s17], [sflag:$0x1] =	stream.indirect.gather [hbm4b:s1+s16], $0x80, s24, s16, $0xb8;
	[tilespmem:$0x1F900] =	vst v63  }
0x26c: {  	_ =	swait.ge [sflag:s31], $0x3800  }
0x26d: {  	[sflag:s31] =	ssyncset.done $0x0  }
0x26e: {  	[sflag:s31] =	ssyncadd.s32 $0xFFFFC800  }
0x26f: {  	[tilespmem:s19], [sflag:$0x2] =	stream.indirect.gather [hbm4b:s1+s16], $0x80, s28, s16, $0xb8;
	[tilespmem:$0x1F900] =	vst v63  }
0x270: {  	_ =	swait.ge [sflag:s25], $0x3800  }
0x271: {  	[sflag:s25] =	ssyncset.done $0x0  }
0x272: {  	[sflag:s25] =	ssyncadd.s32 $0xFFFFC800  }
0x273: {  	[tilespmem:s21], [sflag:$0x3] =	stream.indirect.gather [hbm4b:s1+s16], $0x80, s10, s16, $0xb8;
	[tilespmem:$0x1F900] =	vst v63  }
0x274: {  	_ =	swait.ge [sflag:s22], $0x3800  }
0x275: {  	[sflag:s22] =	ssyncset.done $0x0  }
0x276: {  	[sflag:s22] =	ssyncadd.s32 $0xFFFFC800  }
0x277: {  	[spmem:s2] =	stream.indirect.scatter.add.f32 [tilespmem:s17], [sflag:$0x4], $0x80, s6, s16, $0xb8;
	[tilespmem:$0x1F900] =	vst v63  }
0x278: {  	_ =	swait.ge [sflag:s23], $0x3800  }
0x279: {  	[sflag:s23] =	ssyncset.done $0x0  }
0x27a: {  	[sflag:s23] =	ssyncadd.s32 $0xFFFFC800  }
0x27b: {  	[spmem:s2] =	stream.indirect.scatter.add.f32 [tilespmem:s19], [sflag:$0x5], $0x80, s7, s16, $0xb8;
	[tilespmem:$0x1F900] =	vst v63  }
0x27c: {  	_ =	swait.ge [sflag:s26], $0x3800  }
0x27d: {  	[sflag:s26] =	ssyncset.done $0x0  }
0x27e: {  	[sflag:s26] =	ssyncadd.s32 $0xFFFFC800  }
0x27f: {  	[spmem:s2] =	stream.indirect.scatter.add.f32 [tilespmem:s21], [sflag:$0x6], $0x80, s5, s16, $0xb8;
	[tilespmem:$0x1F900] =	vst v63  }
0x280: {  	_ =	swait.ge [sflag:s29], $0x3800  }
0x281: {  	[sflag:s29] =	ssyncset.done $0x0  }
0x282: {  	[sflag:s29] =	ssyncadd.s32 $0xFFFFC800  }
0x283: {  	[tilespmem:s17], [sflag:$0x1] =	stream.indirect.gather [hbm4b:s1+s16], $0x80, s8, s16, $0xb8;
	[tilespmem:$0x1F900] =	vst v63  }
0x284: {  	_ =	swait.ge [sflag:s31], $0x3800  }
0x285: {  	[sflag:s31] =	ssyncset.done $0x0  }
0x286: {  	[sflag:s31] =	ssyncadd.s32 $0xFFFFC800  }
0x287: {  	[tilespmem:s19], [sflag:$0x2] =	stream.indirect.gather [hbm4b:s1+s16], $0x80, s11, s16, $0xb8;
	[tilespmem:$0x1F900] =	vst v63  }
0x288: {  	_ =	swait.ge [sflag:s25], $0x3800  }
0x289: {  	[sflag:s25] =	ssyncset.done $0x0  }
0x28a: {  	[sflag:s25] =	ssyncadd.s32 $0xFFFFC800  }
0x28b: {  	[tilespmem:s21], [sflag:$0x3] =	stream.indirect.gather [hbm4b:s1+s16], $0x80, s13, s16, $0xb8;
	[tilespmem:$0x1F900] =	vst v63  }
0x28c: {  	_ =	swait.ge [sflag:s22], $0x3800  }
0x28d: {  	[sflag:s22] =	ssyncset.done $0x0  }
0x28e: {  	[sflag:s22] =	ssyncadd.s32 $0xFFFFC800  }
0x28f: {  	[spmem:s2] =	stream.indirect.scatter.add.f32 [tilespmem:s17], [sflag:$0x4], $0x80, s12, s16, $0xb8;
	[tilespmem:$0x1F900] =	vst v63  }
0x290: {  	_ =	swait.ge [sflag:s23], $0x3800  }
0x291: {  	[sflag:s23] =	ssyncset.done $0x0  }
0x292: {  	[sflag:s23] =	ssyncadd.s32 $0xFFFFC800  }
0x293: {  	[spmem:s2] =	stream.indirect.scatter.add.f32 [tilespmem:s19], [sflag:$0x5], $0x80, s18, s16, $0xb8;
	[tilespmem:$0x1F900] =	vst v63  }
0x294: {  	_ =	swait.ge [sflag:s26], $0x3800  }
0x295: {  	[sflag:s26] =	ssyncset.done $0x0  }
0x296: {  	[sflag:s26] =	ssyncadd.s32 $0xFFFFC800  }
0x297: {  	[spmem:s2] =	stream.indirect.scatter.add.f32 [tilespmem:s21], [sflag:$0x6], $0x80, s20, s16, $0xb8;
	[tilespmem:$0x1F900] =	vst v63  }
0x298: {  	_ =	swait.ge [sflag:s29], $0x3800  }
0x299: {  	p3 =	sne.s32 s30, $0xD80;
	[sflag:s29] =	ssyncset.done $0x0  }
.Ltmp6:
0x29a: {  	[sflag:s29] =	ssyncadd.s32 $0xFFFFC800;
	(pc) =	sbr.rel @p3 .LBB2_3-.Ltmp6, $4  }
0x29b: {  	_ =	swait.ge [sflag:s31], $0x3800  }
0x29c: {  	[sflag:s31] =	ssyncset.done $0x0  }
0x29d: {  	[sflag:s31] =	ssyncadd.s32 $0xFFFFC800  }
0x29e: {  	s30 =	sadd.s32 $0x180, s30;
	_ =	swait.ge [sflag:s25], $0x3800  }
0x29f: {  	[sflag:s25] =	ssyncset.done $0x0  }
0x2a0: {  	[sflag:s25] =	ssyncadd.s32 $0xFFFFC800  }
0x2a1: {  	[bflag:$0x0] =	sbarrier.arrive $0xFFFF  }
0x2a2: {  	s0 =	rddreg [dreg:$0xb]  }
0x2a3: {  	s9 =	rddreg [dreg:$0xc]  }
0x2a4: {  	s30 =	rddreg [dreg:$0xf];
	s0 =	sshrl.u32 s0, $0x3  }
0x2a5: {  	[hbm:s9], [sflag:s30] =	dma.local [spmem:s0], $0x2700  }
.Ltmp7:
0x2a6: {  	_ = 	snop;
	(pc) =	sbr.rel @!p2 .LBB2_9-.Ltmp7, $4  }
.Ltmp8:
0x2a7: {  	_ = 	snop;
	(pc) =	sbr.rel @p2 .LBB2_8-.Ltmp8, $4  }
0x2a8: {  	_ =	swait.ge [sflag:s14], $0x2700  }
0x2a9: {  	s9 =	smov.u32 s30;
	[sflag:s14] =	ssyncset.done $0x0;
	s30 =	rddreg [dreg:$0x9]  }
0x2aa: {  	s5 =	rddreg [dreg:$0x12];
	[sflag:s14] =	ssyncadd.s32 $0xFFFFD900  }
0x2ab: {  	_ = 	snop  }
.LBB2_10:
0x2ac: {  	_ =	sfence.sel $0x180000  }
0x2ad: {  	[bflag:$0x0] =	sbarrier.arrive $0xFFFF  }
0x2ae: {  	_ =	strace $0x9000004A  }
0x2af: {  	[bflag:$0x2] =	sbarrier.arrive $0xFFFF  }
0x2b0: {  	s0 =	rddreg [dreg:$0x3]  }
0x2b1: {  	s0 =	sadd.s32 @!p1 $0x100000, s0  }
0x2b2: {  	[sflag:s0] =	ssyncadd.tile.s32 @!p1 $0x1;
	_ =	shalt  }
.Lfunc_end2:
_tile_overlayer_lowered:
.L_overlay_start_2:
0x2b3: {  	(tag) =	ssettag $0x2  }
0x2b4: {  	s0 =	rddreg [dreg:$0x0];
	s2 =	stileid.u32  }
0x2b5: {  	s1 =	rddreg [dreg:$0x1];
	p0 =	sne.s32 s2, $0x0  }
0x2b6: {  	s3 =	rddreg [dreg:$0x2];
	[bflag:$0x3] =	sbarrier.arrive $0xFFFF;
	s2 =	simm.s32 @!p0 $0x1C07  }
0x2b7: {  	[timem:s3], [sflag:s2] =	dma.local @!p0 [hbm:s0], s1  }
0x2b8: {  	s0 =	simm.s32 @!p0 $0x7  }
0x2b9: {  	_ =	swait.ge @!p0 [sflag:s0], s1  }
0x2ba: {  	s1 =	ssub.s32 @!p0 $0x0, s1;
	[sflag:s0] =	ssyncset.done @!p0 $0x0  }
0x2bb: {  	[sflag:s0] =	ssyncadd.s32 @!p0 s1  }
0x2bc: {  	[bflag:$0x3] =	sbarrier.arrive $0xFFFF  }
0x2bd: {  	_ =	shalt  }

</sc_bundles>
